<compile_context>
chip_gen: v7x
topology: tpu7x:2x2x1
jax: 0.10.2.dev20260603
libtpu: 0.0.44.dev20260713+nightly
codegen_flags: <defaults>
</compile_context>

<pallas_src>
import functools

import jax
import jax.numpy as jnp
from jax import lax
from jax.experimental import pallas as pl
from jax.experimental.pallas import tpu as pltpu
from jax.experimental.pallas import tpu_sc as plsc

NN = 10000
EE = 160000
HH = 32
NODE_IN = 128
EDGE_IN = 16
NODE_OUT = 128

NB = 2000
TE = 3200
E_PAD = 163840
MSG_W = 40
IF_W = 128
N_PAD = 10240

NC = 2
NS = 16
NW = NC * NS
IDXW = 128
ROWS_W = E_PAD // NW // IDXW
CHB = 8
CH = CHB * IDXW
NCHUNK = ROWS_W // CHB


def _sc_mesh():
    return plsc.VectorSubcoreMesh(
        core_axis_name="c", subcore_axis_name="s", num_cores=NC, num_subcores=NS
    )


def _gather_body(h_hbm, src_hbm, out_hbm, h_sh, idx_v, rows_v, sem, osem):
    core = lax.axis_index("c")
    sub = lax.axis_index("s")
    wid = sub * NC + core
    @pl.when(sub < 10)
    def _():
        pltpu.sync_copy(h_hbm.at[pl.ds(sub * 1000, 1000)],
                        h_sh.at[pl.ds(sub * 1000, 1000)])

    plsc.subcore_barrier()
    outs = [None, None]
    for c in range(NCHUNK):
        b = c % 2
        row0 = wid * ROWS_W + c * CHB
        pltpu.sync_copy(src_hbm.at[pl.ds(row0, CHB)], idx_v.at[b])
        if outs[b] is not None:
            outs[b].wait()
            outs[b] = None
        cps = [
            pltpu.async_copy(
                h_sh.at[idx_v.at[b, j]],
                rows_v.at[b, pl.ds(j * IDXW, IDXW)], sem,
            )
            for j in range(CHB)
        ]
        for cp in cps:
            cp.wait()
        outs[b] = pltpu.async_copy(
            rows_v.at[b],
            out_hbm.at[pl.ds(row0 * IDXW, CH), pl.ds(0, HH)], osem,
        )
    for o in outs:
        if o is not None:
            o.wait()


def _sc_gather(h, src2d):
    return pl.kernel(
        _gather_body,
        out_type=jax.ShapeDtypeStruct((E_PAD, IF_W), jnp.float32),
        mesh=_sc_mesh(),
        compiler_params=pltpu.CompilerParams(use_tc_tiling_on_sc=False),
        scratch_types=[
            pltpu.VMEM_SHARED((NN, HH), jnp.float32),
            pltpu.VMEM((2, CHB, IDXW), jnp.int32),
            pltpu.VMEM((2, CH, HH), jnp.float32),
            pltpu.SemaphoreType.DMA,
            pltpu.SemaphoreType.DMA,
        ],
    )(h, src2d)


def _scatter_body(msg_hbm, dst_hbm, zero_hbm, out0_hbm, out1_hbm,
                  idx_v, rows_v, agg_sh, sem, lsem):
    core = lax.axis_index("c")
    sub = lax.axis_index("s")
    wid = sub * NC + core
    zrows = N_PAD // NS
    pltpu.sync_copy(zero_hbm.at[pl.ds(sub * zrows, zrows)],
                    agg_sh.at[pl.ds(sub * zrows, zrows)])
    plsc.subcore_barrier()

    def _start_loads(c, b):
        row0 = wid * ROWS_W + c * CHB
        return [
            pltpu.async_copy(dst_hbm.at[pl.ds(row0, CHB)], idx_v.at[b], lsem),
            pltpu.async_copy(
                msg_hbm.at[pl.ds(row0 * IDXW, CH), pl.ds(0, MSG_W)],
                rows_v.at[b], lsem,
            ),
        ]

    loads = _start_loads(0, 0)
    for c in range(NCHUNK):
        b = c % 2
        for ld in loads:
            ld.wait()
        if c + 1 < NCHUNK:
            loads = _start_loads(c + 1, 1 - b)
        cps = [
            pltpu.async_copy(
                rows_v.at[b, pl.ds(j * IDXW, IDXW)],
                agg_sh.at[idx_v.at[b, j]], sem, add=True,
            )
            for j in range(CHB)
        ]
        for cp in cps:
            cp.wait()
    plsc.subcore_barrier()

    @pl.when(core == 0)
    def _():
        pltpu.sync_copy(agg_sh.at[pl.ds(sub * zrows, zrows)],
                        out0_hbm.at[pl.ds(sub * zrows, zrows), pl.ds(0, MSG_W)])

    @pl.when(core == 1)
    def _():
        pltpu.sync_copy(agg_sh.at[pl.ds(sub * zrows, zrows)],
                        out1_hbm.at[pl.ds(sub * zrows, zrows), pl.ds(0, MSG_W)])


def _sc_scatter(msg, dst2d):
    zero = jnp.zeros((N_PAD, MSG_W), jnp.float32)
    return pl.kernel(
        _scatter_body,
        out_type=(
            jax.ShapeDtypeStruct((N_PAD, IF_W), jnp.float32),
            jax.ShapeDtypeStruct((N_PAD, IF_W), jnp.float32),
        ),
        mesh=_sc_mesh(),
        compiler_params=pltpu.CompilerParams(use_tc_tiling_on_sc=False),
        scratch_types=[
            pltpu.VMEM((2, CHB, IDXW), jnp.int32),
            pltpu.VMEM((2, CH, MSG_W), jnp.float32),
            pltpu.VMEM_SHARED((N_PAD, MSG_W), jnp.float32),
            pltpu.SemaphoreType.DMA,
            pltpu.SemaphoreType.DMA,
        ],
    )(msg, dst2d, zero)


def _proj1_body(x_ref, w_ref, b_ref, o_ref):
    o_ref[...] = (
        jnp.dot(x_ref[...], w_ref[...], preferred_element_type=jnp.float32)
        + b_ref[...]
    )


def _node_proj1(x, Wp1, bp1):
    return pl.pallas_call(
        _proj1_body,
        grid=(NN // NB,),
        in_specs=[
            pl.BlockSpec((NB, NODE_IN), lambda i: (i, 0)),
            pl.BlockSpec((NODE_IN, HH), lambda i: (0, 0)),
            pl.BlockSpec((1, HH), lambda i: (0, 0)),
        ],
        out_specs=pl.BlockSpec((NB, HH), lambda i: (i, 0)),
        out_shape=jax.ShapeDtypeStruct((NN, HH), jnp.float32),
    )(x, Wp1, bp1.reshape(1, HH))


def _edge_body(ea_ref, hs_ref, We1_ref, be1_ref, We2_ref, be2_ref, rsel_ref,
               ssel_ref, o_ref):
    eact_t = jnp.maximum(
        jnp.dot(We1_ref[...], ea_ref[...].astype(jnp.bfloat16),
                preferred_element_type=jnp.float32)
        + be1_ref[...],
        0.0,
    )
    eact = eact_t.T.astype(jnp.bfloat16)
    hs = hs_ref[...][:, 0:HH]
    hs_bf = hs.astype(jnp.bfloat16)
    msg = jnp.dot(hs, be2_ref[...], preferred_element_type=jnp.float32)
    acc = None
    for gg in range(HH * HH // 256):
        sl = pl.ds(gg * 256, 256)
        pg = jnp.dot(eact, We2_ref[:, sl], preferred_element_type=jnp.float32)
        wg = jnp.dot(hs_bf, rsel_ref[:, sl], preferred_element_type=jnp.float32)
        term = pg * wg
        f1 = term[:, 0:128] + term[:, 128:256]
        acc = f1 if acc is None else acc + f1
    msg = msg + jnp.dot(acc, ssel_ref[...], preferred_element_type=jnp.float32)
    ones = jnp.ones((TE, 1), jnp.float32)
    zeros = jnp.zeros((TE, IF_W - HH - 1), jnp.float32)
    o_ref[...] = jnp.concatenate([msg, ones, zeros], axis=1)


def _edge_messages(edge_attr, h_src, We1, be1, We2, be2):
    rsel = jnp.kron(jnp.eye(HH, dtype=jnp.bfloat16), jnp.ones((1, HH), jnp.bfloat16))
    ssel = jnp.kron(jnp.ones((4, 1), jnp.float32), jnp.eye(HH, dtype=jnp.float32))
    We2 = We2.astype(jnp.bfloat16)
    return pl.pallas_call(
        _edge_body,
        grid=(EE // TE,),
        in_specs=[
            pl.BlockSpec((EDGE_IN, TE), lambda i: (0, i)),
            pl.BlockSpec((TE, IF_W), lambda i: (i, 0)),
            pl.BlockSpec((HH, EDGE_IN), lambda i: (0, 0)),
            pl.BlockSpec((HH, 1), lambda i: (0, 0)),
            pl.BlockSpec((HH, HH * HH), lambda i: (0, 0)),
            pl.BlockSpec((HH, HH), lambda i: (0, 0)),
            pl.BlockSpec((HH, HH * HH), lambda i: (0, 0)),
            pl.BlockSpec((4 * HH, HH), lambda i: (0, 0)),
        ],
        out_specs=pl.BlockSpec((TE, IF_W), lambda i: (i, 0)),
        out_shape=jax.ShapeDtypeStruct((E_PAD, IF_W), jnp.float32),
    )(edge_attr.T, h_src, We1.T.astype(jnp.bfloat16),
      be1.reshape(HH, 1), We2,
      be2.reshape(HH, HH), rsel, ssel)


def _final_body(a_ref, b_ref, h_ref, Wroot_ref, bconv_ref, Wp2_ref, bp2_ref, o_ref):
    a = a_ref[...][:, 0 : MSG_W] + b_ref[...][:, 0 : MSG_W]
    cnt = jnp.maximum(a[:, HH : HH + 1], 1.0)
    mean = a[:, :HH] / cnt
    hroot = jnp.dot(h_ref[...], Wroot_ref[...],
                    preferred_element_type=jnp.float32)
    hh = jnp.maximum(mean + hroot + bconv_ref[...], 0.0)
    o_ref[...] = (
        jnp.dot(hh, Wp2_ref[...], preferred_element_type=jnp.float32) + bp2_ref[...]
    )


def _finalize(agg0, agg1, h, Wroot, bconv, Wp2, bp2):
    return pl.pallas_call(
        _final_body,
        grid=(NN // NB,),
        in_specs=[
            pl.BlockSpec((NB, IF_W), lambda i: (i, 0)),
            pl.BlockSpec((NB, IF_W), lambda i: (i, 0)),
            pl.BlockSpec((NB, HH), lambda i: (i, 0)),
            pl.BlockSpec((HH, HH), lambda i: (0, 0)),
            pl.BlockSpec((1, HH), lambda i: (0, 0)),
            pl.BlockSpec((HH, NODE_OUT), lambda i: (0, 0)),
            pl.BlockSpec((1, NODE_OUT), lambda i: (0, 0)),
        ],
        out_specs=pl.BlockSpec((NB, NODE_OUT), lambda i: (i, 0)),
        out_shape=jax.ShapeDtypeStruct((NN, NODE_OUT), jnp.float32),
    )(agg0, agg1, h, Wroot, bconv.reshape(1, HH), Wp2, bp2.reshape(1, NODE_OUT))


def kernel(x, edge_index, edge_attr, Wp1, bp1, We1, be1, We2, be2, Wroot, bconv, Wp2, bp2):
    src = edge_index[0]
    dst = edge_index[1]
    npad = E_PAD - EE
    src2d = jnp.concatenate([src, jnp.zeros((npad,), jnp.int32)]).reshape(-1, IDXW)
    dst2d = jnp.concatenate([dst, jnp.full((npad,), NN, jnp.int32)]).reshape(-1, IDXW)

    h = _node_proj1(x, Wp1, bp1)
    h_src = _sc_gather(h, src2d)
    msg = _edge_messages(edge_attr, h_src, We1, be1, We2, be2)
    p0, p1 = _sc_scatter(msg, dst2d)
    return _finalize(p0, p1, h, Wroot, bconv, Wp2, bp2)

# --- scband reference (transcript-rebuilt; emitter-appended) ---
"""Pipeline reference for scband-gno-23785528885702 (READ-ONLY COPY).

The authoritative reference and input builder live on the scoring server;
editing this copy changes nothing except your own understanding.
"""

import jax, jax.numpy as jnp
import numpy as np

N = 10000
E = 160000
NODE_IN = 128
EDGE_IN = 16
NODE_OUT = 128
H = 32
EH = 32
LAYER_NUM = 1


def setup_inputs(seed: int = 0) -> dict:
    key = jax.random.key(seed)
    ks = jax.random.split(key, 12)
    x = jax.random.normal(ks[0], (N, NODE_IN), dtype=jnp.float32)
    edge_index = jax.random.randint(ks[1], (2, E), 0, N, dtype=jnp.int32)
    edge_attr = jax.random.normal(ks[2], (E, EDGE_IN), dtype=jnp.float32)
    # node_proj_1: Linear(NODE_IN -> H)
    Wp1 = jax.random.normal(ks[3], (NODE_IN, H), dtype=jnp.float32) / np.sqrt(NODE_IN)
    bp1 = jnp.zeros((H,), dtype=jnp.float32)
    # edge_proj: MLP(EDGE_IN -> H*H, hidden=EH, layer_num=2) => two linear layers with relu between
    We1 = jax.random.normal(ks[4], (EDGE_IN, EH), dtype=jnp.float32) / np.sqrt(EDGE_IN)
    be1 = jnp.zeros((EH,), dtype=jnp.float32)
    We2 = jax.random.normal(ks[5], (EH, H * H), dtype=jnp.float32) / np.sqrt(EH)
    be2 = jnp.zeros((H * H,), dtype=jnp.float32)
    # GraphConv (NNConv-style kernel conv): root weight + bias
    Wroot = jax.random.normal(ks[6], (H, H), dtype=jnp.float32) / np.sqrt(H)
    bconv = jnp.zeros((H,), dtype=jnp.float32)
    # node_proj_2: Linear(H -> NODE_OUT)
    Wp2 = jax.random.normal(ks[7], (H, NODE_OUT), dtype=jnp.float32) / np.sqrt(H)
    bp2 = jnp.zeros((NODE_OUT,), dtype=jnp.float32)
    return {
        "x": x, "edge_index": edge_index, "edge_attr": edge_attr,
        "Wp1": Wp1, "bp1": bp1,
        "We1": We1, "be1": be1, "We2": We2, "be2": be2,
        "Wroot": Wroot, "bconv": bconv,
        "Wp2": Wp2, "bp2": bp2,
    }


def reference(x, edge_index, edge_attr, Wp1, bp1, We1, be1, We2, be2, Wroot, bconv, Wp2, bp2):
    # node_proj_1
    h = x @ Wp1 + bp1
    # edge_proj MLP -> per-edge kernel matrices [E, H, H]
    e = jax.nn.relu(edge_attr @ We1 + be1) @ We2 + be2
    kernels = e.reshape(E, H, H)
    src = edge_index[0]
    dst = edge_index[1]
    for _ in range(LAYER_NUM):
        # message: kernel(e_ij) applied to source node features (gather)
        msg = jnp.einsum('ei,eio->eo', h[src], kernels)
        # mean aggregation over destination nodes (scatter-add + count)
        agg = jax.ops.segment_sum(msg, dst, num_segments=N)
        cnt = jax.ops.segment_sum(jnp.ones((E,), dtype=h.dtype), dst, num_segments=N)
        mean = agg / jnp.clip(cnt, 1.0)[:, None]
        h = jax.nn.relu(mean + h @ Wroot + bconv)
    # node_proj_2
    out = h @ Wp2 + bp2
    return out

if __name__ == "__main__":
    import jax
    _d = setup_inputs()
    print(jax.jit(kernel)(*tuple(_d.values())))

</pallas_src>

<mosaic_0001>
#map = affine_map<(d0, d1) -> (0, 0)>
module attributes {stable_mosaic.version = 14 : i64} {
  func.func @_gather_body(%arg0: i32, %arg1: i32, %arg2: memref<10000x32xf32, #tpu.memory_space<hbm>>, %arg3: memref<1280x128xi32, #tpu.memory_space<hbm>>, %arg4: memref<163840x128xf32, #tpu.memory_space<hbm>>, %arg5: memref<10000x32xf32, #tpu.memory_space<vmem_shared>>, %arg6: memref<2x8x128xi32, #tpu.memory_space<vmem>>, %arg7: memref<2x1024x32xf32, #tpu.memory_space<vmem>>, %arg8: memref<!tpu.dma_semaphore, #tpu.memory_space<semaphore_mem>>, %arg9: memref<!tpu.dma_semaphore, #tpu.memory_space<semaphore_mem>>) attributes {dimension_semantics = [#tpu.dimension_semantics<core_parallel>, #tpu.dimension_semantics<subcore_parallel>], iteration_bounds = array<i64: 2, 16>, scalar_prefetch = 0 : i64, scratch_operands = 5 : i64, tpu.core_type = #tpu.core_type<sc_vector_subcore>, window_params = [{transform_indices = #map}, {transform_indices = #map}, {transform_indices = #map}]} {
    %mul3A = arith.constant 2 : i32
    %mul3A_0 = arith.muli %arg1, %mul3A : i32
    %add3A = arith.addi %mul3A_0, %arg0 : i32
    %lt3A = arith.constant 10 : i32
    %lt3A_1 = arith.cmpi slt, %arg1, %lt3A : i32
    %convert_element_type3A = arith.extui %lt3A_1 : i1 to i32
    %cond3A = arith.constant 0 : i32
    %cond3A_2 = arith.cmpi ne, %convert_element_type3A, %cond3A : i32
    scf.if %cond3A_2 {
      %mul3A_1205 = arith.constant 1000 : i32
      %mul3A_1206 = arith.muli %arg1, %mul3A_1205 : i32
      %mul3A_1207 = arith.constant 1000 : i32
      %mul3A_1208 = arith.muli %arg1, %mul3A_1207 : i32
      "tpu.region"() ({
        %run_scoped3A_1209 = tpu.sem_alloc : memref<!tpu.dma_semaphore, #tpu.memory_space<semaphore_mem>>
        %dma_start3A_1210 = arith.constant 0 : i32
        %dma_start3A_1211 = tpu.memref_slice %arg5[%mul3A_1208, %dma_start3A_1210] : memref<10000x32xf32, #tpu.memory_space<vmem_shared>> -> memref<1000x32xf32, #tpu.memory_space<vmem_shared>>
        %dma_start3A_1212 = arith.constant 0 : i32
        %dma_start3A_1213 = tpu.memref_slice %arg2[%mul3A_1206, %dma_start3A_1212] : memref<10000x32xf32, #tpu.memory_space<hbm>> -> memref<1000x32xf32, #tpu.memory_space<hbm>>
        tpu.enqueue_dma source(%dma_start3A_1213 : memref<1000x32xf32, #tpu.memory_space<hbm>>) target(%dma_start3A_1211 : memref<1000x32xf32, #tpu.memory_space<vmem_shared>>) target_semaphore(%run_scoped3A_1209 : memref<!tpu.dma_semaphore, #tpu.memory_space<semaphore_mem>>)
        %dma_wait3A_1214 = arith.constant 0 : i32
        %dma_wait3A_1215 = tpu.memref_slice %arg5[%mul3A_1208, %dma_wait3A_1214] : memref<10000x32xf32, #tpu.memory_space<vmem_shared>> -> memref<1000x32xf32, #tpu.memory_space<vmem_shared>>
        %dma_wait3A_1216 = arith.constant 0 : i32
        %dma_wait3A_1217 = tpu.memref_slice %arg2[%mul3A_1206, %dma_wait3A_1216] : memref<10000x32xf32, #tpu.memory_space<hbm>> -> memref<1000x32xf32, #tpu.memory_space<hbm>>
        tpu.wait_dma2 semaphore(%run_scoped3A_1209 : memref<!tpu.dma_semaphore, #tpu.memory_space<semaphore_mem>>) src(%dma_wait3A_1217 : memref<1000x32xf32, #tpu.memory_space<hbm>>) dst(%dma_wait3A_1215 : memref<1000x32xf32, #tpu.memory_space<vmem_shared>>)
        tpu.yield
      }) : () -> ()
    } else {
    }
    %barrier3A = arith.constant 0 : index
    tpu.barrier barrier_id(%barrier3A)
    %mul3A_3 = arith.constant 40 : i32
    %mul3A_4 = arith.muli %add3A, %mul3A_3 : i32
    %add3A_5 = arith.constant 0 : i32
    %add3A_6 = arith.addi %mul3A_4, %add3A_5 : i32
    %run_scoped3A = arith.constant 0 : i32
    "tpu.region"() ({
      %run_scoped3A_1205 = tpu.sem_alloc : memref<!tpu.dma_semaphore, #tpu.memory_space<semaphore_mem>>
      %dma_start3A_1206 = arith.constant 0 : i32
      %dma_start3A_1207 = arith.constant 0 : i32
      %dma_start3A_1208 = tpu.memref_slice %arg6[%run_scoped3A, %dma_start3A_1206, %dma_start3A_1207] : memref<2x8x128xi32, #tpu.memory_space<vmem>> -> memref<1x8x128xi32, #tpu.memory_space<vmem>>
      %dma_start3A_1209 = tpu.memref_squeeze %dma_start3A_1208 : memref<1x8x128xi32, #tpu.memory_space<vmem>> -> memref<8x128xi32, #tpu.memory_space<vmem>>
      %dma_start3A_1210 = arith.constant 0 : i32
      %dma_start3A_1211 = tpu.memref_slice %arg3[%add3A_6, %dma_start3A_1210] : memref<1280x128xi32, #tpu.memory_space<hbm>> -> memref<8x128xi32, #tpu.memory_space<hbm>>
      %dma_start3A_1212 = arith.constant 0 : i32
      %dma_start3A_1213 = arith.constant 0 : i32
      %dma_start3A_1214 = tpu.memref_slice %arg6[%run_scoped3A, %dma_start3A_1212, %dma_start3A_1213] : memref<2x8x128xi32, #tpu.memory_space<vmem>> -> memref<1x8x128xi32, #tpu.memory_space<vmem>>
      %dma_start3A_1215 = tpu.memref_squeeze %dma_start3A_1214 : memref<1x8x128xi32, #tpu.memory_space<vmem>> -> memref<8x128xi32, #tpu.memory_space<vmem>>
      %dma_start3A_1216 = arith.constant 0 : i32
      %dma_start3A_1217 = tpu.memref_slice %arg3[%add3A_6, %dma_start3A_1216] : memref<1280x128xi32, #tpu.memory_space<hbm>> -> memref<8x128xi32, #tpu.memory_space<hbm>>
      tpu.enqueue_dma source(%dma_start3A_1217 : memref<8x128xi32, #tpu.memory_space<hbm>>) target(%dma_start3A_1215 : memref<8x128xi32, #tpu.memory_space<vmem>>) target_semaphore(%run_scoped3A_1205 : memref<!tpu.dma_semaphore, #tpu.memory_space<semaphore_mem>>)
      %dma_wait3A_1218 = arith.constant 0 : i32
      %dma_wait3A_1219 = arith.constant 0 : i32
      %dma_wait3A_1220 = tpu.memref_slice %arg6[%run_scoped3A, %dma_wait3A_1218, %dma_wait3A_1219] : memref<2x8x128xi32, #tpu.memory_space<vmem>> -> memref<1x8x128xi32, #tpu.memory_space<vmem>>
      %dma_wait3A_1221 = tpu.memref_squeeze %dma_wait3A_1220 : memref<1x8x128xi32, #tpu.memory_space<vmem>> -> memref<8x128xi32, #tpu.memory_space<vmem>>
      %dma_wait3A_1222 = arith.constant 0 : i32
      %dma_wait3A_1223 = tpu.memref_slice %arg3[%add3A_6, %dma_wait3A_1222] : memref<1280x128xi32, #tpu.memory_space<hbm>> -> memref<8x128xi32, #tpu.memory_space<hbm>>
      %dma_wait3A_1224 = arith.constant 0 : i32
      %dma_wait3A_1225 = arith.constant 0 : i32
      %dma_wait3A_1226 = tpu.memref_slice %arg6[%run_scoped3A, %dma_wait3A_1224, %dma_wait3A_1225] : memref<2x8x128xi32, #tpu.memory_space<vmem>> -> memref<1x8x128xi32, #tpu.memory_space<vmem>>
      %dma_wait3A_1227 = tpu.memref_squeeze %dma_wait3A_1226 : memref<1x8x128xi32, #tpu.memory_space<vmem>> -> memref<8x128xi32, #tpu.memory_space<vmem>>
      %dma_wait3A_1228 = arith.constant 0 : i32
      %dma_wait3A_1229 = tpu.memref_slice %arg3[%add3A_6, %dma_wait3A_1228] : memref<1280x128xi32, #tpu.memory_space<hbm>> -> memref<8x128xi32, #tpu.memory_space<hbm>>
      tpu.wait_dma2 semaphore(%run_scoped3A_1205 : memref<!tpu.dma_semaphore, #tpu.memory_space<semaphore_mem>>) src(%dma_wait3A_1229 : memref<8x128xi32, #tpu.memory_space<hbm>>) dst(%dma_wait3A_1227 : memref<8x128xi32, #tpu.memory_space<vmem>>)
      tpu.yield
    }) : () -> ()
    %dma_start3A = arith.constant 0 : i32
    %dma_start3A_7 = arith.constant 0 : i32
    %dma_start3A_8 = arith.constant 0 : i32
    %dma_start3A_9 = arith.constant 0 : i32
    %dma_start3A_10 = arith.constant 0 : i32
    %dma_start3A_11 = tpu.memref_slice %arg7[%dma_start3A_8, %dma_start3A_9, %dma_start3A_10] : memref<2x1024x32xf32, #tpu.memory_space<vmem>> -> memref<1x128x32xf32, #tpu.memory_space<vmem>>
    %dma_start3A_12 = tpu.memref_squeeze %dma_start3A_11 : memref<1x128x32xf32, #tpu.memory_space<vmem>> -> memref<128x32xf32, #tpu.memory_space<vmem>>
    %dma_start3A_13 = arith.constant 0 : i32
    %dma_start3A_14 = tpu.memref_slice %arg6[%dma_start3A, %dma_start3A_7, %dma_start3A_13] : memref<2x8x128xi32, #tpu.memory_space<vmem>> -> memref<1x1x128xi32, #tpu.memory_space<vmem>>
    %dma_start3A_15 = tpu.memref_squeeze %dma_start3A_14 : memref<1x1x128xi32, #tpu.memory_space<vmem>> -> memref<128xi32, #tpu.memory_space<vmem>>
    %dma_start3A_16 = arith.constant 0 : i32
    %dma_start3A_17 = arith.constant 0 : i32
    %dma_start3A_18 = tpu.memref_slice %arg5[%dma_start3A_16, %dma_start3A_17] : memref<10000x32xf32, #tpu.memory_space<vmem_shared>> -> memref<10000x32xf32, #tpu.memory_space<vmem_shared>>
    tpu.enqueue_indirect_dma source(%dma_start3A_18 : memref<10000x32xf32, #tpu.memory_space<vmem_shared>>) target(%dma_start3A_12 : memref<128x32xf32, #tpu.memory_space<vmem>>) offsets(%dma_start3A_15 : memref<128xi32, #tpu.memory_space<vmem>>) semaphore(%arg8 : memref<!tpu.dma_semaphore, #tpu.memory_space<semaphore_mem>>)
    %dma_start3A_19 = arith.constant 0 : i32
    %dma_start3A_20 = arith.constant 1 : i32
    %dma_start3A_21 = arith.constant 0 : i32
    %dma_start3A_22 = arith.constant 128 : i32
    %dma_start3A_23 = arith.constant 0 : i32
    %dma_start3A_24 = tpu.memref_slice %arg7[%dma_start3A_21, %dma_start3A_22, %dma_start3A_23] : memref<2x1024x32xf32, #tpu.memory_space<vmem>> -> memref<1x128x32xf32, #tpu.memory_space<vmem>>
    %dma_start3A_25 = tpu.memref_squeeze %dma_start3A_24 : memref<1x128x32xf32, #tpu.memory_space<vmem>> -> memref<128x32xf32, #tpu.memory_space<vmem>>
    %dma_start3A_26 = arith.constant 0 : i32
    %dma_start3A_27 = tpu.memref_slice %arg6[%dma_start3A_19, %dma_start3A_20, %dma_start3A_26] : memref<2x8x128xi32, #tpu.memory_space<vmem>> -> memref<1x1x128xi32, #tpu.memory_space<vmem>>
    %dma_start3A_28 = tpu.memref_squeeze %dma_start3A_27 : memref<1x1x128xi32, #tpu.memory_space<vmem>> -> memref<128xi32, #tpu.memory_space<vmem>>
    %dma_start3A_29 = arith.constant 0 : i32
    %dma_start3A_30 = arith.constant 0 : i32
    %dma_start3A_31 = tpu.memref_slice %arg5[%dma_start3A_29, %dma_start3A_30] : memref<10000x32xf32, #tpu.memory_space<vmem_shared>> -> memref<10000x32xf32, #tpu.memory_space<vmem_shared>>
    tpu.enqueue_indirect_dma source(%dma_start3A_31 : memref<10000x32xf32, #tpu.memory_space<vmem_shared>>) target(%dma_start3A_25 : memref<128x32xf32, #tpu.memory_space<vmem>>) offsets(%dma_start3A_28 : memref<128xi32, #tpu.memory_space<vmem>>) semaphore(%arg8 : memref<!tpu.dma_semaphore, #tpu.memory_space<semaphore_mem>>)
    %dma_start3A_32 = arith.constant 0 : i32
    %dma_start3A_33 = arith.constant 2 : i32
    %dma_start3A_34 = arith.constant 0 : i32
    %dma_start3A_35 = arith.constant 256 : i32
    %dma_start3A_36 = arith.constant 0 : i32
    %dma_start3A_37 = tpu.memref_slice %arg7[%dma_start3A_34, %dma_start3A_35, %dma_start3A_36] : memref<2x1024x32xf32, #tpu.memory_space<vmem>> -> memref<1x128x32xf32, #tpu.memory_space<vmem>>
    %dma_start3A_38 = tpu.memref_squeeze %dma_start3A_37 : memref<1x128x32xf32, #tpu.memory_space<vmem>> -> memref<128x32xf32, #tpu.memory_space<vmem>>
    %dma_start3A_39 = arith.constant 0 : i32
    %dma_start3A_40 = tpu.memref_slice %arg6[%dma_start3A_32, %dma_start3A_33, %dma_start3A_39] : memref<2x8x128xi32, #tpu.memory_space<vmem>> -> memref<1x1x128xi32, #tpu.memory_space<vmem>>
    %dma_start3A_41 = tpu.memref_squeeze %dma_start3A_40 : memref<1x1x128xi32, #tpu.memory_space<vmem>> -> memref<128xi32, #tpu.memory_space<vmem>>
    %dma_start3A_42 = arith.constant 0 : i32
    %dma_start3A_43 = arith.constant 0 : i32
    %dma_start3A_44 = tpu.memref_slice %arg5[%dma_start3A_42, %dma_start3A_43] : memref<10000x32xf32, #tpu.memory_space<vmem_shared>> -> memref<10000x32xf32, #tpu.memory_space<vmem_shared>>
    tpu.enqueue_indirect_dma source(%dma_start3A_44 : memref<10000x32xf32, #tpu.memory_space<vmem_shared>>) target(%dma_start3A_38 : memref<128x32xf32, #tpu.memory_space<vmem>>) offsets(%dma_start3A_41 : memref<128xi32, #tpu.memory_space<vmem>>) semaphore(%arg8 : memref<!tpu.dma_semaphore, #tpu.memory_space<semaphore_mem>>)
    %dma_start3A_45 = arith.constant 0 : i32
    %dma_start3A_46 = arith.constant 3 : i32
    %dma_start3A_47 = arith.constant 0 : i32
    %dma_start3A_48 = arith.constant 384 : i32
    %dma_start3A_49 = arith.constant 0 : i32
    %dma_start3A_50 = tpu.memref_slice %arg7[%dma_start3A_47, %dma_start3A_48, %dma_start3A_49] : memref<2x1024x32xf32, #tpu.memory_space<vmem>> -> memref<1x128x32xf32, #tpu.memory_space<vmem>>
    %dma_start3A_51 = tpu.memref_squeeze %dma_start3A_50 : memref<1x128x32xf32, #tpu.memory_space<vmem>> -> memref<128x32xf32, #tpu.memory_space<vmem>>
    %dma_start3A_52 = arith.constant 0 : i32
    %dma_start3A_53 = tpu.memref_slice %arg6[%dma_start3A_45, %dma_start3A_46, %dma_start3A_52] : memref<2x8x128xi32, #tpu.memory_space<vmem>> -> memref<1x1x128xi32, #tpu.memory_space<vmem>>
    %dma_start3A_54 = tpu.memref_squeeze %dma_start3A_53 : memref<1x1x128xi32, #tpu.memory_space<vmem>> -> memref<128xi32, #tpu.memory_space<vmem>>
    %dma_start3A_55 = arith.constant 0 : i32
    %dma_start3A_56 = arith.constant 0 : i32
    %dma_start3A_57 = tpu.memref_slice %arg5[%dma_start3A_55, %dma_start3A_56] : memref<10000x32xf32, #tpu.memory_space<vmem_shared>> -> memref<10000x32xf32, #tpu.memory_space<vmem_shared>>
    tpu.enqueue_indirect_dma source(%dma_start3A_57 : memref<10000x32xf32, #tpu.memory_space<vmem_shared>>) target(%dma_start3A_51 : memref<128x32xf32, #tpu.memory_space<vmem>>) offsets(%dma_start3A_54 : memref<128xi32, #tpu.memory_space<vmem>>) semaphore(%arg8 : memref<!tpu.dma_semaphore, #tpu.memory_space<semaphore_mem>>)
    %dma_start3A_58 = arith.constant 0 : i32
    %dma_start3A_59 = arith.constant 4 : i32
    %dma_start3A_60 = arith.constant 0 : i32
    %dma_start3A_61 = arith.constant 512 : i32
    %dma_start3A_62 = arith.constant 0 : i32
    %dma_start3A_63 = tpu.memref_slice %arg7[%dma_start3A_60, %dma_start3A_61, %dma_start3A_62] : memref<2x1024x32xf32, #tpu.memory_space<vmem>> -> memref<1x128x32xf32, #tpu.memory_space<vmem>>
    %dma_start3A_64 = tpu.memref_squeeze %dma_start3A_63 : memref<1x128x32xf32, #tpu.memory_space<vmem>> -> memref<128x32xf32, #tpu.memory_space<vmem>>
    %dma_start3A_65 = arith.constant 0 : i32
    %dma_start3A_66 = tpu.memref_slice %arg6[%dma_start3A_58, %dma_start3A_59, %dma_start3A_65] : memref<2x8x128xi32, #tpu.memory_space<vmem>> -> memref<1x1x128xi32, #tpu.memory_space<vmem>>
    %dma_start3A_67 = tpu.memref_squeeze %dma_start3A_66 : memref<1x1x128xi32, #tpu.memory_space<vmem>> -> memref<128xi32, #tpu.memory_space<vmem>>
    %dma_start3A_68 = arith.constant 0 : i32
    %dma_start3A_69 = arith.constant 0 : i32
    %dma_start3A_70 = tpu.memref_slice %arg5[%dma_start3A_68, %dma_start3A_69] : memref<10000x32xf32, #tpu.memory_space<vmem_shared>> -> memref<10000x32xf32, #tpu.memory_space<vmem_shared>>
    tpu.enqueue_indirect_dma source(%dma_start3A_70 : memref<10000x32xf32, #tpu.memory_space<vmem_shared>>) target(%dma_start3A_64 : memref<128x32xf32, #tpu.memory_space<vmem>>) offsets(%dma_start3A_67 : memref<128xi32, #tpu.memory_space<vmem>>) semaphore(%arg8 : memref<!tpu.dma_semaphore, #tpu.memory_space<semaphore_mem>>)
    %dma_start3A_71 = arith.constant 0 : i32
    %dma_start3A_72 = arith.constant 5 : i32
    %dma_start3A_73 = arith.constant 0 : i32
    %dma_start3A_74 = arith.constant 640 : i32
    %dma_start3A_75 = arith.constant 0 : i32
    %dma_start3A_76 = tpu.memref_slice %arg7[%dma_start3A_73, %dma_start3A_74, %dma_start3A_75] : memref<2x1024x32xf32, #tpu.memory_space<vmem>> -> memref<1x128x32xf32, #tpu.memory_space<vmem>>
    %dma_start3A_77 = tpu.memref_squeeze %dma_start3A_76 : memref<1x128x32xf32, #tpu.memory_space<vmem>> -> memref<128x32xf32, #tpu.memory_space<vmem>>
    %dma_start3A_78 = arith.constant 0 : i32
    %dma_start3A_79 = tpu.memref_slice %arg6[%dma_start3A_71, %dma_start3A_72, %dma_start3A_78] : memref<2x8x128xi32, #tpu.memory_space<vmem>> -> memref<1x1x128xi32, #tpu.memory_space<vmem>>
    %dma_start3A_80 = tpu.memref_squeeze %dma_start3A_79 : memref<1x1x128xi32, #tpu.memory_space<vmem>> -> memref<128xi32, #tpu.memory_space<vmem>>
    %dma_start3A_81 = arith.constant 0 : i32
    %dma_start3A_82 = arith.constant 0 : i32
    %dma_start3A_83 = tpu.memref_slice %arg5[%dma_start3A_81, %dma_start3A_82] : memref<10000x32xf32, #tpu.memory_space<vmem_shared>> -> memref<10000x32xf32, #tpu.memory_space<vmem_shared>>
    tpu.enqueue_indirect_dma source(%dma_start3A_83 : memref<10000x32xf32, #tpu.memory_space<vmem_shared>>) target(%dma_start3A_77 : memref<128x32xf32, #tpu.memory_space<vmem>>) offsets(%dma_start3A_80 : memref<128xi32, #tpu.memory_space<vmem>>) semaphore(%arg8 : memref<!tpu.dma_semaphore, #tpu.memory_space<semaphore_mem>>)
    %dma_start3A_84 = arith.constant 0 : i32
    %dma_start3A_85 = arith.constant 6 : i32
    %dma_start3A_86 = arith.constant 0 : i32
    %dma_start3A_87 = arith.constant 768 : i32
    %dma_start3A_88 = arith.constant 0 : i32
    %dma_start3A_89 = tpu.memref_slice %arg7[%dma_start3A_86, %dma_start3A_87, %dma_start3A_88] : memref<2x1024x32xf32, #tpu.memory_space<vmem>> -> memref<1x128x32xf32, #tpu.memory_space<vmem>>
    %dma_start3A_90 = tpu.memref_squeeze %dma_start3A_89 : memref<1x128x32xf32, #tpu.memory_space<vmem>> -> memref<128x32xf32, #tpu.memory_space<vmem>>
    %dma_start3A_91 = arith.constant 0 : i32
    %dma_start3A_92 = tpu.memref_slice %arg6[%dma_start3A_84, %dma_start3A_85, %dma_start3A_91] : memref<2x8x128xi32, #tpu.memory_space<vmem>> -> memref<1x1x128xi32, #tpu.memory_space<vmem>>
    %dma_start3A_93 = tpu.memref_squeeze %dma_start3A_92 : memref<1x1x128xi32, #tpu.memory_space<vmem>> -> memref<128xi32, #tpu.memory_space<vmem>>
    %dma_start3A_94 = arith.constant 0 : i32
    %dma_start3A_95 = arith.constant 0 : i32
    %dma_start3A_96 = tpu.memref_slice %arg5[%dma_start3A_94, %dma_start3A_95] : memref<10000x32xf32, #tpu.memory_space<vmem_shared>> -> memref<10000x32xf32, #tpu.memory_space<vmem_shared>>
    tpu.enqueue_indirect_dma source(%dma_start3A_96 : memref<10000x32xf32, #tpu.memory_space<vmem_shared>>) target(%dma_start3A_90 : memref<128x32xf32, #tpu.memory_space<vmem>>) offsets(%dma_start3A_93 : memref<128xi32, #tpu.memory_space<vmem>>) semaphore(%arg8 : memref<!tpu.dma_semaphore, #tpu.memory_space<semaphore_mem>>)
    %dma_start3A_97 = arith.constant 0 : i32
    %dma_start3A_98 = arith.constant 7 : i32
    %dma_start3A_99 = arith.constant 0 : i32
    %dma_start3A_100 = arith.constant 896 : i32
    %dma_start3A_101 = arith.constant 0 : i32
    %dma_start3A_102 = tpu.memref_slice %arg7[%dma_start3A_99, %dma_start3A_100, %dma_start3A_101] : memref<2x1024x32xf32, #tpu.memory_space<vmem>> -> memref<1x128x32xf32, #tpu.memory_space<vmem>>
    %dma_start3A_103 = tpu.memref_squeeze %dma_start3A_102 : memref<1x128x32xf32, #tpu.memory_space<vmem>> -> memref<128x32xf32, #tpu.memory_space<vmem>>
    %dma_start3A_104 = arith.constant 0 : i32
    %dma_start3A_105 = tpu.memref_slice %arg6[%dma_start3A_97, %dma_start3A_98, %dma_start3A_104] : memref<2x8x128xi32, #tpu.memory_space<vmem>> -> memref<1x1x128xi32, #tpu.memory_space<vmem>>
    %dma_start3A_106 = tpu.memref_squeeze %dma_start3A_105 : memref<1x1x128xi32, #tpu.memory_space<vmem>> -> memref<128xi32, #tpu.memory_space<vmem>>
    %dma_start3A_107 = arith.constant 0 : i32
    %dma_start3A_108 = arith.constant 0 : i32
    %dma_start3A_109 = tpu.memref_slice %arg5[%dma_start3A_107, %dma_start3A_108] : memref<10000x32xf32, #tpu.memory_space<vmem_shared>> -> memref<10000x32xf32, #tpu.memory_space<vmem_shared>>
    tpu.enqueue_indirect_dma source(%dma_start3A_109 : memref<10000x32xf32, #tpu.memory_space<vmem_shared>>) target(%dma_start3A_103 : memref<128x32xf32, #tpu.memory_space<vmem>>) offsets(%dma_start3A_106 : memref<128xi32, #tpu.memory_space<vmem>>) semaphore(%arg8 : memref<!tpu.dma_semaphore, #tpu.memory_space<semaphore_mem>>)
    %dma_wait3A = arith.constant 0 : i32
    %dma_wait3A_110 = arith.constant 0 : i32
    %dma_wait3A_111 = arith.constant 0 : i32
    %dma_wait3A_112 = arith.constant 0 : i32
    %dma_wait3A_113 = arith.constant 0 : i32
    %dma_wait3A_114 = tpu.memref_slice %arg7[%dma_wait3A_111, %dma_wait3A_112, %dma_wait3A_113] : memref<2x1024x32xf32, #tpu.memory_space<vmem>> -> memref<1x128x32xf32, #tpu.memory_space<vmem>>
    %dma_wait3A_115 = tpu.memref_squeeze %dma_wait3A_114 : memref<1x128x32xf32, #tpu.memory_space<vmem>> -> memref<128x32xf32, #tpu.memory_space<vmem>>
    %dma_wait3A_116 = arith.constant 0 : i32
    %dma_wait3A_117 = tpu.memref_slice %arg6[%dma_wait3A, %dma_wait3A_110, %dma_wait3A_116] : memref<2x8x128xi32, #tpu.memory_space<vmem>> -> memref<1x1x128xi32, #tpu.memory_space<vmem>>
    %dma_wait3A_118 = tpu.memref_squeeze %dma_wait3A_117 : memref<1x1x128xi32, #tpu.memory_space<vmem>> -> memref<128xi32, #tpu.memory_space<vmem>>
    %dma_wait3A_119 = arith.constant 0 : i32
    %dma_wait3A_120 = arith.constant 0 : i32
    %dma_wait3A_121 = tpu.memref_slice %arg5[%dma_wait3A_119, %dma_wait3A_120] : memref<10000x32xf32, #tpu.memory_space<vmem_shared>> -> memref<10000x32xf32, #tpu.memory_space<vmem_shared>>
    tpu.wait_indirect_dma semaphore(%arg8 : memref<!tpu.dma_semaphore, #tpu.memory_space<semaphore_mem>>) src(%dma_wait3A_121 : memref<10000x32xf32, #tpu.memory_space<vmem_shared>>) dst(%dma_wait3A_115 : memref<128x32xf32, #tpu.memory_space<vmem>>)
    %dma_wait3A_122 = arith.constant 0 : i32
    %dma_wait3A_123 = arith.constant 1 : i32
    %dma_wait3A_124 = arith.constant 0 : i32
    %dma_wait3A_125 = arith.constant 128 : i32
    %dma_wait3A_126 = arith.constant 0 : i32
    %dma_wait3A_127 = tpu.memref_slice %arg7[%dma_wait3A_124, %dma_wait3A_125, %dma_wait3A_126] : memref<2x1024x32xf32, #tpu.memory_space<vmem>> -> memref<1x128x32xf32, #tpu.memory_space<vmem>>
    %dma_wait3A_128 = tpu.memref_squeeze %dma_wait3A_127 : memref<1x128x32xf32, #tpu.memory_space<vmem>> -> memref<128x32xf32, #tpu.memory_space<vmem>>
    %dma_wait3A_129 = arith.constant 0 : i32
    %dma_wait3A_130 = tpu.memref_slice %arg6[%dma_wait3A_122, %dma_wait3A_123, %dma_wait3A_129] : memref<2x8x128xi32, #tpu.memory_space<vmem>> -> memref<1x1x128xi32, #tpu.memory_space<vmem>>
    %dma_wait3A_131 = tpu.memref_squeeze %dma_wait3A_130 : memref<1x1x128xi32, #tpu.memory_space<vmem>> -> memref<128xi32, #tpu.memory_space<vmem>>
    %dma_wait3A_132 = arith.constant 0 : i32
    %dma_wait3A_133 = arith.constant 0 : i32
    %dma_wait3A_134 = tpu.memref_slice %arg5[%dma_wait3A_132, %dma_wait3A_133] : memref<10000x32xf32, #tpu.memory_space<vmem_shared>> -> memref<10000x32xf32, #tpu.memory_space<vmem_shared>>
    tpu.wait_indirect_dma semaphore(%arg8 : memref<!tpu.dma_semaphore, #tpu.memory_space<semaphore_mem>>) src(%dma_wait3A_134 : memref<10000x32xf32, #tpu.memory_space<vmem_shared>>) dst(%dma_wait3A_128 : memref<128x32xf32, #tpu.memory_space<vmem>>)
    %dma_wait3A_135 = arith.constant 0 : i32
    %dma_wait3A_136 = arith.constant 2 : i32
    %dma_wait3A_137 = arith.constant 0 : i32
    %dma_wait3A_138 = arith.constant 256 : i32
    %dma_wait3A_139 = arith.constant 0 : i32
    %dma_wait3A_140 = tpu.memref_slice %arg7[%dma_wait3A_137, %dma_wait3A_138, %dma_wait3A_139] : memref<2x1024x32xf32, #tpu.memory_space<vmem>> -> memref<1x128x32xf32, #tpu.memory_space<vmem>>
    %dma_wait3A_141 = tpu.memref_squeeze %dma_wait3A_140 : memref<1x128x32xf32, #tpu.memory_space<vmem>> -> memref<128x32xf32, #tpu.memory_space<vmem>>
    %dma_wait3A_142 = arith.constant 0 : i32
    %dma_wait3A_143 = tpu.memref_slice %arg6[%dma_wait3A_135, %dma_wait3A_136, %dma_wait3A_142] : memref<2x8x128xi32, #tpu.memory_space<vmem>> -> memref<1x1x128xi32, #tpu.memory_space<vmem>>
    %dma_wait3A_144 = tpu.memref_squeeze %dma_wait3A_143 : memref<1x1x128xi32, #tpu.memory_space<vmem>> -> memref<128xi32, #tpu.memory_space<vmem>>
    %dma_wait3A_145 = arith.constant 0 : i32
    %dma_wait3A_146 = arith.constant 0 : i32
    %dma_wait3A_147 = tpu.memref_slice %arg5[%dma_wait3A_145, %dma_wait3A_146] : memref<10000x32xf32, #tpu.memory_space<vmem_shared>> -> memref<10000x32xf32, #tpu.memory_space<vmem_shared>>
    tpu.wait_indirect_dma semaphore(%arg8 : memref<!tpu.dma_semaphore, #tpu.memory_space<semaphore_mem>>) src(%dma_wait3A_147 : memref<10000x32xf32, #tpu.memory_space<vmem_shared>>) dst(%dma_wait3A_141 : memref<128x32xf32, #tpu.memory_space<vmem>>)
    %dma_wait3A_148 = arith.constant 0 : i32
    %dma_wait3A_149 = arith.constant 3 : i32
    %dma_wait3A_150 = arith.constant 0 : i32
    %dma_wait3A_151 = arith.constant 384 : i32
    %dma_wait3A_152 = arith.constant 0 : i32
    %dma_wait3A_153 = tpu.memref_slice %arg7[%dma_wait3A_150, %dma_wait3A_151, %dma_wait3A_152] : memref<2x1024x32xf32, #tpu.memory_space<vmem>> -> memref<1x128x32xf32, #tpu.memory_space<vmem>>
    %dma_wait3A_154 = tpu.memref_squeeze %dma_wait3A_153 : memref<1x128x32xf32, #tpu.memory_space<vmem>> -> memref<128x32xf32, #tpu.memory_space<vmem>>
    %dma_wait3A_155 = arith.constant 0 : i32
    %dma_wait3A_156 = tpu.memref_slice %arg6[%dma_wait3A_148, %dma_wait3A_149, %dma_wait3A_155] : memref<2x8x128xi32, #tpu.memory_space<vmem>> -> memref<1x1x128xi32, #tpu.memory_space<vmem>>
    %dma_wait3A_157 = tpu.memref_squeeze %dma_wait3A_156 : memref<1x1x128xi32, #tpu.memory_space<vmem>> -> memref<128xi32, #tpu.memory_space<vmem>>
    %dma_wait3A_158 = arith.constant 0 : i32
    %dma_wait3A_159 = arith.constant 0 : i32
    %dma_wait3A_160 = tpu.memref_slice %arg5[%dma_wait3A_158, %dma_wait3A_159] : memref<10000x32xf32, #tpu.memory_space<vmem_shared>> -> memref<10000x32xf32, #tpu.memory_space<vmem_shared>>
    tpu.wait_indirect_dma semaphore(%arg8 : memref<!tpu.dma_semaphore, #tpu.memory_space<semaphore_mem>>) src(%dma_wait3A_160 : memref<10000x32xf32, #tpu.memory_space<vmem_shared>>) dst(%dma_wait3A_154 : memref<128x32xf32, #tpu.memory_space<vmem>>)
    %dma_wait3A_161 = arith.constant 0 : i32
    %dma_wait3A_162 = arith.constant 4 : i32
    %dma_wait3A_163 = arith.constant 0 : i32
    %dma_wait3A_164 = arith.constant 512 : i32
    %dma_wait3A_165 = arith.constant 0 : i32
    %dma_wait3A_166 = tpu.memref_slice %arg7[%dma_wait3A_163, %dma_wait3A_164, %dma_wait3A_165] : memref<2x1024x32xf32, #tpu.memory_space<vmem>> -> memref<1x128x32xf32, #tpu.memory_space<vmem>>
    %dma_wait3A_167 = tpu.memref_squeeze %dma_wait3A_166 : memref<1x128x32xf32, #tpu.memory_space<vmem>> -> memref<128x32xf32, #tpu.memory_space<vmem>>
    %dma_wait3A_168 = arith.constant 0 : i32
    %dma_wait3A_169 = tpu.memref_slice %arg6[%dma_wait3A_161, %dma_wait3A_162, %dma_wait3A_168] : memref<2x8x128xi32, #tpu.memory_space<vmem>> -> memref<1x1x128xi32, #tpu.memory_space<vmem>>
    %dma_wait3A_170 = tpu.memref_squeeze %dma_wait3A_169 : memref<1x1x128xi32, #tpu.memory_space<vmem>> -> memref<128xi32, #tpu.memory_space<vmem>>
    %dma_wait3A_171 = arith.constant 0 : i32
    %dma_wait3A_172 = arith.constant 0 : i32
    %dma_wait3A_173 = tpu.memref_slice %arg5[%dma_wait3A_171, %dma_wait3A_172] : memref<10000x32xf32, #tpu.memory_space<vmem_shared>> -> memref<10000x32xf32, #tpu.memory_space<vmem_shared>>
    tpu.wait_indirect_dma semaphore(%arg8 : memref<!tpu.dma_semaphore, #tpu.memory_space<semaphore_mem>>) src(%dma_wait3A_173 : memref<10000x32xf32, #tpu.memory_space<vmem_shared>>) dst(%dma_wait3A_167 : memref<128x32xf32, #tpu.memory_space<vmem>>)
    %dma_wait3A_174 = arith.constant 0 : i32
    %dma_wait3A_175 = arith.constant 5 : i32
    %dma_wait3A_176 = arith.constant 0 : i32
    %dma_wait3A_177 = arith.constant 640 : i32
    %dma_wait3A_178 = arith.constant 0 : i32
    %dma_wait3A_179 = tpu.memref_slice %arg7[%dma_wait3A_176, %dma_wait3A_177, %dma_wait3A_178] : memref<2x1024x32xf32, #tpu.memory_space<vmem>> -> memref<1x128x32xf32, #tpu.memory_space<vmem>>
    %dma_wait3A_180 = tpu.memref_squeeze %dma_wait3A_179 : memref<1x128x32xf32, #tpu.memory_space<vmem>> -> memref<128x32xf32, #tpu.memory_space<vmem>>
    %dma_wait3A_181 = arith.constant 0 : i32
    %dma_wait3A_182 = tpu.memref_slice %arg6[%dma_wait3A_174, %dma_wait3A_175, %dma_wait3A_181] : memref<2x8x128xi32, #tpu.memory_space<vmem>> -> memref<1x1x128xi32, #tpu.memory_space<vmem>>
    %dma_wait3A_183 = tpu.memref_squeeze %dma_wait3A_182 : memref<1x1x128xi32, #tpu.memory_space<vmem>> -> memref<128xi32, #tpu.memory_space<vmem>>
    %dma_wait3A_184 = arith.constant 0 : i32
    %dma_wait3A_185 = arith.constant 0 : i32
    %dma_wait3A_186 = tpu.memref_slice %arg5[%dma_wait3A_184, %dma_wait3A_185] : memref<10000x32xf32, #tpu.memory_space<vmem_shared>> -> memref<10000x32xf32, #tpu.memory_space<vmem_shared>>
    tpu.wait_indirect_dma semaphore(%arg8 : memref<!tpu.dma_semaphore, #tpu.memory_space<semaphore_mem>>) src(%dma_wait3A_186 : memref<10000x32xf32, #tpu.memory_space<vmem_shared>>) dst(%dma_wait3A_180 : memref<128x32xf32, #tpu.memory_space<vmem>>)
    %dma_wait3A_187 = arith.constant 0 : i32
    %dma_wait3A_188 = arith.constant 6 : i32
    %dma_wait3A_189 = arith.constant 0 : i32
    %dma_wait3A_190 = arith.constant 768 : i32
    %dma_wait3A_191 = arith.constant 0 : i32
    %dma_wait3A_192 = tpu.memref_slice %arg7[%dma_wait3A_189, %dma_wait3A_190, %dma_wait3A_191] : memref<2x1024x32xf32, #tpu.memory_space<vmem>> -> memref<1x128x32xf32, #tpu.memory_space<vmem>>
    %dma_wait3A_193 = tpu.memref_squeeze %dma_wait3A_192 : memref<1x128x32xf32, #tpu.memory_space<vmem>> -> memref<128x32xf32, #tpu.memory_space<vmem>>
    %dma_wait3A_194 = arith.constant 0 : i32
    %dma_wait3A_195 = tpu.memref_slice %arg6[%dma_wait3A_187, %dma_wait3A_188, %dma_wait3A_194] : memref<2x8x128xi32, #tpu.memory_space<vmem>> -> memref<1x1x128xi32, #tpu.memory_space<vmem>>
    %dma_wait3A_196 = tpu.memref_squeeze %dma_wait3A_195 : memref<1x1x128xi32, #tpu.memory_space<vmem>> -> memref<128xi32, #tpu.memory_space<vmem>>
    %dma_wait3A_197 = arith.constant 0 : i32
    %dma_wait3A_198 = arith.constant 0 : i32
    %dma_wait3A_199 = tpu.memref_slice %arg5[%dma_wait3A_197, %dma_wait3A_198] : memref<10000x32xf32, #tpu.memory_space<vmem_shared>> -> memref<10000x32xf32, #tpu.memory_space<vmem_shared>>
    tpu.wait_indirect_dma semaphore(%arg8 : memref<!tpu.dma_semaphore, #tpu.memory_space<semaphore_mem>>) src(%dma_wait3A_199 : memref<10000x32xf32, #tpu.memory_space<vmem_shared>>) dst(%dma_wait3A_193 : memref<128x32xf32, #tpu.memory_space<vmem>>)
    %dma_wait3A_200 = arith.constant 0 : i32
    %dma_wait3A_201 = arith.constant 7 : i32
    %dma_wait3A_202 = arith.constant 0 : i32
    %dma_wait3A_203 = arith.constant 896 : i32
    %dma_wait3A_204 = arith.constant 0 : i32
    %dma_wait3A_205 = tpu.memref_slice %arg7[%dma_wait3A_202, %dma_wait3A_203, %dma_wait3A_204] : memref<2x1024x32xf32, #tpu.memory_space<vmem>> -> memref<1x128x32xf32, #tpu.memory_space<vmem>>
    %dma_wait3A_206 = tpu.memref_squeeze %dma_wait3A_205 : memref<1x128x32xf32, #tpu.memory_space<vmem>> -> memref<128x32xf32, #tpu.memory_space<vmem>>
    %dma_wait3A_207 = arith.constant 0 : i32
    %dma_wait3A_208 = tpu.memref_slice %arg6[%dma_wait3A_200, %dma_wait3A_201, %dma_wait3A_207] : memref<2x8x128xi32, #tpu.memory_space<vmem>> -> memref<1x1x128xi32, #tpu.memory_space<vmem>>
    %dma_wait3A_209 = tpu.memref_squeeze %dma_wait3A_208 : memref<1x1x128xi32, #tpu.memory_space<vmem>> -> memref<128xi32, #tpu.memory_space<vmem>>
    %dma_wait3A_210 = arith.constant 0 : i32
    %dma_wait3A_211 = arith.constant 0 : i32
    %dma_wait3A_212 = tpu.memref_slice %arg5[%dma_wait3A_210, %dma_wait3A_211] : memref<10000x32xf32, #tpu.memory_space<vmem_shared>> -> memref<10000x32xf32, #tpu.memory_space<vmem_shared>>
    tpu.wait_indirect_dma semaphore(%arg8 : memref<!tpu.dma_semaphore, #tpu.memory_space<semaphore_mem>>) src(%dma_wait3A_212 : memref<10000x32xf32, #tpu.memory_space<vmem_shared>>) dst(%dma_wait3A_206 : memref<128x32xf32, #tpu.memory_space<vmem>>)
    %mul3A_213 = arith.constant 128 : i32
    %mul3A_214 = arith.muli %add3A_6, %mul3A_213 : i32
    %dma_start3A_215 = arith.constant 0 : i32
    %dma_start3A_216 = arith.constant 0 : i32
    %dma_start3A_217 = arith.constant 0 : i32
    %dma_start3A_218 = tpu.memref_slice %arg7[%dma_start3A_215, %dma_start3A_216, %dma_start3A_217] : memref<2x1024x32xf32, #tpu.memory_space<vmem>> -> memref<1x1024x32xf32, #tpu.memory_space<vmem>>
    %dma_start3A_219 = tpu.memref_squeeze %dma_start3A_218 : memref<1x1024x32xf32, #tpu.memory_space<vmem>> -> memref<1024x32xf32, #tpu.memory_space<vmem>>
    %dma_start3A_220 = arith.constant 0 : i32
    %dma_start3A_221 = tpu.memref_slice %arg4[%mul3A_214, %dma_start3A_220] : memref<163840x128xf32, #tpu.memory_space<hbm>> -> memref<1024x32xf32, #tpu.memory_space<hbm>>
    %dma_start3A_222 = arith.constant 0 : i32
    %dma_start3A_223 = tpu.memref_slice %arg4[%mul3A_214, %dma_start3A_222] : memref<163840x128xf32, #tpu.memory_space<hbm>> -> memref<1024x32xf32, #tpu.memory_space<hbm>>
    %dma_start3A_224 = arith.constant 0 : i32
    %dma_start3A_225 = arith.constant 0 : i32
    %dma_start3A_226 = tpu.memref_slice %arg7[%dma_start3A_215, %dma_start3A_224, %dma_start3A_225] : memref<2x1024x32xf32, #tpu.memory_space<vmem>> -> memref<1x1024x32xf32, #tpu.memory_space<vmem>>
    %dma_start3A_227 = tpu.memref_squeeze %dma_start3A_226 : memref<1x1024x32xf32, #tpu.memory_space<vmem>> -> memref<1024x32xf32, #tpu.memory_space<vmem>>
    tpu.enqueue_dma source(%dma_start3A_227 : memref<1024x32xf32, #tpu.memory_space<vmem>>) target(%dma_start3A_223 : memref<1024x32xf32, #tpu.memory_space<hbm>>) target_semaphore(%arg9 : memref<!tpu.dma_semaphore, #tpu.memory_space<semaphore_mem>>)
    %mul3A_228 = arith.constant 40 : i32
    %mul3A_229 = arith.muli %add3A, %mul3A_228 : i32
    %add3A_230 = arith.constant 8 : i32
    %add3A_231 = arith.addi %mul3A_229, %add3A_230 : i32
    %run_scoped3A_232 = arith.constant 1 : i32
    "tpu.region"() ({
      %run_scoped3A_1205 = tpu.sem_alloc : memref<!tpu.dma_semaphore, #tpu.memory_space<semaphore_mem>>
      %dma_start3A_1206 = arith.constant 0 : i32
      %dma_start3A_1207 = arith.constant 0 : i32
      %dma_start3A_1208 = tpu.memref_slice %arg6[%run_scoped3A_232, %dma_start3A_1206, %dma_start3A_1207] : memref<2x8x128xi32, #tpu.memory_space<vmem>> -> memref<1x8x128xi32, #tpu.memory_space<vmem>>
      %dma_start3A_1209 = tpu.memref_squeeze %dma_start3A_1208 : memref<1x8x128xi32, #tpu.memory_space<vmem>> -> memref<8x128xi32, #tpu.memory_space<vmem>>
      %dma_start3A_1210 = arith.constant 0 : i32
      %dma_start3A_1211 = tpu.memref_slice %arg3[%add3A_231, %dma_start3A_1210] : memref<1280x128xi32, #tpu.memory_space<hbm>> -> memref<8x128xi32, #tpu.memory_space<hbm>>
      %dma_start3A_1212 = arith.constant 0 : i32
      %dma_start3A_1213 = arith.constant 0 : i32
      %dma_start3A_1214 = tpu.memref_slice %arg6[%run_scoped3A_232, %dma_start3A_1212, %dma_start3A_1213] : memref<2x8x128xi32, #tpu.memory_space<vmem>> -> memref<1x8x128xi32, #tpu.memory_space<vmem>>
      %dma_start3A_1215 = tpu.memref_squeeze %dma_start3A_1214 : memref<1x8x128xi32, #tpu.memory_space<vmem>> -> memref<8x128xi32, #tpu.memory_space<vmem>>
      %dma_start3A_1216 = arith.constant 0 : i32
      %dma_start3A_1217 = tpu.memref_slice %arg3[%add3A_231, %dma_start3A_1216] : memref<1280x128xi32, #tpu.memory_space<hbm>> -> memref<8x128xi32, #tpu.memory_space<hbm>>
      tpu.enqueue_dma source(%dma_start3A_1217 : memref<8x128xi32, #tpu.memory_space<hbm>>) target(%dma_start3A_1215 : memref<8x128xi32, #tpu.memory_space<vmem>>) target_semaphore(%run_scoped3A_1205 : memref<!tpu.dma_semaphore, #tpu.memory_space<semaphore_mem>>)
      %dma_wait3A_1218 = arith.constant 0 : i32
      %dma_wait3A_1219 = arith.constant 0 : i32
      %dma_wait3A_1220 = tpu.memref_slice %arg6[%run_scoped3A_232, %dma_wait3A_1218, %dma_wait3A_1219] : memref<2x8x128xi32, #tpu.memory_space<vmem>> -> memref<1x8x128xi32, #tpu.memory_space<vmem>>
      %dma_wait3A_1221 = tpu.memref_squeeze %dma_wait3A_1220 : memref<1x8x128xi32, #tpu.memory_space<vmem>> -> memref<8x128xi32, #tpu.memory_space<vmem>>
      %dma_wait3A_1222 = arith.constant 0 : i32
      %dma_wait3A_1223 = tpu.memref_slice %arg3[%add3A_231, %dma_wait3A_1222] : memref<1280x128xi32, #tpu.memory_space<hbm>> -> memref<8x128xi32, #tpu.memory_space<hbm>>
      %dma_wait3A_1224 = arith.constant 0 : i32
      %dma_wait3A_1225 = arith.constant 0 : i32
      %dma_wait3A_1226 = tpu.memref_slice %arg6[%run_scoped3A_232, %dma_wait3A_1224, %dma_wait3A_1225] : memref<2x8x128xi32, #tpu.memory_space<vmem>> -> memref<1x8x128xi32, #tpu.memory_space<vmem>>
      %dma_wait3A_1227 = tpu.memref_squeeze %dma_wait3A_1226 : memref<1x8x128xi32, #tpu.memory_space<vmem>> -> memref<8x128xi32, #tpu.memory_space<vmem>>
      %dma_wait3A_1228 = arith.constant 0 : i32
      %dma_wait3A_1229 = tpu.memref_slice %arg3[%add3A_231, %dma_wait3A_1228] : memref<1280x128xi32, #tpu.memory_space<hbm>> -> memref<8x128xi32, #tpu.memory_space<hbm>>
      tpu.wait_dma2 semaphore(%run_scoped3A_1205 : memref<!tpu.dma_semaphore, #tpu.memory_space<semaphore_mem>>) src(%dma_wait3A_1229 : memref<8x128xi32, #tpu.memory_space<hbm>>) dst(%dma_wait3A_1227 : memref<8x128xi32, #tpu.memory_space<vmem>>)
      tpu.yield
    }) : () -> ()
    %dma_start3A_233 = arith.constant 1 : i32
    %dma_start3A_234 = arith.constant 0 : i32
    %dma_start3A_235 = arith.constant 1 : i32
    %dma_start3A_236 = arith.constant 0 : i32
    %dma_start3A_237 = arith.constant 0 : i32
    %dma_start3A_238 = tpu.memref_slice %arg7[%dma_start3A_235, %dma_start3A_236, %dma_start3A_237] : memref<2x1024x32xf32, #tpu.memory_space<vmem>> -> memref<1x128x32xf32, #tpu.memory_space<vmem>>
    %dma_start3A_239 = tpu.memref_squeeze %dma_start3A_238 : memref<1x128x32xf32, #tpu.memory_space<vmem>> -> memref<128x32xf32, #tpu.memory_space<vmem>>
    %dma_start3A_240 = arith.constant 0 : i32
    %dma_start3A_241 = tpu.memref_slice %arg6[%dma_start3A_233, %dma_start3A_234, %dma_start3A_240] : memref<2x8x128xi32, #tpu.memory_space<vmem>> -> memref<1x1x128xi32, #tpu.memory_space<vmem>>
    %dma_start3A_242 = tpu.memref_squeeze %dma_start3A_241 : memref<1x1x128xi32, #tpu.memory_space<vmem>> -> memref<128xi32, #tpu.memory_space<vmem>>
    %dma_start3A_243 = arith.constant 0 : i32
    %dma_start3A_244 = arith.constant 0 : i32
    %dma_start3A_245 = tpu.memref_slice %arg5[%dma_start3A_243, %dma_start3A_244] : memref<10000x32xf32, #tpu.memory_space<vmem_shared>> -> memref<10000x32xf32, #tpu.memory_space<vmem_shared>>
    tpu.enqueue_indirect_dma source(%dma_start3A_245 : memref<10000x32xf32, #tpu.memory_space<vmem_shared>>) target(%dma_start3A_239 : memref<128x32xf32, #tpu.memory_space<vmem>>) offsets(%dma_start3A_242 : memref<128xi32, #tpu.memory_space<vmem>>) semaphore(%arg8 : memref<!tpu.dma_semaphore, #tpu.memory_space<semaphore_mem>>)
    %dma_start3A_246 = arith.constant 1 : i32
    %dma_start3A_247 = arith.constant 1 : i32
    %dma_start3A_248 = arith.constant 1 : i32
    %dma_start3A_249 = arith.constant 128 : i32
    %dma_start3A_250 = arith.constant 0 : i32
    %dma_start3A_251 = tpu.memref_slice %arg7[%dma_start3A_248, %dma_start3A_249, %dma_start3A_250] : memref<2x1024x32xf32, #tpu.memory_space<vmem>> -> memref<1x128x32xf32, #tpu.memory_space<vmem>>
    %dma_start3A_252 = tpu.memref_squeeze %dma_start3A_251 : memref<1x128x32xf32, #tpu.memory_space<vmem>> -> memref<128x32xf32, #tpu.memory_space<vmem>>
    %dma_start3A_253 = arith.constant 0 : i32
    %dma_start3A_254 = tpu.memref_slice %arg6[%dma_start3A_246, %dma_start3A_247, %dma_start3A_253] : memref<2x8x128xi32, #tpu.memory_space<vmem>> -> memref<1x1x128xi32, #tpu.memory_space<vmem>>
    %dma_start3A_255 = tpu.memref_squeeze %dma_start3A_254 : memref<1x1x128xi32, #tpu.memory_space<vmem>> -> memref<128xi32, #tpu.memory_space<vmem>>
    %dma_start3A_256 = arith.constant 0 : i32
    %dma_start3A_257 = arith.constant 0 : i32
    %dma_start3A_258 = tpu.memref_slice %arg5[%dma_start3A_256, %dma_start3A_257] : memref<10000x32xf32, #tpu.memory_space<vmem_shared>> -> memref<10000x32xf32, #tpu.memory_space<vmem_shared>>
    tpu.enqueue_indirect_dma source(%dma_start3A_258 : memref<10000x32xf32, #tpu.memory_space<vmem_shared>>) target(%dma_start3A_252 : memref<128x32xf32, #tpu.memory_space<vmem>>) offsets(%dma_start3A_255 : memref<128xi32, #tpu.memory_space<vmem>>) semaphore(%arg8 : memref<!tpu.dma_semaphore, #tpu.memory_space<semaphore_mem>>)
    %dma_start3A_259 = arith.constant 1 : i32
    %dma_start3A_260 = arith.constant 2 : i32
    %dma_start3A_261 = arith.constant 1 : i32
    %dma_start3A_262 = arith.constant 256 : i32
    %dma_start3A_263 = arith.constant 0 : i32
    %dma_start3A_264 = tpu.memref_slice %arg7[%dma_start3A_261, %dma_start3A_262, %dma_start3A_263] : memref<2x1024x32xf32, #tpu.memory_space<vmem>> -> memref<1x128x32xf32, #tpu.memory_space<vmem>>
    %dma_start3A_265 = tpu.memref_squeeze %dma_start3A_264 : memref<1x128x32xf32, #tpu.memory_space<vmem>> -> memref<128x32xf32, #tpu.memory_space<vmem>>
    %dma_start3A_266 = arith.constant 0 : i32
    %dma_start3A_267 = tpu.memref_slice %arg6[%dma_start3A_259, %dma_start3A_260, %dma_start3A_266] : memref<2x8x128xi32, #tpu.memory_space<vmem>> -> memref<1x1x128xi32, #tpu.memory_space<vmem>>
    %dma_start3A_268 = tpu.memref_squeeze %dma_start3A_267 : memref<1x1x128xi32, #tpu.memory_space<vmem>> -> memref<128xi32, #tpu.memory_space<vmem>>
    %dma_start3A_269 = arith.constant 0 : i32
    %dma_start3A_270 = arith.constant 0 : i32
    %dma_start3A_271 = tpu.memref_slice %arg5[%dma_start3A_269, %dma_start3A_270] : memref<10000x32xf32, #tpu.memory_space<vmem_shared>> -> memref<10000x32xf32, #tpu.memory_space<vmem_shared>>
    tpu.enqueue_indirect_dma source(%dma_start3A_271 : memref<10000x32xf32, #tpu.memory_space<vmem_shared>>) target(%dma_start3A_265 : memref<128x32xf32, #tpu.memory_space<vmem>>) offsets(%dma_start3A_268 : memref<128xi32, #tpu.memory_space<vmem>>) semaphore(%arg8 : memref<!tpu.dma_semaphore, #tpu.memory_space<semaphore_mem>>)
    %dma_start3A_272 = arith.constant 1 : i32
    %dma_start3A_273 = arith.constant 3 : i32
    %dma_start3A_274 = arith.constant 1 : i32
    %dma_start3A_275 = arith.constant 384 : i32
    %dma_start3A_276 = arith.constant 0 : i32
    %dma_start3A_277 = tpu.memref_slice %arg7[%dma_start3A_274, %dma_start3A_275, %dma_start3A_276] : memref<2x1024x32xf32, #tpu.memory_space<vmem>> -> memref<1x128x32xf32, #tpu.memory_space<vmem>>
    %dma_start3A_278 = tpu.memref_squeeze %dma_start3A_277 : memref<1x128x32xf32, #tpu.memory_space<vmem>> -> memref<128x32xf32, #tpu.memory_space<vmem>>
    %dma_start3A_279 = arith.constant 0 : i32
    %dma_start3A_280 = tpu.memref_slice %arg6[%dma_start3A_272, %dma_start3A_273, %dma_start3A_279] : memref<2x8x128xi32, #tpu.memory_space<vmem>> -> memref<1x1x128xi32, #tpu.memory_space<vmem>>
    %dma_start3A_281 = tpu.memref_squeeze %dma_start3A_280 : memref<1x1x128xi32, #tpu.memory_space<vmem>> -> memref<128xi32, #tpu.memory_space<vmem>>
    %dma_start3A_282 = arith.constant 0 : i32
    %dma_start3A_283 = arith.constant 0 : i32
    %dma_start3A_284 = tpu.memref_slice %arg5[%dma_start3A_282, %dma_start3A_283] : memref<10000x32xf32, #tpu.memory_space<vmem_shared>> -> memref<10000x32xf32, #tpu.memory_space<vmem_shared>>
    tpu.enqueue_indirect_dma source(%dma_start3A_284 : memref<10000x32xf32, #tpu.memory_space<vmem_shared>>) target(%dma_start3A_278 : memref<128x32xf32, #tpu.memory_space<vmem>>) offsets(%dma_start3A_281 : memref<128xi32, #tpu.memory_space<vmem>>) semaphore(%arg8 : memref<!tpu.dma_semaphore, #tpu.memory_space<semaphore_mem>>)
    %dma_start3A_285 = arith.constant 1 : i32
    %dma_start3A_286 = arith.constant 4 : i32
    %dma_start3A_287 = arith.constant 1 : i32
    %dma_start3A_288 = arith.constant 512 : i32
    %dma_start3A_289 = arith.constant 0 : i32
    %dma_start3A_290 = tpu.memref_slice %arg7[%dma_start3A_287, %dma_start3A_288, %dma_start3A_289] : memref<2x1024x32xf32, #tpu.memory_space<vmem>> -> memref<1x128x32xf32, #tpu.memory_space<vmem>>
    %dma_start3A_291 = tpu.memref_squeeze %dma_start3A_290 : memref<1x128x32xf32, #tpu.memory_space<vmem>> -> memref<128x32xf32, #tpu.memory_space<vmem>>
    %dma_start3A_292 = arith.constant 0 : i32
    %dma_start3A_293 = tpu.memref_slice %arg6[%dma_start3A_285, %dma_start3A_286, %dma_start3A_292] : memref<2x8x128xi32, #tpu.memory_space<vmem>> -> memref<1x1x128xi32, #tpu.memory_space<vmem>>
    %dma_start3A_294 = tpu.memref_squeeze %dma_start3A_293 : memref<1x1x128xi32, #tpu.memory_space<vmem>> -> memref<128xi32, #tpu.memory_space<vmem>>
    %dma_start3A_295 = arith.constant 0 : i32
    %dma_start3A_296 = arith.constant 0 : i32
    %dma_start3A_297 = tpu.memref_slice %arg5[%dma_start3A_295, %dma_start3A_296] : memref<10000x32xf32, #tpu.memory_space<vmem_shared>> -> memref<10000x32xf32, #tpu.memory_space<vmem_shared>>
    tpu.enqueue_indirect_dma source(%dma_start3A_297 : memref<10000x32xf32, #tpu.memory_space<vmem_shared>>) target(%dma_start3A_291 : memref<128x32xf32, #tpu.memory_space<vmem>>) offsets(%dma_start3A_294 : memref<128xi32, #tpu.memory_space<vmem>>) semaphore(%arg8 : memref<!tpu.dma_semaphore, #tpu.memory_space<semaphore_mem>>)
    %dma_start3A_298 = arith.constant 1 : i32
    %dma_start3A_299 = arith.constant 5 : i32
    %dma_start3A_300 = arith.constant 1 : i32
    %dma_start3A_301 = arith.constant 640 : i32
    %dma_start3A_302 = arith.constant 0 : i32
    %dma_start3A_303 = tpu.memref_slice %arg7[%dma_start3A_300, %dma_start3A_301, %dma_start3A_302] : memref<2x1024x32xf32, #tpu.memory_space<vmem>> -> memref<1x128x32xf32, #tpu.memory_space<vmem>>
    %dma_start3A_304 = tpu.memref_squeeze %dma_start3A_303 : memref<1x128x32xf32, #tpu.memory_space<vmem>> -> memref<128x32xf32, #tpu.memory_space<vmem>>
    %dma_start3A_305 = arith.constant 0 : i32
    %dma_start3A_306 = tpu.memref_slice %arg6[%dma_start3A_298, %dma_start3A_299, %dma_start3A_305] : memref<2x8x128xi32, #tpu.memory_space<vmem>> -> memref<1x1x128xi32, #tpu.memory_space<vmem>>
    %dma_start3A_307 = tpu.memref_squeeze %dma_start3A_306 : memref<1x1x128xi32, #tpu.memory_space<vmem>> -> memref<128xi32, #tpu.memory_space<vmem>>
    %dma_start3A_308 = arith.constant 0 : i32
    %dma_start3A_309 = arith.constant 0 : i32
    %dma_start3A_310 = tpu.memref_slice %arg5[%dma_start3A_308, %dma_start3A_309] : memref<10000x32xf32, #tpu.memory_space<vmem_shared>> -> memref<10000x32xf32, #tpu.memory_space<vmem_shared>>
    tpu.enqueue_indirect_dma source(%dma_start3A_310 : memref<10000x32xf32, #tpu.memory_space<vmem_shared>>) target(%dma_start3A_304 : memref<128x32xf32, #tpu.memory_space<vmem>>) offsets(%dma_start3A_307 : memref<128xi32, #tpu.memory_space<vmem>>) semaphore(%arg8 : memref<!tpu.dma_semaphore, #tpu.memory_space<semaphore_mem>>)
    %dma_start3A_311 = arith.constant 1 : i32
    %dma_start3A_312 = arith.constant 6 : i32
    %dma_start3A_313 = arith.constant 1 : i32
    %dma_start3A_314 = arith.constant 768 : i32
    %dma_start3A_315 = arith.constant 0 : i32
    %dma_start3A_316 = tpu.memref_slice %arg7[%dma_start3A_313, %dma_start3A_314, %dma_start3A_315] : memref<2x1024x32xf32, #tpu.memory_space<vmem>> -> memref<1x128x32xf32, #tpu.memory_space<vmem>>
    %dma_start3A_317 = tpu.memref_squeeze %dma_start3A_316 : memref<1x128x32xf32, #tpu.memory_space<vmem>> -> memref<128x32xf32, #tpu.memory_space<vmem>>
    %dma_start3A_318 = arith.constant 0 : i32
    %dma_start3A_319 = tpu.memref_slice %arg6[%dma_start3A_311, %dma_start3A_312, %dma_start3A_318] : memref<2x8x128xi32, #tpu.memory_space<vmem>> -> memref<1x1x128xi32, #tpu.memory_space<vmem>>
    %dma_start3A_320 = tpu.memref_squeeze %dma_start3A_319 : memref<1x1x128xi32, #tpu.memory_space<vmem>> -> memref<128xi32, #tpu.memory_space<vmem>>
    %dma_start3A_321 = arith.constant 0 : i32
    %dma_start3A_322 = arith.constant 0 : i32
    %dma_start3A_323 = tpu.memref_slice %arg5[%dma_start3A_321, %dma_start3A_322] : memref<10000x32xf32, #tpu.memory_space<vmem_shared>> -> memref<10000x32xf32, #tpu.memory_space<vmem_shared>>
    tpu.enqueue_indirect_dma source(%dma_start3A_323 : memref<10000x32xf32, #tpu.memory_space<vmem_shared>>) target(%dma_start3A_317 : memref<128x32xf32, #tpu.memory_space<vmem>>) offsets(%dma_start3A_320 : memref<128xi32, #tpu.memory_space<vmem>>) semaphore(%arg8 : memref<!tpu.dma_semaphore, #tpu.memory_space<semaphore_mem>>)
    %dma_start3A_324 = arith.constant 1 : i32
    %dma_start3A_325 = arith.constant 7 : i32
    %dma_start3A_326 = arith.constant 1 : i32
    %dma_start3A_327 = arith.constant 896 : i32
    %dma_start3A_328 = arith.constant 0 : i32
    %dma_start3A_329 = tpu.memref_slice %arg7[%dma_start3A_326, %dma_start3A_327, %dma_start3A_328] : memref<2x1024x32xf32, #tpu.memory_space<vmem>> -> memref<1x128x32xf32, #tpu.memory_space<vmem>>
    %dma_start3A_330 = tpu.memref_squeeze %dma_start3A_329 : memref<1x128x32xf32, #tpu.memory_space<vmem>> -> memref<128x32xf32, #tpu.memory_space<vmem>>
    %dma_start3A_331 = arith.constant 0 : i32
    %dma_start3A_332 = tpu.memref_slice %arg6[%dma_start3A_324, %dma_start3A_325, %dma_start3A_331] : memref<2x8x128xi32, #tpu.memory_space<vmem>> -> memref<1x1x128xi32, #tpu.memory_space<vmem>>
    %dma_start3A_333 = tpu.memref_squeeze %dma_start3A_332 : memref<1x1x128xi32, #tpu.memory_space<vmem>> -> memref<128xi32, #tpu.memory_space<vmem>>
    %dma_start3A_334 = arith.constant 0 : i32
    %dma_start3A_335 = arith.constant 0 : i32
    %dma_start3A_336 = tpu.memref_slice %arg5[%dma_start3A_334, %dma_start3A_335] : memref<10000x32xf32, #tpu.memory_space<vmem_shared>> -> memref<10000x32xf32, #tpu.memory_space<vmem_shared>>
    tpu.enqueue_indirect_dma source(%dma_start3A_336 : memref<10000x32xf32, #tpu.memory_space<vmem_shared>>) target(%dma_start3A_330 : memref<128x32xf32, #tpu.memory_space<vmem>>) offsets(%dma_start3A_333 : memref<128xi32, #tpu.memory_space<vmem>>) semaphore(%arg8 : memref<!tpu.dma_semaphore, #tpu.memory_space<semaphore_mem>>)
    %dma_wait3A_337 = arith.constant 1 : i32
    %dma_wait3A_338 = arith.constant 0 : i32
    %dma_wait3A_339 = arith.constant 1 : i32
    %dma_wait3A_340 = arith.constant 0 : i32
    %dma_wait3A_341 = arith.constant 0 : i32
    %dma_wait3A_342 = tpu.memref_slice %arg7[%dma_wait3A_339, %dma_wait3A_340, %dma_wait3A_341] : memref<2x1024x32xf32, #tpu.memory_space<vmem>> -> memref<1x128x32xf32, #tpu.memory_space<vmem>>
    %dma_wait3A_343 = tpu.memref_squeeze %dma_wait3A_342 : memref<1x128x32xf32, #tpu.memory_space<vmem>> -> memref<128x32xf32, #tpu.memory_space<vmem>>
    %dma_wait3A_344 = arith.constant 0 : i32
    %dma_wait3A_345 = tpu.memref_slice %arg6[%dma_wait3A_337, %dma_wait3A_338, %dma_wait3A_344] : memref<2x8x128xi32, #tpu.memory_space<vmem>> -> memref<1x1x128xi32, #tpu.memory_space<vmem>>
    %dma_wait3A_346 = tpu.memref_squeeze %dma_wait3A_345 : memref<1x1x128xi32, #tpu.memory_space<vmem>> -> memref<128xi32, #tpu.memory_space<vmem>>
    %dma_wait3A_347 = arith.constant 0 : i32
    %dma_wait3A_348 = arith.constant 0 : i32
    %dma_wait3A_349 = tpu.memref_slice %arg5[%dma_wait3A_347, %dma_wait3A_348] : memref<10000x32xf32, #tpu.memory_space<vmem_shared>> -> memref<10000x32xf32, #tpu.memory_space<vmem_shared>>
    tpu.wait_indirect_dma semaphore(%arg8 : memref<!tpu.dma_semaphore, #tpu.memory_space<semaphore_mem>>) src(%dma_wait3A_349 : memref<10000x32xf32, #tpu.memory_space<vmem_shared>>) dst(%dma_wait3A_343 : memref<128x32xf32, #tpu.memory_space<vmem>>)
    %dma_wait3A_350 = arith.constant 1 : i32
    %dma_wait3A_351 = arith.constant 1 : i32
    %dma_wait3A_352 = arith.constant 1 : i32
    %dma_wait3A_353 = arith.constant 128 : i32
    %dma_wait3A_354 = arith.constant 0 : i32
    %dma_wait3A_355 = tpu.memref_slice %arg7[%dma_wait3A_352, %dma_wait3A_353, %dma_wait3A_354] : memref<2x1024x32xf32, #tpu.memory_space<vmem>> -> memref<1x128x32xf32, #tpu.memory_space<vmem>>
    %dma_wait3A_356 = tpu.memref_squeeze %dma_wait3A_355 : memref<1x128x32xf32, #tpu.memory_space<vmem>> -> memref<128x32xf32, #tpu.memory_space<vmem>>
    %dma_wait3A_357 = arith.constant 0 : i32
    %dma_wait3A_358 = tpu.memref_slice %arg6[%dma_wait3A_350, %dma_wait3A_351, %dma_wait3A_357] : memref<2x8x128xi32, #tpu.memory_space<vmem>> -> memref<1x1x128xi32, #tpu.memory_space<vmem>>
    %dma_wait3A_359 = tpu.memref_squeeze %dma_wait3A_358 : memref<1x1x128xi32, #tpu.memory_space<vmem>> -> memref<128xi32, #tpu.memory_space<vmem>>
    %dma_wait3A_360 = arith.constant 0 : i32
    %dma_wait3A_361 = arith.constant 0 : i32
    %dma_wait3A_362 = tpu.memref_slice %arg5[%dma_wait3A_360, %dma_wait3A_361] : memref<10000x32xf32, #tpu.memory_space<vmem_shared>> -> memref<10000x32xf32, #tpu.memory_space<vmem_shared>>
    tpu.wait_indirect_dma semaphore(%arg8 : memref<!tpu.dma_semaphore, #tpu.memory_space<semaphore_mem>>) src(%dma_wait3A_362 : memref<10000x32xf32, #tpu.memory_space<vmem_shared>>) dst(%dma_wait3A_356 : memref<128x32xf32, #tpu.memory_space<vmem>>)
    %dma_wait3A_363 = arith.constant 1 : i32
    %dma_wait3A_364 = arith.constant 2 : i32
    %dma_wait3A_365 = arith.constant 1 : i32
    %dma_wait3A_366 = arith.constant 256 : i32
    %dma_wait3A_367 = arith.constant 0 : i32
    %dma_wait3A_368 = tpu.memref_slice %arg7[%dma_wait3A_365, %dma_wait3A_366, %dma_wait3A_367] : memref<2x1024x32xf32, #tpu.memory_space<vmem>> -> memref<1x128x32xf32, #tpu.memory_space<vmem>>
    %dma_wait3A_369 = tpu.memref_squeeze %dma_wait3A_368 : memref<1x128x32xf32, #tpu.memory_space<vmem>> -> memref<128x32xf32, #tpu.memory_space<vmem>>
    %dma_wait3A_370 = arith.constant 0 : i32
    %dma_wait3A_371 = tpu.memref_slice %arg6[%dma_wait3A_363, %dma_wait3A_364, %dma_wait3A_370] : memref<2x8x128xi32, #tpu.memory_space<vmem>> -> memref<1x1x128xi32, #tpu.memory_space<vmem>>
    %dma_wait3A_372 = tpu.memref_squeeze %dma_wait3A_371 : memref<1x1x128xi32, #tpu.memory_space<vmem>> -> memref<128xi32, #tpu.memory_space<vmem>>
    %dma_wait3A_373 = arith.constant 0 : i32
    %dma_wait3A_374 = arith.constant 0 : i32
    %dma_wait3A_375 = tpu.memref_slice %arg5[%dma_wait3A_373, %dma_wait3A_374] : memref<10000x32xf32, #tpu.memory_space<vmem_shared>> -> memref<10000x32xf32, #tpu.memory_space<vmem_shared>>
    tpu.wait_indirect_dma semaphore(%arg8 : memref<!tpu.dma_semaphore, #tpu.memory_space<semaphore_mem>>) src(%dma_wait3A_375 : memref<10000x32xf32, #tpu.memory_space<vmem_shared>>) dst(%dma_wait3A_369 : memref<128x32xf32, #tpu.memory_space<vmem>>)
    %dma_wait3A_376 = arith.constant 1 : i32
    %dma_wait3A_377 = arith.constant 3 : i32
    %dma_wait3A_378 = arith.constant 1 : i32
    %dma_wait3A_379 = arith.constant 384 : i32
    %dma_wait3A_380 = arith.constant 0 : i32
    %dma_wait3A_381 = tpu.memref_slice %arg7[%dma_wait3A_378, %dma_wait3A_379, %dma_wait3A_380] : memref<2x1024x32xf32, #tpu.memory_space<vmem>> -> memref<1x128x32xf32, #tpu.memory_space<vmem>>
    %dma_wait3A_382 = tpu.memref_squeeze %dma_wait3A_381 : memref<1x128x32xf32, #tpu.memory_space<vmem>> -> memref<128x32xf32, #tpu.memory_space<vmem>>
    %dma_wait3A_383 = arith.constant 0 : i32
    %dma_wait3A_384 = tpu.memref_slice %arg6[%dma_wait3A_376, %dma_wait3A_377, %dma_wait3A_383] : memref<2x8x128xi32, #tpu.memory_space<vmem>> -> memref<1x1x128xi32, #tpu.memory_space<vmem>>
    %dma_wait3A_385 = tpu.memref_squeeze %dma_wait3A_384 : memref<1x1x128xi32, #tpu.memory_space<vmem>> -> memref<128xi32, #tpu.memory_space<vmem>>
    %dma_wait3A_386 = arith.constant 0 : i32
    %dma_wait3A_387 = arith.constant 0 : i32
    %dma_wait3A_388 = tpu.memref_slice %arg5[%dma_wait3A_386, %dma_wait3A_387] : memref<10000x32xf32, #tpu.memory_space<vmem_shared>> -> memref<10000x32xf32, #tpu.memory_space<vmem_shared>>
    tpu.wait_indirect_dma semaphore(%arg8 : memref<!tpu.dma_semaphore, #tpu.memory_space<semaphore_mem>>) src(%dma_wait3A_388 : memref<10000x32xf32, #tpu.memory_space<vmem_shared>>) dst(%dma_wait3A_382 : memref<128x32xf32, #tpu.memory_space<vmem>>)
    %dma_wait3A_389 = arith.constant 1 : i32
    %dma_wait3A_390 = arith.constant 4 : i32
    %dma_wait3A_391 = arith.constant 1 : i32
    %dma_wait3A_392 = arith.constant 512 : i32
    %dma_wait3A_393 = arith.constant 0 : i32
    %dma_wait3A_394 = tpu.memref_slice %arg7[%dma_wait3A_391, %dma_wait3A_392, %dma_wait3A_393] : memref<2x1024x32xf32, #tpu.memory_space<vmem>> -> memref<1x128x32xf32, #tpu.memory_space<vmem>>
    %dma_wait3A_395 = tpu.memref_squeeze %dma_wait3A_394 : memref<1x128x32xf32, #tpu.memory_space<vmem>> -> memref<128x32xf32, #tpu.memory_space<vmem>>
    %dma_wait3A_396 = arith.constant 0 : i32
    %dma_wait3A_397 = tpu.memref_slice %arg6[%dma_wait3A_389, %dma_wait3A_390, %dma_wait3A_396] : memref<2x8x128xi32, #tpu.memory_space<vmem>> -> memref<1x1x128xi32, #tpu.memory_space<vmem>>
    %dma_wait3A_398 = tpu.memref_squeeze %dma_wait3A_397 : memref<1x1x128xi32, #tpu.memory_space<vmem>> -> memref<128xi32, #tpu.memory_space<vmem>>
    %dma_wait3A_399 = arith.constant 0 : i32
    %dma_wait3A_400 = arith.constant 0 : i32
    %dma_wait3A_401 = tpu.memref_slice %arg5[%dma_wait3A_399, %dma_wait3A_400] : memref<10000x32xf32, #tpu.memory_space<vmem_shared>> -> memref<10000x32xf32, #tpu.memory_space<vmem_shared>>
    tpu.wait_indirect_dma semaphore(%arg8 : memref<!tpu.dma_semaphore, #tpu.memory_space<semaphore_mem>>) src(%dma_wait3A_401 : memref<10000x32xf32, #tpu.memory_space<vmem_shared>>) dst(%dma_wait3A_395 : memref<128x32xf32, #tpu.memory_space<vmem>>)
    %dma_wait3A_402 = arith.constant 1 : i32
    %dma_wait3A_403 = arith.constant 5 : i32
    %dma_wait3A_404 = arith.constant 1 : i32
    %dma_wait3A_405 = arith.constant 640 : i32
    %dma_wait3A_406 = arith.constant 0 : i32
    %dma_wait3A_407 = tpu.memref_slice %arg7[%dma_wait3A_404, %dma_wait3A_405, %dma_wait3A_406] : memref<2x1024x32xf32, #tpu.memory_space<vmem>> -> memref<1x128x32xf32, #tpu.memory_space<vmem>>
    %dma_wait3A_408 = tpu.memref_squeeze %dma_wait3A_407 : memref<1x128x32xf32, #tpu.memory_space<vmem>> -> memref<128x32xf32, #tpu.memory_space<vmem>>
    %dma_wait3A_409 = arith.constant 0 : i32
    %dma_wait3A_410 = tpu.memref_slice %arg6[%dma_wait3A_402, %dma_wait3A_403, %dma_wait3A_409] : memref<2x8x128xi32, #tpu.memory_space<vmem>> -> memref<1x1x128xi32, #tpu.memory_space<vmem>>
    %dma_wait3A_411 = tpu.memref_squeeze %dma_wait3A_410 : memref<1x1x128xi32, #tpu.memory_space<vmem>> -> memref<128xi32, #tpu.memory_space<vmem>>
    %dma_wait3A_412 = arith.constant 0 : i32
    %dma_wait3A_413 = arith.constant 0 : i32
    %dma_wait3A_414 = tpu.memref_slice %arg5[%dma_wait3A_412, %dma_wait3A_413] : memref<10000x32xf32, #tpu.memory_space<vmem_shared>> -> memref<10000x32xf32, #tpu.memory_space<vmem_shared>>
    tpu.wait_indirect_dma semaphore(%arg8 : memref<!tpu.dma_semaphore, #tpu.memory_space<semaphore_mem>>) src(%dma_wait3A_414 : memref<10000x32xf32, #tpu.memory_space<vmem_shared>>) dst(%dma_wait3A_408 : memref<128x32xf32, #tpu.memory_space<vmem>>)
    %dma_wait3A_415 = arith.constant 1 : i32
    %dma_wait3A_416 = arith.constant 6 : i32
    %dma_wait3A_417 = arith.constant 1 : i32
    %dma_wait3A_418 = arith.constant 768 : i32
    %dma_wait3A_419 = arith.constant 0 : i32
    %dma_wait3A_420 = tpu.memref_slice %arg7[%dma_wait3A_417, %dma_wait3A_418, %dma_wait3A_419] : memref<2x1024x32xf32, #tpu.memory_space<vmem>> -> memref<1x128x32xf32, #tpu.memory_space<vmem>>
    %dma_wait3A_421 = tpu.memref_squeeze %dma_wait3A_420 : memref<1x128x32xf32, #tpu.memory_space<vmem>> -> memref<128x32xf32, #tpu.memory_space<vmem>>
    %dma_wait3A_422 = arith.constant 0 : i32
    %dma_wait3A_423 = tpu.memref_slice %arg6[%dma_wait3A_415, %dma_wait3A_416, %dma_wait3A_422] : memref<2x8x128xi32, #tpu.memory_space<vmem>> -> memref<1x1x128xi32, #tpu.memory_space<vmem>>
    %dma_wait3A_424 = tpu.memref_squeeze %dma_wait3A_423 : memref<1x1x128xi32, #tpu.memory_space<vmem>> -> memref<128xi32, #tpu.memory_space<vmem>>
    %dma_wait3A_425 = arith.constant 0 : i32
    %dma_wait3A_426 = arith.constant 0 : i32
    %dma_wait3A_427 = tpu.memref_slice %arg5[%dma_wait3A_425, %dma_wait3A_426] : memref<10000x32xf32, #tpu.memory_space<vmem_shared>> -> memref<10000x32xf32, #tpu.memory_space<vmem_shared>>
    tpu.wait_indirect_dma semaphore(%arg8 : memref<!tpu.dma_semaphore, #tpu.memory_space<semaphore_mem>>) src(%dma_wait3A_427 : memref<10000x32xf32, #tpu.memory_space<vmem_shared>>) dst(%dma_wait3A_421 : memref<128x32xf32, #tpu.memory_space<vmem>>)
    %dma_wait3A_428 = arith.constant 1 : i32
    %dma_wait3A_429 = arith.constant 7 : i32
    %dma_wait3A_430 = arith.constant 1 : i32
    %dma_wait3A_431 = arith.constant 896 : i32
    %dma_wait3A_432 = arith.constant 0 : i32
    %dma_wait3A_433 = tpu.memref_slice %arg7[%dma_wait3A_430, %dma_wait3A_431, %dma_wait3A_432] : memref<2x1024x32xf32, #tpu.memory_space<vmem>> -> memref<1x128x32xf32, #tpu.memory_space<vmem>>
    %dma_wait3A_434 = tpu.memref_squeeze %dma_wait3A_433 : memref<1x128x32xf32, #tpu.memory_space<vmem>> -> memref<128x32xf32, #tpu.memory_space<vmem>>
    %dma_wait3A_435 = arith.constant 0 : i32
    %dma_wait3A_436 = tpu.memref_slice %arg6[%dma_wait3A_428, %dma_wait3A_429, %dma_wait3A_435] : memref<2x8x128xi32, #tpu.memory_space<vmem>> -> memref<1x1x128xi32, #tpu.memory_space<vmem>>
    %dma_wait3A_437 = tpu.memref_squeeze %dma_wait3A_436 : memref<1x1x128xi32, #tpu.memory_space<vmem>> -> memref<128xi32, #tpu.memory_space<vmem>>
    %dma_wait3A_438 = arith.constant 0 : i32
    %dma_wait3A_439 = arith.constant 0 : i32
    %dma_wait3A_440 = tpu.memref_slice %arg5[%dma_wait3A_438, %dma_wait3A_439] : memref<10000x32xf32, #tpu.memory_space<vmem_shared>> -> memref<10000x32xf32, #tpu.memory_space<vmem_shared>>
    tpu.wait_indirect_dma semaphore(%arg8 : memref<!tpu.dma_semaphore, #tpu.memory_space<semaphore_mem>>) src(%dma_wait3A_440 : memref<10000x32xf32, #tpu.memory_space<vmem_shared>>) dst(%dma_wait3A_434 : memref<128x32xf32, #tpu.memory_space<vmem>>)
    %mul3A_441 = arith.constant 128 : i32
    %mul3A_442 = arith.muli %add3A_231, %mul3A_441 : i32
    %dma_start3A_443 = arith.constant 1 : i32
    %dma_start3A_444 = arith.constant 0 : i32
    %dma_start3A_445 = arith.constant 0 : i32
    %dma_start3A_446 = tpu.memref_slice %arg7[%dma_start3A_443, %dma_start3A_444, %dma_start3A_445] : memref<2x1024x32xf32, #tpu.memory_space<vmem>> -> memref<1x1024x32xf32, #tpu.memory_space<vmem>>
    %dma_start3A_447 = tpu.memref_squeeze %dma_start3A_446 : memref<1x1024x32xf32, #tpu.memory_space<vmem>> -> memref<1024x32xf32, #tpu.memory_space<vmem>>
    %dma_start3A_448 = arith.constant 0 : i32
    %dma_start3A_449 = tpu.memref_slice %arg4[%mul3A_442, %dma_start3A_448] : memref<163840x128xf32, #tpu.memory_space<hbm>> -> memref<1024x32xf32, #tpu.memory_space<hbm>>
    %dma_start3A_450 = arith.constant 0 : i32
    %dma_start3A_451 = tpu.memref_slice %arg4[%mul3A_442, %dma_start3A_450] : memref<163840x128xf32, #tpu.memory_space<hbm>> -> memref<1024x32xf32, #tpu.memory_space<hbm>>
    %dma_start3A_452 = arith.constant 0 : i32
    %dma_start3A_453 = arith.constant 0 : i32
    %dma_start3A_454 = tpu.memref_slice %arg7[%dma_start3A_443, %dma_start3A_452, %dma_start3A_453] : memref<2x1024x32xf32, #tpu.memory_space<vmem>> -> memref<1x1024x32xf32, #tpu.memory_space<vmem>>
    %dma_start3A_455 = tpu.memref_squeeze %dma_start3A_454 : memref<1x1024x32xf32, #tpu.memory_space<vmem>> -> memref<1024x32xf32, #tpu.memory_space<vmem>>
    tpu.enqueue_dma source(%dma_start3A_455 : memref<1024x32xf32, #tpu.memory_space<vmem>>) target(%dma_start3A_451 : memref<1024x32xf32, #tpu.memory_space<hbm>>) target_semaphore(%arg9 : memref<!tpu.dma_semaphore, #tpu.memory_space<semaphore_mem>>)
    %mul3A_456 = arith.constant 40 : i32
    %mul3A_457 = arith.muli %add3A, %mul3A_456 : i32
    %add3A_458 = arith.constant 16 : i32
    %add3A_459 = arith.addi %mul3A_457, %add3A_458 : i32
    %run_scoped3A_460 = arith.constant 0 : i32
    "tpu.region"() ({
      %run_scoped3A_1205 = tpu.sem_alloc : memref<!tpu.dma_semaphore, #tpu.memory_space<semaphore_mem>>
      %dma_start3A_1206 = arith.constant 0 : i32
      %dma_start3A_1207 = arith.constant 0 : i32
      %dma_start3A_1208 = tpu.memref_slice %arg6[%run_scoped3A_460, %dma_start3A_1206, %dma_start3A_1207] : memref<2x8x128xi32, #tpu.memory_space<vmem>> -> memref<1x8x128xi32, #tpu.memory_space<vmem>>
      %dma_start3A_1209 = tpu.memref_squeeze %dma_start3A_1208 : memref<1x8x128xi32, #tpu.memory_space<vmem>> -> memref<8x128xi32, #tpu.memory_space<vmem>>
      %dma_start3A_1210 = arith.constant 0 : i32
      %dma_start3A_1211 = tpu.memref_slice %arg3[%add3A_459, %dma_start3A_1210] : memref<1280x128xi32, #tpu.memory_space<hbm>> -> memref<8x128xi32, #tpu.memory_space<hbm>>
      %dma_start3A_1212 = arith.constant 0 : i32
      %dma_start3A_1213 = arith.constant 0 : i32
      %dma_start3A_1214 = tpu.memref_slice %arg6[%run_scoped3A_460, %dma_start3A_1212, %dma_start3A_1213] : memref<2x8x128xi32, #tpu.memory_space<vmem>> -> memref<1x8x128xi32, #tpu.memory_space<vmem>>
      %dma_start3A_1215 = tpu.memref_squeeze %dma_start3A_1214 : memref<1x8x128xi32, #tpu.memory_space<vmem>> -> memref<8x128xi32, #tpu.memory_space<vmem>>
      %dma_start3A_1216 = arith.constant 0 : i32
      %dma_start3A_1217 = tpu.memref_slice %arg3[%add3A_459, %dma_start3A_1216] : memref<1280x128xi32, #tpu.memory_space<hbm>> -> memref<8x128xi32, #tpu.memory_space<hbm>>
      tpu.enqueue_dma source(%dma_start3A_1217 : memref<8x128xi32, #tpu.memory_space<hbm>>) target(%dma_start3A_1215 : memref<8x128xi32, #tpu.memory_space<vmem>>) target_semaphore(%run_scoped3A_1205 : memref<!tpu.dma_semaphore, #tpu.memory_space<semaphore_mem>>)
      %dma_wait3A_1218 = arith.constant 0 : i32
      %dma_wait3A_1219 = arith.constant 0 : i32
      %dma_wait3A_1220 = tpu.memref_slice %arg6[%run_scoped3A_460, %dma_wait3A_1218, %dma_wait3A_1219] : memref<2x8x128xi32, #tpu.memory_space<vmem>> -> memref<1x8x128xi32, #tpu.memory_space<vmem>>
      %dma_wait3A_1221 = tpu.memref_squeeze %dma_wait3A_1220 : memref<1x8x128xi32, #tpu.memory_space<vmem>> -> memref<8x128xi32, #tpu.memory_space<vmem>>
      %dma_wait3A_1222 = arith.constant 0 : i32
      %dma_wait3A_1223 = tpu.memref_slice %arg3[%add3A_459, %dma_wait3A_1222] : memref<1280x128xi32, #tpu.memory_space<hbm>> -> memref<8x128xi32, #tpu.memory_space<hbm>>
      %dma_wait3A_1224 = arith.constant 0 : i32
      %dma_wait3A_1225 = arith.constant 0 : i32
      %dma_wait3A_1226 = tpu.memref_slice %arg6[%run_scoped3A_460, %dma_wait3A_1224, %dma_wait3A_1225] : memref<2x8x128xi32, #tpu.memory_space<vmem>> -> memref<1x8x128xi32, #tpu.memory_space<vmem>>
      %dma_wait3A_1227 = tpu.memref_squeeze %dma_wait3A_1226 : memref<1x8x128xi32, #tpu.memory_space<vmem>> -> memref<8x128xi32, #tpu.memory_space<vmem>>
      %dma_wait3A_1228 = arith.constant 0 : i32
      %dma_wait3A_1229 = tpu.memref_slice %arg3[%add3A_459, %dma_wait3A_1228] : memref<1280x128xi32, #tpu.memory_space<hbm>> -> memref<8x128xi32, #tpu.memory_space<hbm>>
      tpu.wait_dma2 semaphore(%run_scoped3A_1205 : memref<!tpu.dma_semaphore, #tpu.memory_space<semaphore_mem>>) src(%dma_wait3A_1229 : memref<8x128xi32, #tpu.memory_space<hbm>>) dst(%dma_wait3A_1227 : memref<8x128xi32, #tpu.memory_space<vmem>>)
      tpu.yield
    }) : () -> ()
    %dma_wait3A_461 = arith.constant 0 : i32
    %dma_wait3A_462 = arith.constant 0 : i32
    %dma_wait3A_463 = arith.constant 0 : i32
    %dma_wait3A_464 = tpu.memref_slice %arg7[%dma_wait3A_461, %dma_wait3A_462, %dma_wait3A_463] : memref<2x1024x32xf32, #tpu.memory_space<vmem>> -> memref<1x1024x32xf32, #tpu.memory_space<vmem>>
    %dma_wait3A_465 = tpu.memref_squeeze %dma_wait3A_464 : memref<1x1024x32xf32, #tpu.memory_space<vmem>> -> memref<1024x32xf32, #tpu.memory_space<vmem>>
    %dma_wait3A_466 = arith.constant 0 : i32
    %dma_wait3A_467 = tpu.memref_slice %arg4[%mul3A_214, %dma_wait3A_466] : memref<163840x128xf32, #tpu.memory_space<hbm>> -> memref<1024x32xf32, #tpu.memory_space<hbm>>
    %dma_wait3A_468 = arith.constant 0 : i32
    %dma_wait3A_469 = tpu.memref_slice %arg4[%mul3A_214, %dma_wait3A_468] : memref<163840x128xf32, #tpu.memory_space<hbm>> -> memref<1024x32xf32, #tpu.memory_space<hbm>>
    %dma_wait3A_470 = arith.constant 0 : i32
    %dma_wait3A_471 = arith.constant 0 : i32
    %dma_wait3A_472 = tpu.memref_slice %arg7[%dma_wait3A_461, %dma_wait3A_470, %dma_wait3A_471] : memref<2x1024x32xf32, #tpu.memory_space<vmem>> -> memref<1x1024x32xf32, #tpu.memory_space<vmem>>
    %dma_wait3A_473 = tpu.memref_squeeze %dma_wait3A_472 : memref<1x1024x32xf32, #tpu.memory_space<vmem>> -> memref<1024x32xf32, #tpu.memory_space<vmem>>
    tpu.wait_dma2 semaphore(%arg9 : memref<!tpu.dma_semaphore, #tpu.memory_space<semaphore_mem>>) src(%dma_wait3A_473 : memref<1024x32xf32, #tpu.memory_space<vmem>>) dst(%dma_wait3A_469 : memref<1024x32xf32, #tpu.memory_space<hbm>>)
    %dma_start3A_474 = arith.constant 0 : i32
    %dma_start3A_475 = arith.constant 0 : i32
    %dma_start3A_476 = arith.constant 0 : i32
    %dma_start3A_477 = arith.constant 0 : i32
    %dma_start3A_478 = arith.constant 0 : i32
    %dma_start3A_479 = tpu.memref_slice %arg7[%dma_start3A_476, %dma_start3A_477, %dma_start3A_478] : memref<2x1024x32xf32, #tpu.memory_space<vmem>> -> memref<1x128x32xf32, #tpu.memory_space<vmem>>
    %dma_start3A_480 = tpu.memref_squeeze %dma_start3A_479 : memref<1x128x32xf32, #tpu.memory_space<vmem>> -> memref<128x32xf32, #tpu.memory_space<vmem>>
    %dma_start3A_481 = arith.constant 0 : i32
    %dma_start3A_482 = tpu.memref_slice %arg6[%dma_start3A_474, %dma_start3A_475, %dma_start3A_481] : memref<2x8x128xi32, #tpu.memory_space<vmem>> -> memref<1x1x128xi32, #tpu.memory_space<vmem>>
    %dma_start3A_483 = tpu.memref_squeeze %dma_start3A_482 : memref<1x1x128xi32, #tpu.memory_space<vmem>> -> memref<128xi32, #tpu.memory_space<vmem>>
    %dma_start3A_484 = arith.constant 0 : i32
    %dma_start3A_485 = arith.constant 0 : i32
    %dma_start3A_486 = tpu.memref_slice %arg5[%dma_start3A_484, %dma_start3A_485] : memref<10000x32xf32, #tpu.memory_space<vmem_shared>> -> memref<10000x32xf32, #tpu.memory_space<vmem_shared>>
    tpu.enqueue_indirect_dma source(%dma_start3A_486 : memref<10000x32xf32, #tpu.memory_space<vmem_shared>>) target(%dma_start3A_480 : memref<128x32xf32, #tpu.memory_space<vmem>>) offsets(%dma_start3A_483 : memref<128xi32, #tpu.memory_space<vmem>>) semaphore(%arg8 : memref<!tpu.dma_semaphore, #tpu.memory_space<semaphore_mem>>)
    %dma_start3A_487 = arith.constant 0 : i32
    %dma_start3A_488 = arith.constant 1 : i32
    %dma_start3A_489 = arith.constant 0 : i32
    %dma_start3A_490 = arith.constant 128 : i32
    %dma_start3A_491 = arith.constant 0 : i32
    %dma_start3A_492 = tpu.memref_slice %arg7[%dma_start3A_489, %dma_start3A_490, %dma_start3A_491] : memref<2x1024x32xf32, #tpu.memory_space<vmem>> -> memref<1x128x32xf32, #tpu.memory_space<vmem>>
    %dma_start3A_493 = tpu.memref_squeeze %dma_start3A_492 : memref<1x128x32xf32, #tpu.memory_space<vmem>> -> memref<128x32xf32, #tpu.memory_space<vmem>>
    %dma_start3A_494 = arith.constant 0 : i32
    %dma_start3A_495 = tpu.memref_slice %arg6[%dma_start3A_487, %dma_start3A_488, %dma_start3A_494] : memref<2x8x128xi32, #tpu.memory_space<vmem>> -> memref<1x1x128xi32, #tpu.memory_space<vmem>>
    %dma_start3A_496 = tpu.memref_squeeze %dma_start3A_495 : memref<1x1x128xi32, #tpu.memory_space<vmem>> -> memref<128xi32, #tpu.memory_space<vmem>>
    %dma_start3A_497 = arith.constant 0 : i32
    %dma_start3A_498 = arith.constant 0 : i32
    %dma_start3A_499 = tpu.memref_slice %arg5[%dma_start3A_497, %dma_start3A_498] : memref<10000x32xf32, #tpu.memory_space<vmem_shared>> -> memref<10000x32xf32, #tpu.memory_space<vmem_shared>>
    tpu.enqueue_indirect_dma source(%dma_start3A_499 : memref<10000x32xf32, #tpu.memory_space<vmem_shared>>) target(%dma_start3A_493 : memref<128x32xf32, #tpu.memory_space<vmem>>) offsets(%dma_start3A_496 : memref<128xi32, #tpu.memory_space<vmem>>) semaphore(%arg8 : memref<!tpu.dma_semaphore, #tpu.memory_space<semaphore_mem>>)
    %dma_start3A_500 = arith.constant 0 : i32
    %dma_start3A_501 = arith.constant 2 : i32
    %dma_start3A_502 = arith.constant 0 : i32
    %dma_start3A_503 = arith.constant 256 : i32
    %dma_start3A_504 = arith.constant 0 : i32
    %dma_start3A_505 = tpu.memref_slice %arg7[%dma_start3A_502, %dma_start3A_503, %dma_start3A_504] : memref<2x1024x32xf32, #tpu.memory_space<vmem>> -> memref<1x128x32xf32, #tpu.memory_space<vmem>>
    %dma_start3A_506 = tpu.memref_squeeze %dma_start3A_505 : memref<1x128x32xf32, #tpu.memory_space<vmem>> -> memref<128x32xf32, #tpu.memory_space<vmem>>
    %dma_start3A_507 = arith.constant 0 : i32
    %dma_start3A_508 = tpu.memref_slice %arg6[%dma_start3A_500, %dma_start3A_501, %dma_start3A_507] : memref<2x8x128xi32, #tpu.memory_space<vmem>> -> memref<1x1x128xi32, #tpu.memory_space<vmem>>
    %dma_start3A_509 = tpu.memref_squeeze %dma_start3A_508 : memref<1x1x128xi32, #tpu.memory_space<vmem>> -> memref<128xi32, #tpu.memory_space<vmem>>
    %dma_start3A_510 = arith.constant 0 : i32
    %dma_start3A_511 = arith.constant 0 : i32
    %dma_start3A_512 = tpu.memref_slice %arg5[%dma_start3A_510, %dma_start3A_511] : memref<10000x32xf32, #tpu.memory_space<vmem_shared>> -> memref<10000x32xf32, #tpu.memory_space<vmem_shared>>
    tpu.enqueue_indirect_dma source(%dma_start3A_512 : memref<10000x32xf32, #tpu.memory_space<vmem_shared>>) target(%dma_start3A_506 : memref<128x32xf32, #tpu.memory_space<vmem>>) offsets(%dma_start3A_509 : memref<128xi32, #tpu.memory_space<vmem>>) semaphore(%arg8 : memref<!tpu.dma_semaphore, #tpu.memory_space<semaphore_mem>>)
    %dma_start3A_513 = arith.constant 0 : i32
    %dma_start3A_514 = arith.constant 3 : i32
    %dma_start3A_515 = arith.constant 0 : i32
    %dma_start3A_516 = arith.constant 384 : i32
    %dma_start3A_517 = arith.constant 0 : i32
    %dma_start3A_518 = tpu.memref_slice %arg7[%dma_start3A_515, %dma_start3A_516, %dma_start3A_517] : memref<2x1024x32xf32, #tpu.memory_space<vmem>> -> memref<1x128x32xf32, #tpu.memory_space<vmem>>
    %dma_start3A_519 = tpu.memref_squeeze %dma_start3A_518 : memref<1x128x32xf32, #tpu.memory_space<vmem>> -> memref<128x32xf32, #tpu.memory_space<vmem>>
    %dma_start3A_520 = arith.constant 0 : i32
    %dma_start3A_521 = tpu.memref_slice %arg6[%dma_start3A_513, %dma_start3A_514, %dma_start3A_520] : memref<2x8x128xi32, #tpu.memory_space<vmem>> -> memref<1x1x128xi32, #tpu.memory_space<vmem>>
    %dma_start3A_522 = tpu.memref_squeeze %dma_start3A_521 : memref<1x1x128xi32, #tpu.memory_space<vmem>> -> memref<128xi32, #tpu.memory_space<vmem>>
    %dma_start3A_523 = arith.constant 0 : i32
    %dma_start3A_524 = arith.constant 0 : i32
    %dma_start3A_525 = tpu.memref_slice %arg5[%dma_start3A_523, %dma_start3A_524] : memref<10000x32xf32, #tpu.memory_space<vmem_shared>> -> memref<10000x32xf32, #tpu.memory_space<vmem_shared>>
    tpu.enqueue_indirect_dma source(%dma_start3A_525 : memref<10000x32xf32, #tpu.memory_space<vmem_shared>>) target(%dma_start3A_519 : memref<128x32xf32, #tpu.memory_space<vmem>>) offsets(%dma_start3A_522 : memref<128xi32, #tpu.memory_space<vmem>>) semaphore(%arg8 : memref<!tpu.dma_semaphore, #tpu.memory_space<semaphore_mem>>)
    %dma_start3A_526 = arith.constant 0 : i32
    %dma_start3A_527 = arith.constant 4 : i32
    %dma_start3A_528 = arith.constant 0 : i32
    %dma_start3A_529 = arith.constant 512 : i32
    %dma_start3A_530 = arith.constant 0 : i32
    %dma_start3A_531 = tpu.memref_slice %arg7[%dma_start3A_528, %dma_start3A_529, %dma_start3A_530] : memref<2x1024x32xf32, #tpu.memory_space<vmem>> -> memref<1x128x32xf32, #tpu.memory_space<vmem>>
    %dma_start3A_532 = tpu.memref_squeeze %dma_start3A_531 : memref<1x128x32xf32, #tpu.memory_space<vmem>> -> memref<128x32xf32, #tpu.memory_space<vmem>>
    %dma_start3A_533 = arith.constant 0 : i32
    %dma_start3A_534 = tpu.memref_slice %arg6[%dma_start3A_526, %dma_start3A_527, %dma_start3A_533] : memref<2x8x128xi32, #tpu.memory_space<vmem>> -> memref<1x1x128xi32, #tpu.memory_space<vmem>>
    %dma_start3A_535 = tpu.memref_squeeze %dma_start3A_534 : memref<1x1x128xi32, #tpu.memory_space<vmem>> -> memref<128xi32, #tpu.memory_space<vmem>>
    %dma_start3A_536 = arith.constant 0 : i32
    %dma_start3A_537 = arith.constant 0 : i32
    %dma_start3A_538 = tpu.memref_slice %arg5[%dma_start3A_536, %dma_start3A_537] : memref<10000x32xf32, #tpu.memory_space<vmem_shared>> -> memref<10000x32xf32, #tpu.memory_space<vmem_shared>>
    tpu.enqueue_indirect_dma source(%dma_start3A_538 : memref<10000x32xf32, #tpu.memory_space<vmem_shared>>) target(%dma_start3A_532 : memref<128x32xf32, #tpu.memory_space<vmem>>) offsets(%dma_start3A_535 : memref<128xi32, #tpu.memory_space<vmem>>) semaphore(%arg8 : memref<!tpu.dma_semaphore, #tpu.memory_space<semaphore_mem>>)
    %dma_start3A_539 = arith.constant 0 : i32
    %dma_start3A_540 = arith.constant 5 : i32
    %dma_start3A_541 = arith.constant 0 : i32
    %dma_start3A_542 = arith.constant 640 : i32
    %dma_start3A_543 = arith.constant 0 : i32
    %dma_start3A_544 = tpu.memref_slice %arg7[%dma_start3A_541, %dma_start3A_542, %dma_start3A_543] : memref<2x1024x32xf32, #tpu.memory_space<vmem>> -> memref<1x128x32xf32, #tpu.memory_space<vmem>>
    %dma_start3A_545 = tpu.memref_squeeze %dma_start3A_544 : memref<1x128x32xf32, #tpu.memory_space<vmem>> -> memref<128x32xf32, #tpu.memory_space<vmem>>
    %dma_start3A_546 = arith.constant 0 : i32
    %dma_start3A_547 = tpu.memref_slice %arg6[%dma_start3A_539, %dma_start3A_540, %dma_start3A_546] : memref<2x8x128xi32, #tpu.memory_space<vmem>> -> memref<1x1x128xi32, #tpu.memory_space<vmem>>
    %dma_start3A_548 = tpu.memref_squeeze %dma_start3A_547 : memref<1x1x128xi32, #tpu.memory_space<vmem>> -> memref<128xi32, #tpu.memory_space<vmem>>
    %dma_start3A_549 = arith.constant 0 : i32
    %dma_start3A_550 = arith.constant 0 : i32
    %dma_start3A_551 = tpu.memref_slice %arg5[%dma_start3A_549, %dma_start3A_550] : memref<10000x32xf32, #tpu.memory_space<vmem_shared>> -> memref<10000x32xf32, #tpu.memory_space<vmem_shared>>
    tpu.enqueue_indirect_dma source(%dma_start3A_551 : memref<10000x32xf32, #tpu.memory_space<vmem_shared>>) target(%dma_start3A_545 : memref<128x32xf32, #tpu.memory_space<vmem>>) offsets(%dma_start3A_548 : memref<128xi32, #tpu.memory_space<vmem>>) semaphore(%arg8 : memref<!tpu.dma_semaphore, #tpu.memory_space<semaphore_mem>>)
    %dma_start3A_552 = arith.constant 0 : i32
    %dma_start3A_553 = arith.constant 6 : i32
    %dma_start3A_554 = arith.constant 0 : i32
    %dma_start3A_555 = arith.constant 768 : i32
    %dma_start3A_556 = arith.constant 0 : i32
    %dma_start3A_557 = tpu.memref_slice %arg7[%dma_start3A_554, %dma_start3A_555, %dma_start3A_556] : memref<2x1024x32xf32, #tpu.memory_space<vmem>> -> memref<1x128x32xf32, #tpu.memory_space<vmem>>
    %dma_start3A_558 = tpu.memref_squeeze %dma_start3A_557 : memref<1x128x32xf32, #tpu.memory_space<vmem>> -> memref<128x32xf32, #tpu.memory_space<vmem>>
    %dma_start3A_559 = arith.constant 0 : i32
    %dma_start3A_560 = tpu.memref_slice %arg6[%dma_start3A_552, %dma_start3A_553, %dma_start3A_559] : memref<2x8x128xi32, #tpu.memory_space<vmem>> -> memref<1x1x128xi32, #tpu.memory_space<vmem>>
    %dma_start3A_561 = tpu.memref_squeeze %dma_start3A_560 : memref<1x1x128xi32, #tpu.memory_space<vmem>> -> memref<128xi32, #tpu.memory_space<vmem>>
    %dma_start3A_562 = arith.constant 0 : i32
    %dma_start3A_563 = arith.constant 0 : i32
    %dma_start3A_564 = tpu.memref_slice %arg5[%dma_start3A_562, %dma_start3A_563] : memref<10000x32xf32, #tpu.memory_space<vmem_shared>> -> memref<10000x32xf32, #tpu.memory_space<vmem_shared>>
    tpu.enqueue_indirect_dma source(%dma_start3A_564 : memref<10000x32xf32, #tpu.memory_space<vmem_shared>>) target(%dma_start3A_558 : memref<128x32xf32, #tpu.memory_space<vmem>>) offsets(%dma_start3A_561 : memref<128xi32, #tpu.memory_space<vmem>>) semaphore(%arg8 : memref<!tpu.dma_semaphore, #tpu.memory_space<semaphore_mem>>)
    %dma_start3A_565 = arith.constant 0 : i32
    %dma_start3A_566 = arith.constant 7 : i32
    %dma_start3A_567 = arith.constant 0 : i32
    %dma_start3A_568 = arith.constant 896 : i32
    %dma_start3A_569 = arith.constant 0 : i32
    %dma_start3A_570 = tpu.memref_slice %arg7[%dma_start3A_567, %dma_start3A_568, %dma_start3A_569] : memref<2x1024x32xf32, #tpu.memory_space<vmem>> -> memref<1x128x32xf32, #tpu.memory_space<vmem>>
    %dma_start3A_571 = tpu.memref_squeeze %dma_start3A_570 : memref<1x128x32xf32, #tpu.memory_space<vmem>> -> memref<128x32xf32, #tpu.memory_space<vmem>>
    %dma_start3A_572 = arith.constant 0 : i32
    %dma_start3A_573 = tpu.memref_slice %arg6[%dma_start3A_565, %dma_start3A_566, %dma_start3A_572] : memref<2x8x128xi32, #tpu.memory_space<vmem>> -> memref<1x1x128xi32, #tpu.memory_space<vmem>>
    %dma_start3A_574 = tpu.memref_squeeze %dma_start3A_573 : memref<1x1x128xi32, #tpu.memory_space<vmem>> -> memref<128xi32, #tpu.memory_space<vmem>>
    %dma_start3A_575 = arith.constant 0 : i32
    %dma_start3A_576 = arith.constant 0 : i32
    %dma_start3A_577 = tpu.memref_slice %arg5[%dma_start3A_575, %dma_start3A_576] : memref<10000x32xf32, #tpu.memory_space<vmem_shared>> -> memref<10000x32xf32, #tpu.memory_space<vmem_shared>>
    tpu.enqueue_indirect_dma source(%dma_start3A_577 : memref<10000x32xf32, #tpu.memory_space<vmem_shared>>) target(%dma_start3A_571 : memref<128x32xf32, #tpu.memory_space<vmem>>) offsets(%dma_start3A_574 : memref<128xi32, #tpu.memory_space<vmem>>) semaphore(%arg8 : memref<!tpu.dma_semaphore, #tpu.memory_space<semaphore_mem>>)
    %dma_wait3A_578 = arith.constant 0 : i32
    %dma_wait3A_579 = arith.constant 0 : i32
    %dma_wait3A_580 = arith.constant 0 : i32
    %dma_wait3A_581 = arith.constant 0 : i32
    %dma_wait3A_582 = arith.constant 0 : i32
    %dma_wait3A_583 = tpu.memref_slice %arg7[%dma_wait3A_580, %dma_wait3A_581, %dma_wait3A_582] : memref<2x1024x32xf32, #tpu.memory_space<vmem>> -> memref<1x128x32xf32, #tpu.memory_space<vmem>>
    %dma_wait3A_584 = tpu.memref_squeeze %dma_wait3A_583 : memref<1x128x32xf32, #tpu.memory_space<vmem>> -> memref<128x32xf32, #tpu.memory_space<vmem>>
    %dma_wait3A_585 = arith.constant 0 : i32
    %dma_wait3A_586 = tpu.memref_slice %arg6[%dma_wait3A_578, %dma_wait3A_579, %dma_wait3A_585] : memref<2x8x128xi32, #tpu.memory_space<vmem>> -> memref<1x1x128xi32, #tpu.memory_space<vmem>>
    %dma_wait3A_587 = tpu.memref_squeeze %dma_wait3A_586 : memref<1x1x128xi32, #tpu.memory_space<vmem>> -> memref<128xi32, #tpu.memory_space<vmem>>
    %dma_wait3A_588 = arith.constant 0 : i32
    %dma_wait3A_589 = arith.constant 0 : i32
    %dma_wait3A_590 = tpu.memref_slice %arg5[%dma_wait3A_588, %dma_wait3A_589] : memref<10000x32xf32, #tpu.memory_space<vmem_shared>> -> memref<10000x32xf32, #tpu.memory_space<vmem_shared>>
    tpu.wait_indirect_dma semaphore(%arg8 : memref<!tpu.dma_semaphore, #tpu.memory_space<semaphore_mem>>) src(%dma_wait3A_590 : memref<10000x32xf32, #tpu.memory_space<vmem_shared>>) dst(%dma_wait3A_584 : memref<128x32xf32, #tpu.memory_space<vmem>>)
    %dma_wait3A_591 = arith.constant 0 : i32
    %dma_wait3A_592 = arith.constant 1 : i32
    %dma_wait3A_593 = arith.constant 0 : i32
    %dma_wait3A_594 = arith.constant 128 : i32
    %dma_wait3A_595 = arith.constant 0 : i32
    %dma_wait3A_596 = tpu.memref_slice %arg7[%dma_wait3A_593, %dma_wait3A_594, %dma_wait3A_595] : memref<2x1024x32xf32, #tpu.memory_space<vmem>> -> memref<1x128x32xf32, #tpu.memory_space<vmem>>
    %dma_wait3A_597 = tpu.memref_squeeze %dma_wait3A_596 : memref<1x128x32xf32, #tpu.memory_space<vmem>> -> memref<128x32xf32, #tpu.memory_space<vmem>>
    %dma_wait3A_598 = arith.constant 0 : i32
    %dma_wait3A_599 = tpu.memref_slice %arg6[%dma_wait3A_591, %dma_wait3A_592, %dma_wait3A_598] : memref<2x8x128xi32, #tpu.memory_space<vmem>> -> memref<1x1x128xi32, #tpu.memory_space<vmem>>
    %dma_wait3A_600 = tpu.memref_squeeze %dma_wait3A_599 : memref<1x1x128xi32, #tpu.memory_space<vmem>> -> memref<128xi32, #tpu.memory_space<vmem>>
    %dma_wait3A_601 = arith.constant 0 : i32
    %dma_wait3A_602 = arith.constant 0 : i32
    %dma_wait3A_603 = tpu.memref_slice %arg5[%dma_wait3A_601, %dma_wait3A_602] : memref<10000x32xf32, #tpu.memory_space<vmem_shared>> -> memref<10000x32xf32, #tpu.memory_space<vmem_shared>>
    tpu.wait_indirect_dma semaphore(%arg8 : memref<!tpu.dma_semaphore, #tpu.memory_space<semaphore_mem>>) src(%dma_wait3A_603 : memref<10000x32xf32, #tpu.memory_space<vmem_shared>>) dst(%dma_wait3A_597 : memref<128x32xf32, #tpu.memory_space<vmem>>)
    %dma_wait3A_604 = arith.constant 0 : i32
    %dma_wait3A_605 = arith.constant 2 : i32
    %dma_wait3A_606 = arith.constant 0 : i32
    %dma_wait3A_607 = arith.constant 256 : i32
    %dma_wait3A_608 = arith.constant 0 : i32
    %dma_wait3A_609 = tpu.memref_slice %arg7[%dma_wait3A_606, %dma_wait3A_607, %dma_wait3A_608] : memref<2x1024x32xf32, #tpu.memory_space<vmem>> -> memref<1x128x32xf32, #tpu.memory_space<vmem>>
    %dma_wait3A_610 = tpu.memref_squeeze %dma_wait3A_609 : memref<1x128x32xf32, #tpu.memory_space<vmem>> -> memref<128x32xf32, #tpu.memory_space<vmem>>
    %dma_wait3A_611 = arith.constant 0 : i32
    %dma_wait3A_612 = tpu.memref_slice %arg6[%dma_wait3A_604, %dma_wait3A_605, %dma_wait3A_611] : memref<2x8x128xi32, #tpu.memory_space<vmem>> -> memref<1x1x128xi32, #tpu.memory_space<vmem>>
    %dma_wait3A_613 = tpu.memref_squeeze %dma_wait3A_612 : memref<1x1x128xi32, #tpu.memory_space<vmem>> -> memref<128xi32, #tpu.memory_space<vmem>>
    %dma_wait3A_614 = arith.constant 0 : i32
    %dma_wait3A_615 = arith.constant 0 : i32
    %dma_wait3A_616 = tpu.memref_slice %arg5[%dma_wait3A_614, %dma_wait3A_615] : memref<10000x32xf32, #tpu.memory_space<vmem_shared>> -> memref<10000x32xf32, #tpu.memory_space<vmem_shared>>
    tpu.wait_indirect_dma semaphore(%arg8 : memref<!tpu.dma_semaphore, #tpu.memory_space<semaphore_mem>>) src(%dma_wait3A_616 : memref<10000x32xf32, #tpu.memory_space<vmem_shared>>) dst(%dma_wait3A_610 : memref<128x32xf32, #tpu.memory_space<vmem>>)
    %dma_wait3A_617 = arith.constant 0 : i32
    %dma_wait3A_618 = arith.constant 3 : i32
    %dma_wait3A_619 = arith.constant 0 : i32
    %dma_wait3A_620 = arith.constant 384 : i32
    %dma_wait3A_621 = arith.constant 0 : i32
    %dma_wait3A_622 = tpu.memref_slice %arg7[%dma_wait3A_619, %dma_wait3A_620, %dma_wait3A_621] : memref<2x1024x32xf32, #tpu.memory_space<vmem>> -> memref<1x128x32xf32, #tpu.memory_space<vmem>>
    %dma_wait3A_623 = tpu.memref_squeeze %dma_wait3A_622 : memref<1x128x32xf32, #tpu.memory_space<vmem>> -> memref<128x32xf32, #tpu.memory_space<vmem>>
    %dma_wait3A_624 = arith.constant 0 : i32
    %dma_wait3A_625 = tpu.memref_slice %arg6[%dma_wait3A_617, %dma_wait3A_618, %dma_wait3A_624] : memref<2x8x128xi32, #tpu.memory_space<vmem>> -> memref<1x1x128xi32, #tpu.memory_space<vmem>>
    %dma_wait3A_626 = tpu.memref_squeeze %dma_wait3A_625 : memref<1x1x128xi32, #tpu.memory_space<vmem>> -> memref<128xi32, #tpu.memory_space<vmem>>
    %dma_wait3A_627 = arith.constant 0 : i32
    %dma_wait3A_628 = arith.constant 0 : i32
    %dma_wait3A_629 = tpu.memref_slice %arg5[%dma_wait3A_627, %dma_wait3A_628] : memref<10000x32xf32, #tpu.memory_space<vmem_shared>> -> memref<10000x32xf32, #tpu.memory_space<vmem_shared>>
    tpu.wait_indirect_dma semaphore(%arg8 : memref<!tpu.dma_semaphore, #tpu.memory_space<semaphore_mem>>) src(%dma_wait3A_629 : memref<10000x32xf32, #tpu.memory_space<vmem_shared>>) dst(%dma_wait3A_623 : memref<128x32xf32, #tpu.memory_space<vmem>>)
    %dma_wait3A_630 = arith.constant 0 : i32
    %dma_wait3A_631 = arith.constant 4 : i32
    %dma_wait3A_632 = arith.constant 0 : i32
    %dma_wait3A_633 = arith.constant 512 : i32
    %dma_wait3A_634 = arith.constant 0 : i32
    %dma_wait3A_635 = tpu.memref_slice %arg7[%dma_wait3A_632, %dma_wait3A_633, %dma_wait3A_634] : memref<2x1024x32xf32, #tpu.memory_space<vmem>> -> memref<1x128x32xf32, #tpu.memory_space<vmem>>
    %dma_wait3A_636 = tpu.memref_squeeze %dma_wait3A_635 : memref<1x128x32xf32, #tpu.memory_space<vmem>> -> memref<128x32xf32, #tpu.memory_space<vmem>>
    %dma_wait3A_637 = arith.constant 0 : i32
    %dma_wait3A_638 = tpu.memref_slice %arg6[%dma_wait3A_630, %dma_wait3A_631, %dma_wait3A_637] : memref<2x8x128xi32, #tpu.memory_space<vmem>> -> memref<1x1x128xi32, #tpu.memory_space<vmem>>
    %dma_wait3A_639 = tpu.memref_squeeze %dma_wait3A_638 : memref<1x1x128xi32, #tpu.memory_space<vmem>> -> memref<128xi32, #tpu.memory_space<vmem>>
    %dma_wait3A_640 = arith.constant 0 : i32
    %dma_wait3A_641 = arith.constant 0 : i32
    %dma_wait3A_642 = tpu.memref_slice %arg5[%dma_wait3A_640, %dma_wait3A_641] : memref<10000x32xf32, #tpu.memory_space<vmem_shared>> -> memref<10000x32xf32, #tpu.memory_space<vmem_shared>>
    tpu.wait_indirect_dma semaphore(%arg8 : memref<!tpu.dma_semaphore, #tpu.memory_space<semaphore_mem>>) src(%dma_wait3A_642 : memref<10000x32xf32, #tpu.memory_space<vmem_shared>>) dst(%dma_wait3A_636 : memref<128x32xf32, #tpu.memory_space<vmem>>)
    %dma_wait3A_643 = arith.constant 0 : i32
    %dma_wait3A_644 = arith.constant 5 : i32
    %dma_wait3A_645 = arith.constant 0 : i32
    %dma_wait3A_646 = arith.constant 640 : i32
    %dma_wait3A_647 = arith.constant 0 : i32
    %dma_wait3A_648 = tpu.memref_slice %arg7[%dma_wait3A_645, %dma_wait3A_646, %dma_wait3A_647] : memref<2x1024x32xf32, #tpu.memory_space<vmem>> -> memref<1x128x32xf32, #tpu.memory_space<vmem>>
    %dma_wait3A_649 = tpu.memref_squeeze %dma_wait3A_648 : memref<1x128x32xf32, #tpu.memory_space<vmem>> -> memref<128x32xf32, #tpu.memory_space<vmem>>
    %dma_wait3A_650 = arith.constant 0 : i32
    %dma_wait3A_651 = tpu.memref_slice %arg6[%dma_wait3A_643, %dma_wait3A_644, %dma_wait3A_650] : memref<2x8x128xi32, #tpu.memory_space<vmem>> -> memref<1x1x128xi32, #tpu.memory_space<vmem>>
    %dma_wait3A_652 = tpu.memref_squeeze %dma_wait3A_651 : memref<1x1x128xi32, #tpu.memory_space<vmem>> -> memref<128xi32, #tpu.memory_space<vmem>>
    %dma_wait3A_653 = arith.constant 0 : i32
    %dma_wait3A_654 = arith.constant 0 : i32
    %dma_wait3A_655 = tpu.memref_slice %arg5[%dma_wait3A_653, %dma_wait3A_654] : memref<10000x32xf32, #tpu.memory_space<vmem_shared>> -> memref<10000x32xf32, #tpu.memory_space<vmem_shared>>
    tpu.wait_indirect_dma semaphore(%arg8 : memref<!tpu.dma_semaphore, #tpu.memory_space<semaphore_mem>>) src(%dma_wait3A_655 : memref<10000x32xf32, #tpu.memory_space<vmem_shared>>) dst(%dma_wait3A_649 : memref<128x32xf32, #tpu.memory_space<vmem>>)
    %dma_wait3A_656 = arith.constant 0 : i32
    %dma_wait3A_657 = arith.constant 6 : i32
    %dma_wait3A_658 = arith.constant 0 : i32
    %dma_wait3A_659 = arith.constant 768 : i32
    %dma_wait3A_660 = arith.constant 0 : i32
    %dma_wait3A_661 = tpu.memref_slice %arg7[%dma_wait3A_658, %dma_wait3A_659, %dma_wait3A_660] : memref<2x1024x32xf32, #tpu.memory_space<vmem>> -> memref<1x128x32xf32, #tpu.memory_space<vmem>>
    %dma_wait3A_662 = tpu.memref_squeeze %dma_wait3A_661 : memref<1x128x32xf32, #tpu.memory_space<vmem>> -> memref<128x32xf32, #tpu.memory_space<vmem>>
    %dma_wait3A_663 = arith.constant 0 : i32
    %dma_wait3A_664 = tpu.memref_slice %arg6[%dma_wait3A_656, %dma_wait3A_657, %dma_wait3A_663] : memref<2x8x128xi32, #tpu.memory_space<vmem>> -> memref<1x1x128xi32, #tpu.memory_space<vmem>>
    %dma_wait3A_665 = tpu.memref_squeeze %dma_wait3A_664 : memref<1x1x128xi32, #tpu.memory_space<vmem>> -> memref<128xi32, #tpu.memory_space<vmem>>
    %dma_wait3A_666 = arith.constant 0 : i32
    %dma_wait3A_667 = arith.constant 0 : i32
    %dma_wait3A_668 = tpu.memref_slice %arg5[%dma_wait3A_666, %dma_wait3A_667] : memref<10000x32xf32, #tpu.memory_space<vmem_shared>> -> memref<10000x32xf32, #tpu.memory_space<vmem_shared>>
    tpu.wait_indirect_dma semaphore(%arg8 : memref<!tpu.dma_semaphore, #tpu.memory_space<semaphore_mem>>) src(%dma_wait3A_668 : memref<10000x32xf32, #tpu.memory_space<vmem_shared>>) dst(%dma_wait3A_662 : memref<128x32xf32, #tpu.memory_space<vmem>>)
    %dma_wait3A_669 = arith.constant 0 : i32
    %dma_wait3A_670 = arith.constant 7 : i32
    %dma_wait3A_671 = arith.constant 0 : i32
    %dma_wait3A_672 = arith.constant 896 : i32
    %dma_wait3A_673 = arith.constant 0 : i32
    %dma_wait3A_674 = tpu.memref_slice %arg7[%dma_wait3A_671, %dma_wait3A_672, %dma_wait3A_673] : memref<2x1024x32xf32, #tpu.memory_space<vmem>> -> memref<1x128x32xf32, #tpu.memory_space<vmem>>
    %dma_wait3A_675 = tpu.memref_squeeze %dma_wait3A_674 : memref<1x128x32xf32, #tpu.memory_space<vmem>> -> memref<128x32xf32, #tpu.memory_space<vmem>>
    %dma_wait3A_676 = arith.constant 0 : i32
    %dma_wait3A_677 = tpu.memref_slice %arg6[%dma_wait3A_669, %dma_wait3A_670, %dma_wait3A_676] : memref<2x8x128xi32, #tpu.memory_space<vmem>> -> memref<1x1x128xi32, #tpu.memory_space<vmem>>
    %dma_wait3A_678 = tpu.memref_squeeze %dma_wait3A_677 : memref<1x1x128xi32, #tpu.memory_space<vmem>> -> memref<128xi32, #tpu.memory_space<vmem>>
    %dma_wait3A_679 = arith.constant 0 : i32
    %dma_wait3A_680 = arith.constant 0 : i32
    %dma_wait3A_681 = tpu.memref_slice %arg5[%dma_wait3A_679, %dma_wait3A_680] : memref<10000x32xf32, #tpu.memory_space<vmem_shared>> -> memref<10000x32xf32, #tpu.memory_space<vmem_shared>>
    tpu.wait_indirect_dma semaphore(%arg8 : memref<!tpu.dma_semaphore, #tpu.memory_space<semaphore_mem>>) src(%dma_wait3A_681 : memref<10000x32xf32, #tpu.memory_space<vmem_shared>>) dst(%dma_wait3A_675 : memref<128x32xf32, #tpu.memory_space<vmem>>)
    %mul3A_682 = arith.constant 128 : i32
    %mul3A_683 = arith.muli %add3A_459, %mul3A_682 : i32
    %dma_start3A_684 = arith.constant 0 : i32
    %dma_start3A_685 = arith.constant 0 : i32
    %dma_start3A_686 = arith.constant 0 : i32
    %dma_start3A_687 = tpu.memref_slice %arg7[%dma_start3A_684, %dma_start3A_685, %dma_start3A_686] : memref<2x1024x32xf32, #tpu.memory_space<vmem>> -> memref<1x1024x32xf32, #tpu.memory_space<vmem>>
    %dma_start3A_688 = tpu.memref_squeeze %dma_start3A_687 : memref<1x1024x32xf32, #tpu.memory_space<vmem>> -> memref<1024x32xf32, #tpu.memory_space<vmem>>
    %dma_start3A_689 = arith.constant 0 : i32
    %dma_start3A_690 = tpu.memref_slice %arg4[%mul3A_683, %dma_start3A_689] : memref<163840x128xf32, #tpu.memory_space<hbm>> -> memref<1024x32xf32, #tpu.memory_space<hbm>>
    %dma_start3A_691 = arith.constant 0 : i32
    %dma_start3A_692 = tpu.memref_slice %arg4[%mul3A_683, %dma_start3A_691] : memref<163840x128xf32, #tpu.memory_space<hbm>> -> memref<1024x32xf32, #tpu.memory_space<hbm>>
    %dma_start3A_693 = arith.constant 0 : i32
    %dma_start3A_694 = arith.constant 0 : i32
    %dma_start3A_695 = tpu.memref_slice %arg7[%dma_start3A_684, %dma_start3A_693, %dma_start3A_694] : memref<2x1024x32xf32, #tpu.memory_space<vmem>> -> memref<1x1024x32xf32, #tpu.memory_space<vmem>>
    %dma_start3A_696 = tpu.memref_squeeze %dma_start3A_695 : memref<1x1024x32xf32, #tpu.memory_space<vmem>> -> memref<1024x32xf32, #tpu.memory_space<vmem>>
    tpu.enqueue_dma source(%dma_start3A_696 : memref<1024x32xf32, #tpu.memory_space<vmem>>) target(%dma_start3A_692 : memref<1024x32xf32, #tpu.memory_space<hbm>>) target_semaphore(%arg9 : memref<!tpu.dma_semaphore, #tpu.memory_space<semaphore_mem>>)
    %mul3A_697 = arith.constant 40 : i32
    %mul3A_698 = arith.muli %add3A, %mul3A_697 : i32
    %add3A_699 = arith.constant 24 : i32
    %add3A_700 = arith.addi %mul3A_698, %add3A_699 : i32
    %run_scoped3A_701 = arith.constant 1 : i32
    "tpu.region"() ({
      %run_scoped3A_1205 = tpu.sem_alloc : memref<!tpu.dma_semaphore, #tpu.memory_space<semaphore_mem>>
      %dma_start3A_1206 = arith.constant 0 : i32
      %dma_start3A_1207 = arith.constant 0 : i32
      %dma_start3A_1208 = tpu.memref_slice %arg6[%run_scoped3A_701, %dma_start3A_1206, %dma_start3A_1207] : memref<2x8x128xi32, #tpu.memory_space<vmem>> -> memref<1x8x128xi32, #tpu.memory_space<vmem>>
      %dma_start3A_1209 = tpu.memref_squeeze %dma_start3A_1208 : memref<1x8x128xi32, #tpu.memory_space<vmem>> -> memref<8x128xi32, #tpu.memory_space<vmem>>
      %dma_start3A_1210 = arith.constant 0 : i32
      %dma_start3A_1211 = tpu.memref_slice %arg3[%add3A_700, %dma_start3A_1210] : memref<1280x128xi32, #tpu.memory_space<hbm>> -> memref<8x128xi32, #tpu.memory_space<hbm>>
      %dma_start3A_1212 = arith.constant 0 : i32
      %dma_start3A_1213 = arith.constant 0 : i32
      %dma_start3A_1214 = tpu.memref_slice %arg6[%run_scoped3A_701, %dma_start3A_1212, %dma_start3A_1213] : memref<2x8x128xi32, #tpu.memory_space<vmem>> -> memref<1x8x128xi32, #tpu.memory_space<vmem>>
      %dma_start3A_1215 = tpu.memref_squeeze %dma_start3A_1214 : memref<1x8x128xi32, #tpu.memory_space<vmem>> -> memref<8x128xi32, #tpu.memory_space<vmem>>
      %dma_start3A_1216 = arith.constant 0 : i32
      %dma_start3A_1217 = tpu.memref_slice %arg3[%add3A_700, %dma_start3A_1216] : memref<1280x128xi32, #tpu.memory_space<hbm>> -> memref<8x128xi32, #tpu.memory_space<hbm>>
      tpu.enqueue_dma source(%dma_start3A_1217 : memref<8x128xi32, #tpu.memory_space<hbm>>) target(%dma_start3A_1215 : memref<8x128xi32, #tpu.memory_space<vmem>>) target_semaphore(%run_scoped3A_1205 : memref<!tpu.dma_semaphore, #tpu.memory_space<semaphore_mem>>)
      %dma_wait3A_1218 = arith.constant 0 : i32
      %dma_wait3A_1219 = arith.constant 0 : i32
      %dma_wait3A_1220 = tpu.memref_slice %arg6[%run_scoped3A_701, %dma_wait3A_1218, %dma_wait3A_1219] : memref<2x8x128xi32, #tpu.memory_space<vmem>> -> memref<1x8x128xi32, #tpu.memory_space<vmem>>
      %dma_wait3A_1221 = tpu.memref_squeeze %dma_wait3A_1220 : memref<1x8x128xi32, #tpu.memory_space<vmem>> -> memref<8x128xi32, #tpu.memory_space<vmem>>
      %dma_wait3A_1222 = arith.constant 0 : i32
      %dma_wait3A_1223 = tpu.memref_slice %arg3[%add3A_700, %dma_wait3A_1222] : memref<1280x128xi32, #tpu.memory_space<hbm>> -> memref<8x128xi32, #tpu.memory_space<hbm>>
      %dma_wait3A_1224 = arith.constant 0 : i32
      %dma_wait3A_1225 = arith.constant 0 : i32
      %dma_wait3A_1226 = tpu.memref_slice %arg6[%run_scoped3A_701, %dma_wait3A_1224, %dma_wait3A_1225] : memref<2x8x128xi32, #tpu.memory_space<vmem>> -> memref<1x8x128xi32, #tpu.memory_space<vmem>>
      %dma_wait3A_1227 = tpu.memref_squeeze %dma_wait3A_1226 : memref<1x8x128xi32, #tpu.memory_space<vmem>> -> memref<8x128xi32, #tpu.memory_space<vmem>>
      %dma_wait3A_1228 = arith.constant 0 : i32
      %dma_wait3A_1229 = tpu.memref_slice %arg3[%add3A_700, %dma_wait3A_1228] : memref<1280x128xi32, #tpu.memory_space<hbm>> -> memref<8x128xi32, #tpu.memory_space<hbm>>
      tpu.wait_dma2 semaphore(%run_scoped3A_1205 : memref<!tpu.dma_semaphore, #tpu.memory_space<semaphore_mem>>) src(%dma_wait3A_1229 : memref<8x128xi32, #tpu.memory_space<hbm>>) dst(%dma_wait3A_1227 : memref<8x128xi32, #tpu.memory_space<vmem>>)
      tpu.yield
    }) : () -> ()
    %dma_wait3A_702 = arith.constant 1 : i32
    %dma_wait3A_703 = arith.constant 0 : i32
    %dma_wait3A_704 = arith.constant 0 : i32
    %dma_wait3A_705 = tpu.memref_slice %arg7[%dma_wait3A_702, %dma_wait3A_703, %dma_wait3A_704] : memref<2x1024x32xf32, #tpu.memory_space<vmem>> -> memref<1x1024x32xf32, #tpu.memory_space<vmem>>
    %dma_wait3A_706 = tpu.memref_squeeze %dma_wait3A_705 : memref<1x1024x32xf32, #tpu.memory_space<vmem>> -> memref<1024x32xf32, #tpu.memory_space<vmem>>
    %dma_wait3A_707 = arith.constant 0 : i32
    %dma_wait3A_708 = tpu.memref_slice %arg4[%mul3A_442, %dma_wait3A_707] : memref<163840x128xf32, #tpu.memory_space<hbm>> -> memref<1024x32xf32, #tpu.memory_space<hbm>>
    %dma_wait3A_709 = arith.constant 0 : i32
    %dma_wait3A_710 = tpu.memref_slice %arg4[%mul3A_442, %dma_wait3A_709] : memref<163840x128xf32, #tpu.memory_space<hbm>> -> memref<1024x32xf32, #tpu.memory_space<hbm>>
    %dma_wait3A_711 = arith.constant 0 : i32
    %dma_wait3A_712 = arith.constant 0 : i32
    %dma_wait3A_713 = tpu.memref_slice %arg7[%dma_wait3A_702, %dma_wait3A_711, %dma_wait3A_712] : memref<2x1024x32xf32, #tpu.memory_space<vmem>> -> memref<1x1024x32xf32, #tpu.memory_space<vmem>>
    %dma_wait3A_714 = tpu.memref_squeeze %dma_wait3A_713 : memref<1x1024x32xf32, #tpu.memory_space<vmem>> -> memref<1024x32xf32, #tpu.memory_space<vmem>>
    tpu.wait_dma2 semaphore(%arg9 : memref<!tpu.dma_semaphore, #tpu.memory_space<semaphore_mem>>) src(%dma_wait3A_714 : memref<1024x32xf32, #tpu.memory_space<vmem>>) dst(%dma_wait3A_710 : memref<1024x32xf32, #tpu.memory_space<hbm>>)
    %dma_start3A_715 = arith.constant 1 : i32
    %dma_start3A_716 = arith.constant 0 : i32
    %dma_start3A_717 = arith.constant 1 : i32
    %dma_start3A_718 = arith.constant 0 : i32
    %dma_start3A_719 = arith.constant 0 : i32
    %dma_start3A_720 = tpu.memref_slice %arg7[%dma_start3A_717, %dma_start3A_718, %dma_start3A_719] : memref<2x1024x32xf32, #tpu.memory_space<vmem>> -> memref<1x128x32xf32, #tpu.memory_space<vmem>>
    %dma_start3A_721 = tpu.memref_squeeze %dma_start3A_720 : memref<1x128x32xf32, #tpu.memory_space<vmem>> -> memref<128x32xf32, #tpu.memory_space<vmem>>
    %dma_start3A_722 = arith.constant 0 : i32
    %dma_start3A_723 = tpu.memref_slice %arg6[%dma_start3A_715, %dma_start3A_716, %dma_start3A_722] : memref<2x8x128xi32, #tpu.memory_space<vmem>> -> memref<1x1x128xi32, #tpu.memory_space<vmem>>
    %dma_start3A_724 = tpu.memref_squeeze %dma_start3A_723 : memref<1x1x128xi32, #tpu.memory_space<vmem>> -> memref<128xi32, #tpu.memory_space<vmem>>
    %dma_start3A_725 = arith.constant 0 : i32
    %dma_start3A_726 = arith.constant 0 : i32
    %dma_start3A_727 = tpu.memref_slice %arg5[%dma_start3A_725, %dma_start3A_726] : memref<10000x32xf32, #tpu.memory_space<vmem_shared>> -> memref<10000x32xf32, #tpu.memory_space<vmem_shared>>
    tpu.enqueue_indirect_dma source(%dma_start3A_727 : memref<10000x32xf32, #tpu.memory_space<vmem_shared>>) target(%dma_start3A_721 : memref<128x32xf32, #tpu.memory_space<vmem>>) offsets(%dma_start3A_724 : memref<128xi32, #tpu.memory_space<vmem>>) semaphore(%arg8 : memref<!tpu.dma_semaphore, #tpu.memory_space<semaphore_mem>>)
    %dma_start3A_728 = arith.constant 1 : i32
    %dma_start3A_729 = arith.constant 1 : i32
    %dma_start3A_730 = arith.constant 1 : i32
    %dma_start3A_731 = arith.constant 128 : i32
    %dma_start3A_732 = arith.constant 0 : i32
    %dma_start3A_733 = tpu.memref_slice %arg7[%dma_start3A_730, %dma_start3A_731, %dma_start3A_732] : memref<2x1024x32xf32, #tpu.memory_space<vmem>> -> memref<1x128x32xf32, #tpu.memory_space<vmem>>
    %dma_start3A_734 = tpu.memref_squeeze %dma_start3A_733 : memref<1x128x32xf32, #tpu.memory_space<vmem>> -> memref<128x32xf32, #tpu.memory_space<vmem>>
    %dma_start3A_735 = arith.constant 0 : i32
    %dma_start3A_736 = tpu.memref_slice %arg6[%dma_start3A_728, %dma_start3A_729, %dma_start3A_735] : memref<2x8x128xi32, #tpu.memory_space<vmem>> -> memref<1x1x128xi32, #tpu.memory_space<vmem>>
    %dma_start3A_737 = tpu.memref_squeeze %dma_start3A_736 : memref<1x1x128xi32, #tpu.memory_space<vmem>> -> memref<128xi32, #tpu.memory_space<vmem>>
    %dma_start3A_738 = arith.constant 0 : i32
    %dma_start3A_739 = arith.constant 0 : i32
    %dma_start3A_740 = tpu.memref_slice %arg5[%dma_start3A_738, %dma_start3A_739] : memref<10000x32xf32, #tpu.memory_space<vmem_shared>> -> memref<10000x32xf32, #tpu.memory_space<vmem_shared>>
    tpu.enqueue_indirect_dma source(%dma_start3A_740 : memref<10000x32xf32, #tpu.memory_space<vmem_shared>>) target(%dma_start3A_734 : memref<128x32xf32, #tpu.memory_space<vmem>>) offsets(%dma_start3A_737 : memref<128xi32, #tpu.memory_space<vmem>>) semaphore(%arg8 : memref<!tpu.dma_semaphore, #tpu.memory_space<semaphore_mem>>)
    %dma_start3A_741 = arith.constant 1 : i32
    %dma_start3A_742 = arith.constant 2 : i32
    %dma_start3A_743 = arith.constant 1 : i32
    %dma_start3A_744 = arith.constant 256 : i32
    %dma_start3A_745 = arith.constant 0 : i32
    %dma_start3A_746 = tpu.memref_slice %arg7[%dma_start3A_743, %dma_start3A_744, %dma_start3A_745] : memref<2x1024x32xf32, #tpu.memory_space<vmem>> -> memref<1x128x32xf32, #tpu.memory_space<vmem>>
    %dma_start3A_747 = tpu.memref_squeeze %dma_start3A_746 : memref<1x128x32xf32, #tpu.memory_space<vmem>> -> memref<128x32xf32, #tpu.memory_space<vmem>>
    %dma_start3A_748 = arith.constant 0 : i32
    %dma_start3A_749 = tpu.memref_slice %arg6[%dma_start3A_741, %dma_start3A_742, %dma_start3A_748] : memref<2x8x128xi32, #tpu.memory_space<vmem>> -> memref<1x1x128xi32, #tpu.memory_space<vmem>>
    %dma_start3A_750 = tpu.memref_squeeze %dma_start3A_749 : memref<1x1x128xi32, #tpu.memory_space<vmem>> -> memref<128xi32, #tpu.memory_space<vmem>>
    %dma_start3A_751 = arith.constant 0 : i32
    %dma_start3A_752 = arith.constant 0 : i32
    %dma_start3A_753 = tpu.memref_slice %arg5[%dma_start3A_751, %dma_start3A_752] : memref<10000x32xf32, #tpu.memory_space<vmem_shared>> -> memref<10000x32xf32, #tpu.memory_space<vmem_shared>>
    tpu.enqueue_indirect_dma source(%dma_start3A_753 : memref<10000x32xf32, #tpu.memory_space<vmem_shared>>) target(%dma_start3A_747 : memref<128x32xf32, #tpu.memory_space<vmem>>) offsets(%dma_start3A_750 : memref<128xi32, #tpu.memory_space<vmem>>) semaphore(%arg8 : memref<!tpu.dma_semaphore, #tpu.memory_space<semaphore_mem>>)
    %dma_start3A_754 = arith.constant 1 : i32
    %dma_start3A_755 = arith.constant 3 : i32
    %dma_start3A_756 = arith.constant 1 : i32
    %dma_start3A_757 = arith.constant 384 : i32
    %dma_start3A_758 = arith.constant 0 : i32
    %dma_start3A_759 = tpu.memref_slice %arg7[%dma_start3A_756, %dma_start3A_757, %dma_start3A_758] : memref<2x1024x32xf32, #tpu.memory_space<vmem>> -> memref<1x128x32xf32, #tpu.memory_space<vmem>>
    %dma_start3A_760 = tpu.memref_squeeze %dma_start3A_759 : memref<1x128x32xf32, #tpu.memory_space<vmem>> -> memref<128x32xf32, #tpu.memory_space<vmem>>
    %dma_start3A_761 = arith.constant 0 : i32
    %dma_start3A_762 = tpu.memref_slice %arg6[%dma_start3A_754, %dma_start3A_755, %dma_start3A_761] : memref<2x8x128xi32, #tpu.memory_space<vmem>> -> memref<1x1x128xi32, #tpu.memory_space<vmem>>
    %dma_start3A_763 = tpu.memref_squeeze %dma_start3A_762 : memref<1x1x128xi32, #tpu.memory_space<vmem>> -> memref<128xi32, #tpu.memory_space<vmem>>
    %dma_start3A_764 = arith.constant 0 : i32
    %dma_start3A_765 = arith.constant 0 : i32
    %dma_start3A_766 = tpu.memref_slice %arg5[%dma_start3A_764, %dma_start3A_765] : memref<10000x32xf32, #tpu.memory_space<vmem_shared>> -> memref<10000x32xf32, #tpu.memory_space<vmem_shared>>
    tpu.enqueue_indirect_dma source(%dma_start3A_766 : memref<10000x32xf32, #tpu.memory_space<vmem_shared>>) target(%dma_start3A_760 : memref<128x32xf32, #tpu.memory_space<vmem>>) offsets(%dma_start3A_763 : memref<128xi32, #tpu.memory_space<vmem>>) semaphore(%arg8 : memref<!tpu.dma_semaphore, #tpu.memory_space<semaphore_mem>>)
    %dma_start3A_767 = arith.constant 1 : i32
    %dma_start3A_768 = arith.constant 4 : i32
    %dma_start3A_769 = arith.constant 1 : i32
    %dma_start3A_770 = arith.constant 512 : i32
    %dma_start3A_771 = arith.constant 0 : i32
    %dma_start3A_772 = tpu.memref_slice %arg7[%dma_start3A_769, %dma_start3A_770, %dma_start3A_771] : memref<2x1024x32xf32, #tpu.memory_space<vmem>> -> memref<1x128x32xf32, #tpu.memory_space<vmem>>
    %dma_start3A_773 = tpu.memref_squeeze %dma_start3A_772 : memref<1x128x32xf32, #tpu.memory_space<vmem>> -> memref<128x32xf32, #tpu.memory_space<vmem>>
    %dma_start3A_774 = arith.constant 0 : i32
    %dma_start3A_775 = tpu.memref_slice %arg6[%dma_start3A_767, %dma_start3A_768, %dma_start3A_774] : memref<2x8x128xi32, #tpu.memory_space<vmem>> -> memref<1x1x128xi32, #tpu.memory_space<vmem>>
    %dma_start3A_776 = tpu.memref_squeeze %dma_start3A_775 : memref<1x1x128xi32, #tpu.memory_space<vmem>> -> memref<128xi32, #tpu.memory_space<vmem>>
    %dma_start3A_777 = arith.constant 0 : i32
    %dma_start3A_778 = arith.constant 0 : i32
    %dma_start3A_779 = tpu.memref_slice %arg5[%dma_start3A_777, %dma_start3A_778] : memref<10000x32xf32, #tpu.memory_space<vmem_shared>> -> memref<10000x32xf32, #tpu.memory_space<vmem_shared>>
    tpu.enqueue_indirect_dma source(%dma_start3A_779 : memref<10000x32xf32, #tpu.memory_space<vmem_shared>>) target(%dma_start3A_773 : memref<128x32xf32, #tpu.memory_space<vmem>>) offsets(%dma_start3A_776 : memref<128xi32, #tpu.memory_space<vmem>>) semaphore(%arg8 : memref<!tpu.dma_semaphore, #tpu.memory_space<semaphore_mem>>)
    %dma_start3A_780 = arith.constant 1 : i32
    %dma_start3A_781 = arith.constant 5 : i32
    %dma_start3A_782 = arith.constant 1 : i32
    %dma_start3A_783 = arith.constant 640 : i32
    %dma_start3A_784 = arith.constant 0 : i32
    %dma_start3A_785 = tpu.memref_slice %arg7[%dma_start3A_782, %dma_start3A_783, %dma_start3A_784] : memref<2x1024x32xf32, #tpu.memory_space<vmem>> -> memref<1x128x32xf32, #tpu.memory_space<vmem>>
    %dma_start3A_786 = tpu.memref_squeeze %dma_start3A_785 : memref<1x128x32xf32, #tpu.memory_space<vmem>> -> memref<128x32xf32, #tpu.memory_space<vmem>>
    %dma_start3A_787 = arith.constant 0 : i32
    %dma_start3A_788 = tpu.memref_slice %arg6[%dma_start3A_780, %dma_start3A_781, %dma_start3A_787] : memref<2x8x128xi32, #tpu.memory_space<vmem>> -> memref<1x1x128xi32, #tpu.memory_space<vmem>>
    %dma_start3A_789 = tpu.memref_squeeze %dma_start3A_788 : memref<1x1x128xi32, #tpu.memory_space<vmem>> -> memref<128xi32, #tpu.memory_space<vmem>>
    %dma_start3A_790 = arith.constant 0 : i32
    %dma_start3A_791 = arith.constant 0 : i32
    %dma_start3A_792 = tpu.memref_slice %arg5[%dma_start3A_790, %dma_start3A_791] : memref<10000x32xf32, #tpu.memory_space<vmem_shared>> -> memref<10000x32xf32, #tpu.memory_space<vmem_shared>>
    tpu.enqueue_indirect_dma source(%dma_start3A_792 : memref<10000x32xf32, #tpu.memory_space<vmem_shared>>) target(%dma_start3A_786 : memref<128x32xf32, #tpu.memory_space<vmem>>) offsets(%dma_start3A_789 : memref<128xi32, #tpu.memory_space<vmem>>) semaphore(%arg8 : memref<!tpu.dma_semaphore, #tpu.memory_space<semaphore_mem>>)
    %dma_start3A_793 = arith.constant 1 : i32
    %dma_start3A_794 = arith.constant 6 : i32
    %dma_start3A_795 = arith.constant 1 : i32
    %dma_start3A_796 = arith.constant 768 : i32
    %dma_start3A_797 = arith.constant 0 : i32
    %dma_start3A_798 = tpu.memref_slice %arg7[%dma_start3A_795, %dma_start3A_796, %dma_start3A_797] : memref<2x1024x32xf32, #tpu.memory_space<vmem>> -> memref<1x128x32xf32, #tpu.memory_space<vmem>>
    %dma_start3A_799 = tpu.memref_squeeze %dma_start3A_798 : memref<1x128x32xf32, #tpu.memory_space<vmem>> -> memref<128x32xf32, #tpu.memory_space<vmem>>
    %dma_start3A_800 = arith.constant 0 : i32
    %dma_start3A_801 = tpu.memref_slice %arg6[%dma_start3A_793, %dma_start3A_794, %dma_start3A_800] : memref<2x8x128xi32, #tpu.memory_space<vmem>> -> memref<1x1x128xi32, #tpu.memory_space<vmem>>
    %dma_start3A_802 = tpu.memref_squeeze %dma_start3A_801 : memref<1x1x128xi32, #tpu.memory_space<vmem>> -> memref<128xi32, #tpu.memory_space<vmem>>
    %dma_start3A_803 = arith.constant 0 : i32
    %dma_start3A_804 = arith.constant 0 : i32
    %dma_start3A_805 = tpu.memref_slice %arg5[%dma_start3A_803, %dma_start3A_804] : memref<10000x32xf32, #tpu.memory_space<vmem_shared>> -> memref<10000x32xf32, #tpu.memory_space<vmem_shared>>
    tpu.enqueue_indirect_dma source(%dma_start3A_805 : memref<10000x32xf32, #tpu.memory_space<vmem_shared>>) target(%dma_start3A_799 : memref<128x32xf32, #tpu.memory_space<vmem>>) offsets(%dma_start3A_802 : memref<128xi32, #tpu.memory_space<vmem>>) semaphore(%arg8 : memref<!tpu.dma_semaphore, #tpu.memory_space<semaphore_mem>>)
    %dma_start3A_806 = arith.constant 1 : i32
    %dma_start3A_807 = arith.constant 7 : i32
    %dma_start3A_808 = arith.constant 1 : i32
    %dma_start3A_809 = arith.constant 896 : i32
    %dma_start3A_810 = arith.constant 0 : i32
    %dma_start3A_811 = tpu.memref_slice %arg7[%dma_start3A_808, %dma_start3A_809, %dma_start3A_810] : memref<2x1024x32xf32, #tpu.memory_space<vmem>> -> memref<1x128x32xf32, #tpu.memory_space<vmem>>
    %dma_start3A_812 = tpu.memref_squeeze %dma_start3A_811 : memref<1x128x32xf32, #tpu.memory_space<vmem>> -> memref<128x32xf32, #tpu.memory_space<vmem>>
    %dma_start3A_813 = arith.constant 0 : i32
    %dma_start3A_814 = tpu.memref_slice %arg6[%dma_start3A_806, %dma_start3A_807, %dma_start3A_813] : memref<2x8x128xi32, #tpu.memory_space<vmem>> -> memref<1x1x128xi32, #tpu.memory_space<vmem>>
    %dma_start3A_815 = tpu.memref_squeeze %dma_start3A_814 : memref<1x1x128xi32, #tpu.memory_space<vmem>> -> memref<128xi32, #tpu.memory_space<vmem>>
    %dma_start3A_816 = arith.constant 0 : i32
    %dma_start3A_817 = arith.constant 0 : i32
    %dma_start3A_818 = tpu.memref_slice %arg5[%dma_start3A_816, %dma_start3A_817] : memref<10000x32xf32, #tpu.memory_space<vmem_shared>> -> memref<10000x32xf32, #tpu.memory_space<vmem_shared>>
    tpu.enqueue_indirect_dma source(%dma_start3A_818 : memref<10000x32xf32, #tpu.memory_space<vmem_shared>>) target(%dma_start3A_812 : memref<128x32xf32, #tpu.memory_space<vmem>>) offsets(%dma_start3A_815 : memref<128xi32, #tpu.memory_space<vmem>>) semaphore(%arg8 : memref<!tpu.dma_semaphore, #tpu.memory_space<semaphore_mem>>)
    %dma_wait3A_819 = arith.constant 1 : i32
    %dma_wait3A_820 = arith.constant 0 : i32
    %dma_wait3A_821 = arith.constant 1 : i32
    %dma_wait3A_822 = arith.constant 0 : i32
    %dma_wait3A_823 = arith.constant 0 : i32
    %dma_wait3A_824 = tpu.memref_slice %arg7[%dma_wait3A_821, %dma_wait3A_822, %dma_wait3A_823] : memref<2x1024x32xf32, #tpu.memory_space<vmem>> -> memref<1x128x32xf32, #tpu.memory_space<vmem>>
    %dma_wait3A_825 = tpu.memref_squeeze %dma_wait3A_824 : memref<1x128x32xf32, #tpu.memory_space<vmem>> -> memref<128x32xf32, #tpu.memory_space<vmem>>
    %dma_wait3A_826 = arith.constant 0 : i32
    %dma_wait3A_827 = tpu.memref_slice %arg6[%dma_wait3A_819, %dma_wait3A_820, %dma_wait3A_826] : memref<2x8x128xi32, #tpu.memory_space<vmem>> -> memref<1x1x128xi32, #tpu.memory_space<vmem>>
    %dma_wait3A_828 = tpu.memref_squeeze %dma_wait3A_827 : memref<1x1x128xi32, #tpu.memory_space<vmem>> -> memref<128xi32, #tpu.memory_space<vmem>>
    %dma_wait3A_829 = arith.constant 0 : i32
    %dma_wait3A_830 = arith.constant 0 : i32
    %dma_wait3A_831 = tpu.memref_slice %arg5[%dma_wait3A_829, %dma_wait3A_830] : memref<10000x32xf32, #tpu.memory_space<vmem_shared>> -> memref<10000x32xf32, #tpu.memory_space<vmem_shared>>
    tpu.wait_indirect_dma semaphore(%arg8 : memref<!tpu.dma_semaphore, #tpu.memory_space<semaphore_mem>>) src(%dma_wait3A_831 : memref<10000x32xf32, #tpu.memory_space<vmem_shared>>) dst(%dma_wait3A_825 : memref<128x32xf32, #tpu.memory_space<vmem>>)
    %dma_wait3A_832 = arith.constant 1 : i32
    %dma_wait3A_833 = arith.constant 1 : i32
    %dma_wait3A_834 = arith.constant 1 : i32
    %dma_wait3A_835 = arith.constant 128 : i32
    %dma_wait3A_836 = arith.constant 0 : i32
    %dma_wait3A_837 = tpu.memref_slice %arg7[%dma_wait3A_834, %dma_wait3A_835, %dma_wait3A_836] : memref<2x1024x32xf32, #tpu.memory_space<vmem>> -> memref<1x128x32xf32, #tpu.memory_space<vmem>>
    %dma_wait3A_838 = tpu.memref_squeeze %dma_wait3A_837 : memref<1x128x32xf32, #tpu.memory_space<vmem>> -> memref<128x32xf32, #tpu.memory_space<vmem>>
    %dma_wait3A_839 = arith.constant 0 : i32
    %dma_wait3A_840 = tpu.memref_slice %arg6[%dma_wait3A_832, %dma_wait3A_833, %dma_wait3A_839] : memref<2x8x128xi32, #tpu.memory_space<vmem>> -> memref<1x1x128xi32, #tpu.memory_space<vmem>>
    %dma_wait3A_841 = tpu.memref_squeeze %dma_wait3A_840 : memref<1x1x128xi32, #tpu.memory_space<vmem>> -> memref<128xi32, #tpu.memory_space<vmem>>
    %dma_wait3A_842 = arith.constant 0 : i32
    %dma_wait3A_843 = arith.constant 0 : i32
    %dma_wait3A_844 = tpu.memref_slice %arg5[%dma_wait3A_842, %dma_wait3A_843] : memref<10000x32xf32, #tpu.memory_space<vmem_shared>> -> memref<10000x32xf32, #tpu.memory_space<vmem_shared>>
    tpu.wait_indirect_dma semaphore(%arg8 : memref<!tpu.dma_semaphore, #tpu.memory_space<semaphore_mem>>) src(%dma_wait3A_844 : memref<10000x32xf32, #tpu.memory_space<vmem_shared>>) dst(%dma_wait3A_838 : memref<128x32xf32, #tpu.memory_space<vmem>>)
    %dma_wait3A_845 = arith.constant 1 : i32
    %dma_wait3A_846 = arith.constant 2 : i32
    %dma_wait3A_847 = arith.constant 1 : i32
    %dma_wait3A_848 = arith.constant 256 : i32
    %dma_wait3A_849 = arith.constant 0 : i32
    %dma_wait3A_850 = tpu.memref_slice %arg7[%dma_wait3A_847, %dma_wait3A_848, %dma_wait3A_849] : memref<2x1024x32xf32, #tpu.memory_space<vmem>> -> memref<1x128x32xf32, #tpu.memory_space<vmem>>
    %dma_wait3A_851 = tpu.memref_squeeze %dma_wait3A_850 : memref<1x128x32xf32, #tpu.memory_space<vmem>> -> memref<128x32xf32, #tpu.memory_space<vmem>>
    %dma_wait3A_852 = arith.constant 0 : i32
    %dma_wait3A_853 = tpu.memref_slice %arg6[%dma_wait3A_845, %dma_wait3A_846, %dma_wait3A_852] : memref<2x8x128xi32, #tpu.memory_space<vmem>> -> memref<1x1x128xi32, #tpu.memory_space<vmem>>
    %dma_wait3A_854 = tpu.memref_squeeze %dma_wait3A_853 : memref<1x1x128xi32, #tpu.memory_space<vmem>> -> memref<128xi32, #tpu.memory_space<vmem>>
    %dma_wait3A_855 = arith.constant 0 : i32
    %dma_wait3A_856 = arith.constant 0 : i32
    %dma_wait3A_857 = tpu.memref_slice %arg5[%dma_wait3A_855, %dma_wait3A_856] : memref<10000x32xf32, #tpu.memory_space<vmem_shared>> -> memref<10000x32xf32, #tpu.memory_space<vmem_shared>>
    tpu.wait_indirect_dma semaphore(%arg8 : memref<!tpu.dma_semaphore, #tpu.memory_space<semaphore_mem>>) src(%dma_wait3A_857 : memref<10000x32xf32, #tpu.memory_space<vmem_shared>>) dst(%dma_wait3A_851 : memref<128x32xf32, #tpu.memory_space<vmem>>)
    %dma_wait3A_858 = arith.constant 1 : i32
    %dma_wait3A_859 = arith.constant 3 : i32
    %dma_wait3A_860 = arith.constant 1 : i32
    %dma_wait3A_861 = arith.constant 384 : i32
    %dma_wait3A_862 = arith.constant 0 : i32
    %dma_wait3A_863 = tpu.memref_slice %arg7[%dma_wait3A_860, %dma_wait3A_861, %dma_wait3A_862] : memref<2x1024x32xf32, #tpu.memory_space<vmem>> -> memref<1x128x32xf32, #tpu.memory_space<vmem>>
    %dma_wait3A_864 = tpu.memref_squeeze %dma_wait3A_863 : memref<1x128x32xf32, #tpu.memory_space<vmem>> -> memref<128x32xf32, #tpu.memory_space<vmem>>
    %dma_wait3A_865 = arith.constant 0 : i32
    %dma_wait3A_866 = tpu.memref_slice %arg6[%dma_wait3A_858, %dma_wait3A_859, %dma_wait3A_865] : memref<2x8x128xi32, #tpu.memory_space<vmem>> -> memref<1x1x128xi32, #tpu.memory_space<vmem>>
    %dma_wait3A_867 = tpu.memref_squeeze %dma_wait3A_866 : memref<1x1x128xi32, #tpu.memory_space<vmem>> -> memref<128xi32, #tpu.memory_space<vmem>>
    %dma_wait3A_868 = arith.constant 0 : i32
    %dma_wait3A_869 = arith.constant 0 : i32
    %dma_wait3A_870 = tpu.memref_slice %arg5[%dma_wait3A_868, %dma_wait3A_869] : memref<10000x32xf32, #tpu.memory_space<vmem_shared>> -> memref<10000x32xf32, #tpu.memory_space<vmem_shared>>
    tpu.wait_indirect_dma semaphore(%arg8 : memref<!tpu.dma_semaphore, #tpu.memory_space<semaphore_mem>>) src(%dma_wait3A_870 : memref<10000x32xf32, #tpu.memory_space<vmem_shared>>) dst(%dma_wait3A_864 : memref<128x32xf32, #tpu.memory_space<vmem>>)
    %dma_wait3A_871 = arith.constant 1 : i32
    %dma_wait3A_872 = arith.constant 4 : i32
    %dma_wait3A_873 = arith.constant 1 : i32
    %dma_wait3A_874 = arith.constant 512 : i32
    %dma_wait3A_875 = arith.constant 0 : i32
    %dma_wait3A_876 = tpu.memref_slice %arg7[%dma_wait3A_873, %dma_wait3A_874, %dma_wait3A_875] : memref<2x1024x32xf32, #tpu.memory_space<vmem>> -> memref<1x128x32xf32, #tpu.memory_space<vmem>>
    %dma_wait3A_877 = tpu.memref_squeeze %dma_wait3A_876 : memref<1x128x32xf32, #tpu.memory_space<vmem>> -> memref<128x32xf32, #tpu.memory_space<vmem>>
    %dma_wait3A_878 = arith.constant 0 : i32
    %dma_wait3A_879 = tpu.memref_slice %arg6[%dma_wait3A_871, %dma_wait3A_872, %dma_wait3A_878] : memref<2x8x128xi32, #tpu.memory_space<vmem>> -> memref<1x1x128xi32, #tpu.memory_space<vmem>>
    %dma_wait3A_880 = tpu.memref_squeeze %dma_wait3A_879 : memref<1x1x128xi32, #tpu.memory_space<vmem>> -> memref<128xi32, #tpu.memory_space<vmem>>
    %dma_wait3A_881 = arith.constant 0 : i32
    %dma_wait3A_882 = arith.constant 0 : i32
    %dma_wait3A_883 = tpu.memref_slice %arg5[%dma_wait3A_881, %dma_wait3A_882] : memref<10000x32xf32, #tpu.memory_space<vmem_shared>> -> memref<10000x32xf32, #tpu.memory_space<vmem_shared>>
    tpu.wait_indirect_dma semaphore(%arg8 : memref<!tpu.dma_semaphore, #tpu.memory_space<semaphore_mem>>) src(%dma_wait3A_883 : memref<10000x32xf32, #tpu.memory_space<vmem_shared>>) dst(%dma_wait3A_877 : memref<128x32xf32, #tpu.memory_space<vmem>>)
    %dma_wait3A_884 = arith.constant 1 : i32
    %dma_wait3A_885 = arith.constant 5 : i32
    %dma_wait3A_886 = arith.constant 1 : i32
    %dma_wait3A_887 = arith.constant 640 : i32
    %dma_wait3A_888 = arith.constant 0 : i32
    %dma_wait3A_889 = tpu.memref_slice %arg7[%dma_wait3A_886, %dma_wait3A_887, %dma_wait3A_888] : memref<2x1024x32xf32, #tpu.memory_space<vmem>> -> memref<1x128x32xf32, #tpu.memory_space<vmem>>
    %dma_wait3A_890 = tpu.memref_squeeze %dma_wait3A_889 : memref<1x128x32xf32, #tpu.memory_space<vmem>> -> memref<128x32xf32, #tpu.memory_space<vmem>>
    %dma_wait3A_891 = arith.constant 0 : i32
    %dma_wait3A_892 = tpu.memref_slice %arg6[%dma_wait3A_884, %dma_wait3A_885, %dma_wait3A_891] : memref<2x8x128xi32, #tpu.memory_space<vmem>> -> memref<1x1x128xi32, #tpu.memory_space<vmem>>
    %dma_wait3A_893 = tpu.memref_squeeze %dma_wait3A_892 : memref<1x1x128xi32, #tpu.memory_space<vmem>> -> memref<128xi32, #tpu.memory_space<vmem>>
    %dma_wait3A_894 = arith.constant 0 : i32
    %dma_wait3A_895 = arith.constant 0 : i32
    %dma_wait3A_896 = tpu.memref_slice %arg5[%dma_wait3A_894, %dma_wait3A_895] : memref<10000x32xf32, #tpu.memory_space<vmem_shared>> -> memref<10000x32xf32, #tpu.memory_space<vmem_shared>>
    tpu.wait_indirect_dma semaphore(%arg8 : memref<!tpu.dma_semaphore, #tpu.memory_space<semaphore_mem>>) src(%dma_wait3A_896 : memref<10000x32xf32, #tpu.memory_space<vmem_shared>>) dst(%dma_wait3A_890 : memref<128x32xf32, #tpu.memory_space<vmem>>)
    %dma_wait3A_897 = arith.constant 1 : i32
    %dma_wait3A_898 = arith.constant 6 : i32
    %dma_wait3A_899 = arith.constant 1 : i32
    %dma_wait3A_900 = arith.constant 768 : i32
    %dma_wait3A_901 = arith.constant 0 : i32
    %dma_wait3A_902 = tpu.memref_slice %arg7[%dma_wait3A_899, %dma_wait3A_900, %dma_wait3A_901] : memref<2x1024x32xf32, #tpu.memory_space<vmem>> -> memref<1x128x32xf32, #tpu.memory_space<vmem>>
    %dma_wait3A_903 = tpu.memref_squeeze %dma_wait3A_902 : memref<1x128x32xf32, #tpu.memory_space<vmem>> -> memref<128x32xf32, #tpu.memory_space<vmem>>
    %dma_wait3A_904 = arith.constant 0 : i32
    %dma_wait3A_905 = tpu.memref_slice %arg6[%dma_wait3A_897, %dma_wait3A_898, %dma_wait3A_904] : memref<2x8x128xi32, #tpu.memory_space<vmem>> -> memref<1x1x128xi32, #tpu.memory_space<vmem>>
    %dma_wait3A_906 = tpu.memref_squeeze %dma_wait3A_905 : memref<1x1x128xi32, #tpu.memory_space<vmem>> -> memref<128xi32, #tpu.memory_space<vmem>>
    %dma_wait3A_907 = arith.constant 0 : i32
    %dma_wait3A_908 = arith.constant 0 : i32
    %dma_wait3A_909 = tpu.memref_slice %arg5[%dma_wait3A_907, %dma_wait3A_908] : memref<10000x32xf32, #tpu.memory_space<vmem_shared>> -> memref<10000x32xf32, #tpu.memory_space<vmem_shared>>
    tpu.wait_indirect_dma semaphore(%arg8 : memref<!tpu.dma_semaphore, #tpu.memory_space<semaphore_mem>>) src(%dma_wait3A_909 : memref<10000x32xf32, #tpu.memory_space<vmem_shared>>) dst(%dma_wait3A_903 : memref<128x32xf32, #tpu.memory_space<vmem>>)
    %dma_wait3A_910 = arith.constant 1 : i32
    %dma_wait3A_911 = arith.constant 7 : i32
    %dma_wait3A_912 = arith.constant 1 : i32
    %dma_wait3A_913 = arith.constant 896 : i32
    %dma_wait3A_914 = arith.constant 0 : i32
    %dma_wait3A_915 = tpu.memref_slice %arg7[%dma_wait3A_912, %dma_wait3A_913, %dma_wait3A_914] : memref<2x1024x32xf32, #tpu.memory_space<vmem>> -> memref<1x128x32xf32, #tpu.memory_space<vmem>>
    %dma_wait3A_916 = tpu.memref_squeeze %dma_wait3A_915 : memref<1x128x32xf32, #tpu.memory_space<vmem>> -> memref<128x32xf32, #tpu.memory_space<vmem>>
    %dma_wait3A_917 = arith.constant 0 : i32
    %dma_wait3A_918 = tpu.memref_slice %arg6[%dma_wait3A_910, %dma_wait3A_911, %dma_wait3A_917] : memref<2x8x128xi32, #tpu.memory_space<vmem>> -> memref<1x1x128xi32, #tpu.memory_space<vmem>>
    %dma_wait3A_919 = tpu.memref_squeeze %dma_wait3A_918 : memref<1x1x128xi32, #tpu.memory_space<vmem>> -> memref<128xi32, #tpu.memory_space<vmem>>
    %dma_wait3A_920 = arith.constant 0 : i32
    %dma_wait3A_921 = arith.constant 0 : i32
    %dma_wait3A_922 = tpu.memref_slice %arg5[%dma_wait3A_920, %dma_wait3A_921] : memref<10000x32xf32, #tpu.memory_space<vmem_shared>> -> memref<10000x32xf32, #tpu.memory_space<vmem_shared>>
    tpu.wait_indirect_dma semaphore(%arg8 : memref<!tpu.dma_semaphore, #tpu.memory_space<semaphore_mem>>) src(%dma_wait3A_922 : memref<10000x32xf32, #tpu.memory_space<vmem_shared>>) dst(%dma_wait3A_916 : memref<128x32xf32, #tpu.memory_space<vmem>>)
    %mul3A_923 = arith.constant 128 : i32
    %mul3A_924 = arith.muli %add3A_700, %mul3A_923 : i32
    %dma_start3A_925 = arith.constant 1 : i32
    %dma_start3A_926 = arith.constant 0 : i32
    %dma_start3A_927 = arith.constant 0 : i32
    %dma_start3A_928 = tpu.memref_slice %arg7[%dma_start3A_925, %dma_start3A_926, %dma_start3A_927] : memref<2x1024x32xf32, #tpu.memory_space<vmem>> -> memref<1x1024x32xf32, #tpu.memory_space<vmem>>
    %dma_start3A_929 = tpu.memref_squeeze %dma_start3A_928 : memref<1x1024x32xf32, #tpu.memory_space<vmem>> -> memref<1024x32xf32, #tpu.memory_space<vmem>>
    %dma_start3A_930 = arith.constant 0 : i32
    %dma_start3A_931 = tpu.memref_slice %arg4[%mul3A_924, %dma_start3A_930] : memref<163840x128xf32, #tpu.memory_space<hbm>> -> memref<1024x32xf32, #tpu.memory_space<hbm>>
    %dma_start3A_932 = arith.constant 0 : i32
    %dma_start3A_933 = tpu.memref_slice %arg4[%mul3A_924, %dma_start3A_932] : memref<163840x128xf32, #tpu.memory_space<hbm>> -> memref<1024x32xf32, #tpu.memory_space<hbm>>
    %dma_start3A_934 = arith.constant 0 : i32
    %dma_start3A_935 = arith.constant 0 : i32
    %dma_start3A_936 = tpu.memref_slice %arg7[%dma_start3A_925, %dma_start3A_934, %dma_start3A_935] : memref<2x1024x32xf32, #tpu.memory_space<vmem>> -> memref<1x1024x32xf32, #tpu.memory_space<vmem>>
    %dma_start3A_937 = tpu.memref_squeeze %dma_start3A_936 : memref<1x1024x32xf32, #tpu.memory_space<vmem>> -> memref<1024x32xf32, #tpu.memory_space<vmem>>
    tpu.enqueue_dma source(%dma_start3A_937 : memref<1024x32xf32, #tpu.memory_space<vmem>>) target(%dma_start3A_933 : memref<1024x32xf32, #tpu.memory_space<hbm>>) target_semaphore(%arg9 : memref<!tpu.dma_semaphore, #tpu.memory_space<semaphore_mem>>)
    %mul3A_938 = arith.constant 40 : i32
    %mul3A_939 = arith.muli %add3A, %mul3A_938 : i32
    %add3A_940 = arith.constant 32 : i32
    %add3A_941 = arith.addi %mul3A_939, %add3A_940 : i32
    %run_scoped3A_942 = arith.constant 0 : i32
    "tpu.region"() ({
      %run_scoped3A_1205 = tpu.sem_alloc : memref<!tpu.dma_semaphore, #tpu.memory_space<semaphore_mem>>
      %dma_start3A_1206 = arith.constant 0 : i32
      %dma_start3A_1207 = arith.constant 0 : i32
      %dma_start3A_1208 = tpu.memref_slice %arg6[%run_scoped3A_942, %dma_start3A_1206, %dma_start3A_1207] : memref<2x8x128xi32, #tpu.memory_space<vmem>> -> memref<1x8x128xi32, #tpu.memory_space<vmem>>
      %dma_start3A_1209 = tpu.memref_squeeze %dma_start3A_1208 : memref<1x8x128xi32, #tpu.memory_space<vmem>> -> memref<8x128xi32, #tpu.memory_space<vmem>>
      %dma_start3A_1210 = arith.constant 0 : i32
      %dma_start3A_1211 = tpu.memref_slice %arg3[%add3A_941, %dma_start3A_1210] : memref<1280x128xi32, #tpu.memory_space<hbm>> -> memref<8x128xi32, #tpu.memory_space<hbm>>
      %dma_start3A_1212 = arith.constant 0 : i32
      %dma_start3A_1213 = arith.constant 0 : i32
      %dma_start3A_1214 = tpu.memref_slice %arg6[%run_scoped3A_942, %dma_start3A_1212, %dma_start3A_1213] : memref<2x8x128xi32, #tpu.memory_space<vmem>> -> memref<1x8x128xi32, #tpu.memory_space<vmem>>
      %dma_start3A_1215 = tpu.memref_squeeze %dma_start3A_1214 : memref<1x8x128xi32, #tpu.memory_space<vmem>> -> memref<8x128xi32, #tpu.memory_space<vmem>>
      %dma_start3A_1216 = arith.constant 0 : i32
      %dma_start3A_1217 = tpu.memref_slice %arg3[%add3A_941, %dma_start3A_1216] : memref<1280x128xi32, #tpu.memory_space<hbm>> -> memref<8x128xi32, #tpu.memory_space<hbm>>
      tpu.enqueue_dma source(%dma_start3A_1217 : memref<8x128xi32, #tpu.memory_space<hbm>>) target(%dma_start3A_1215 : memref<8x128xi32, #tpu.memory_space<vmem>>) target_semaphore(%run_scoped3A_1205 : memref<!tpu.dma_semaphore, #tpu.memory_space<semaphore_mem>>)
      %dma_wait3A_1218 = arith.constant 0 : i32
      %dma_wait3A_1219 = arith.constant 0 : i32
      %dma_wait3A_1220 = tpu.memref_slice %arg6[%run_scoped3A_942, %dma_wait3A_1218, %dma_wait3A_1219] : memref<2x8x128xi32, #tpu.memory_space<vmem>> -> memref<1x8x128xi32, #tpu.memory_space<vmem>>
      %dma_wait3A_1221 = tpu.memref_squeeze %dma_wait3A_1220 : memref<1x8x128xi32, #tpu.memory_space<vmem>> -> memref<8x128xi32, #tpu.memory_space<vmem>>
      %dma_wait3A_1222 = arith.constant 0 : i32
      %dma_wait3A_1223 = tpu.memref_slice %arg3[%add3A_941, %dma_wait3A_1222] : memref<1280x128xi32, #tpu.memory_space<hbm>> -> memref<8x128xi32, #tpu.memory_space<hbm>>
      %dma_wait3A_1224 = arith.constant 0 : i32
      %dma_wait3A_1225 = arith.constant 0 : i32
      %dma_wait3A_1226 = tpu.memref_slice %arg6[%run_scoped3A_942, %dma_wait3A_1224, %dma_wait3A_1225] : memref<2x8x128xi32, #tpu.memory_space<vmem>> -> memref<1x8x128xi32, #tpu.memory_space<vmem>>
      %dma_wait3A_1227 = tpu.memref_squeeze %dma_wait3A_1226 : memref<1x8x128xi32, #tpu.memory_space<vmem>> -> memref<8x128xi32, #tpu.memory_space<vmem>>
      %dma_wait3A_1228 = arith.constant 0 : i32
      %dma_wait3A_1229 = tpu.memref_slice %arg3[%add3A_941, %dma_wait3A_1228] : memref<1280x128xi32, #tpu.memory_space<hbm>> -> memref<8x128xi32, #tpu.memory_space<hbm>>
      tpu.wait_dma2 semaphore(%run_scoped3A_1205 : memref<!tpu.dma_semaphore, #tpu.memory_space<semaphore_mem>>) src(%dma_wait3A_1229 : memref<8x128xi32, #tpu.memory_space<hbm>>) dst(%dma_wait3A_1227 : memref<8x128xi32, #tpu.memory_space<vmem>>)
      tpu.yield
    }) : () -> ()
    %dma_wait3A_943 = arith.constant 0 : i32
    %dma_wait3A_944 = arith.constant 0 : i32
    %dma_wait3A_945 = arith.constant 0 : i32
    %dma_wait3A_946 = tpu.memref_slice %arg7[%dma_wait3A_943, %dma_wait3A_944, %dma_wait3A_945] : memref<2x1024x32xf32, #tpu.memory_space<vmem>> -> memref<1x1024x32xf32, #tpu.memory_space<vmem>>
    %dma_wait3A_947 = tpu.memref_squeeze %dma_wait3A_946 : memref<1x1024x32xf32, #tpu.memory_space<vmem>> -> memref<1024x32xf32, #tpu.memory_space<vmem>>
    %dma_wait3A_948 = arith.constant 0 : i32
    %dma_wait3A_949 = tpu.memref_slice %arg4[%mul3A_683, %dma_wait3A_948] : memref<163840x128xf32, #tpu.memory_space<hbm>> -> memref<1024x32xf32, #tpu.memory_space<hbm>>
    %dma_wait3A_950 = arith.constant 0 : i32
    %dma_wait3A_951 = tpu.memref_slice %arg4[%mul3A_683, %dma_wait3A_950] : memref<163840x128xf32, #tpu.memory_space<hbm>> -> memref<1024x32xf32, #tpu.memory_space<hbm>>
    %dma_wait3A_952 = arith.constant 0 : i32
    %dma_wait3A_953 = arith.constant 0 : i32
    %dma_wait3A_954 = tpu.memref_slice %arg7[%dma_wait3A_943, %dma_wait3A_952, %dma_wait3A_953] : memref<2x1024x32xf32, #tpu.memory_space<vmem>> -> memref<1x1024x32xf32, #tpu.memory_space<vmem>>
    %dma_wait3A_955 = tpu.memref_squeeze %dma_wait3A_954 : memref<1x1024x32xf32, #tpu.memory_space<vmem>> -> memref<1024x32xf32, #tpu.memory_space<vmem>>
    tpu.wait_dma2 semaphore(%arg9 : memref<!tpu.dma_semaphore, #tpu.memory_space<semaphore_mem>>) src(%dma_wait3A_955 : memref<1024x32xf32, #tpu.memory_space<vmem>>) dst(%dma_wait3A_951 : memref<1024x32xf32, #tpu.memory_space<hbm>>)
    %dma_start3A_956 = arith.constant 0 : i32
    %dma_start3A_957 = arith.constant 0 : i32
    %dma_start3A_958 = arith.constant 0 : i32
    %dma_start3A_959 = arith.constant 0 : i32
    %dma_start3A_960 = arith.constant 0 : i32
    %dma_start3A_961 = tpu.memref_slice %arg7[%dma_start3A_958, %dma_start3A_959, %dma_start3A_960] : memref<2x1024x32xf32, #tpu.memory_space<vmem>> -> memref<1x128x32xf32, #tpu.memory_space<vmem>>
    %dma_start3A_962 = tpu.memref_squeeze %dma_start3A_961 : memref<1x128x32xf32, #tpu.memory_space<vmem>> -> memref<128x32xf32, #tpu.memory_space<vmem>>
    %dma_start3A_963 = arith.constant 0 : i32
    %dma_start3A_964 = tpu.memref_slice %arg6[%dma_start3A_956, %dma_start3A_957, %dma_start3A_963] : memref<2x8x128xi32, #tpu.memory_space<vmem>> -> memref<1x1x128xi32, #tpu.memory_space<vmem>>
    %dma_start3A_965 = tpu.memref_squeeze %dma_start3A_964 : memref<1x1x128xi32, #tpu.memory_space<vmem>> -> memref<128xi32, #tpu.memory_space<vmem>>
    %dma_start3A_966 = arith.constant 0 : i32
    %dma_start3A_967 = arith.constant 0 : i32
    %dma_start3A_968 = tpu.memref_slice %arg5[%dma_start3A_966, %dma_start3A_967] : memref<10000x32xf32, #tpu.memory_space<vmem_shared>> -> memref<10000x32xf32, #tpu.memory_space<vmem_shared>>
    tpu.enqueue_indirect_dma source(%dma_start3A_968 : memref<10000x32xf32, #tpu.memory_space<vmem_shared>>) target(%dma_start3A_962 : memref<128x32xf32, #tpu.memory_space<vmem>>) offsets(%dma_start3A_965 : memref<128xi32, #tpu.memory_space<vmem>>) semaphore(%arg8 : memref<!tpu.dma_semaphore, #tpu.memory_space<semaphore_mem>>)
    %dma_start3A_969 = arith.constant 0 : i32
    %dma_start3A_970 = arith.constant 1 : i32
    %dma_start3A_971 = arith.constant 0 : i32
    %dma_start3A_972 = arith.constant 128 : i32
    %dma_start3A_973 = arith.constant 0 : i32
    %dma_start3A_974 = tpu.memref_slice %arg7[%dma_start3A_971, %dma_start3A_972, %dma_start3A_973] : memref<2x1024x32xf32, #tpu.memory_space<vmem>> -> memref<1x128x32xf32, #tpu.memory_space<vmem>>
    %dma_start3A_975 = tpu.memref_squeeze %dma_start3A_974 : memref<1x128x32xf32, #tpu.memory_space<vmem>> -> memref<128x32xf32, #tpu.memory_space<vmem>>
    %dma_start3A_976 = arith.constant 0 : i32
    %dma_start3A_977 = tpu.memref_slice %arg6[%dma_start3A_969, %dma_start3A_970, %dma_start3A_976] : memref<2x8x128xi32, #tpu.memory_space<vmem>> -> memref<1x1x128xi32, #tpu.memory_space<vmem>>
    %dma_start3A_978 = tpu.memref_squeeze %dma_start3A_977 : memref<1x1x128xi32, #tpu.memory_space<vmem>> -> memref<128xi32, #tpu.memory_space<vmem>>
    %dma_start3A_979 = arith.constant 0 : i32
    %dma_start3A_980 = arith.constant 0 : i32
    %dma_start3A_981 = tpu.memref_slice %arg5[%dma_start3A_979, %dma_start3A_980] : memref<10000x32xf32, #tpu.memory_space<vmem_shared>> -> memref<10000x32xf32, #tpu.memory_space<vmem_shared>>
    tpu.enqueue_indirect_dma source(%dma_start3A_981 : memref<10000x32xf32, #tpu.memory_space<vmem_shared>>) target(%dma_start3A_975 : memref<128x32xf32, #tpu.memory_space<vmem>>) offsets(%dma_start3A_978 : memref<128xi32, #tpu.memory_space<vmem>>) semaphore(%arg8 : memref<!tpu.dma_semaphore, #tpu.memory_space<semaphore_mem>>)
    %dma_start3A_982 = arith.constant 0 : i32
    %dma_start3A_983 = arith.constant 2 : i32
    %dma_start3A_984 = arith.constant 0 : i32
    %dma_start3A_985 = arith.constant 256 : i32
    %dma_start3A_986 = arith.constant 0 : i32
    %dma_start3A_987 = tpu.memref_slice %arg7[%dma_start3A_984, %dma_start3A_985, %dma_start3A_986] : memref<2x1024x32xf32, #tpu.memory_space<vmem>> -> memref<1x128x32xf32, #tpu.memory_space<vmem>>
    %dma_start3A_988 = tpu.memref_squeeze %dma_start3A_987 : memref<1x128x32xf32, #tpu.memory_space<vmem>> -> memref<128x32xf32, #tpu.memory_space<vmem>>
    %dma_start3A_989 = arith.constant 0 : i32
    %dma_start3A_990 = tpu.memref_slice %arg6[%dma_start3A_982, %dma_start3A_983, %dma_start3A_989] : memref<2x8x128xi32, #tpu.memory_space<vmem>> -> memref<1x1x128xi32, #tpu.memory_space<vmem>>
    %dma_start3A_991 = tpu.memref_squeeze %dma_start3A_990 : memref<1x1x128xi32, #tpu.memory_space<vmem>> -> memref<128xi32, #tpu.memory_space<vmem>>
    %dma_start3A_992 = arith.constant 0 : i32
    %dma_start3A_993 = arith.constant 0 : i32
    %dma_start3A_994 = tpu.memref_slice %arg5[%dma_start3A_992, %dma_start3A_993] : memref<10000x32xf32, #tpu.memory_space<vmem_shared>> -> memref<10000x32xf32, #tpu.memory_space<vmem_shared>>
    tpu.enqueue_indirect_dma source(%dma_start3A_994 : memref<10000x32xf32, #tpu.memory_space<vmem_shared>>) target(%dma_start3A_988 : memref<128x32xf32, #tpu.memory_space<vmem>>) offsets(%dma_start3A_991 : memref<128xi32, #tpu.memory_space<vmem>>) semaphore(%arg8 : memref<!tpu.dma_semaphore, #tpu.memory_space<semaphore_mem>>)
    %dma_start3A_995 = arith.constant 0 : i32
    %dma_start3A_996 = arith.constant 3 : i32
    %dma_start3A_997 = arith.constant 0 : i32
    %dma_start3A_998 = arith.constant 384 : i32
    %dma_start3A_999 = arith.constant 0 : i32
    %dma_start3A_1000 = tpu.memref_slice %arg7[%dma_start3A_997, %dma_start3A_998, %dma_start3A_999] : memref<2x1024x32xf32, #tpu.memory_space<vmem>> -> memref<1x128x32xf32, #tpu.memory_space<vmem>>
    %dma_start3A_1001 = tpu.memref_squeeze %dma_start3A_1000 : memref<1x128x32xf32, #tpu.memory_space<vmem>> -> memref<128x32xf32, #tpu.memory_space<vmem>>
    %dma_start3A_1002 = arith.constant 0 : i32
    %dma_start3A_1003 = tpu.memref_slice %arg6[%dma_start3A_995, %dma_start3A_996, %dma_start3A_1002] : memref<2x8x128xi32, #tpu.memory_space<vmem>> -> memref<1x1x128xi32, #tpu.memory_space<vmem>>
    %dma_start3A_1004 = tpu.memref_squeeze %dma_start3A_1003 : memref<1x1x128xi32, #tpu.memory_space<vmem>> -> memref<128xi32, #tpu.memory_space<vmem>>
    %dma_start3A_1005 = arith.constant 0 : i32
    %dma_start3A_1006 = arith.constant 0 : i32
    %dma_start3A_1007 = tpu.memref_slice %arg5[%dma_start3A_1005, %dma_start3A_1006] : memref<10000x32xf32, #tpu.memory_space<vmem_shared>> -> memref<10000x32xf32, #tpu.memory_space<vmem_shared>>
    tpu.enqueue_indirect_dma source(%dma_start3A_1007 : memref<10000x32xf32, #tpu.memory_space<vmem_shared>>) target(%dma_start3A_1001 : memref<128x32xf32, #tpu.memory_space<vmem>>) offsets(%dma_start3A_1004 : memref<128xi32, #tpu.memory_space<vmem>>) semaphore(%arg8 : memref<!tpu.dma_semaphore, #tpu.memory_space<semaphore_mem>>)
    %dma_start3A_1008 = arith.constant 0 : i32
    %dma_start3A_1009 = arith.constant 4 : i32
    %dma_start3A_1010 = arith.constant 0 : i32
    %dma_start3A_1011 = arith.constant 512 : i32
    %dma_start3A_1012 = arith.constant 0 : i32
    %dma_start3A_1013 = tpu.memref_slice %arg7[%dma_start3A_1010, %dma_start3A_1011, %dma_start3A_1012] : memref<2x1024x32xf32, #tpu.memory_space<vmem>> -> memref<1x128x32xf32, #tpu.memory_space<vmem>>
    %dma_start3A_1014 = tpu.memref_squeeze %dma_start3A_1013 : memref<1x128x32xf32, #tpu.memory_space<vmem>> -> memref<128x32xf32, #tpu.memory_space<vmem>>
    %dma_start3A_1015 = arith.constant 0 : i32
    %dma_start3A_1016 = tpu.memref_slice %arg6[%dma_start3A_1008, %dma_start3A_1009, %dma_start3A_1015] : memref<2x8x128xi32, #tpu.memory_space<vmem>> -> memref<1x1x128xi32, #tpu.memory_space<vmem>>
    %dma_start3A_1017 = tpu.memref_squeeze %dma_start3A_1016 : memref<1x1x128xi32, #tpu.memory_space<vmem>> -> memref<128xi32, #tpu.memory_space<vmem>>
    %dma_start3A_1018 = arith.constant 0 : i32
    %dma_start3A_1019 = arith.constant 0 : i32
    %dma_start3A_1020 = tpu.memref_slice %arg5[%dma_start3A_1018, %dma_start3A_1019] : memref<10000x32xf32, #tpu.memory_space<vmem_shared>> -> memref<10000x32xf32, #tpu.memory_space<vmem_shared>>
    tpu.enqueue_indirect_dma source(%dma_start3A_1020 : memref<10000x32xf32, #tpu.memory_space<vmem_shared>>) target(%dma_start3A_1014 : memref<128x32xf32, #tpu.memory_space<vmem>>) offsets(%dma_start3A_1017 : memref<128xi32, #tpu.memory_space<vmem>>) semaphore(%arg8 : memref<!tpu.dma_semaphore, #tpu.memory_space<semaphore_mem>>)
    %dma_start3A_1021 = arith.constant 0 : i32
    %dma_start3A_1022 = arith.constant 5 : i32
    %dma_start3A_1023 = arith.constant 0 : i32
    %dma_start3A_1024 = arith.constant 640 : i32
    %dma_start3A_1025 = arith.constant 0 : i32
    %dma_start3A_1026 = tpu.memref_slice %arg7[%dma_start3A_1023, %dma_start3A_1024, %dma_start3A_1025] : memref<2x1024x32xf32, #tpu.memory_space<vmem>> -> memref<1x128x32xf32, #tpu.memory_space<vmem>>
    %dma_start3A_1027 = tpu.memref_squeeze %dma_start3A_1026 : memref<1x128x32xf32, #tpu.memory_space<vmem>> -> memref<128x32xf32, #tpu.memory_space<vmem>>
    %dma_start3A_1028 = arith.constant 0 : i32
    %dma_start3A_1029 = tpu.memref_slice %arg6[%dma_start3A_1021, %dma_start3A_1022, %dma_start3A_1028] : memref<2x8x128xi32, #tpu.memory_space<vmem>> -> memref<1x1x128xi32, #tpu.memory_space<vmem>>
    %dma_start3A_1030 = tpu.memref_squeeze %dma_start3A_1029 : memref<1x1x128xi32, #tpu.memory_space<vmem>> -> memref<128xi32, #tpu.memory_space<vmem>>
    %dma_start3A_1031 = arith.constant 0 : i32
    %dma_start3A_1032 = arith.constant 0 : i32
    %dma_start3A_1033 = tpu.memref_slice %arg5[%dma_start3A_1031, %dma_start3A_1032] : memref<10000x32xf32, #tpu.memory_space<vmem_shared>> -> memref<10000x32xf32, #tpu.memory_space<vmem_shared>>
    tpu.enqueue_indirect_dma source(%dma_start3A_1033 : memref<10000x32xf32, #tpu.memory_space<vmem_shared>>) target(%dma_start3A_1027 : memref<128x32xf32, #tpu.memory_space<vmem>>) offsets(%dma_start3A_1030 : memref<128xi32, #tpu.memory_space<vmem>>) semaphore(%arg8 : memref<!tpu.dma_semaphore, #tpu.memory_space<semaphore_mem>>)
    %dma_start3A_1034 = arith.constant 0 : i32
    %dma_start3A_1035 = arith.constant 6 : i32
    %dma_start3A_1036 = arith.constant 0 : i32
    %dma_start3A_1037 = arith.constant 768 : i32
    %dma_start3A_1038 = arith.constant 0 : i32
    %dma_start3A_1039 = tpu.memref_slice %arg7[%dma_start3A_1036, %dma_start3A_1037, %dma_start3A_1038] : memref<2x1024x32xf32, #tpu.memory_space<vmem>> -> memref<1x128x32xf32, #tpu.memory_space<vmem>>
    %dma_start3A_1040 = tpu.memref_squeeze %dma_start3A_1039 : memref<1x128x32xf32, #tpu.memory_space<vmem>> -> memref<128x32xf32, #tpu.memory_space<vmem>>
    %dma_start3A_1041 = arith.constant 0 : i32
    %dma_start3A_1042 = tpu.memref_slice %arg6[%dma_start3A_1034, %dma_start3A_1035, %dma_start3A_1041] : memref<2x8x128xi32, #tpu.memory_space<vmem>> -> memref<1x1x128xi32, #tpu.memory_space<vmem>>
    %dma_start3A_1043 = tpu.memref_squeeze %dma_start3A_1042 : memref<1x1x128xi32, #tpu.memory_space<vmem>> -> memref<128xi32, #tpu.memory_space<vmem>>
    %dma_start3A_1044 = arith.constant 0 : i32
    %dma_start3A_1045 = arith.constant 0 : i32
    %dma_start3A_1046 = tpu.memref_slice %arg5[%dma_start3A_1044, %dma_start3A_1045] : memref<10000x32xf32, #tpu.memory_space<vmem_shared>> -> memref<10000x32xf32, #tpu.memory_space<vmem_shared>>
    tpu.enqueue_indirect_dma source(%dma_start3A_1046 : memref<10000x32xf32, #tpu.memory_space<vmem_shared>>) target(%dma_start3A_1040 : memref<128x32xf32, #tpu.memory_space<vmem>>) offsets(%dma_start3A_1043 : memref<128xi32, #tpu.memory_space<vmem>>) semaphore(%arg8 : memref<!tpu.dma_semaphore, #tpu.memory_space<semaphore_mem>>)
    %dma_start3A_1047 = arith.constant 0 : i32
    %dma_start3A_1048 = arith.constant 7 : i32
    %dma_start3A_1049 = arith.constant 0 : i32
    %dma_start3A_1050 = arith.constant 896 : i32
    %dma_start3A_1051 = arith.constant 0 : i32
    %dma_start3A_1052 = tpu.memref_slice %arg7[%dma_start3A_1049, %dma_start3A_1050, %dma_start3A_1051] : memref<2x1024x32xf32, #tpu.memory_space<vmem>> -> memref<1x128x32xf32, #tpu.memory_space<vmem>>
    %dma_start3A_1053 = tpu.memref_squeeze %dma_start3A_1052 : memref<1x128x32xf32, #tpu.memory_space<vmem>> -> memref<128x32xf32, #tpu.memory_space<vmem>>
    %dma_start3A_1054 = arith.constant 0 : i32
    %dma_start3A_1055 = tpu.memref_slice %arg6[%dma_start3A_1047, %dma_start3A_1048, %dma_start3A_1054] : memref<2x8x128xi32, #tpu.memory_space<vmem>> -> memref<1x1x128xi32, #tpu.memory_space<vmem>>
    %dma_start3A_1056 = tpu.memref_squeeze %dma_start3A_1055 : memref<1x1x128xi32, #tpu.memory_space<vmem>> -> memref<128xi32, #tpu.memory_space<vmem>>
    %dma_start3A_1057 = arith.constant 0 : i32
    %dma_start3A_1058 = arith.constant 0 : i32
    %dma_start3A_1059 = tpu.memref_slice %arg5[%dma_start3A_1057, %dma_start3A_1058] : memref<10000x32xf32, #tpu.memory_space<vmem_shared>> -> memref<10000x32xf32, #tpu.memory_space<vmem_shared>>
    tpu.enqueue_indirect_dma source(%dma_start3A_1059 : memref<10000x32xf32, #tpu.memory_space<vmem_shared>>) target(%dma_start3A_1053 : memref<128x32xf32, #tpu.memory_space<vmem>>) offsets(%dma_start3A_1056 : memref<128xi32, #tpu.memory_space<vmem>>) semaphore(%arg8 : memref<!tpu.dma_semaphore, #tpu.memory_space<semaphore_mem>>)
    %dma_wait3A_1060 = arith.constant 0 : i32
    %dma_wait3A_1061 = arith.constant 0 : i32
    %dma_wait3A_1062 = arith.constant 0 : i32
    %dma_wait3A_1063 = arith.constant 0 : i32
    %dma_wait3A_1064 = arith.constant 0 : i32
    %dma_wait3A_1065 = tpu.memref_slice %arg7[%dma_wait3A_1062, %dma_wait3A_1063, %dma_wait3A_1064] : memref<2x1024x32xf32, #tpu.memory_space<vmem>> -> memref<1x128x32xf32, #tpu.memory_space<vmem>>
    %dma_wait3A_1066 = tpu.memref_squeeze %dma_wait3A_1065 : memref<1x128x32xf32, #tpu.memory_space<vmem>> -> memref<128x32xf32, #tpu.memory_space<vmem>>
    %dma_wait3A_1067 = arith.constant 0 : i32
    %dma_wait3A_1068 = tpu.memref_slice %arg6[%dma_wait3A_1060, %dma_wait3A_1061, %dma_wait3A_1067] : memref<2x8x128xi32, #tpu.memory_space<vmem>> -> memref<1x1x128xi32, #tpu.memory_space<vmem>>
    %dma_wait3A_1069 = tpu.memref_squeeze %dma_wait3A_1068 : memref<1x1x128xi32, #tpu.memory_space<vmem>> -> memref<128xi32, #tpu.memory_space<vmem>>
    %dma_wait3A_1070 = arith.constant 0 : i32
    %dma_wait3A_1071 = arith.constant 0 : i32
    %dma_wait3A_1072 = tpu.memref_slice %arg5[%dma_wait3A_1070, %dma_wait3A_1071] : memref<10000x32xf32, #tpu.memory_space<vmem_shared>> -> memref<10000x32xf32, #tpu.memory_space<vmem_shared>>
    tpu.wait_indirect_dma semaphore(%arg8 : memref<!tpu.dma_semaphore, #tpu.memory_space<semaphore_mem>>) src(%dma_wait3A_1072 : memref<10000x32xf32, #tpu.memory_space<vmem_shared>>) dst(%dma_wait3A_1066 : memref<128x32xf32, #tpu.memory_space<vmem>>)
    %dma_wait3A_1073 = arith.constant 0 : i32
    %dma_wait3A_1074 = arith.constant 1 : i32
    %dma_wait3A_1075 = arith.constant 0 : i32
    %dma_wait3A_1076 = arith.constant 128 : i32
    %dma_wait3A_1077 = arith.constant 0 : i32
    %dma_wait3A_1078 = tpu.memref_slice %arg7[%dma_wait3A_1075, %dma_wait3A_1076, %dma_wait3A_1077] : memref<2x1024x32xf32, #tpu.memory_space<vmem>> -> memref<1x128x32xf32, #tpu.memory_space<vmem>>
    %dma_wait3A_1079 = tpu.memref_squeeze %dma_wait3A_1078 : memref<1x128x32xf32, #tpu.memory_space<vmem>> -> memref<128x32xf32, #tpu.memory_space<vmem>>
    %dma_wait3A_1080 = arith.constant 0 : i32
    %dma_wait3A_1081 = tpu.memref_slice %arg6[%dma_wait3A_1073, %dma_wait3A_1074, %dma_wait3A_1080] : memref<2x8x128xi32, #tpu.memory_space<vmem>> -> memref<1x1x128xi32, #tpu.memory_space<vmem>>
    %dma_wait3A_1082 = tpu.memref_squeeze %dma_wait3A_1081 : memref<1x1x128xi32, #tpu.memory_space<vmem>> -> memref<128xi32, #tpu.memory_space<vmem>>
    %dma_wait3A_1083 = arith.constant 0 : i32
    %dma_wait3A_1084 = arith.constant 0 : i32
    %dma_wait3A_1085 = tpu.memref_slice %arg5[%dma_wait3A_1083, %dma_wait3A_1084] : memref<10000x32xf32, #tpu.memory_space<vmem_shared>> -> memref<10000x32xf32, #tpu.memory_space<vmem_shared>>
    tpu.wait_indirect_dma semaphore(%arg8 : memref<!tpu.dma_semaphore, #tpu.memory_space<semaphore_mem>>) src(%dma_wait3A_1085 : memref<10000x32xf32, #tpu.memory_space<vmem_shared>>) dst(%dma_wait3A_1079 : memref<128x32xf32, #tpu.memory_space<vmem>>)
    %dma_wait3A_1086 = arith.constant 0 : i32
    %dma_wait3A_1087 = arith.constant 2 : i32
    %dma_wait3A_1088 = arith.constant 0 : i32
    %dma_wait3A_1089 = arith.constant 256 : i32
    %dma_wait3A_1090 = arith.constant 0 : i32
    %dma_wait3A_1091 = tpu.memref_slice %arg7[%dma_wait3A_1088, %dma_wait3A_1089, %dma_wait3A_1090] : memref<2x1024x32xf32, #tpu.memory_space<vmem>> -> memref<1x128x32xf32, #tpu.memory_space<vmem>>
    %dma_wait3A_1092 = tpu.memref_squeeze %dma_wait3A_1091 : memref<1x128x32xf32, #tpu.memory_space<vmem>> -> memref<128x32xf32, #tpu.memory_space<vmem>>
    %dma_wait3A_1093 = arith.constant 0 : i32
    %dma_wait3A_1094 = tpu.memref_slice %arg6[%dma_wait3A_1086, %dma_wait3A_1087, %dma_wait3A_1093] : memref<2x8x128xi32, #tpu.memory_space<vmem>> -> memref<1x1x128xi32, #tpu.memory_space<vmem>>
    %dma_wait3A_1095 = tpu.memref_squeeze %dma_wait3A_1094 : memref<1x1x128xi32, #tpu.memory_space<vmem>> -> memref<128xi32, #tpu.memory_space<vmem>>
    %dma_wait3A_1096 = arith.constant 0 : i32
    %dma_wait3A_1097 = arith.constant 0 : i32
    %dma_wait3A_1098 = tpu.memref_slice %arg5[%dma_wait3A_1096, %dma_wait3A_1097] : memref<10000x32xf32, #tpu.memory_space<vmem_shared>> -> memref<10000x32xf32, #tpu.memory_space<vmem_shared>>
    tpu.wait_indirect_dma semaphore(%arg8 : memref<!tpu.dma_semaphore, #tpu.memory_space<semaphore_mem>>) src(%dma_wait3A_1098 : memref<10000x32xf32, #tpu.memory_space<vmem_shared>>) dst(%dma_wait3A_1092 : memref<128x32xf32, #tpu.memory_space<vmem>>)
    %dma_wait3A_1099 = arith.constant 0 : i32
    %dma_wait3A_1100 = arith.constant 3 : i32
    %dma_wait3A_1101 = arith.constant 0 : i32
    %dma_wait3A_1102 = arith.constant 384 : i32
    %dma_wait3A_1103 = arith.constant 0 : i32
    %dma_wait3A_1104 = tpu.memref_slice %arg7[%dma_wait3A_1101, %dma_wait3A_1102, %dma_wait3A_1103] : memref<2x1024x32xf32, #tpu.memory_space<vmem>> -> memref<1x128x32xf32, #tpu.memory_space<vmem>>
    %dma_wait3A_1105 = tpu.memref_squeeze %dma_wait3A_1104 : memref<1x128x32xf32, #tpu.memory_space<vmem>> -> memref<128x32xf32, #tpu.memory_space<vmem>>
    %dma_wait3A_1106 = arith.constant 0 : i32
    %dma_wait3A_1107 = tpu.memref_slice %arg6[%dma_wait3A_1099, %dma_wait3A_1100, %dma_wait3A_1106] : memref<2x8x128xi32, #tpu.memory_space<vmem>> -> memref<1x1x128xi32, #tpu.memory_space<vmem>>
    %dma_wait3A_1108 = tpu.memref_squeeze %dma_wait3A_1107 : memref<1x1x128xi32, #tpu.memory_space<vmem>> -> memref<128xi32, #tpu.memory_space<vmem>>
    %dma_wait3A_1109 = arith.constant 0 : i32
    %dma_wait3A_1110 = arith.constant 0 : i32
    %dma_wait3A_1111 = tpu.memref_slice %arg5[%dma_wait3A_1109, %dma_wait3A_1110] : memref<10000x32xf32, #tpu.memory_space<vmem_shared>> -> memref<10000x32xf32, #tpu.memory_space<vmem_shared>>
    tpu.wait_indirect_dma semaphore(%arg8 : memref<!tpu.dma_semaphore, #tpu.memory_space<semaphore_mem>>) src(%dma_wait3A_1111 : memref<10000x32xf32, #tpu.memory_space<vmem_shared>>) dst(%dma_wait3A_1105 : memref<128x32xf32, #tpu.memory_space<vmem>>)
    %dma_wait3A_1112 = arith.constant 0 : i32
    %dma_wait3A_1113 = arith.constant 4 : i32
    %dma_wait3A_1114 = arith.constant 0 : i32
    %dma_wait3A_1115 = arith.constant 512 : i32
    %dma_wait3A_1116 = arith.constant 0 : i32
    %dma_wait3A_1117 = tpu.memref_slice %arg7[%dma_wait3A_1114, %dma_wait3A_1115, %dma_wait3A_1116] : memref<2x1024x32xf32, #tpu.memory_space<vmem>> -> memref<1x128x32xf32, #tpu.memory_space<vmem>>
    %dma_wait3A_1118 = tpu.memref_squeeze %dma_wait3A_1117 : memref<1x128x32xf32, #tpu.memory_space<vmem>> -> memref<128x32xf32, #tpu.memory_space<vmem>>
    %dma_wait3A_1119 = arith.constant 0 : i32
    %dma_wait3A_1120 = tpu.memref_slice %arg6[%dma_wait3A_1112, %dma_wait3A_1113, %dma_wait3A_1119] : memref<2x8x128xi32, #tpu.memory_space<vmem>> -> memref<1x1x128xi32, #tpu.memory_space<vmem>>
    %dma_wait3A_1121 = tpu.memref_squeeze %dma_wait3A_1120 : memref<1x1x128xi32, #tpu.memory_space<vmem>> -> memref<128xi32, #tpu.memory_space<vmem>>
    %dma_wait3A_1122 = arith.constant 0 : i32
    %dma_wait3A_1123 = arith.constant 0 : i32
    %dma_wait3A_1124 = tpu.memref_slice %arg5[%dma_wait3A_1122, %dma_wait3A_1123] : memref<10000x32xf32, #tpu.memory_space<vmem_shared>> -> memref<10000x32xf32, #tpu.memory_space<vmem_shared>>
    tpu.wait_indirect_dma semaphore(%arg8 : memref<!tpu.dma_semaphore, #tpu.memory_space<semaphore_mem>>) src(%dma_wait3A_1124 : memref<10000x32xf32, #tpu.memory_space<vmem_shared>>) dst(%dma_wait3A_1118 : memref<128x32xf32, #tpu.memory_space<vmem>>)
    %dma_wait3A_1125 = arith.constant 0 : i32
    %dma_wait3A_1126 = arith.constant 5 : i32
    %dma_wait3A_1127 = arith.constant 0 : i32
    %dma_wait3A_1128 = arith.constant 640 : i32
    %dma_wait3A_1129 = arith.constant 0 : i32
    %dma_wait3A_1130 = tpu.memref_slice %arg7[%dma_wait3A_1127, %dma_wait3A_1128, %dma_wait3A_1129] : memref<2x1024x32xf32, #tpu.memory_space<vmem>> -> memref<1x128x32xf32, #tpu.memory_space<vmem>>
    %dma_wait3A_1131 = tpu.memref_squeeze %dma_wait3A_1130 : memref<1x128x32xf32, #tpu.memory_space<vmem>> -> memref<128x32xf32, #tpu.memory_space<vmem>>
    %dma_wait3A_1132 = arith.constant 0 : i32
    %dma_wait3A_1133 = tpu.memref_slice %arg6[%dma_wait3A_1125, %dma_wait3A_1126, %dma_wait3A_1132] : memref<2x8x128xi32, #tpu.memory_space<vmem>> -> memref<1x1x128xi32, #tpu.memory_space<vmem>>
    %dma_wait3A_1134 = tpu.memref_squeeze %dma_wait3A_1133 : memref<1x1x128xi32, #tpu.memory_space<vmem>> -> memref<128xi32, #tpu.memory_space<vmem>>
    %dma_wait3A_1135 = arith.constant 0 : i32
    %dma_wait3A_1136 = arith.constant 0 : i32
    %dma_wait3A_1137 = tpu.memref_slice %arg5[%dma_wait3A_1135, %dma_wait3A_1136] : memref<10000x32xf32, #tpu.memory_space<vmem_shared>> -> memref<10000x32xf32, #tpu.memory_space<vmem_shared>>
    tpu.wait_indirect_dma semaphore(%arg8 : memref<!tpu.dma_semaphore, #tpu.memory_space<semaphore_mem>>) src(%dma_wait3A_1137 : memref<10000x32xf32, #tpu.memory_space<vmem_shared>>) dst(%dma_wait3A_1131 : memref<128x32xf32, #tpu.memory_space<vmem>>)
    %dma_wait3A_1138 = arith.constant 0 : i32
    %dma_wait3A_1139 = arith.constant 6 : i32
    %dma_wait3A_1140 = arith.constant 0 : i32
    %dma_wait3A_1141 = arith.constant 768 : i32
    %dma_wait3A_1142 = arith.constant 0 : i32
    %dma_wait3A_1143 = tpu.memref_slice %arg7[%dma_wait3A_1140, %dma_wait3A_1141, %dma_wait3A_1142] : memref<2x1024x32xf32, #tpu.memory_space<vmem>> -> memref<1x128x32xf32, #tpu.memory_space<vmem>>
    %dma_wait3A_1144 = tpu.memref_squeeze %dma_wait3A_1143 : memref<1x128x32xf32, #tpu.memory_space<vmem>> -> memref<128x32xf32, #tpu.memory_space<vmem>>
    %dma_wait3A_1145 = arith.constant 0 : i32
    %dma_wait3A_1146 = tpu.memref_slice %arg6[%dma_wait3A_1138, %dma_wait3A_1139, %dma_wait3A_1145] : memref<2x8x128xi32, #tpu.memory_space<vmem>> -> memref<1x1x128xi32, #tpu.memory_space<vmem>>
    %dma_wait3A_1147 = tpu.memref_squeeze %dma_wait3A_1146 : memref<1x1x128xi32, #tpu.memory_space<vmem>> -> memref<128xi32, #tpu.memory_space<vmem>>
    %dma_wait3A_1148 = arith.constant 0 : i32
    %dma_wait3A_1149 = arith.constant 0 : i32
    %dma_wait3A_1150 = tpu.memref_slice %arg5[%dma_wait3A_1148, %dma_wait3A_1149] : memref<10000x32xf32, #tpu.memory_space<vmem_shared>> -> memref<10000x32xf32, #tpu.memory_space<vmem_shared>>
    tpu.wait_indirect_dma semaphore(%arg8 : memref<!tpu.dma_semaphore, #tpu.memory_space<semaphore_mem>>) src(%dma_wait3A_1150 : memref<10000x32xf32, #tpu.memory_space<vmem_shared>>) dst(%dma_wait3A_1144 : memref<128x32xf32, #tpu.memory_space<vmem>>)
    %dma_wait3A_1151 = arith.constant 0 : i32
    %dma_wait3A_1152 = arith.constant 7 : i32
    %dma_wait3A_1153 = arith.constant 0 : i32
    %dma_wait3A_1154 = arith.constant 896 : i32
    %dma_wait3A_1155 = arith.constant 0 : i32
    %dma_wait3A_1156 = tpu.memref_slice %arg7[%dma_wait3A_1153, %dma_wait3A_1154, %dma_wait3A_1155] : memref<2x1024x32xf32, #tpu.memory_space<vmem>> -> memref<1x128x32xf32, #tpu.memory_space<vmem>>
    %dma_wait3A_1157 = tpu.memref_squeeze %dma_wait3A_1156 : memref<1x128x32xf32, #tpu.memory_space<vmem>> -> memref<128x32xf32, #tpu.memory_space<vmem>>
    %dma_wait3A_1158 = arith.constant 0 : i32
    %dma_wait3A_1159 = tpu.memref_slice %arg6[%dma_wait3A_1151, %dma_wait3A_1152, %dma_wait3A_1158] : memref<2x8x128xi32, #tpu.memory_space<vmem>> -> memref<1x1x128xi32, #tpu.memory_space<vmem>>
    %dma_wait3A_1160 = tpu.memref_squeeze %dma_wait3A_1159 : memref<1x1x128xi32, #tpu.memory_space<vmem>> -> memref<128xi32, #tpu.memory_space<vmem>>
    %dma_wait3A_1161 = arith.constant 0 : i32
    %dma_wait3A_1162 = arith.constant 0 : i32
    %dma_wait3A_1163 = tpu.memref_slice %arg5[%dma_wait3A_1161, %dma_wait3A_1162] : memref<10000x32xf32, #tpu.memory_space<vmem_shared>> -> memref<10000x32xf32, #tpu.memory_space<vmem_shared>>
    tpu.wait_indirect_dma semaphore(%arg8 : memref<!tpu.dma_semaphore, #tpu.memory_space<semaphore_mem>>) src(%dma_wait3A_1163 : memref<10000x32xf32, #tpu.memory_space<vmem_shared>>) dst(%dma_wait3A_1157 : memref<128x32xf32, #tpu.memory_space<vmem>>)
    %mul3A_1164 = arith.constant 128 : i32
    %mul3A_1165 = arith.muli %add3A_941, %mul3A_1164 : i32
    %dma_start3A_1166 = arith.constant 0 : i32
    %dma_start3A_1167 = arith.constant 0 : i32
    %dma_start3A_1168 = arith.constant 0 : i32
    %dma_start3A_1169 = tpu.memref_slice %arg7[%dma_start3A_1166, %dma_start3A_1167, %dma_start3A_1168] : memref<2x1024x32xf32, #tpu.memory_space<vmem>> -> memref<1x1024x32xf32, #tpu.memory_space<vmem>>
    %dma_start3A_1170 = tpu.memref_squeeze %dma_start3A_1169 : memref<1x1024x32xf32, #tpu.memory_space<vmem>> -> memref<1024x32xf32, #tpu.memory_space<vmem>>
    %dma_start3A_1171 = arith.constant 0 : i32
    %dma_start3A_1172 = tpu.memref_slice %arg4[%mul3A_1165, %dma_start3A_1171] : memref<163840x128xf32, #tpu.memory_space<hbm>> -> memref<1024x32xf32, #tpu.memory_space<hbm>>
    %dma_start3A_1173 = arith.constant 0 : i32
    %dma_start3A_1174 = tpu.memref_slice %arg4[%mul3A_1165, %dma_start3A_1173] : memref<163840x128xf32, #tpu.memory_space<hbm>> -> memref<1024x32xf32, #tpu.memory_space<hbm>>
    %dma_start3A_1175 = arith.constant 0 : i32
    %dma_start3A_1176 = arith.constant 0 : i32
    %dma_start3A_1177 = tpu.memref_slice %arg7[%dma_start3A_1166, %dma_start3A_1175, %dma_start3A_1176] : memref<2x1024x32xf32, #tpu.memory_space<vmem>> -> memref<1x1024x32xf32, #tpu.memory_space<vmem>>
    %dma_start3A_1178 = tpu.memref_squeeze %dma_start3A_1177 : memref<1x1024x32xf32, #tpu.memory_space<vmem>> -> memref<1024x32xf32, #tpu.memory_space<vmem>>
    tpu.enqueue_dma source(%dma_start3A_1178 : memref<1024x32xf32, #tpu.memory_space<vmem>>) target(%dma_start3A_1174 : memref<1024x32xf32, #tpu.memory_space<hbm>>) target_semaphore(%arg9 : memref<!tpu.dma_semaphore, #tpu.memory_space<semaphore_mem>>)
    %dma_wait3A_1179 = arith.constant 0 : i32
    %dma_wait3A_1180 = arith.constant 0 : i32
    %dma_wait3A_1181 = arith.constant 0 : i32
    %dma_wait3A_1182 = tpu.memref_slice %arg7[%dma_wait3A_1179, %dma_wait3A_1180, %dma_wait3A_1181] : memref<2x1024x32xf32, #tpu.memory_space<vmem>> -> memref<1x1024x32xf32, #tpu.memory_space<vmem>>
    %dma_wait3A_1183 = tpu.memref_squeeze %dma_wait3A_1182 : memref<1x1024x32xf32, #tpu.memory_space<vmem>> -> memref<1024x32xf32, #tpu.memory_space<vmem>>
    %dma_wait3A_1184 = arith.constant 0 : i32
    %dma_wait3A_1185 = tpu.memref_slice %arg4[%mul3A_1165, %dma_wait3A_1184] : memref<163840x128xf32, #tpu.memory_space<hbm>> -> memref<1024x32xf32, #tpu.memory_space<hbm>>
    %dma_wait3A_1186 = arith.constant 0 : i32
    %dma_wait3A_1187 = tpu.memref_slice %arg4[%mul3A_1165, %dma_wait3A_1186] : memref<163840x128xf32, #tpu.memory_space<hbm>> -> memref<1024x32xf32, #tpu.memory_space<hbm>>
    %dma_wait3A_1188 = arith.constant 0 : i32
    %dma_wait3A_1189 = arith.constant 0 : i32
    %dma_wait3A_1190 = tpu.memref_slice %arg7[%dma_wait3A_1179, %dma_wait3A_1188, %dma_wait3A_1189] : memref<2x1024x32xf32, #tpu.memory_space<vmem>> -> memref<1x1024x32xf32, #tpu.memory_space<vmem>>
    %dma_wait3A_1191 = tpu.memref_squeeze %dma_wait3A_1190 : memref<1x1024x32xf32, #tpu.memory_space<vmem>> -> memref<1024x32xf32, #tpu.memory_space<vmem>>
    tpu.wait_dma2 semaphore(%arg9 : memref<!tpu.dma_semaphore, #tpu.memory_space<semaphore_mem>>) src(%dma_wait3A_1191 : memref<1024x32xf32, #tpu.memory_space<vmem>>) dst(%dma_wait3A_1187 : memref<1024x32xf32, #tpu.memory_space<hbm>>)
    %dma_wait3A_1192 = arith.constant 1 : i32
    %dma_wait3A_1193 = arith.constant 0 : i32
    %dma_wait3A_1194 = arith.constant 0 : i32
    %dma_wait3A_1195 = tpu.memref_slice %arg7[%dma_wait3A_1192, %dma_wait3A_1193, %dma_wait3A_1194] : memref<2x1024x32xf32, #tpu.memory_space<vmem>> -> memref<1x1024x32xf32, #tpu.memory_space<vmem>>
    %dma_wait3A_1196 = tpu.memref_squeeze %dma_wait3A_1195 : memref<1x1024x32xf32, #tpu.memory_space<vmem>> -> memref<1024x32xf32, #tpu.memory_space<vmem>>
    %dma_wait3A_1197 = arith.constant 0 : i32
    %dma_wait3A_1198 = tpu.memref_slice %arg4[%mul3A_924, %dma_wait3A_1197] : memref<163840x128xf32, #tpu.memory_space<hbm>> -> memref<1024x32xf32, #tpu.memory_space<hbm>>
    %dma_wait3A_1199 = arith.constant 0 : i32
    %dma_wait3A_1200 = tpu.memref_slice %arg4[%mul3A_924, %dma_wait3A_1199] : memref<163840x128xf32, #tpu.memory_space<hbm>> -> memref<1024x32xf32, #tpu.memory_space<hbm>>
    %dma_wait3A_1201 = arith.constant 0 : i32
    %dma_wait3A_1202 = arith.constant 0 : i32
    %dma_wait3A_1203 = tpu.memref_slice %arg7[%dma_wait3A_1192, %dma_wait3A_1201, %dma_wait3A_1202] : memref<2x1024x32xf32, #tpu.memory_space<vmem>> -> memref<1x1024x32xf32, #tpu.memory_space<vmem>>
    %dma_wait3A_1204 = tpu.memref_squeeze %dma_wait3A_1203 : memref<1x1024x32xf32, #tpu.memory_space<vmem>> -> memref<1024x32xf32, #tpu.memory_space<vmem>>
    tpu.wait_dma2 semaphore(%arg9 : memref<!tpu.dma_semaphore, #tpu.memory_space<semaphore_mem>>) src(%dma_wait3A_1204 : memref<1024x32xf32, #tpu.memory_space<vmem>>) dst(%dma_wait3A_1200 : memref<1024x32xf32, #tpu.memory_space<hbm>>)
    return
  }
}

#map = affine_map<(d0, d1) -> (0, 0)>
module attributes {stable_mosaic.version = 14 : i64} {
  func.func @_scatter_body(%arg0: i32, %arg1: i32, %arg2: memref<163840x128xf32, #tpu.memory_space<hbm>>, %arg3: memref<1280x128xi32, #tpu.memory_space<hbm>>, %arg4: memref<10240x40xf32, #tpu.memory_space<hbm>>, %arg5: memref<10240x128xf32, #tpu.memory_space<hbm>>, %arg6: memref<10240x128xf32, #tpu.memory_space<hbm>>, %arg7: memref<2x8x128xi32, #tpu.memory_space<vmem>>, %arg8: memref<2x1024x40xf32, #tpu.memory_space<vmem>>, %arg9: memref<10240x40xf32, #tpu.memory_space<vmem_shared>>, %arg10: memref<!tpu.dma_semaphore, #tpu.memory_space<semaphore_mem>>, %arg11: memref<!tpu.dma_semaphore, #tpu.memory_space<semaphore_mem>>) attributes {dimension_semantics = [#tpu.dimension_semantics<core_parallel>, #tpu.dimension_semantics<subcore_parallel>], iteration_bounds = array<i64: 2, 16>, scalar_prefetch = 0 : i64, scratch_operands = 5 : i64, tpu.core_type = #tpu.core_type<sc_vector_subcore>, window_params = [{transform_indices = #map}, {transform_indices = #map}, {transform_indices = #map}, {transform_indices = #map}, {transform_indices = #map}]} {
    %mul3A = arith.constant 2 : i32
    %mul3A_0 = arith.muli %arg1, %mul3A : i32
    %add3A = arith.addi %mul3A_0, %arg0 : i32
    %mul3A_1 = arith.constant 640 : i32
    %mul3A_2 = arith.muli %arg1, %mul3A_1 : i32
    %mul3A_3 = arith.constant 640 : i32
    %mul3A_4 = arith.muli %arg1, %mul3A_3 : i32
    "tpu.region"() ({
      %run_scoped3A = tpu.sem_alloc : memref<!tpu.dma_semaphore, #tpu.memory_space<semaphore_mem>>
      %dma_start3A_1341 = arith.constant 0 : i32
      %dma_start3A_1342 = tpu.memref_slice %arg9[%mul3A_4, %dma_start3A_1341] : memref<10240x40xf32, #tpu.memory_space<vmem_shared>> -> memref<640x40xf32, #tpu.memory_space<vmem_shared>>
      %dma_start3A_1343 = arith.constant 0 : i32
      %dma_start3A_1344 = tpu.memref_slice %arg4[%mul3A_2, %dma_start3A_1343] : memref<10240x40xf32, #tpu.memory_space<hbm>> -> memref<640x40xf32, #tpu.memory_space<hbm>>
      tpu.enqueue_dma source(%dma_start3A_1344 : memref<640x40xf32, #tpu.memory_space<hbm>>) target(%dma_start3A_1342 : memref<640x40xf32, #tpu.memory_space<vmem_shared>>) target_semaphore(%run_scoped3A : memref<!tpu.dma_semaphore, #tpu.memory_space<semaphore_mem>>)
      %dma_wait3A_1345 = arith.constant 0 : i32
      %dma_wait3A_1346 = tpu.memref_slice %arg9[%mul3A_4, %dma_wait3A_1345] : memref<10240x40xf32, #tpu.memory_space<vmem_shared>> -> memref<640x40xf32, #tpu.memory_space<vmem_shared>>
      %dma_wait3A_1347 = arith.constant 0 : i32
      %dma_wait3A_1348 = tpu.memref_slice %arg4[%mul3A_2, %dma_wait3A_1347] : memref<10240x40xf32, #tpu.memory_space<hbm>> -> memref<640x40xf32, #tpu.memory_space<hbm>>
      tpu.wait_dma2 semaphore(%run_scoped3A : memref<!tpu.dma_semaphore, #tpu.memory_space<semaphore_mem>>) src(%dma_wait3A_1348 : memref<640x40xf32, #tpu.memory_space<hbm>>) dst(%dma_wait3A_1346 : memref<640x40xf32, #tpu.memory_space<vmem_shared>>)
      tpu.yield
    }) : () -> ()
    %barrier3A = arith.constant 0 : index
    tpu.barrier barrier_id(%barrier3A)
    %mul3A_5 = arith.constant 40 : i32
    %mul3A_6 = arith.muli %add3A, %mul3A_5 : i32
    %add3A_7 = arith.constant 0 : i32
    %add3A_8 = arith.addi %mul3A_6, %add3A_7 : i32
    %dma_start3A = arith.constant 0 : i32
    %dma_start3A_9 = arith.constant 0 : i32
    %dma_start3A_10 = arith.constant 0 : i32
    %dma_start3A_11 = tpu.memref_slice %arg7[%dma_start3A, %dma_start3A_9, %dma_start3A_10] : memref<2x8x128xi32, #tpu.memory_space<vmem>> -> memref<1x8x128xi32, #tpu.memory_space<vmem>>
    %dma_start3A_12 = tpu.memref_squeeze %dma_start3A_11 : memref<1x8x128xi32, #tpu.memory_space<vmem>> -> memref<8x128xi32, #tpu.memory_space<vmem>>
    %dma_start3A_13 = arith.constant 0 : i32
    %dma_start3A_14 = tpu.memref_slice %arg3[%add3A_8, %dma_start3A_13] : memref<1280x128xi32, #tpu.memory_space<hbm>> -> memref<8x128xi32, #tpu.memory_space<hbm>>
    %dma_start3A_15 = arith.constant 0 : i32
    %dma_start3A_16 = arith.constant 0 : i32
    %dma_start3A_17 = tpu.memref_slice %arg7[%dma_start3A, %dma_start3A_15, %dma_start3A_16] : memref<2x8x128xi32, #tpu.memory_space<vmem>> -> memref<1x8x128xi32, #tpu.memory_space<vmem>>
    %dma_start3A_18 = tpu.memref_squeeze %dma_start3A_17 : memref<1x8x128xi32, #tpu.memory_space<vmem>> -> memref<8x128xi32, #tpu.memory_space<vmem>>
    %dma_start3A_19 = arith.constant 0 : i32
    %dma_start3A_20 = tpu.memref_slice %arg3[%add3A_8, %dma_start3A_19] : memref<1280x128xi32, #tpu.memory_space<hbm>> -> memref<8x128xi32, #tpu.memory_space<hbm>>
    tpu.enqueue_dma source(%dma_start3A_20 : memref<8x128xi32, #tpu.memory_space<hbm>>) target(%dma_start3A_18 : memref<8x128xi32, #tpu.memory_space<vmem>>) target_semaphore(%arg11 : memref<!tpu.dma_semaphore, #tpu.memory_space<semaphore_mem>>)
    %mul3A_21 = arith.constant 128 : i32
    %mul3A_22 = arith.muli %add3A_8, %mul3A_21 : i32
    %dma_start3A_23 = arith.constant 0 : i32
    %dma_start3A_24 = arith.constant 0 : i32
    %dma_start3A_25 = arith.constant 0 : i32
    %dma_start3A_26 = tpu.memref_slice %arg8[%dma_start3A_23, %dma_start3A_24, %dma_start3A_25] : memref<2x1024x40xf32, #tpu.memory_space<vmem>> -> memref<1x1024x40xf32, #tpu.memory_space<vmem>>
    %dma_start3A_27 = tpu.memref_squeeze %dma_start3A_26 : memref<1x1024x40xf32, #tpu.memory_space<vmem>> -> memref<1024x40xf32, #tpu.memory_space<vmem>>
    %dma_start3A_28 = arith.constant 0 : i32
    %dma_start3A_29 = tpu.memref_slice %arg2[%mul3A_22, %dma_start3A_28] : memref<163840x128xf32, #tpu.memory_space<hbm>> -> memref<1024x40xf32, #tpu.memory_space<hbm>>
    %dma_start3A_30 = arith.constant 0 : i32
    %dma_start3A_31 = arith.constant 0 : i32
    %dma_start3A_32 = tpu.memref_slice %arg8[%dma_start3A_23, %dma_start3A_30, %dma_start3A_31] : memref<2x1024x40xf32, #tpu.memory_space<vmem>> -> memref<1x1024x40xf32, #tpu.memory_space<vmem>>
    %dma_start3A_33 = tpu.memref_squeeze %dma_start3A_32 : memref<1x1024x40xf32, #tpu.memory_space<vmem>> -> memref<1024x40xf32, #tpu.memory_space<vmem>>
    %dma_start3A_34 = arith.constant 0 : i32
    %dma_start3A_35 = tpu.memref_slice %arg2[%mul3A_22, %dma_start3A_34] : memref<163840x128xf32, #tpu.memory_space<hbm>> -> memref<1024x40xf32, #tpu.memory_space<hbm>>
    tpu.enqueue_dma source(%dma_start3A_35 : memref<1024x40xf32, #tpu.memory_space<hbm>>) target(%dma_start3A_33 : memref<1024x40xf32, #tpu.memory_space<vmem>>) target_semaphore(%arg11 : memref<!tpu.dma_semaphore, #tpu.memory_space<semaphore_mem>>)
    %dma_wait3A = arith.constant 0 : i32
    %dma_wait3A_36 = arith.constant 0 : i32
    %dma_wait3A_37 = arith.constant 0 : i32
    %dma_wait3A_38 = tpu.memref_slice %arg7[%dma_wait3A, %dma_wait3A_36, %dma_wait3A_37] : memref<2x8x128xi32, #tpu.memory_space<vmem>> -> memref<1x8x128xi32, #tpu.memory_space<vmem>>
    %dma_wait3A_39 = tpu.memref_squeeze %dma_wait3A_38 : memref<1x8x128xi32, #tpu.memory_space<vmem>> -> memref<8x128xi32, #tpu.memory_space<vmem>>
    %dma_wait3A_40 = arith.constant 0 : i32
    %dma_wait3A_41 = tpu.memref_slice %arg3[%add3A_8, %dma_wait3A_40] : memref<1280x128xi32, #tpu.memory_space<hbm>> -> memref<8x128xi32, #tpu.memory_space<hbm>>
    %dma_wait3A_42 = arith.constant 0 : i32
    %dma_wait3A_43 = arith.constant 0 : i32
    %dma_wait3A_44 = tpu.memref_slice %arg7[%dma_wait3A, %dma_wait3A_42, %dma_wait3A_43] : memref<2x8x128xi32, #tpu.memory_space<vmem>> -> memref<1x8x128xi32, #tpu.memory_space<vmem>>
    %dma_wait3A_45 = tpu.memref_squeeze %dma_wait3A_44 : memref<1x8x128xi32, #tpu.memory_space<vmem>> -> memref<8x128xi32, #tpu.memory_space<vmem>>
    %dma_wait3A_46 = arith.constant 0 : i32
    %dma_wait3A_47 = tpu.memref_slice %arg3[%add3A_8, %dma_wait3A_46] : memref<1280x128xi32, #tpu.memory_space<hbm>> -> memref<8x128xi32, #tpu.memory_space<hbm>>
    tpu.wait_dma2 semaphore(%arg11 : memref<!tpu.dma_semaphore, #tpu.memory_space<semaphore_mem>>) src(%dma_wait3A_47 : memref<8x128xi32, #tpu.memory_space<hbm>>) dst(%dma_wait3A_45 : memref<8x128xi32, #tpu.memory_space<vmem>>)
    %dma_wait3A_48 = arith.constant 0 : i32
    %dma_wait3A_49 = arith.constant 0 : i32
    %dma_wait3A_50 = arith.constant 0 : i32
    %dma_wait3A_51 = tpu.memref_slice %arg8[%dma_wait3A_48, %dma_wait3A_49, %dma_wait3A_50] : memref<2x1024x40xf32, #tpu.memory_space<vmem>> -> memref<1x1024x40xf32, #tpu.memory_space<vmem>>
    %dma_wait3A_52 = tpu.memref_squeeze %dma_wait3A_51 : memref<1x1024x40xf32, #tpu.memory_space<vmem>> -> memref<1024x40xf32, #tpu.memory_space<vmem>>
    %dma_wait3A_53 = arith.constant 0 : i32
    %dma_wait3A_54 = tpu.memref_slice %arg2[%mul3A_22, %dma_wait3A_53] : memref<163840x128xf32, #tpu.memory_space<hbm>> -> memref<1024x40xf32, #tpu.memory_space<hbm>>
    %dma_wait3A_55 = arith.constant 0 : i32
    %dma_wait3A_56 = arith.constant 0 : i32
    %dma_wait3A_57 = tpu.memref_slice %arg8[%dma_wait3A_48, %dma_wait3A_55, %dma_wait3A_56] : memref<2x1024x40xf32, #tpu.memory_space<vmem>> -> memref<1x1024x40xf32, #tpu.memory_space<vmem>>
    %dma_wait3A_58 = tpu.memref_squeeze %dma_wait3A_57 : memref<1x1024x40xf32, #tpu.memory_space<vmem>> -> memref<1024x40xf32, #tpu.memory_space<vmem>>
    %dma_wait3A_59 = arith.constant 0 : i32
    %dma_wait3A_60 = tpu.memref_slice %arg2[%mul3A_22, %dma_wait3A_59] : memref<163840x128xf32, #tpu.memory_space<hbm>> -> memref<1024x40xf32, #tpu.memory_space<hbm>>
    tpu.wait_dma2 semaphore(%arg11 : memref<!tpu.dma_semaphore, #tpu.memory_space<semaphore_mem>>) src(%dma_wait3A_60 : memref<1024x40xf32, #tpu.memory_space<hbm>>) dst(%dma_wait3A_58 : memref<1024x40xf32, #tpu.memory_space<vmem>>)
    %mul3A_61 = arith.constant 40 : i32
    %mul3A_62 = arith.muli %add3A, %mul3A_61 : i32
    %add3A_63 = arith.constant 8 : i32
    %add3A_64 = arith.addi %mul3A_62, %add3A_63 : i32
    %dma_start3A_65 = arith.constant 1 : i32
    %dma_start3A_66 = arith.constant 0 : i32
    %dma_start3A_67 = arith.constant 0 : i32
    %dma_start3A_68 = tpu.memref_slice %arg7[%dma_start3A_65, %dma_start3A_66, %dma_start3A_67] : memref<2x8x128xi32, #tpu.memory_space<vmem>> -> memref<1x8x128xi32, #tpu.memory_space<vmem>>
    %dma_start3A_69 = tpu.memref_squeeze %dma_start3A_68 : memref<1x8x128xi32, #tpu.memory_space<vmem>> -> memref<8x128xi32, #tpu.memory_space<vmem>>
    %dma_start3A_70 = arith.constant 0 : i32
    %dma_start3A_71 = tpu.memref_slice %arg3[%add3A_64, %dma_start3A_70] : memref<1280x128xi32, #tpu.memory_space<hbm>> -> memref<8x128xi32, #tpu.memory_space<hbm>>
    %dma_start3A_72 = arith.constant 0 : i32
    %dma_start3A_73 = arith.constant 0 : i32
    %dma_start3A_74 = tpu.memref_slice %arg7[%dma_start3A_65, %dma_start3A_72, %dma_start3A_73] : memref<2x8x128xi32, #tpu.memory_space<vmem>> -> memref<1x8x128xi32, #tpu.memory_space<vmem>>
    %dma_start3A_75 = tpu.memref_squeeze %dma_start3A_74 : memref<1x8x128xi32, #tpu.memory_space<vmem>> -> memref<8x128xi32, #tpu.memory_space<vmem>>
    %dma_start3A_76 = arith.constant 0 : i32
    %dma_start3A_77 = tpu.memref_slice %arg3[%add3A_64, %dma_start3A_76] : memref<1280x128xi32, #tpu.memory_space<hbm>> -> memref<8x128xi32, #tpu.memory_space<hbm>>
    tpu.enqueue_dma source(%dma_start3A_77 : memref<8x128xi32, #tpu.memory_space<hbm>>) target(%dma_start3A_75 : memref<8x128xi32, #tpu.memory_space<vmem>>) target_semaphore(%arg11 : memref<!tpu.dma_semaphore, #tpu.memory_space<semaphore_mem>>)
    %mul3A_78 = arith.constant 128 : i32
    %mul3A_79 = arith.muli %add3A_64, %mul3A_78 : i32
    %dma_start3A_80 = arith.constant 1 : i32
    %dma_start3A_81 = arith.constant 0 : i32
    %dma_start3A_82 = arith.constant 0 : i32
    %dma_start3A_83 = tpu.memref_slice %arg8[%dma_start3A_80, %dma_start3A_81, %dma_start3A_82] : memref<2x1024x40xf32, #tpu.memory_space<vmem>> -> memref<1x1024x40xf32, #tpu.memory_space<vmem>>
    %dma_start3A_84 = tpu.memref_squeeze %dma_start3A_83 : memref<1x1024x40xf32, #tpu.memory_space<vmem>> -> memref<1024x40xf32, #tpu.memory_space<vmem>>
    %dma_start3A_85 = arith.constant 0 : i32
    %dma_start3A_86 = tpu.memref_slice %arg2[%mul3A_79, %dma_start3A_85] : memref<163840x128xf32, #tpu.memory_space<hbm>> -> memref<1024x40xf32, #tpu.memory_space<hbm>>
    %dma_start3A_87 = arith.constant 0 : i32
    %dma_start3A_88 = arith.constant 0 : i32
    %dma_start3A_89 = tpu.memref_slice %arg8[%dma_start3A_80, %dma_start3A_87, %dma_start3A_88] : memref<2x1024x40xf32, #tpu.memory_space<vmem>> -> memref<1x1024x40xf32, #tpu.memory_space<vmem>>
    %dma_start3A_90 = tpu.memref_squeeze %dma_start3A_89 : memref<1x1024x40xf32, #tpu.memory_space<vmem>> -> memref<1024x40xf32, #tpu.memory_space<vmem>>
    %dma_start3A_91 = arith.constant 0 : i32
    %dma_start3A_92 = tpu.memref_slice %arg2[%mul3A_79, %dma_start3A_91] : memref<163840x128xf32, #tpu.memory_space<hbm>> -> memref<1024x40xf32, #tpu.memory_space<hbm>>
    tpu.enqueue_dma source(%dma_start3A_92 : memref<1024x40xf32, #tpu.memory_space<hbm>>) target(%dma_start3A_90 : memref<1024x40xf32, #tpu.memory_space<vmem>>) target_semaphore(%arg11 : memref<!tpu.dma_semaphore, #tpu.memory_space<semaphore_mem>>)
    %dma_start3A_93 = arith.constant 0 : i32
    %dma_start3A_94 = arith.constant 0 : i32
    %dma_start3A_95 = arith.constant 0 : i32
    %dma_start3A_96 = arith.constant 0 : i32
    %dma_start3A_97 = arith.constant 0 : i32
    %dma_start3A_98 = tpu.memref_slice %arg8[%dma_start3A_93, %dma_start3A_96, %dma_start3A_97] : memref<2x1024x40xf32, #tpu.memory_space<vmem>> -> memref<1x128x40xf32, #tpu.memory_space<vmem>>
    %dma_start3A_99 = tpu.memref_squeeze %dma_start3A_98 : memref<1x128x40xf32, #tpu.memory_space<vmem>> -> memref<128x40xf32, #tpu.memory_space<vmem>>
    %dma_start3A_100 = arith.constant 0 : i32
    %dma_start3A_101 = tpu.memref_slice %arg7[%dma_start3A_94, %dma_start3A_95, %dma_start3A_100] : memref<2x8x128xi32, #tpu.memory_space<vmem>> -> memref<1x1x128xi32, #tpu.memory_space<vmem>>
    %dma_start3A_102 = tpu.memref_squeeze %dma_start3A_101 : memref<1x1x128xi32, #tpu.memory_space<vmem>> -> memref<128xi32, #tpu.memory_space<vmem>>
    %dma_start3A_103 = arith.constant 0 : i32
    %dma_start3A_104 = arith.constant 0 : i32
    %dma_start3A_105 = tpu.memref_slice %arg9[%dma_start3A_103, %dma_start3A_104] : memref<10240x40xf32, #tpu.memory_space<vmem_shared>> -> memref<10240x40xf32, #tpu.memory_space<vmem_shared>>
    tpu.enqueue_indirect_dma source(%dma_start3A_99 : memref<128x40xf32, #tpu.memory_space<vmem>>) target(%dma_start3A_105 : memref<10240x40xf32, #tpu.memory_space<vmem_shared>>) offsets(%dma_start3A_102 : memref<128xi32, #tpu.memory_space<vmem>>) semaphore(%arg10 : memref<!tpu.dma_semaphore, #tpu.memory_space<semaphore_mem>>) {add = true}
    %dma_start3A_106 = arith.constant 0 : i32
    %dma_start3A_107 = arith.constant 0 : i32
    %dma_start3A_108 = arith.constant 1 : i32
    %dma_start3A_109 = arith.constant 128 : i32
    %dma_start3A_110 = arith.constant 0 : i32
    %dma_start3A_111 = tpu.memref_slice %arg8[%dma_start3A_106, %dma_start3A_109, %dma_start3A_110] : memref<2x1024x40xf32, #tpu.memory_space<vmem>> -> memref<1x128x40xf32, #tpu.memory_space<vmem>>
    %dma_start3A_112 = tpu.memref_squeeze %dma_start3A_111 : memref<1x128x40xf32, #tpu.memory_space<vmem>> -> memref<128x40xf32, #tpu.memory_space<vmem>>
    %dma_start3A_113 = arith.constant 0 : i32
    %dma_start3A_114 = tpu.memref_slice %arg7[%dma_start3A_107, %dma_start3A_108, %dma_start3A_113] : memref<2x8x128xi32, #tpu.memory_space<vmem>> -> memref<1x1x128xi32, #tpu.memory_space<vmem>>
    %dma_start3A_115 = tpu.memref_squeeze %dma_start3A_114 : memref<1x1x128xi32, #tpu.memory_space<vmem>> -> memref<128xi32, #tpu.memory_space<vmem>>
    %dma_start3A_116 = arith.constant 0 : i32
    %dma_start3A_117 = arith.constant 0 : i32
    %dma_start3A_118 = tpu.memref_slice %arg9[%dma_start3A_116, %dma_start3A_117] : memref<10240x40xf32, #tpu.memory_space<vmem_shared>> -> memref<10240x40xf32, #tpu.memory_space<vmem_shared>>
    tpu.enqueue_indirect_dma source(%dma_start3A_112 : memref<128x40xf32, #tpu.memory_space<vmem>>) target(%dma_start3A_118 : memref<10240x40xf32, #tpu.memory_space<vmem_shared>>) offsets(%dma_start3A_115 : memref<128xi32, #tpu.memory_space<vmem>>) semaphore(%arg10 : memref<!tpu.dma_semaphore, #tpu.memory_space<semaphore_mem>>) {add = true}
    %dma_start3A_119 = arith.constant 0 : i32
    %dma_start3A_120 = arith.constant 0 : i32
    %dma_start3A_121 = arith.constant 2 : i32
    %dma_start3A_122 = arith.constant 256 : i32
    %dma_start3A_123 = arith.constant 0 : i32
    %dma_start3A_124 = tpu.memref_slice %arg8[%dma_start3A_119, %dma_start3A_122, %dma_start3A_123] : memref<2x1024x40xf32, #tpu.memory_space<vmem>> -> memref<1x128x40xf32, #tpu.memory_space<vmem>>
    %dma_start3A_125 = tpu.memref_squeeze %dma_start3A_124 : memref<1x128x40xf32, #tpu.memory_space<vmem>> -> memref<128x40xf32, #tpu.memory_space<vmem>>
    %dma_start3A_126 = arith.constant 0 : i32
    %dma_start3A_127 = tpu.memref_slice %arg7[%dma_start3A_120, %dma_start3A_121, %dma_start3A_126] : memref<2x8x128xi32, #tpu.memory_space<vmem>> -> memref<1x1x128xi32, #tpu.memory_space<vmem>>
    %dma_start3A_128 = tpu.memref_squeeze %dma_start3A_127 : memref<1x1x128xi32, #tpu.memory_space<vmem>> -> memref<128xi32, #tpu.memory_space<vmem>>
    %dma_start3A_129 = arith.constant 0 : i32
    %dma_start3A_130 = arith.constant 0 : i32
    %dma_start3A_131 = tpu.memref_slice %arg9[%dma_start3A_129, %dma_start3A_130] : memref<10240x40xf32, #tpu.memory_space<vmem_shared>> -> memref<10240x40xf32, #tpu.memory_space<vmem_shared>>
    tpu.enqueue_indirect_dma source(%dma_start3A_125 : memref<128x40xf32, #tpu.memory_space<vmem>>) target(%dma_start3A_131 : memref<10240x40xf32, #tpu.memory_space<vmem_shared>>) offsets(%dma_start3A_128 : memref<128xi32, #tpu.memory_space<vmem>>) semaphore(%arg10 : memref<!tpu.dma_semaphore, #tpu.memory_space<semaphore_mem>>) {add = true}
    %dma_start3A_132 = arith.constant 0 : i32
    %dma_start3A_133 = arith.constant 0 : i32
    %dma_start3A_134 = arith.constant 3 : i32
    %dma_start3A_135 = arith.constant 384 : i32
    %dma_start3A_136 = arith.constant 0 : i32
    %dma_start3A_137 = tpu.memref_slice %arg8[%dma_start3A_132, %dma_start3A_135, %dma_start3A_136] : memref<2x1024x40xf32, #tpu.memory_space<vmem>> -> memref<1x128x40xf32, #tpu.memory_space<vmem>>
    %dma_start3A_138 = tpu.memref_squeeze %dma_start3A_137 : memref<1x128x40xf32, #tpu.memory_space<vmem>> -> memref<128x40xf32, #tpu.memory_space<vmem>>
    %dma_start3A_139 = arith.constant 0 : i32
    %dma_start3A_140 = tpu.memref_slice %arg7[%dma_start3A_133, %dma_start3A_134, %dma_start3A_139] : memref<2x8x128xi32, #tpu.memory_space<vmem>> -> memref<1x1x128xi32, #tpu.memory_space<vmem>>
    %dma_start3A_141 = tpu.memref_squeeze %dma_start3A_140 : memref<1x1x128xi32, #tpu.memory_space<vmem>> -> memref<128xi32, #tpu.memory_space<vmem>>
    %dma_start3A_142 = arith.constant 0 : i32
    %dma_start3A_143 = arith.constant 0 : i32
    %dma_start3A_144 = tpu.memref_slice %arg9[%dma_start3A_142, %dma_start3A_143] : memref<10240x40xf32, #tpu.memory_space<vmem_shared>> -> memref<10240x40xf32, #tpu.memory_space<vmem_shared>>
    tpu.enqueue_indirect_dma source(%dma_start3A_138 : memref<128x40xf32, #tpu.memory_space<vmem>>) target(%dma_start3A_144 : memref<10240x40xf32, #tpu.memory_space<vmem_shared>>) offsets(%dma_start3A_141 : memref<128xi32, #tpu.memory_space<vmem>>) semaphore(%arg10 : memref<!tpu.dma_semaphore, #tpu.memory_space<semaphore_mem>>) {add = true}
    %dma_start3A_145 = arith.constant 0 : i32
    %dma_start3A_146 = arith.constant 0 : i32
    %dma_start3A_147 = arith.constant 4 : i32
    %dma_start3A_148 = arith.constant 512 : i32
    %dma_start3A_149 = arith.constant 0 : i32
    %dma_start3A_150 = tpu.memref_slice %arg8[%dma_start3A_145, %dma_start3A_148, %dma_start3A_149] : memref<2x1024x40xf32, #tpu.memory_space<vmem>> -> memref<1x128x40xf32, #tpu.memory_space<vmem>>
    %dma_start3A_151 = tpu.memref_squeeze %dma_start3A_150 : memref<1x128x40xf32, #tpu.memory_space<vmem>> -> memref<128x40xf32, #tpu.memory_space<vmem>>
    %dma_start3A_152 = arith.constant 0 : i32
    %dma_start3A_153 = tpu.memref_slice %arg7[%dma_start3A_146, %dma_start3A_147, %dma_start3A_152] : memref<2x8x128xi32, #tpu.memory_space<vmem>> -> memref<1x1x128xi32, #tpu.memory_space<vmem>>
    %dma_start3A_154 = tpu.memref_squeeze %dma_start3A_153 : memref<1x1x128xi32, #tpu.memory_space<vmem>> -> memref<128xi32, #tpu.memory_space<vmem>>
    %dma_start3A_155 = arith.constant 0 : i32
    %dma_start3A_156 = arith.constant 0 : i32
    %dma_start3A_157 = tpu.memref_slice %arg9[%dma_start3A_155, %dma_start3A_156] : memref<10240x40xf32, #tpu.memory_space<vmem_shared>> -> memref<10240x40xf32, #tpu.memory_space<vmem_shared>>
    tpu.enqueue_indirect_dma source(%dma_start3A_151 : memref<128x40xf32, #tpu.memory_space<vmem>>) target(%dma_start3A_157 : memref<10240x40xf32, #tpu.memory_space<vmem_shared>>) offsets(%dma_start3A_154 : memref<128xi32, #tpu.memory_space<vmem>>) semaphore(%arg10 : memref<!tpu.dma_semaphore, #tpu.memory_space<semaphore_mem>>) {add = true}
    %dma_start3A_158 = arith.constant 0 : i32
    %dma_start3A_159 = arith.constant 0 : i32
    %dma_start3A_160 = arith.constant 5 : i32
    %dma_start3A_161 = arith.constant 640 : i32
    %dma_start3A_162 = arith.constant 0 : i32
    %dma_start3A_163 = tpu.memref_slice %arg8[%dma_start3A_158, %dma_start3A_161, %dma_start3A_162] : memref<2x1024x40xf32, #tpu.memory_space<vmem>> -> memref<1x128x40xf32, #tpu.memory_space<vmem>>
    %dma_start3A_164 = tpu.memref_squeeze %dma_start3A_163 : memref<1x128x40xf32, #tpu.memory_space<vmem>> -> memref<128x40xf32, #tpu.memory_space<vmem>>
    %dma_start3A_165 = arith.constant 0 : i32
    %dma_start3A_166 = tpu.memref_slice %arg7[%dma_start3A_159, %dma_start3A_160, %dma_start3A_165] : memref<2x8x128xi32, #tpu.memory_space<vmem>> -> memref<1x1x128xi32, #tpu.memory_space<vmem>>
    %dma_start3A_167 = tpu.memref_squeeze %dma_start3A_166 : memref<1x1x128xi32, #tpu.memory_space<vmem>> -> memref<128xi32, #tpu.memory_space<vmem>>
    %dma_start3A_168 = arith.constant 0 : i32
    %dma_start3A_169 = arith.constant 0 : i32
    %dma_start3A_170 = tpu.memref_slice %arg9[%dma_start3A_168, %dma_start3A_169] : memref<10240x40xf32, #tpu.memory_space<vmem_shared>> -> memref<10240x40xf32, #tpu.memory_space<vmem_shared>>
    tpu.enqueue_indirect_dma source(%dma_start3A_164 : memref<128x40xf32, #tpu.memory_space<vmem>>) target(%dma_start3A_170 : memref<10240x40xf32, #tpu.memory_space<vmem_shared>>) offsets(%dma_start3A_167 : memref<128xi32, #tpu.memory_space<vmem>>) semaphore(%arg10 : memref<!tpu.dma_semaphore, #tpu.memory_space<semaphore_mem>>) {add = true}
    %dma_start3A_171 = arith.constant 0 : i32
    %dma_start3A_172 = arith.constant 0 : i32
    %dma_start3A_173 = arith.constant 6 : i32
    %dma_start3A_174 = arith.constant 768 : i32
    %dma_start3A_175 = arith.constant 0 : i32
    %dma_start3A_176 = tpu.memref_slice %arg8[%dma_start3A_171, %dma_start3A_174, %dma_start3A_175] : memref<2x1024x40xf32, #tpu.memory_space<vmem>> -> memref<1x128x40xf32, #tpu.memory_space<vmem>>
    %dma_start3A_177 = tpu.memref_squeeze %dma_start3A_176 : memref<1x128x40xf32, #tpu.memory_space<vmem>> -> memref<128x40xf32, #tpu.memory_space<vmem>>
    %dma_start3A_178 = arith.constant 0 : i32
    %dma_start3A_179 = tpu.memref_slice %arg7[%dma_start3A_172, %dma_start3A_173, %dma_start3A_178] : memref<2x8x128xi32, #tpu.memory_space<vmem>> -> memref<1x1x128xi32, #tpu.memory_space<vmem>>
    %dma_start3A_180 = tpu.memref_squeeze %dma_start3A_179 : memref<1x1x128xi32, #tpu.memory_space<vmem>> -> memref<128xi32, #tpu.memory_space<vmem>>
    %dma_start3A_181 = arith.constant 0 : i32
    %dma_start3A_182 = arith.constant 0 : i32
    %dma_start3A_183 = tpu.memref_slice %arg9[%dma_start3A_181, %dma_start3A_182] : memref<10240x40xf32, #tpu.memory_space<vmem_shared>> -> memref<10240x40xf32, #tpu.memory_space<vmem_shared>>
    tpu.enqueue_indirect_dma source(%dma_start3A_177 : memref<128x40xf32, #tpu.memory_space<vmem>>) target(%dma_start3A_183 : memref<10240x40xf32, #tpu.memory_space<vmem_shared>>) offsets(%dma_start3A_180 : memref<128xi32, #tpu.memory_space<vmem>>) semaphore(%arg10 : memref<!tpu.dma_semaphore, #tpu.memory_space<semaphore_mem>>) {add = true}
    %dma_start3A_184 = arith.constant 0 : i32
    %dma_start3A_185 = arith.constant 0 : i32
    %dma_start3A_186 = arith.constant 7 : i32
    %dma_start3A_187 = arith.constant 896 : i32
    %dma_start3A_188 = arith.constant 0 : i32
    %dma_start3A_189 = tpu.memref_slice %arg8[%dma_start3A_184, %dma_start3A_187, %dma_start3A_188] : memref<2x1024x40xf32, #tpu.memory_space<vmem>> -> memref<1x128x40xf32, #tpu.memory_space<vmem>>
    %dma_start3A_190 = tpu.memref_squeeze %dma_start3A_189 : memref<1x128x40xf32, #tpu.memory_space<vmem>> -> memref<128x40xf32, #tpu.memory_space<vmem>>
    %dma_start3A_191 = arith.constant 0 : i32
    %dma_start3A_192 = tpu.memref_slice %arg7[%dma_start3A_185, %dma_start3A_186, %dma_start3A_191] : memref<2x8x128xi32, #tpu.memory_space<vmem>> -> memref<1x1x128xi32, #tpu.memory_space<vmem>>
    %dma_start3A_193 = tpu.memref_squeeze %dma_start3A_192 : memref<1x1x128xi32, #tpu.memory_space<vmem>> -> memref<128xi32, #tpu.memory_space<vmem>>
    %dma_start3A_194 = arith.constant 0 : i32
    %dma_start3A_195 = arith.constant 0 : i32
    %dma_start3A_196 = tpu.memref_slice %arg9[%dma_start3A_194, %dma_start3A_195] : memref<10240x40xf32, #tpu.memory_space<vmem_shared>> -> memref<10240x40xf32, #tpu.memory_space<vmem_shared>>
    tpu.enqueue_indirect_dma source(%dma_start3A_190 : memref<128x40xf32, #tpu.memory_space<vmem>>) target(%dma_start3A_196 : memref<10240x40xf32, #tpu.memory_space<vmem_shared>>) offsets(%dma_start3A_193 : memref<128xi32, #tpu.memory_space<vmem>>) semaphore(%arg10 : memref<!tpu.dma_semaphore, #tpu.memory_space<semaphore_mem>>) {add = true}
    %dma_wait3A_197 = arith.constant 0 : i32
    %dma_wait3A_198 = arith.constant 0 : i32
    %dma_wait3A_199 = arith.constant 0 : i32
    %dma_wait3A_200 = arith.constant 0 : i32
    %dma_wait3A_201 = arith.constant 0 : i32
    %dma_wait3A_202 = tpu.memref_slice %arg8[%dma_wait3A_197, %dma_wait3A_200, %dma_wait3A_201] : memref<2x1024x40xf32, #tpu.memory_space<vmem>> -> memref<1x128x40xf32, #tpu.memory_space<vmem>>
    %dma_wait3A_203 = tpu.memref_squeeze %dma_wait3A_202 : memref<1x128x40xf32, #tpu.memory_space<vmem>> -> memref<128x40xf32, #tpu.memory_space<vmem>>
    %dma_wait3A_204 = arith.constant 0 : i32
    %dma_wait3A_205 = tpu.memref_slice %arg7[%dma_wait3A_198, %dma_wait3A_199, %dma_wait3A_204] : memref<2x8x128xi32, #tpu.memory_space<vmem>> -> memref<1x1x128xi32, #tpu.memory_space<vmem>>
    %dma_wait3A_206 = tpu.memref_squeeze %dma_wait3A_205 : memref<1x1x128xi32, #tpu.memory_space<vmem>> -> memref<128xi32, #tpu.memory_space<vmem>>
    %dma_wait3A_207 = arith.constant 0 : i32
    %dma_wait3A_208 = arith.constant 0 : i32
    %dma_wait3A_209 = tpu.memref_slice %arg9[%dma_wait3A_207, %dma_wait3A_208] : memref<10240x40xf32, #tpu.memory_space<vmem_shared>> -> memref<10240x40xf32, #tpu.memory_space<vmem_shared>>
    tpu.wait_indirect_dma semaphore(%arg10 : memref<!tpu.dma_semaphore, #tpu.memory_space<semaphore_mem>>) src(%dma_wait3A_203 : memref<128x40xf32, #tpu.memory_space<vmem>>) dst(%dma_wait3A_209 : memref<10240x40xf32, #tpu.memory_space<vmem_shared>>)
    %dma_wait3A_210 = arith.constant 0 : i32
    %dma_wait3A_211 = arith.constant 0 : i32
    %dma_wait3A_212 = arith.constant 1 : i32
    %dma_wait3A_213 = arith.constant 128 : i32
    %dma_wait3A_214 = arith.constant 0 : i32
    %dma_wait3A_215 = tpu.memref_slice %arg8[%dma_wait3A_210, %dma_wait3A_213, %dma_wait3A_214] : memref<2x1024x40xf32, #tpu.memory_space<vmem>> -> memref<1x128x40xf32, #tpu.memory_space<vmem>>
    %dma_wait3A_216 = tpu.memref_squeeze %dma_wait3A_215 : memref<1x128x40xf32, #tpu.memory_space<vmem>> -> memref<128x40xf32, #tpu.memory_space<vmem>>
    %dma_wait3A_217 = arith.constant 0 : i32
    %dma_wait3A_218 = tpu.memref_slice %arg7[%dma_wait3A_211, %dma_wait3A_212, %dma_wait3A_217] : memref<2x8x128xi32, #tpu.memory_space<vmem>> -> memref<1x1x128xi32, #tpu.memory_space<vmem>>
    %dma_wait3A_219 = tpu.memref_squeeze %dma_wait3A_218 : memref<1x1x128xi32, #tpu.memory_space<vmem>> -> memref<128xi32, #tpu.memory_space<vmem>>
    %dma_wait3A_220 = arith.constant 0 : i32
    %dma_wait3A_221 = arith.constant 0 : i32
    %dma_wait3A_222 = tpu.memref_slice %arg9[%dma_wait3A_220, %dma_wait3A_221] : memref<10240x40xf32, #tpu.memory_space<vmem_shared>> -> memref<10240x40xf32, #tpu.memory_space<vmem_shared>>
    tpu.wait_indirect_dma semaphore(%arg10 : memref<!tpu.dma_semaphore, #tpu.memory_space<semaphore_mem>>) src(%dma_wait3A_216 : memref<128x40xf32, #tpu.memory_space<vmem>>) dst(%dma_wait3A_222 : memref<10240x40xf32, #tpu.memory_space<vmem_shared>>)
    %dma_wait3A_223 = arith.constant 0 : i32
    %dma_wait3A_224 = arith.constant 0 : i32
    %dma_wait3A_225 = arith.constant 2 : i32
    %dma_wait3A_226 = arith.constant 256 : i32
    %dma_wait3A_227 = arith.constant 0 : i32
    %dma_wait3A_228 = tpu.memref_slice %arg8[%dma_wait3A_223, %dma_wait3A_226, %dma_wait3A_227] : memref<2x1024x40xf32, #tpu.memory_space<vmem>> -> memref<1x128x40xf32, #tpu.memory_space<vmem>>
    %dma_wait3A_229 = tpu.memref_squeeze %dma_wait3A_228 : memref<1x128x40xf32, #tpu.memory_space<vmem>> -> memref<128x40xf32, #tpu.memory_space<vmem>>
    %dma_wait3A_230 = arith.constant 0 : i32
    %dma_wait3A_231 = tpu.memref_slice %arg7[%dma_wait3A_224, %dma_wait3A_225, %dma_wait3A_230] : memref<2x8x128xi32, #tpu.memory_space<vmem>> -> memref<1x1x128xi32, #tpu.memory_space<vmem>>
    %dma_wait3A_232 = tpu.memref_squeeze %dma_wait3A_231 : memref<1x1x128xi32, #tpu.memory_space<vmem>> -> memref<128xi32, #tpu.memory_space<vmem>>
    %dma_wait3A_233 = arith.constant 0 : i32
    %dma_wait3A_234 = arith.constant 0 : i32
    %dma_wait3A_235 = tpu.memref_slice %arg9[%dma_wait3A_233, %dma_wait3A_234] : memref<10240x40xf32, #tpu.memory_space<vmem_shared>> -> memref<10240x40xf32, #tpu.memory_space<vmem_shared>>
    tpu.wait_indirect_dma semaphore(%arg10 : memref<!tpu.dma_semaphore, #tpu.memory_space<semaphore_mem>>) src(%dma_wait3A_229 : memref<128x40xf32, #tpu.memory_space<vmem>>) dst(%dma_wait3A_235 : memref<10240x40xf32, #tpu.memory_space<vmem_shared>>)
    %dma_wait3A_236 = arith.constant 0 : i32
    %dma_wait3A_237 = arith.constant 0 : i32
    %dma_wait3A_238 = arith.constant 3 : i32
    %dma_wait3A_239 = arith.constant 384 : i32
    %dma_wait3A_240 = arith.constant 0 : i32
    %dma_wait3A_241 = tpu.memref_slice %arg8[%dma_wait3A_236, %dma_wait3A_239, %dma_wait3A_240] : memref<2x1024x40xf32, #tpu.memory_space<vmem>> -> memref<1x128x40xf32, #tpu.memory_space<vmem>>
    %dma_wait3A_242 = tpu.memref_squeeze %dma_wait3A_241 : memref<1x128x40xf32, #tpu.memory_space<vmem>> -> memref<128x40xf32, #tpu.memory_space<vmem>>
    %dma_wait3A_243 = arith.constant 0 : i32
    %dma_wait3A_244 = tpu.memref_slice %arg7[%dma_wait3A_237, %dma_wait3A_238, %dma_wait3A_243] : memref<2x8x128xi32, #tpu.memory_space<vmem>> -> memref<1x1x128xi32, #tpu.memory_space<vmem>>
    %dma_wait3A_245 = tpu.memref_squeeze %dma_wait3A_244 : memref<1x1x128xi32, #tpu.memory_space<vmem>> -> memref<128xi32, #tpu.memory_space<vmem>>
    %dma_wait3A_246 = arith.constant 0 : i32
    %dma_wait3A_247 = arith.constant 0 : i32
    %dma_wait3A_248 = tpu.memref_slice %arg9[%dma_wait3A_246, %dma_wait3A_247] : memref<10240x40xf32, #tpu.memory_space<vmem_shared>> -> memref<10240x40xf32, #tpu.memory_space<vmem_shared>>
    tpu.wait_indirect_dma semaphore(%arg10 : memref<!tpu.dma_semaphore, #tpu.memory_space<semaphore_mem>>) src(%dma_wait3A_242 : memref<128x40xf32, #tpu.memory_space<vmem>>) dst(%dma_wait3A_248 : memref<10240x40xf32, #tpu.memory_space<vmem_shared>>)
    %dma_wait3A_249 = arith.constant 0 : i32
    %dma_wait3A_250 = arith.constant 0 : i32
    %dma_wait3A_251 = arith.constant 4 : i32
    %dma_wait3A_252 = arith.constant 512 : i32
    %dma_wait3A_253 = arith.constant 0 : i32
    %dma_wait3A_254 = tpu.memref_slice %arg8[%dma_wait3A_249, %dma_wait3A_252, %dma_wait3A_253] : memref<2x1024x40xf32, #tpu.memory_space<vmem>> -> memref<1x128x40xf32, #tpu.memory_space<vmem>>
    %dma_wait3A_255 = tpu.memref_squeeze %dma_wait3A_254 : memref<1x128x40xf32, #tpu.memory_space<vmem>> -> memref<128x40xf32, #tpu.memory_space<vmem>>
    %dma_wait3A_256 = arith.constant 0 : i32
    %dma_wait3A_257 = tpu.memref_slice %arg7[%dma_wait3A_250, %dma_wait3A_251, %dma_wait3A_256] : memref<2x8x128xi32, #tpu.memory_space<vmem>> -> memref<1x1x128xi32, #tpu.memory_space<vmem>>
    %dma_wait3A_258 = tpu.memref_squeeze %dma_wait3A_257 : memref<1x1x128xi32, #tpu.memory_space<vmem>> -> memref<128xi32, #tpu.memory_space<vmem>>
    %dma_wait3A_259 = arith.constant 0 : i32
    %dma_wait3A_260 = arith.constant 0 : i32
    %dma_wait3A_261 = tpu.memref_slice %arg9[%dma_wait3A_259, %dma_wait3A_260] : memref<10240x40xf32, #tpu.memory_space<vmem_shared>> -> memref<10240x40xf32, #tpu.memory_space<vmem_shared>>
    tpu.wait_indirect_dma semaphore(%arg10 : memref<!tpu.dma_semaphore, #tpu.memory_space<semaphore_mem>>) src(%dma_wait3A_255 : memref<128x40xf32, #tpu.memory_space<vmem>>) dst(%dma_wait3A_261 : memref<10240x40xf32, #tpu.memory_space<vmem_shared>>)
    %dma_wait3A_262 = arith.constant 0 : i32
    %dma_wait3A_263 = arith.constant 0 : i32
    %dma_wait3A_264 = arith.constant 5 : i32
    %dma_wait3A_265 = arith.constant 640 : i32
    %dma_wait3A_266 = arith.constant 0 : i32
    %dma_wait3A_267 = tpu.memref_slice %arg8[%dma_wait3A_262, %dma_wait3A_265, %dma_wait3A_266] : memref<2x1024x40xf32, #tpu.memory_space<vmem>> -> memref<1x128x40xf32, #tpu.memory_space<vmem>>
    %dma_wait3A_268 = tpu.memref_squeeze %dma_wait3A_267 : memref<1x128x40xf32, #tpu.memory_space<vmem>> -> memref<128x40xf32, #tpu.memory_space<vmem>>
    %dma_wait3A_269 = arith.constant 0 : i32
    %dma_wait3A_270 = tpu.memref_slice %arg7[%dma_wait3A_263, %dma_wait3A_264, %dma_wait3A_269] : memref<2x8x128xi32, #tpu.memory_space<vmem>> -> memref<1x1x128xi32, #tpu.memory_space<vmem>>
    %dma_wait3A_271 = tpu.memref_squeeze %dma_wait3A_270 : memref<1x1x128xi32, #tpu.memory_space<vmem>> -> memref<128xi32, #tpu.memory_space<vmem>>
    %dma_wait3A_272 = arith.constant 0 : i32
    %dma_wait3A_273 = arith.constant 0 : i32
    %dma_wait3A_274 = tpu.memref_slice %arg9[%dma_wait3A_272, %dma_wait3A_273] : memref<10240x40xf32, #tpu.memory_space<vmem_shared>> -> memref<10240x40xf32, #tpu.memory_space<vmem_shared>>
    tpu.wait_indirect_dma semaphore(%arg10 : memref<!tpu.dma_semaphore, #tpu.memory_space<semaphore_mem>>) src(%dma_wait3A_268 : memref<128x40xf32, #tpu.memory_space<vmem>>) dst(%dma_wait3A_274 : memref<10240x40xf32, #tpu.memory_space<vmem_shared>>)
    %dma_wait3A_275 = arith.constant 0 : i32
    %dma_wait3A_276 = arith.constant 0 : i32
    %dma_wait3A_277 = arith.constant 6 : i32
    %dma_wait3A_278 = arith.constant 768 : i32
    %dma_wait3A_279 = arith.constant 0 : i32
    %dma_wait3A_280 = tpu.memref_slice %arg8[%dma_wait3A_275, %dma_wait3A_278, %dma_wait3A_279] : memref<2x1024x40xf32, #tpu.memory_space<vmem>> -> memref<1x128x40xf32, #tpu.memory_space<vmem>>
    %dma_wait3A_281 = tpu.memref_squeeze %dma_wait3A_280 : memref<1x128x40xf32, #tpu.memory_space<vmem>> -> memref<128x40xf32, #tpu.memory_space<vmem>>
    %dma_wait3A_282 = arith.constant 0 : i32
    %dma_wait3A_283 = tpu.memref_slice %arg7[%dma_wait3A_276, %dma_wait3A_277, %dma_wait3A_282] : memref<2x8x128xi32, #tpu.memory_space<vmem>> -> memref<1x1x128xi32, #tpu.memory_space<vmem>>
    %dma_wait3A_284 = tpu.memref_squeeze %dma_wait3A_283 : memref<1x1x128xi32, #tpu.memory_space<vmem>> -> memref<128xi32, #tpu.memory_space<vmem>>
    %dma_wait3A_285 = arith.constant 0 : i32
    %dma_wait3A_286 = arith.constant 0 : i32
    %dma_wait3A_287 = tpu.memref_slice %arg9[%dma_wait3A_285, %dma_wait3A_286] : memref<10240x40xf32, #tpu.memory_space<vmem_shared>> -> memref<10240x40xf32, #tpu.memory_space<vmem_shared>>
    tpu.wait_indirect_dma semaphore(%arg10 : memref<!tpu.dma_semaphore, #tpu.memory_space<semaphore_mem>>) src(%dma_wait3A_281 : memref<128x40xf32, #tpu.memory_space<vmem>>) dst(%dma_wait3A_287 : memref<10240x40xf32, #tpu.memory_space<vmem_shared>>)
    %dma_wait3A_288 = arith.constant 0 : i32
    %dma_wait3A_289 = arith.constant 0 : i32
    %dma_wait3A_290 = arith.constant 7 : i32
    %dma_wait3A_291 = arith.constant 896 : i32
    %dma_wait3A_292 = arith.constant 0 : i32
    %dma_wait3A_293 = tpu.memref_slice %arg8[%dma_wait3A_288, %dma_wait3A_291, %dma_wait3A_292] : memref<2x1024x40xf32, #tpu.memory_space<vmem>> -> memref<1x128x40xf32, #tpu.memory_space<vmem>>
    %dma_wait3A_294 = tpu.memref_squeeze %dma_wait3A_293 : memref<1x128x40xf32, #tpu.memory_space<vmem>> -> memref<128x40xf32, #tpu.memory_space<vmem>>
    %dma_wait3A_295 = arith.constant 0 : i32
    %dma_wait3A_296 = tpu.memref_slice %arg7[%dma_wait3A_289, %dma_wait3A_290, %dma_wait3A_295] : memref<2x8x128xi32, #tpu.memory_space<vmem>> -> memref<1x1x128xi32, #tpu.memory_space<vmem>>
    %dma_wait3A_297 = tpu.memref_squeeze %dma_wait3A_296 : memref<1x1x128xi32, #tpu.memory_space<vmem>> -> memref<128xi32, #tpu.memory_space<vmem>>
    %dma_wait3A_298 = arith.constant 0 : i32
    %dma_wait3A_299 = arith.constant 0 : i32
    %dma_wait3A_300 = tpu.memref_slice %arg9[%dma_wait3A_298, %dma_wait3A_299] : memref<10240x40xf32, #tpu.memory_space<vmem_shared>> -> memref<10240x40xf32, #tpu.memory_space<vmem_shared>>
    tpu.wait_indirect_dma semaphore(%arg10 : memref<!tpu.dma_semaphore, #tpu.memory_space<semaphore_mem>>) src(%dma_wait3A_294 : memref<128x40xf32, #tpu.memory_space<vmem>>) dst(%dma_wait3A_300 : memref<10240x40xf32, #tpu.memory_space<vmem_shared>>)
    %dma_wait3A_301 = arith.constant 1 : i32
    %dma_wait3A_302 = arith.constant 0 : i32
    %dma_wait3A_303 = arith.constant 0 : i32
    %dma_wait3A_304 = tpu.memref_slice %arg7[%dma_wait3A_301, %dma_wait3A_302, %dma_wait3A_303] : memref<2x8x128xi32, #tpu.memory_space<vmem>> -> memref<1x8x128xi32, #tpu.memory_space<vmem>>
    %dma_wait3A_305 = tpu.memref_squeeze %dma_wait3A_304 : memref<1x8x128xi32, #tpu.memory_space<vmem>> -> memref<8x128xi32, #tpu.memory_space<vmem>>
    %dma_wait3A_306 = arith.constant 0 : i32
    %dma_wait3A_307 = tpu.memref_slice %arg3[%add3A_64, %dma_wait3A_306] : memref<1280x128xi32, #tpu.memory_space<hbm>> -> memref<8x128xi32, #tpu.memory_space<hbm>>
    %dma_wait3A_308 = arith.constant 0 : i32
    %dma_wait3A_309 = arith.constant 0 : i32
    %dma_wait3A_310 = tpu.memref_slice %arg7[%dma_wait3A_301, %dma_wait3A_308, %dma_wait3A_309] : memref<2x8x128xi32, #tpu.memory_space<vmem>> -> memref<1x8x128xi32, #tpu.memory_space<vmem>>
    %dma_wait3A_311 = tpu.memref_squeeze %dma_wait3A_310 : memref<1x8x128xi32, #tpu.memory_space<vmem>> -> memref<8x128xi32, #tpu.memory_space<vmem>>
    %dma_wait3A_312 = arith.constant 0 : i32
    %dma_wait3A_313 = tpu.memref_slice %arg3[%add3A_64, %dma_wait3A_312] : memref<1280x128xi32, #tpu.memory_space<hbm>> -> memref<8x128xi32, #tpu.memory_space<hbm>>
    tpu.wait_dma2 semaphore(%arg11 : memref<!tpu.dma_semaphore, #tpu.memory_space<semaphore_mem>>) src(%dma_wait3A_313 : memref<8x128xi32, #tpu.memory_space<hbm>>) dst(%dma_wait3A_311 : memref<8x128xi32, #tpu.memory_space<vmem>>)
    %dma_wait3A_314 = arith.constant 1 : i32
    %dma_wait3A_315 = arith.constant 0 : i32
    %dma_wait3A_316 = arith.constant 0 : i32
    %dma_wait3A_317 = tpu.memref_slice %arg8[%dma_wait3A_314, %dma_wait3A_315, %dma_wait3A_316] : memref<2x1024x40xf32, #tpu.memory_space<vmem>> -> memref<1x1024x40xf32, #tpu.memory_space<vmem>>
    %dma_wait3A_318 = tpu.memref_squeeze %dma_wait3A_317 : memref<1x1024x40xf32, #tpu.memory_space<vmem>> -> memref<1024x40xf32, #tpu.memory_space<vmem>>
    %dma_wait3A_319 = arith.constant 0 : i32
    %dma_wait3A_320 = tpu.memref_slice %arg2[%mul3A_79, %dma_wait3A_319] : memref<163840x128xf32, #tpu.memory_space<hbm>> -> memref<1024x40xf32, #tpu.memory_space<hbm>>
    %dma_wait3A_321 = arith.constant 0 : i32
    %dma_wait3A_322 = arith.constant 0 : i32
    %dma_wait3A_323 = tpu.memref_slice %arg8[%dma_wait3A_314, %dma_wait3A_321, %dma_wait3A_322] : memref<2x1024x40xf32, #tpu.memory_space<vmem>> -> memref<1x1024x40xf32, #tpu.memory_space<vmem>>
    %dma_wait3A_324 = tpu.memref_squeeze %dma_wait3A_323 : memref<1x1024x40xf32, #tpu.memory_space<vmem>> -> memref<1024x40xf32, #tpu.memory_space<vmem>>
    %dma_wait3A_325 = arith.constant 0 : i32
    %dma_wait3A_326 = tpu.memref_slice %arg2[%mul3A_79, %dma_wait3A_325] : memref<163840x128xf32, #tpu.memory_space<hbm>> -> memref<1024x40xf32, #tpu.memory_space<hbm>>
    tpu.wait_dma2 semaphore(%arg11 : memref<!tpu.dma_semaphore, #tpu.memory_space<semaphore_mem>>) src(%dma_wait3A_326 : memref<1024x40xf32, #tpu.memory_space<hbm>>) dst(%dma_wait3A_324 : memref<1024x40xf32, #tpu.memory_space<vmem>>)
    %mul3A_327 = arith.constant 40 : i32
    %mul3A_328 = arith.muli %add3A, %mul3A_327 : i32
    %add3A_329 = arith.constant 16 : i32
    %add3A_330 = arith.addi %mul3A_328, %add3A_329 : i32
    %dma_start3A_331 = arith.constant 0 : i32
    %dma_start3A_332 = arith.constant 0 : i32
    %dma_start3A_333 = arith.constant 0 : i32
    %dma_start3A_334 = tpu.memref_slice %arg7[%dma_start3A_331, %dma_start3A_332, %dma_start3A_333] : memref<2x8x128xi32, #tpu.memory_space<vmem>> -> memref<1x8x128xi32, #tpu.memory_space<vmem>>
    %dma_start3A_335 = tpu.memref_squeeze %dma_start3A_334 : memref<1x8x128xi32, #tpu.memory_space<vmem>> -> memref<8x128xi32, #tpu.memory_space<vmem>>
    %dma_start3A_336 = arith.constant 0 : i32
    %dma_start3A_337 = tpu.memref_slice %arg3[%add3A_330, %dma_start3A_336] : memref<1280x128xi32, #tpu.memory_space<hbm>> -> memref<8x128xi32, #tpu.memory_space<hbm>>
    %dma_start3A_338 = arith.constant 0 : i32
    %dma_start3A_339 = arith.constant 0 : i32
    %dma_start3A_340 = tpu.memref_slice %arg7[%dma_start3A_331, %dma_start3A_338, %dma_start3A_339] : memref<2x8x128xi32, #tpu.memory_space<vmem>> -> memref<1x8x128xi32, #tpu.memory_space<vmem>>
    %dma_start3A_341 = tpu.memref_squeeze %dma_start3A_340 : memref<1x8x128xi32, #tpu.memory_space<vmem>> -> memref<8x128xi32, #tpu.memory_space<vmem>>
    %dma_start3A_342 = arith.constant 0 : i32
    %dma_start3A_343 = tpu.memref_slice %arg3[%add3A_330, %dma_start3A_342] : memref<1280x128xi32, #tpu.memory_space<hbm>> -> memref<8x128xi32, #tpu.memory_space<hbm>>
    tpu.enqueue_dma source(%dma_start3A_343 : memref<8x128xi32, #tpu.memory_space<hbm>>) target(%dma_start3A_341 : memref<8x128xi32, #tpu.memory_space<vmem>>) target_semaphore(%arg11 : memref<!tpu.dma_semaphore, #tpu.memory_space<semaphore_mem>>)
    %mul3A_344 = arith.constant 128 : i32
    %mul3A_345 = arith.muli %add3A_330, %mul3A_344 : i32
    %dma_start3A_346 = arith.constant 0 : i32
    %dma_start3A_347 = arith.constant 0 : i32
    %dma_start3A_348 = arith.constant 0 : i32
    %dma_start3A_349 = tpu.memref_slice %arg8[%dma_start3A_346, %dma_start3A_347, %dma_start3A_348] : memref<2x1024x40xf32, #tpu.memory_space<vmem>> -> memref<1x1024x40xf32, #tpu.memory_space<vmem>>
    %dma_start3A_350 = tpu.memref_squeeze %dma_start3A_349 : memref<1x1024x40xf32, #tpu.memory_space<vmem>> -> memref<1024x40xf32, #tpu.memory_space<vmem>>
    %dma_start3A_351 = arith.constant 0 : i32
    %dma_start3A_352 = tpu.memref_slice %arg2[%mul3A_345, %dma_start3A_351] : memref<163840x128xf32, #tpu.memory_space<hbm>> -> memref<1024x40xf32, #tpu.memory_space<hbm>>
    %dma_start3A_353 = arith.constant 0 : i32
    %dma_start3A_354 = arith.constant 0 : i32
    %dma_start3A_355 = tpu.memref_slice %arg8[%dma_start3A_346, %dma_start3A_353, %dma_start3A_354] : memref<2x1024x40xf32, #tpu.memory_space<vmem>> -> memref<1x1024x40xf32, #tpu.memory_space<vmem>>
    %dma_start3A_356 = tpu.memref_squeeze %dma_start3A_355 : memref<1x1024x40xf32, #tpu.memory_space<vmem>> -> memref<1024x40xf32, #tpu.memory_space<vmem>>
    %dma_start3A_357 = arith.constant 0 : i32
    %dma_start3A_358 = tpu.memref_slice %arg2[%mul3A_345, %dma_start3A_357] : memref<163840x128xf32, #tpu.memory_space<hbm>> -> memref<1024x40xf32, #tpu.memory_space<hbm>>
    tpu.enqueue_dma source(%dma_start3A_358 : memref<1024x40xf32, #tpu.memory_space<hbm>>) target(%dma_start3A_356 : memref<1024x40xf32, #tpu.memory_space<vmem>>) target_semaphore(%arg11 : memref<!tpu.dma_semaphore, #tpu.memory_space<semaphore_mem>>)
    %dma_start3A_359 = arith.constant 1 : i32
    %dma_start3A_360 = arith.constant 1 : i32
    %dma_start3A_361 = arith.constant 0 : i32
    %dma_start3A_362 = arith.constant 0 : i32
    %dma_start3A_363 = arith.constant 0 : i32
    %dma_start3A_364 = tpu.memref_slice %arg8[%dma_start3A_359, %dma_start3A_362, %dma_start3A_363] : memref<2x1024x40xf32, #tpu.memory_space<vmem>> -> memref<1x128x40xf32, #tpu.memory_space<vmem>>
    %dma_start3A_365 = tpu.memref_squeeze %dma_start3A_364 : memref<1x128x40xf32, #tpu.memory_space<vmem>> -> memref<128x40xf32, #tpu.memory_space<vmem>>
    %dma_start3A_366 = arith.constant 0 : i32
    %dma_start3A_367 = tpu.memref_slice %arg7[%dma_start3A_360, %dma_start3A_361, %dma_start3A_366] : memref<2x8x128xi32, #tpu.memory_space<vmem>> -> memref<1x1x128xi32, #tpu.memory_space<vmem>>
    %dma_start3A_368 = tpu.memref_squeeze %dma_start3A_367 : memref<1x1x128xi32, #tpu.memory_space<vmem>> -> memref<128xi32, #tpu.memory_space<vmem>>
    %dma_start3A_369 = arith.constant 0 : i32
    %dma_start3A_370 = arith.constant 0 : i32
    %dma_start3A_371 = tpu.memref_slice %arg9[%dma_start3A_369, %dma_start3A_370] : memref<10240x40xf32, #tpu.memory_space<vmem_shared>> -> memref<10240x40xf32, #tpu.memory_space<vmem_shared>>
    tpu.enqueue_indirect_dma source(%dma_start3A_365 : memref<128x40xf32, #tpu.memory_space<vmem>>) target(%dma_start3A_371 : memref<10240x40xf32, #tpu.memory_space<vmem_shared>>) offsets(%dma_start3A_368 : memref<128xi32, #tpu.memory_space<vmem>>) semaphore(%arg10 : memref<!tpu.dma_semaphore, #tpu.memory_space<semaphore_mem>>) {add = true}
    %dma_start3A_372 = arith.constant 1 : i32
    %dma_start3A_373 = arith.constant 1 : i32
    %dma_start3A_374 = arith.constant 1 : i32
    %dma_start3A_375 = arith.constant 128 : i32
    %dma_start3A_376 = arith.constant 0 : i32
    %dma_start3A_377 = tpu.memref_slice %arg8[%dma_start3A_372, %dma_start3A_375, %dma_start3A_376] : memref<2x1024x40xf32, #tpu.memory_space<vmem>> -> memref<1x128x40xf32, #tpu.memory_space<vmem>>
    %dma_start3A_378 = tpu.memref_squeeze %dma_start3A_377 : memref<1x128x40xf32, #tpu.memory_space<vmem>> -> memref<128x40xf32, #tpu.memory_space<vmem>>
    %dma_start3A_379 = arith.constant 0 : i32
    %dma_start3A_380 = tpu.memref_slice %arg7[%dma_start3A_373, %dma_start3A_374, %dma_start3A_379] : memref<2x8x128xi32, #tpu.memory_space<vmem>> -> memref<1x1x128xi32, #tpu.memory_space<vmem>>
    %dma_start3A_381 = tpu.memref_squeeze %dma_start3A_380 : memref<1x1x128xi32, #tpu.memory_space<vmem>> -> memref<128xi32, #tpu.memory_space<vmem>>
    %dma_start3A_382 = arith.constant 0 : i32
    %dma_start3A_383 = arith.constant 0 : i32
    %dma_start3A_384 = tpu.memref_slice %arg9[%dma_start3A_382, %dma_start3A_383] : memref<10240x40xf32, #tpu.memory_space<vmem_shared>> -> memref<10240x40xf32, #tpu.memory_space<vmem_shared>>
    tpu.enqueue_indirect_dma source(%dma_start3A_378 : memref<128x40xf32, #tpu.memory_space<vmem>>) target(%dma_start3A_384 : memref<10240x40xf32, #tpu.memory_space<vmem_shared>>) offsets(%dma_start3A_381 : memref<128xi32, #tpu.memory_space<vmem>>) semaphore(%arg10 : memref<!tpu.dma_semaphore, #tpu.memory_space<semaphore_mem>>) {add = true}
    %dma_start3A_385 = arith.constant 1 : i32
    %dma_start3A_386 = arith.constant 1 : i32
    %dma_start3A_387 = arith.constant 2 : i32
    %dma_start3A_388 = arith.constant 256 : i32
    %dma_start3A_389 = arith.constant 0 : i32
    %dma_start3A_390 = tpu.memref_slice %arg8[%dma_start3A_385, %dma_start3A_388, %dma_start3A_389] : memref<2x1024x40xf32, #tpu.memory_space<vmem>> -> memref<1x128x40xf32, #tpu.memory_space<vmem>>
    %dma_start3A_391 = tpu.memref_squeeze %dma_start3A_390 : memref<1x128x40xf32, #tpu.memory_space<vmem>> -> memref<128x40xf32, #tpu.memory_space<vmem>>
    %dma_start3A_392 = arith.constant 0 : i32
    %dma_start3A_393 = tpu.memref_slice %arg7[%dma_start3A_386, %dma_start3A_387, %dma_start3A_392] : memref<2x8x128xi32, #tpu.memory_space<vmem>> -> memref<1x1x128xi32, #tpu.memory_space<vmem>>
    %dma_start3A_394 = tpu.memref_squeeze %dma_start3A_393 : memref<1x1x128xi32, #tpu.memory_space<vmem>> -> memref<128xi32, #tpu.memory_space<vmem>>
    %dma_start3A_395 = arith.constant 0 : i32
    %dma_start3A_396 = arith.constant 0 : i32
    %dma_start3A_397 = tpu.memref_slice %arg9[%dma_start3A_395, %dma_start3A_396] : memref<10240x40xf32, #tpu.memory_space<vmem_shared>> -> memref<10240x40xf32, #tpu.memory_space<vmem_shared>>
    tpu.enqueue_indirect_dma source(%dma_start3A_391 : memref<128x40xf32, #tpu.memory_space<vmem>>) target(%dma_start3A_397 : memref<10240x40xf32, #tpu.memory_space<vmem_shared>>) offsets(%dma_start3A_394 : memref<128xi32, #tpu.memory_space<vmem>>) semaphore(%arg10 : memref<!tpu.dma_semaphore, #tpu.memory_space<semaphore_mem>>) {add = true}
    %dma_start3A_398 = arith.constant 1 : i32
    %dma_start3A_399 = arith.constant 1 : i32
    %dma_start3A_400 = arith.constant 3 : i32
    %dma_start3A_401 = arith.constant 384 : i32
    %dma_start3A_402 = arith.constant 0 : i32
    %dma_start3A_403 = tpu.memref_slice %arg8[%dma_start3A_398, %dma_start3A_401, %dma_start3A_402] : memref<2x1024x40xf32, #tpu.memory_space<vmem>> -> memref<1x128x40xf32, #tpu.memory_space<vmem>>
    %dma_start3A_404 = tpu.memref_squeeze %dma_start3A_403 : memref<1x128x40xf32, #tpu.memory_space<vmem>> -> memref<128x40xf32, #tpu.memory_space<vmem>>
    %dma_start3A_405 = arith.constant 0 : i32
    %dma_start3A_406 = tpu.memref_slice %arg7[%dma_start3A_399, %dma_start3A_400, %dma_start3A_405] : memref<2x8x128xi32, #tpu.memory_space<vmem>> -> memref<1x1x128xi32, #tpu.memory_space<vmem>>
    %dma_start3A_407 = tpu.memref_squeeze %dma_start3A_406 : memref<1x1x128xi32, #tpu.memory_space<vmem>> -> memref<128xi32, #tpu.memory_space<vmem>>
    %dma_start3A_408 = arith.constant 0 : i32
    %dma_start3A_409 = arith.constant 0 : i32
    %dma_start3A_410 = tpu.memref_slice %arg9[%dma_start3A_408, %dma_start3A_409] : memref<10240x40xf32, #tpu.memory_space<vmem_shared>> -> memref<10240x40xf32, #tpu.memory_space<vmem_shared>>
    tpu.enqueue_indirect_dma source(%dma_start3A_404 : memref<128x40xf32, #tpu.memory_space<vmem>>) target(%dma_start3A_410 : memref<10240x40xf32, #tpu.memory_space<vmem_shared>>) offsets(%dma_start3A_407 : memref<128xi32, #tpu.memory_space<vmem>>) semaphore(%arg10 : memref<!tpu.dma_semaphore, #tpu.memory_space<semaphore_mem>>) {add = true}
    %dma_start3A_411 = arith.constant 1 : i32
    %dma_start3A_412 = arith.constant 1 : i32
    %dma_start3A_413 = arith.constant 4 : i32
    %dma_start3A_414 = arith.constant 512 : i32
    %dma_start3A_415 = arith.constant 0 : i32
    %dma_start3A_416 = tpu.memref_slice %arg8[%dma_start3A_411, %dma_start3A_414, %dma_start3A_415] : memref<2x1024x40xf32, #tpu.memory_space<vmem>> -> memref<1x128x40xf32, #tpu.memory_space<vmem>>
    %dma_start3A_417 = tpu.memref_squeeze %dma_start3A_416 : memref<1x128x40xf32, #tpu.memory_space<vmem>> -> memref<128x40xf32, #tpu.memory_space<vmem>>
    %dma_start3A_418 = arith.constant 0 : i32
    %dma_start3A_419 = tpu.memref_slice %arg7[%dma_start3A_412, %dma_start3A_413, %dma_start3A_418] : memref<2x8x128xi32, #tpu.memory_space<vmem>> -> memref<1x1x128xi32, #tpu.memory_space<vmem>>
    %dma_start3A_420 = tpu.memref_squeeze %dma_start3A_419 : memref<1x1x128xi32, #tpu.memory_space<vmem>> -> memref<128xi32, #tpu.memory_space<vmem>>
    %dma_start3A_421 = arith.constant 0 : i32
    %dma_start3A_422 = arith.constant 0 : i32
    %dma_start3A_423 = tpu.memref_slice %arg9[%dma_start3A_421, %dma_start3A_422] : memref<10240x40xf32, #tpu.memory_space<vmem_shared>> -> memref<10240x40xf32, #tpu.memory_space<vmem_shared>>
    tpu.enqueue_indirect_dma source(%dma_start3A_417 : memref<128x40xf32, #tpu.memory_space<vmem>>) target(%dma_start3A_423 : memref<10240x40xf32, #tpu.memory_space<vmem_shared>>) offsets(%dma_start3A_420 : memref<128xi32, #tpu.memory_space<vmem>>) semaphore(%arg10 : memref<!tpu.dma_semaphore, #tpu.memory_space<semaphore_mem>>) {add = true}
    %dma_start3A_424 = arith.constant 1 : i32
    %dma_start3A_425 = arith.constant 1 : i32
    %dma_start3A_426 = arith.constant 5 : i32
    %dma_start3A_427 = arith.constant 640 : i32
    %dma_start3A_428 = arith.constant 0 : i32
    %dma_start3A_429 = tpu.memref_slice %arg8[%dma_start3A_424, %dma_start3A_427, %dma_start3A_428] : memref<2x1024x40xf32, #tpu.memory_space<vmem>> -> memref<1x128x40xf32, #tpu.memory_space<vmem>>
    %dma_start3A_430 = tpu.memref_squeeze %dma_start3A_429 : memref<1x128x40xf32, #tpu.memory_space<vmem>> -> memref<128x40xf32, #tpu.memory_space<vmem>>
    %dma_start3A_431 = arith.constant 0 : i32
    %dma_start3A_432 = tpu.memref_slice %arg7[%dma_start3A_425, %dma_start3A_426, %dma_start3A_431] : memref<2x8x128xi32, #tpu.memory_space<vmem>> -> memref<1x1x128xi32, #tpu.memory_space<vmem>>
    %dma_start3A_433 = tpu.memref_squeeze %dma_start3A_432 : memref<1x1x128xi32, #tpu.memory_space<vmem>> -> memref<128xi32, #tpu.memory_space<vmem>>
    %dma_start3A_434 = arith.constant 0 : i32
    %dma_start3A_435 = arith.constant 0 : i32
    %dma_start3A_436 = tpu.memref_slice %arg9[%dma_start3A_434, %dma_start3A_435] : memref<10240x40xf32, #tpu.memory_space<vmem_shared>> -> memref<10240x40xf32, #tpu.memory_space<vmem_shared>>
    tpu.enqueue_indirect_dma source(%dma_start3A_430 : memref<128x40xf32, #tpu.memory_space<vmem>>) target(%dma_start3A_436 : memref<10240x40xf32, #tpu.memory_space<vmem_shared>>) offsets(%dma_start3A_433 : memref<128xi32, #tpu.memory_space<vmem>>) semaphore(%arg10 : memref<!tpu.dma_semaphore, #tpu.memory_space<semaphore_mem>>) {add = true}
    %dma_start3A_437 = arith.constant 1 : i32
    %dma_start3A_438 = arith.constant 1 : i32
    %dma_start3A_439 = arith.constant 6 : i32
    %dma_start3A_440 = arith.constant 768 : i32
    %dma_start3A_441 = arith.constant 0 : i32
    %dma_start3A_442 = tpu.memref_slice %arg8[%dma_start3A_437, %dma_start3A_440, %dma_start3A_441] : memref<2x1024x40xf32, #tpu.memory_space<vmem>> -> memref<1x128x40xf32, #tpu.memory_space<vmem>>
    %dma_start3A_443 = tpu.memref_squeeze %dma_start3A_442 : memref<1x128x40xf32, #tpu.memory_space<vmem>> -> memref<128x40xf32, #tpu.memory_space<vmem>>
    %dma_start3A_444 = arith.constant 0 : i32
    %dma_start3A_445 = tpu.memref_slice %arg7[%dma_start3A_438, %dma_start3A_439, %dma_start3A_444] : memref<2x8x128xi32, #tpu.memory_space<vmem>> -> memref<1x1x128xi32, #tpu.memory_space<vmem>>
    %dma_start3A_446 = tpu.memref_squeeze %dma_start3A_445 : memref<1x1x128xi32, #tpu.memory_space<vmem>> -> memref<128xi32, #tpu.memory_space<vmem>>
    %dma_start3A_447 = arith.constant 0 : i32
    %dma_start3A_448 = arith.constant 0 : i32
    %dma_start3A_449 = tpu.memref_slice %arg9[%dma_start3A_447, %dma_start3A_448] : memref<10240x40xf32, #tpu.memory_space<vmem_shared>> -> memref<10240x40xf32, #tpu.memory_space<vmem_shared>>
    tpu.enqueue_indirect_dma source(%dma_start3A_443 : memref<128x40xf32, #tpu.memory_space<vmem>>) target(%dma_start3A_449 : memref<10240x40xf32, #tpu.memory_space<vmem_shared>>) offsets(%dma_start3A_446 : memref<128xi32, #tpu.memory_space<vmem>>) semaphore(%arg10 : memref<!tpu.dma_semaphore, #tpu.memory_space<semaphore_mem>>) {add = true}
    %dma_start3A_450 = arith.constant 1 : i32
    %dma_start3A_451 = arith.constant 1 : i32
    %dma_start3A_452 = arith.constant 7 : i32
    %dma_start3A_453 = arith.constant 896 : i32
    %dma_start3A_454 = arith.constant 0 : i32
    %dma_start3A_455 = tpu.memref_slice %arg8[%dma_start3A_450, %dma_start3A_453, %dma_start3A_454] : memref<2x1024x40xf32, #tpu.memory_space<vmem>> -> memref<1x128x40xf32, #tpu.memory_space<vmem>>
    %dma_start3A_456 = tpu.memref_squeeze %dma_start3A_455 : memref<1x128x40xf32, #tpu.memory_space<vmem>> -> memref<128x40xf32, #tpu.memory_space<vmem>>
    %dma_start3A_457 = arith.constant 0 : i32
    %dma_start3A_458 = tpu.memref_slice %arg7[%dma_start3A_451, %dma_start3A_452, %dma_start3A_457] : memref<2x8x128xi32, #tpu.memory_space<vmem>> -> memref<1x1x128xi32, #tpu.memory_space<vmem>>
    %dma_start3A_459 = tpu.memref_squeeze %dma_start3A_458 : memref<1x1x128xi32, #tpu.memory_space<vmem>> -> memref<128xi32, #tpu.memory_space<vmem>>
    %dma_start3A_460 = arith.constant 0 : i32
    %dma_start3A_461 = arith.constant 0 : i32
    %dma_start3A_462 = tpu.memref_slice %arg9[%dma_start3A_460, %dma_start3A_461] : memref<10240x40xf32, #tpu.memory_space<vmem_shared>> -> memref<10240x40xf32, #tpu.memory_space<vmem_shared>>
    tpu.enqueue_indirect_dma source(%dma_start3A_456 : memref<128x40xf32, #tpu.memory_space<vmem>>) target(%dma_start3A_462 : memref<10240x40xf32, #tpu.memory_space<vmem_shared>>) offsets(%dma_start3A_459 : memref<128xi32, #tpu.memory_space<vmem>>) semaphore(%arg10 : memref<!tpu.dma_semaphore, #tpu.memory_space<semaphore_mem>>) {add = true}
    %dma_wait3A_463 = arith.constant 1 : i32
    %dma_wait3A_464 = arith.constant 1 : i32
    %dma_wait3A_465 = arith.constant 0 : i32
    %dma_wait3A_466 = arith.constant 0 : i32
    %dma_wait3A_467 = arith.constant 0 : i32
    %dma_wait3A_468 = tpu.memref_slice %arg8[%dma_wait3A_463, %dma_wait3A_466, %dma_wait3A_467] : memref<2x1024x40xf32, #tpu.memory_space<vmem>> -> memref<1x128x40xf32, #tpu.memory_space<vmem>>
    %dma_wait3A_469 = tpu.memref_squeeze %dma_wait3A_468 : memref<1x128x40xf32, #tpu.memory_space<vmem>> -> memref<128x40xf32, #tpu.memory_space<vmem>>
    %dma_wait3A_470 = arith.constant 0 : i32
    %dma_wait3A_471 = tpu.memref_slice %arg7[%dma_wait3A_464, %dma_wait3A_465, %dma_wait3A_470] : memref<2x8x128xi32, #tpu.memory_space<vmem>> -> memref<1x1x128xi32, #tpu.memory_space<vmem>>
    %dma_wait3A_472 = tpu.memref_squeeze %dma_wait3A_471 : memref<1x1x128xi32, #tpu.memory_space<vmem>> -> memref<128xi32, #tpu.memory_space<vmem>>
    %dma_wait3A_473 = arith.constant 0 : i32
    %dma_wait3A_474 = arith.constant 0 : i32
    %dma_wait3A_475 = tpu.memref_slice %arg9[%dma_wait3A_473, %dma_wait3A_474] : memref<10240x40xf32, #tpu.memory_space<vmem_shared>> -> memref<10240x40xf32, #tpu.memory_space<vmem_shared>>
    tpu.wait_indirect_dma semaphore(%arg10 : memref<!tpu.dma_semaphore, #tpu.memory_space<semaphore_mem>>) src(%dma_wait3A_469 : memref<128x40xf32, #tpu.memory_space<vmem>>) dst(%dma_wait3A_475 : memref<10240x40xf32, #tpu.memory_space<vmem_shared>>)
    %dma_wait3A_476 = arith.constant 1 : i32
    %dma_wait3A_477 = arith.constant 1 : i32
    %dma_wait3A_478 = arith.constant 1 : i32
    %dma_wait3A_479 = arith.constant 128 : i32
    %dma_wait3A_480 = arith.constant 0 : i32
    %dma_wait3A_481 = tpu.memref_slice %arg8[%dma_wait3A_476, %dma_wait3A_479, %dma_wait3A_480] : memref<2x1024x40xf32, #tpu.memory_space<vmem>> -> memref<1x128x40xf32, #tpu.memory_space<vmem>>
    %dma_wait3A_482 = tpu.memref_squeeze %dma_wait3A_481 : memref<1x128x40xf32, #tpu.memory_space<vmem>> -> memref<128x40xf32, #tpu.memory_space<vmem>>
    %dma_wait3A_483 = arith.constant 0 : i32
    %dma_wait3A_484 = tpu.memref_slice %arg7[%dma_wait3A_477, %dma_wait3A_478, %dma_wait3A_483] : memref<2x8x128xi32, #tpu.memory_space<vmem>> -> memref<1x1x128xi32, #tpu.memory_space<vmem>>
    %dma_wait3A_485 = tpu.memref_squeeze %dma_wait3A_484 : memref<1x1x128xi32, #tpu.memory_space<vmem>> -> memref<128xi32, #tpu.memory_space<vmem>>
    %dma_wait3A_486 = arith.constant 0 : i32
    %dma_wait3A_487 = arith.constant 0 : i32
    %dma_wait3A_488 = tpu.memref_slice %arg9[%dma_wait3A_486, %dma_wait3A_487] : memref<10240x40xf32, #tpu.memory_space<vmem_shared>> -> memref<10240x40xf32, #tpu.memory_space<vmem_shared>>
    tpu.wait_indirect_dma semaphore(%arg10 : memref<!tpu.dma_semaphore, #tpu.memory_space<semaphore_mem>>) src(%dma_wait3A_482 : memref<128x40xf32, #tpu.memory_space<vmem>>) dst(%dma_wait3A_488 : memref<10240x40xf32, #tpu.memory_space<vmem_shared>>)
    %dma_wait3A_489 = arith.constant 1 : i32
    %dma_wait3A_490 = arith.constant 1 : i32
    %dma_wait3A_491 = arith.constant 2 : i32
    %dma_wait3A_492 = arith.constant 256 : i32
    %dma_wait3A_493 = arith.constant 0 : i32
    %dma_wait3A_494 = tpu.memref_slice %arg8[%dma_wait3A_489, %dma_wait3A_492, %dma_wait3A_493] : memref<2x1024x40xf32, #tpu.memory_space<vmem>> -> memref<1x128x40xf32, #tpu.memory_space<vmem>>
    %dma_wait3A_495 = tpu.memref_squeeze %dma_wait3A_494 : memref<1x128x40xf32, #tpu.memory_space<vmem>> -> memref<128x40xf32, #tpu.memory_space<vmem>>
    %dma_wait3A_496 = arith.constant 0 : i32
    %dma_wait3A_497 = tpu.memref_slice %arg7[%dma_wait3A_490, %dma_wait3A_491, %dma_wait3A_496] : memref<2x8x128xi32, #tpu.memory_space<vmem>> -> memref<1x1x128xi32, #tpu.memory_space<vmem>>
    %dma_wait3A_498 = tpu.memref_squeeze %dma_wait3A_497 : memref<1x1x128xi32, #tpu.memory_space<vmem>> -> memref<128xi32, #tpu.memory_space<vmem>>
    %dma_wait3A_499 = arith.constant 0 : i32
    %dma_wait3A_500 = arith.constant 0 : i32
    %dma_wait3A_501 = tpu.memref_slice %arg9[%dma_wait3A_499, %dma_wait3A_500] : memref<10240x40xf32, #tpu.memory_space<vmem_shared>> -> memref<10240x40xf32, #tpu.memory_space<vmem_shared>>
    tpu.wait_indirect_dma semaphore(%arg10 : memref<!tpu.dma_semaphore, #tpu.memory_space<semaphore_mem>>) src(%dma_wait3A_495 : memref<128x40xf32, #tpu.memory_space<vmem>>) dst(%dma_wait3A_501 : memref<10240x40xf32, #tpu.memory_space<vmem_shared>>)
    %dma_wait3A_502 = arith.constant 1 : i32
    %dma_wait3A_503 = arith.constant 1 : i32
    %dma_wait3A_504 = arith.constant 3 : i32
    %dma_wait3A_505 = arith.constant 384 : i32
    %dma_wait3A_506 = arith.constant 0 : i32
    %dma_wait3A_507 = tpu.memref_slice %arg8[%dma_wait3A_502, %dma_wait3A_505, %dma_wait3A_506] : memref<2x1024x40xf32, #tpu.memory_space<vmem>> -> memref<1x128x40xf32, #tpu.memory_space<vmem>>
    %dma_wait3A_508 = tpu.memref_squeeze %dma_wait3A_507 : memref<1x128x40xf32, #tpu.memory_space<vmem>> -> memref<128x40xf32, #tpu.memory_space<vmem>>
    %dma_wait3A_509 = arith.constant 0 : i32
    %dma_wait3A_510 = tpu.memref_slice %arg7[%dma_wait3A_503, %dma_wait3A_504, %dma_wait3A_509] : memref<2x8x128xi32, #tpu.memory_space<vmem>> -> memref<1x1x128xi32, #tpu.memory_space<vmem>>
    %dma_wait3A_511 = tpu.memref_squeeze %dma_wait3A_510 : memref<1x1x128xi32, #tpu.memory_space<vmem>> -> memref<128xi32, #tpu.memory_space<vmem>>
    %dma_wait3A_512 = arith.constant 0 : i32
    %dma_wait3A_513 = arith.constant 0 : i32
    %dma_wait3A_514 = tpu.memref_slice %arg9[%dma_wait3A_512, %dma_wait3A_513] : memref<10240x40xf32, #tpu.memory_space<vmem_shared>> -> memref<10240x40xf32, #tpu.memory_space<vmem_shared>>
    tpu.wait_indirect_dma semaphore(%arg10 : memref<!tpu.dma_semaphore, #tpu.memory_space<semaphore_mem>>) src(%dma_wait3A_508 : memref<128x40xf32, #tpu.memory_space<vmem>>) dst(%dma_wait3A_514 : memref<10240x40xf32, #tpu.memory_space<vmem_shared>>)
    %dma_wait3A_515 = arith.constant 1 : i32
    %dma_wait3A_516 = arith.constant 1 : i32
    %dma_wait3A_517 = arith.constant 4 : i32
    %dma_wait3A_518 = arith.constant 512 : i32
    %dma_wait3A_519 = arith.constant 0 : i32
    %dma_wait3A_520 = tpu.memref_slice %arg8[%dma_wait3A_515, %dma_wait3A_518, %dma_wait3A_519] : memref<2x1024x40xf32, #tpu.memory_space<vmem>> -> memref<1x128x40xf32, #tpu.memory_space<vmem>>
    %dma_wait3A_521 = tpu.memref_squeeze %dma_wait3A_520 : memref<1x128x40xf32, #tpu.memory_space<vmem>> -> memref<128x40xf32, #tpu.memory_space<vmem>>
    %dma_wait3A_522 = arith.constant 0 : i32
    %dma_wait3A_523 = tpu.memref_slice %arg7[%dma_wait3A_516, %dma_wait3A_517, %dma_wait3A_522] : memref<2x8x128xi32, #tpu.memory_space<vmem>> -> memref<1x1x128xi32, #tpu.memory_space<vmem>>
    %dma_wait3A_524 = tpu.memref_squeeze %dma_wait3A_523 : memref<1x1x128xi32, #tpu.memory_space<vmem>> -> memref<128xi32, #tpu.memory_space<vmem>>
    %dma_wait3A_525 = arith.constant 0 : i32
    %dma_wait3A_526 = arith.constant 0 : i32
    %dma_wait3A_527 = tpu.memref_slice %arg9[%dma_wait3A_525, %dma_wait3A_526] : memref<10240x40xf32, #tpu.memory_space<vmem_shared>> -> memref<10240x40xf32, #tpu.memory_space<vmem_shared>>
    tpu.wait_indirect_dma semaphore(%arg10 : memref<!tpu.dma_semaphore, #tpu.memory_space<semaphore_mem>>) src(%dma_wait3A_521 : memref<128x40xf32, #tpu.memory_space<vmem>>) dst(%dma_wait3A_527 : memref<10240x40xf32, #tpu.memory_space<vmem_shared>>)
    %dma_wait3A_528 = arith.constant 1 : i32
    %dma_wait3A_529 = arith.constant 1 : i32
    %dma_wait3A_530 = arith.constant 5 : i32
    %dma_wait3A_531 = arith.constant 640 : i32
    %dma_wait3A_532 = arith.constant 0 : i32
    %dma_wait3A_533 = tpu.memref_slice %arg8[%dma_wait3A_528, %dma_wait3A_531, %dma_wait3A_532] : memref<2x1024x40xf32, #tpu.memory_space<vmem>> -> memref<1x128x40xf32, #tpu.memory_space<vmem>>
    %dma_wait3A_534 = tpu.memref_squeeze %dma_wait3A_533 : memref<1x128x40xf32, #tpu.memory_space<vmem>> -> memref<128x40xf32, #tpu.memory_space<vmem>>
    %dma_wait3A_535 = arith.constant 0 : i32
    %dma_wait3A_536 = tpu.memref_slice %arg7[%dma_wait3A_529, %dma_wait3A_530, %dma_wait3A_535] : memref<2x8x128xi32, #tpu.memory_space<vmem>> -> memref<1x1x128xi32, #tpu.memory_space<vmem>>
    %dma_wait3A_537 = tpu.memref_squeeze %dma_wait3A_536 : memref<1x1x128xi32, #tpu.memory_space<vmem>> -> memref<128xi32, #tpu.memory_space<vmem>>
    %dma_wait3A_538 = arith.constant 0 : i32
    %dma_wait3A_539 = arith.constant 0 : i32
    %dma_wait3A_540 = tpu.memref_slice %arg9[%dma_wait3A_538, %dma_wait3A_539] : memref<10240x40xf32, #tpu.memory_space<vmem_shared>> -> memref<10240x40xf32, #tpu.memory_space<vmem_shared>>
    tpu.wait_indirect_dma semaphore(%arg10 : memref<!tpu.dma_semaphore, #tpu.memory_space<semaphore_mem>>) src(%dma_wait3A_534 : memref<128x40xf32, #tpu.memory_space<vmem>>) dst(%dma_wait3A_540 : memref<10240x40xf32, #tpu.memory_space<vmem_shared>>)
    %dma_wait3A_541 = arith.constant 1 : i32
    %dma_wait3A_542 = arith.constant 1 : i32
    %dma_wait3A_543 = arith.constant 6 : i32
    %dma_wait3A_544 = arith.constant 768 : i32
    %dma_wait3A_545 = arith.constant 0 : i32
    %dma_wait3A_546 = tpu.memref_slice %arg8[%dma_wait3A_541, %dma_wait3A_544, %dma_wait3A_545] : memref<2x1024x40xf32, #tpu.memory_space<vmem>> -> memref<1x128x40xf32, #tpu.memory_space<vmem>>
    %dma_wait3A_547 = tpu.memref_squeeze %dma_wait3A_546 : memref<1x128x40xf32, #tpu.memory_space<vmem>> -> memref<128x40xf32, #tpu.memory_space<vmem>>
    %dma_wait3A_548 = arith.constant 0 : i32
    %dma_wait3A_549 = tpu.memref_slice %arg7[%dma_wait3A_542, %dma_wait3A_543, %dma_wait3A_548] : memref<2x8x128xi32, #tpu.memory_space<vmem>> -> memref<1x1x128xi32, #tpu.memory_space<vmem>>
    %dma_wait3A_550 = tpu.memref_squeeze %dma_wait3A_549 : memref<1x1x128xi32, #tpu.memory_space<vmem>> -> memref<128xi32, #tpu.memory_space<vmem>>
    %dma_wait3A_551 = arith.constant 0 : i32
    %dma_wait3A_552 = arith.constant 0 : i32
    %dma_wait3A_553 = tpu.memref_slice %arg9[%dma_wait3A_551, %dma_wait3A_552] : memref<10240x40xf32, #tpu.memory_space<vmem_shared>> -> memref<10240x40xf32, #tpu.memory_space<vmem_shared>>
    tpu.wait_indirect_dma semaphore(%arg10 : memref<!tpu.dma_semaphore, #tpu.memory_space<semaphore_mem>>) src(%dma_wait3A_547 : memref<128x40xf32, #tpu.memory_space<vmem>>) dst(%dma_wait3A_553 : memref<10240x40xf32, #tpu.memory_space<vmem_shared>>)
    %dma_wait3A_554 = arith.constant 1 : i32
    %dma_wait3A_555 = arith.constant 1 : i32
    %dma_wait3A_556 = arith.constant 7 : i32
    %dma_wait3A_557 = arith.constant 896 : i32
    %dma_wait3A_558 = arith.constant 0 : i32
    %dma_wait3A_559 = tpu.memref_slice %arg8[%dma_wait3A_554, %dma_wait3A_557, %dma_wait3A_558] : memref<2x1024x40xf32, #tpu.memory_space<vmem>> -> memref<1x128x40xf32, #tpu.memory_space<vmem>>
    %dma_wait3A_560 = tpu.memref_squeeze %dma_wait3A_559 : memref<1x128x40xf32, #tpu.memory_space<vmem>> -> memref<128x40xf32, #tpu.memory_space<vmem>>
    %dma_wait3A_561 = arith.constant 0 : i32
    %dma_wait3A_562 = tpu.memref_slice %arg7[%dma_wait3A_555, %dma_wait3A_556, %dma_wait3A_561] : memref<2x8x128xi32, #tpu.memory_space<vmem>> -> memref<1x1x128xi32, #tpu.memory_space<vmem>>
    %dma_wait3A_563 = tpu.memref_squeeze %dma_wait3A_562 : memref<1x1x128xi32, #tpu.memory_space<vmem>> -> memref<128xi32, #tpu.memory_space<vmem>>
    %dma_wait3A_564 = arith.constant 0 : i32
    %dma_wait3A_565 = arith.constant 0 : i32
    %dma_wait3A_566 = tpu.memref_slice %arg9[%dma_wait3A_564, %dma_wait3A_565] : memref<10240x40xf32, #tpu.memory_space<vmem_shared>> -> memref<10240x40xf32, #tpu.memory_space<vmem_shared>>
    tpu.wait_indirect_dma semaphore(%arg10 : memref<!tpu.dma_semaphore, #tpu.memory_space<semaphore_mem>>) src(%dma_wait3A_560 : memref<128x40xf32, #tpu.memory_space<vmem>>) dst(%dma_wait3A_566 : memref<10240x40xf32, #tpu.memory_space<vmem_shared>>)
    %dma_wait3A_567 = arith.constant 0 : i32
    %dma_wait3A_568 = arith.constant 0 : i32
    %dma_wait3A_569 = arith.constant 0 : i32
    %dma_wait3A_570 = tpu.memref_slice %arg7[%dma_wait3A_567, %dma_wait3A_568, %dma_wait3A_569] : memref<2x8x128xi32, #tpu.memory_space<vmem>> -> memref<1x8x128xi32, #tpu.memory_space<vmem>>
    %dma_wait3A_571 = tpu.memref_squeeze %dma_wait3A_570 : memref<1x8x128xi32, #tpu.memory_space<vmem>> -> memref<8x128xi32, #tpu.memory_space<vmem>>
    %dma_wait3A_572 = arith.constant 0 : i32
    %dma_wait3A_573 = tpu.memref_slice %arg3[%add3A_330, %dma_wait3A_572] : memref<1280x128xi32, #tpu.memory_space<hbm>> -> memref<8x128xi32, #tpu.memory_space<hbm>>
    %dma_wait3A_574 = arith.constant 0 : i32
    %dma_wait3A_575 = arith.constant 0 : i32
    %dma_wait3A_576 = tpu.memref_slice %arg7[%dma_wait3A_567, %dma_wait3A_574, %dma_wait3A_575] : memref<2x8x128xi32, #tpu.memory_space<vmem>> -> memref<1x8x128xi32, #tpu.memory_space<vmem>>
    %dma_wait3A_577 = tpu.memref_squeeze %dma_wait3A_576 : memref<1x8x128xi32, #tpu.memory_space<vmem>> -> memref<8x128xi32, #tpu.memory_space<vmem>>
    %dma_wait3A_578 = arith.constant 0 : i32
    %dma_wait3A_579 = tpu.memref_slice %arg3[%add3A_330, %dma_wait3A_578] : memref<1280x128xi32, #tpu.memory_space<hbm>> -> memref<8x128xi32, #tpu.memory_space<hbm>>
    tpu.wait_dma2 semaphore(%arg11 : memref<!tpu.dma_semaphore, #tpu.memory_space<semaphore_mem>>) src(%dma_wait3A_579 : memref<8x128xi32, #tpu.memory_space<hbm>>) dst(%dma_wait3A_577 : memref<8x128xi32, #tpu.memory_space<vmem>>)
    %dma_wait3A_580 = arith.constant 0 : i32
    %dma_wait3A_581 = arith.constant 0 : i32
    %dma_wait3A_582 = arith.constant 0 : i32
    %dma_wait3A_583 = tpu.memref_slice %arg8[%dma_wait3A_580, %dma_wait3A_581, %dma_wait3A_582] : memref<2x1024x40xf32, #tpu.memory_space<vmem>> -> memref<1x1024x40xf32, #tpu.memory_space<vmem>>
    %dma_wait3A_584 = tpu.memref_squeeze %dma_wait3A_583 : memref<1x1024x40xf32, #tpu.memory_space<vmem>> -> memref<1024x40xf32, #tpu.memory_space<vmem>>
    %dma_wait3A_585 = arith.constant 0 : i32
    %dma_wait3A_586 = tpu.memref_slice %arg2[%mul3A_345, %dma_wait3A_585] : memref<163840x128xf32, #tpu.memory_space<hbm>> -> memref<1024x40xf32, #tpu.memory_space<hbm>>
    %dma_wait3A_587 = arith.constant 0 : i32
    %dma_wait3A_588 = arith.constant 0 : i32
    %dma_wait3A_589 = tpu.memref_slice %arg8[%dma_wait3A_580, %dma_wait3A_587, %dma_wait3A_588] : memref<2x1024x40xf32, #tpu.memory_space<vmem>> -> memref<1x1024x40xf32, #tpu.memory_space<vmem>>
    %dma_wait3A_590 = tpu.memref_squeeze %dma_wait3A_589 : memref<1x1024x40xf32, #tpu.memory_space<vmem>> -> memref<1024x40xf32, #tpu.memory_space<vmem>>
    %dma_wait3A_591 = arith.constant 0 : i32
    %dma_wait3A_592 = tpu.memref_slice %arg2[%mul3A_345, %dma_wait3A_591] : memref<163840x128xf32, #tpu.memory_space<hbm>> -> memref<1024x40xf32, #tpu.memory_space<hbm>>
    tpu.wait_dma2 semaphore(%arg11 : memref<!tpu.dma_semaphore, #tpu.memory_space<semaphore_mem>>) src(%dma_wait3A_592 : memref<1024x40xf32, #tpu.memory_space<hbm>>) dst(%dma_wait3A_590 : memref<1024x40xf32, #tpu.memory_space<vmem>>)
    %mul3A_593 = arith.constant 40 : i32
    %mul3A_594 = arith.muli %add3A, %mul3A_593 : i32
    %add3A_595 = arith.constant 24 : i32
    %add3A_596 = arith.addi %mul3A_594, %add3A_595 : i32
    %dma_start3A_597 = arith.constant 1 : i32
    %dma_start3A_598 = arith.constant 0 : i32
    %dma_start3A_599 = arith.constant 0 : i32
    %dma_start3A_600 = tpu.memref_slice %arg7[%dma_start3A_597, %dma_start3A_598, %dma_start3A_599] : memref<2x8x128xi32, #tpu.memory_space<vmem>> -> memref<1x8x128xi32, #tpu.memory_space<vmem>>
    %dma_start3A_601 = tpu.memref_squeeze %dma_start3A_600 : memref<1x8x128xi32, #tpu.memory_space<vmem>> -> memref<8x128xi32, #tpu.memory_space<vmem>>
    %dma_start3A_602 = arith.constant 0 : i32
    %dma_start3A_603 = tpu.memref_slice %arg3[%add3A_596, %dma_start3A_602] : memref<1280x128xi32, #tpu.memory_space<hbm>> -> memref<8x128xi32, #tpu.memory_space<hbm>>
    %dma_start3A_604 = arith.constant 0 : i32
    %dma_start3A_605 = arith.constant 0 : i32
    %dma_start3A_606 = tpu.memref_slice %arg7[%dma_start3A_597, %dma_start3A_604, %dma_start3A_605] : memref<2x8x128xi32, #tpu.memory_space<vmem>> -> memref<1x8x128xi32, #tpu.memory_space<vmem>>
    %dma_start3A_607 = tpu.memref_squeeze %dma_start3A_606 : memref<1x8x128xi32, #tpu.memory_space<vmem>> -> memref<8x128xi32, #tpu.memory_space<vmem>>
    %dma_start3A_608 = arith.constant 0 : i32
    %dma_start3A_609 = tpu.memref_slice %arg3[%add3A_596, %dma_start3A_608] : memref<1280x128xi32, #tpu.memory_space<hbm>> -> memref<8x128xi32, #tpu.memory_space<hbm>>
    tpu.enqueue_dma source(%dma_start3A_609 : memref<8x128xi32, #tpu.memory_space<hbm>>) target(%dma_start3A_607 : memref<8x128xi32, #tpu.memory_space<vmem>>) target_semaphore(%arg11 : memref<!tpu.dma_semaphore, #tpu.memory_space<semaphore_mem>>)
    %mul3A_610 = arith.constant 128 : i32
    %mul3A_611 = arith.muli %add3A_596, %mul3A_610 : i32
    %dma_start3A_612 = arith.constant 1 : i32
    %dma_start3A_613 = arith.constant 0 : i32
    %dma_start3A_614 = arith.constant 0 : i32
    %dma_start3A_615 = tpu.memref_slice %arg8[%dma_start3A_612, %dma_start3A_613, %dma_start3A_614] : memref<2x1024x40xf32, #tpu.memory_space<vmem>> -> memref<1x1024x40xf32, #tpu.memory_space<vmem>>
    %dma_start3A_616 = tpu.memref_squeeze %dma_start3A_615 : memref<1x1024x40xf32, #tpu.memory_space<vmem>> -> memref<1024x40xf32, #tpu.memory_space<vmem>>
    %dma_start3A_617 = arith.constant 0 : i32
    %dma_start3A_618 = tpu.memref_slice %arg2[%mul3A_611, %dma_start3A_617] : memref<163840x128xf32, #tpu.memory_space<hbm>> -> memref<1024x40xf32, #tpu.memory_space<hbm>>
    %dma_start3A_619 = arith.constant 0 : i32
    %dma_start3A_620 = arith.constant 0 : i32
    %dma_start3A_621 = tpu.memref_slice %arg8[%dma_start3A_612, %dma_start3A_619, %dma_start3A_620] : memref<2x1024x40xf32, #tpu.memory_space<vmem>> -> memref<1x1024x40xf32, #tpu.memory_space<vmem>>
    %dma_start3A_622 = tpu.memref_squeeze %dma_start3A_621 : memref<1x1024x40xf32, #tpu.memory_space<vmem>> -> memref<1024x40xf32, #tpu.memory_space<vmem>>
    %dma_start3A_623 = arith.constant 0 : i32
    %dma_start3A_624 = tpu.memref_slice %arg2[%mul3A_611, %dma_start3A_623] : memref<163840x128xf32, #tpu.memory_space<hbm>> -> memref<1024x40xf32, #tpu.memory_space<hbm>>
    tpu.enqueue_dma source(%dma_start3A_624 : memref<1024x40xf32, #tpu.memory_space<hbm>>) target(%dma_start3A_622 : memref<1024x40xf32, #tpu.memory_space<vmem>>) target_semaphore(%arg11 : memref<!tpu.dma_semaphore, #tpu.memory_space<semaphore_mem>>)
    %dma_start3A_625 = arith.constant 0 : i32
    %dma_start3A_626 = arith.constant 0 : i32
    %dma_start3A_627 = arith.constant 0 : i32
    %dma_start3A_628 = arith.constant 0 : i32
    %dma_start3A_629 = arith.constant 0 : i32
    %dma_start3A_630 = tpu.memref_slice %arg8[%dma_start3A_625, %dma_start3A_628, %dma_start3A_629] : memref<2x1024x40xf32, #tpu.memory_space<vmem>> -> memref<1x128x40xf32, #tpu.memory_space<vmem>>
    %dma_start3A_631 = tpu.memref_squeeze %dma_start3A_630 : memref<1x128x40xf32, #tpu.memory_space<vmem>> -> memref<128x40xf32, #tpu.memory_space<vmem>>
    %dma_start3A_632 = arith.constant 0 : i32
    %dma_start3A_633 = tpu.memref_slice %arg7[%dma_start3A_626, %dma_start3A_627, %dma_start3A_632] : memref<2x8x128xi32, #tpu.memory_space<vmem>> -> memref<1x1x128xi32, #tpu.memory_space<vmem>>
    %dma_start3A_634 = tpu.memref_squeeze %dma_start3A_633 : memref<1x1x128xi32, #tpu.memory_space<vmem>> -> memref<128xi32, #tpu.memory_space<vmem>>
    %dma_start3A_635 = arith.constant 0 : i32
    %dma_start3A_636 = arith.constant 0 : i32
    %dma_start3A_637 = tpu.memref_slice %arg9[%dma_start3A_635, %dma_start3A_636] : memref<10240x40xf32, #tpu.memory_space<vmem_shared>> -> memref<10240x40xf32, #tpu.memory_space<vmem_shared>>
    tpu.enqueue_indirect_dma source(%dma_start3A_631 : memref<128x40xf32, #tpu.memory_space<vmem>>) target(%dma_start3A_637 : memref<10240x40xf32, #tpu.memory_space<vmem_shared>>) offsets(%dma_start3A_634 : memref<128xi32, #tpu.memory_space<vmem>>) semaphore(%arg10 : memref<!tpu.dma_semaphore, #tpu.memory_space<semaphore_mem>>) {add = true}
    %dma_start3A_638 = arith.constant 0 : i32
    %dma_start3A_639 = arith.constant 0 : i32
    %dma_start3A_640 = arith.constant 1 : i32
    %dma_start3A_641 = arith.constant 128 : i32
    %dma_start3A_642 = arith.constant 0 : i32
    %dma_start3A_643 = tpu.memref_slice %arg8[%dma_start3A_638, %dma_start3A_641, %dma_start3A_642] : memref<2x1024x40xf32, #tpu.memory_space<vmem>> -> memref<1x128x40xf32, #tpu.memory_space<vmem>>
    %dma_start3A_644 = tpu.memref_squeeze %dma_start3A_643 : memref<1x128x40xf32, #tpu.memory_space<vmem>> -> memref<128x40xf32, #tpu.memory_space<vmem>>
    %dma_start3A_645 = arith.constant 0 : i32
    %dma_start3A_646 = tpu.memref_slice %arg7[%dma_start3A_639, %dma_start3A_640, %dma_start3A_645] : memref<2x8x128xi32, #tpu.memory_space<vmem>> -> memref<1x1x128xi32, #tpu.memory_space<vmem>>
    %dma_start3A_647 = tpu.memref_squeeze %dma_start3A_646 : memref<1x1x128xi32, #tpu.memory_space<vmem>> -> memref<128xi32, #tpu.memory_space<vmem>>
    %dma_start3A_648 = arith.constant 0 : i32
    %dma_start3A_649 = arith.constant 0 : i32
    %dma_start3A_650 = tpu.memref_slice %arg9[%dma_start3A_648, %dma_start3A_649] : memref<10240x40xf32, #tpu.memory_space<vmem_shared>> -> memref<10240x40xf32, #tpu.memory_space<vmem_shared>>
    tpu.enqueue_indirect_dma source(%dma_start3A_644 : memref<128x40xf32, #tpu.memory_space<vmem>>) target(%dma_start3A_650 : memref<10240x40xf32, #tpu.memory_space<vmem_shared>>) offsets(%dma_start3A_647 : memref<128xi32, #tpu.memory_space<vmem>>) semaphore(%arg10 : memref<!tpu.dma_semaphore, #tpu.memory_space<semaphore_mem>>) {add = true}
    %dma_start3A_651 = arith.constant 0 : i32
    %dma_start3A_652 = arith.constant 0 : i32
    %dma_start3A_653 = arith.constant 2 : i32
    %dma_start3A_654 = arith.constant 256 : i32
    %dma_start3A_655 = arith.constant 0 : i32
    %dma_start3A_656 = tpu.memref_slice %arg8[%dma_start3A_651, %dma_start3A_654, %dma_start3A_655] : memref<2x1024x40xf32, #tpu.memory_space<vmem>> -> memref<1x128x40xf32, #tpu.memory_space<vmem>>
    %dma_start3A_657 = tpu.memref_squeeze %dma_start3A_656 : memref<1x128x40xf32, #tpu.memory_space<vmem>> -> memref<128x40xf32, #tpu.memory_space<vmem>>
    %dma_start3A_658 = arith.constant 0 : i32
    %dma_start3A_659 = tpu.memref_slice %arg7[%dma_start3A_652, %dma_start3A_653, %dma_start3A_658] : memref<2x8x128xi32, #tpu.memory_space<vmem>> -> memref<1x1x128xi32, #tpu.memory_space<vmem>>
    %dma_start3A_660 = tpu.memref_squeeze %dma_start3A_659 : memref<1x1x128xi32, #tpu.memory_space<vmem>> -> memref<128xi32, #tpu.memory_space<vmem>>
    %dma_start3A_661 = arith.constant 0 : i32
    %dma_start3A_662 = arith.constant 0 : i32
    %dma_start3A_663 = tpu.memref_slice %arg9[%dma_start3A_661, %dma_start3A_662] : memref<10240x40xf32, #tpu.memory_space<vmem_shared>> -> memref<10240x40xf32, #tpu.memory_space<vmem_shared>>
    tpu.enqueue_indirect_dma source(%dma_start3A_657 : memref<128x40xf32, #tpu.memory_space<vmem>>) target(%dma_start3A_663 : memref<10240x40xf32, #tpu.memory_space<vmem_shared>>) offsets(%dma_start3A_660 : memref<128xi32, #tpu.memory_space<vmem>>) semaphore(%arg10 : memref<!tpu.dma_semaphore, #tpu.memory_space<semaphore_mem>>) {add = true}
    %dma_start3A_664 = arith.constant 0 : i32
    %dma_start3A_665 = arith.constant 0 : i32
    %dma_start3A_666 = arith.constant 3 : i32
    %dma_start3A_667 = arith.constant 384 : i32
    %dma_start3A_668 = arith.constant 0 : i32
    %dma_start3A_669 = tpu.memref_slice %arg8[%dma_start3A_664, %dma_start3A_667, %dma_start3A_668] : memref<2x1024x40xf32, #tpu.memory_space<vmem>> -> memref<1x128x40xf32, #tpu.memory_space<vmem>>
    %dma_start3A_670 = tpu.memref_squeeze %dma_start3A_669 : memref<1x128x40xf32, #tpu.memory_space<vmem>> -> memref<128x40xf32, #tpu.memory_space<vmem>>
    %dma_start3A_671 = arith.constant 0 : i32
    %dma_start3A_672 = tpu.memref_slice %arg7[%dma_start3A_665, %dma_start3A_666, %dma_start3A_671] : memref<2x8x128xi32, #tpu.memory_space<vmem>> -> memref<1x1x128xi32, #tpu.memory_space<vmem>>
    %dma_start3A_673 = tpu.memref_squeeze %dma_start3A_672 : memref<1x1x128xi32, #tpu.memory_space<vmem>> -> memref<128xi32, #tpu.memory_space<vmem>>
    %dma_start3A_674 = arith.constant 0 : i32
    %dma_start3A_675 = arith.constant 0 : i32
    %dma_start3A_676 = tpu.memref_slice %arg9[%dma_start3A_674, %dma_start3A_675] : memref<10240x40xf32, #tpu.memory_space<vmem_shared>> -> memref<10240x40xf32, #tpu.memory_space<vmem_shared>>
    tpu.enqueue_indirect_dma source(%dma_start3A_670 : memref<128x40xf32, #tpu.memory_space<vmem>>) target(%dma_start3A_676 : memref<10240x40xf32, #tpu.memory_space<vmem_shared>>) offsets(%dma_start3A_673 : memref<128xi32, #tpu.memory_space<vmem>>) semaphore(%arg10 : memref<!tpu.dma_semaphore, #tpu.memory_space<semaphore_mem>>) {add = true}
    %dma_start3A_677 = arith.constant 0 : i32
    %dma_start3A_678 = arith.constant 0 : i32
    %dma_start3A_679 = arith.constant 4 : i32
    %dma_start3A_680 = arith.constant 512 : i32
    %dma_start3A_681 = arith.constant 0 : i32
    %dma_start3A_682 = tpu.memref_slice %arg8[%dma_start3A_677, %dma_start3A_680, %dma_start3A_681] : memref<2x1024x40xf32, #tpu.memory_space<vmem>> -> memref<1x128x40xf32, #tpu.memory_space<vmem>>
    %dma_start3A_683 = tpu.memref_squeeze %dma_start3A_682 : memref<1x128x40xf32, #tpu.memory_space<vmem>> -> memref<128x40xf32, #tpu.memory_space<vmem>>
    %dma_start3A_684 = arith.constant 0 : i32
    %dma_start3A_685 = tpu.memref_slice %arg7[%dma_start3A_678, %dma_start3A_679, %dma_start3A_684] : memref<2x8x128xi32, #tpu.memory_space<vmem>> -> memref<1x1x128xi32, #tpu.memory_space<vmem>>
    %dma_start3A_686 = tpu.memref_squeeze %dma_start3A_685 : memref<1x1x128xi32, #tpu.memory_space<vmem>> -> memref<128xi32, #tpu.memory_space<vmem>>
    %dma_start3A_687 = arith.constant 0 : i32
    %dma_start3A_688 = arith.constant 0 : i32
    %dma_start3A_689 = tpu.memref_slice %arg9[%dma_start3A_687, %dma_start3A_688] : memref<10240x40xf32, #tpu.memory_space<vmem_shared>> -> memref<10240x40xf32, #tpu.memory_space<vmem_shared>>
    tpu.enqueue_indirect_dma source(%dma_start3A_683 : memref<128x40xf32, #tpu.memory_space<vmem>>) target(%dma_start3A_689 : memref<10240x40xf32, #tpu.memory_space<vmem_shared>>) offsets(%dma_start3A_686 : memref<128xi32, #tpu.memory_space<vmem>>) semaphore(%arg10 : memref<!tpu.dma_semaphore, #tpu.memory_space<semaphore_mem>>) {add = true}
    %dma_start3A_690 = arith.constant 0 : i32
    %dma_start3A_691 = arith.constant 0 : i32
    %dma_start3A_692 = arith.constant 5 : i32
    %dma_start3A_693 = arith.constant 640 : i32
    %dma_start3A_694 = arith.constant 0 : i32
    %dma_start3A_695 = tpu.memref_slice %arg8[%dma_start3A_690, %dma_start3A_693, %dma_start3A_694] : memref<2x1024x40xf32, #tpu.memory_space<vmem>> -> memref<1x128x40xf32, #tpu.memory_space<vmem>>
    %dma_start3A_696 = tpu.memref_squeeze %dma_start3A_695 : memref<1x128x40xf32, #tpu.memory_space<vmem>> -> memref<128x40xf32, #tpu.memory_space<vmem>>
    %dma_start3A_697 = arith.constant 0 : i32
    %dma_start3A_698 = tpu.memref_slice %arg7[%dma_start3A_691, %dma_start3A_692, %dma_start3A_697] : memref<2x8x128xi32, #tpu.memory_space<vmem>> -> memref<1x1x128xi32, #tpu.memory_space<vmem>>
    %dma_start3A_699 = tpu.memref_squeeze %dma_start3A_698 : memref<1x1x128xi32, #tpu.memory_space<vmem>> -> memref<128xi32, #tpu.memory_space<vmem>>
    %dma_start3A_700 = arith.constant 0 : i32
    %dma_start3A_701 = arith.constant 0 : i32
    %dma_start3A_702 = tpu.memref_slice %arg9[%dma_start3A_700, %dma_start3A_701] : memref<10240x40xf32, #tpu.memory_space<vmem_shared>> -> memref<10240x40xf32, #tpu.memory_space<vmem_shared>>
    tpu.enqueue_indirect_dma source(%dma_start3A_696 : memref<128x40xf32, #tpu.memory_space<vmem>>) target(%dma_start3A_702 : memref<10240x40xf32, #tpu.memory_space<vmem_shared>>) offsets(%dma_start3A_699 : memref<128xi32, #tpu.memory_space<vmem>>) semaphore(%arg10 : memref<!tpu.dma_semaphore, #tpu.memory_space<semaphore_mem>>) {add = true}
    %dma_start3A_703 = arith.constant 0 : i32
    %dma_start3A_704 = arith.constant 0 : i32
    %dma_start3A_705 = arith.constant 6 : i32
    %dma_start3A_706 = arith.constant 768 : i32
    %dma_start3A_707 = arith.constant 0 : i32
    %dma_start3A_708 = tpu.memref_slice %arg8[%dma_start3A_703, %dma_start3A_706, %dma_start3A_707] : memref<2x1024x40xf32, #tpu.memory_space<vmem>> -> memref<1x128x40xf32, #tpu.memory_space<vmem>>
    %dma_start3A_709 = tpu.memref_squeeze %dma_start3A_708 : memref<1x128x40xf32, #tpu.memory_space<vmem>> -> memref<128x40xf32, #tpu.memory_space<vmem>>
    %dma_start3A_710 = arith.constant 0 : i32
    %dma_start3A_711 = tpu.memref_slice %arg7[%dma_start3A_704, %dma_start3A_705, %dma_start3A_710] : memref<2x8x128xi32, #tpu.memory_space<vmem>> -> memref<1x1x128xi32, #tpu.memory_space<vmem>>
    %dma_start3A_712 = tpu.memref_squeeze %dma_start3A_711 : memref<1x1x128xi32, #tpu.memory_space<vmem>> -> memref<128xi32, #tpu.memory_space<vmem>>
    %dma_start3A_713 = arith.constant 0 : i32
    %dma_start3A_714 = arith.constant 0 : i32
    %dma_start3A_715 = tpu.memref_slice %arg9[%dma_start3A_713, %dma_start3A_714] : memref<10240x40xf32, #tpu.memory_space<vmem_shared>> -> memref<10240x40xf32, #tpu.memory_space<vmem_shared>>
    tpu.enqueue_indirect_dma source(%dma_start3A_709 : memref<128x40xf32, #tpu.memory_space<vmem>>) target(%dma_start3A_715 : memref<10240x40xf32, #tpu.memory_space<vmem_shared>>) offsets(%dma_start3A_712 : memref<128xi32, #tpu.memory_space<vmem>>) semaphore(%arg10 : memref<!tpu.dma_semaphore, #tpu.memory_space<semaphore_mem>>) {add = true}
    %dma_start3A_716 = arith.constant 0 : i32
    %dma_start3A_717 = arith.constant 0 : i32
    %dma_start3A_718 = arith.constant 7 : i32
    %dma_start3A_719 = arith.constant 896 : i32
    %dma_start3A_720 = arith.constant 0 : i32
    %dma_start3A_721 = tpu.memref_slice %arg8[%dma_start3A_716, %dma_start3A_719, %dma_start3A_720] : memref<2x1024x40xf32, #tpu.memory_space<vmem>> -> memref<1x128x40xf32, #tpu.memory_space<vmem>>
    %dma_start3A_722 = tpu.memref_squeeze %dma_start3A_721 : memref<1x128x40xf32, #tpu.memory_space<vmem>> -> memref<128x40xf32, #tpu.memory_space<vmem>>
    %dma_start3A_723 = arith.constant 0 : i32
    %dma_start3A_724 = tpu.memref_slice %arg7[%dma_start3A_717, %dma_start3A_718, %dma_start3A_723] : memref<2x8x128xi32, #tpu.memory_space<vmem>> -> memref<1x1x128xi32, #tpu.memory_space<vmem>>
    %dma_start3A_725 = tpu.memref_squeeze %dma_start3A_724 : memref<1x1x128xi32, #tpu.memory_space<vmem>> -> memref<128xi32, #tpu.memory_space<vmem>>
    %dma_start3A_726 = arith.constant 0 : i32
    %dma_start3A_727 = arith.constant 0 : i32
    %dma_start3A_728 = tpu.memref_slice %arg9[%dma_start3A_726, %dma_start3A_727] : memref<10240x40xf32, #tpu.memory_space<vmem_shared>> -> memref<10240x40xf32, #tpu.memory_space<vmem_shared>>
    tpu.enqueue_indirect_dma source(%dma_start3A_722 : memref<128x40xf32, #tpu.memory_space<vmem>>) target(%dma_start3A_728 : memref<10240x40xf32, #tpu.memory_space<vmem_shared>>) offsets(%dma_start3A_725 : memref<128xi32, #tpu.memory_space<vmem>>) semaphore(%arg10 : memref<!tpu.dma_semaphore, #tpu.memory_space<semaphore_mem>>) {add = true}
    %dma_wait3A_729 = arith.constant 0 : i32
    %dma_wait3A_730 = arith.constant 0 : i32
    %dma_wait3A_731 = arith.constant 0 : i32
    %dma_wait3A_732 = arith.constant 0 : i32
    %dma_wait3A_733 = arith.constant 0 : i32
    %dma_wait3A_734 = tpu.memref_slice %arg8[%dma_wait3A_729, %dma_wait3A_732, %dma_wait3A_733] : memref<2x1024x40xf32, #tpu.memory_space<vmem>> -> memref<1x128x40xf32, #tpu.memory_space<vmem>>
    %dma_wait3A_735 = tpu.memref_squeeze %dma_wait3A_734 : memref<1x128x40xf32, #tpu.memory_space<vmem>> -> memref<128x40xf32, #tpu.memory_space<vmem>>
    %dma_wait3A_736 = arith.constant 0 : i32
    %dma_wait3A_737 = tpu.memref_slice %arg7[%dma_wait3A_730, %dma_wait3A_731, %dma_wait3A_736] : memref<2x8x128xi32, #tpu.memory_space<vmem>> -> memref<1x1x128xi32, #tpu.memory_space<vmem>>
    %dma_wait3A_738 = tpu.memref_squeeze %dma_wait3A_737 : memref<1x1x128xi32, #tpu.memory_space<vmem>> -> memref<128xi32, #tpu.memory_space<vmem>>
    %dma_wait3A_739 = arith.constant 0 : i32
    %dma_wait3A_740 = arith.constant 0 : i32
    %dma_wait3A_741 = tpu.memref_slice %arg9[%dma_wait3A_739, %dma_wait3A_740] : memref<10240x40xf32, #tpu.memory_space<vmem_shared>> -> memref<10240x40xf32, #tpu.memory_space<vmem_shared>>
    tpu.wait_indirect_dma semaphore(%arg10 : memref<!tpu.dma_semaphore, #tpu.memory_space<semaphore_mem>>) src(%dma_wait3A_735 : memref<128x40xf32, #tpu.memory_space<vmem>>) dst(%dma_wait3A_741 : memref<10240x40xf32, #tpu.memory_space<vmem_shared>>)
    %dma_wait3A_742 = arith.constant 0 : i32
    %dma_wait3A_743 = arith.constant 0 : i32
    %dma_wait3A_744 = arith.constant 1 : i32
    %dma_wait3A_745 = arith.constant 128 : i32
    %dma_wait3A_746 = arith.constant 0 : i32
    %dma_wait3A_747 = tpu.memref_slice %arg8[%dma_wait3A_742, %dma_wait3A_745, %dma_wait3A_746] : memref<2x1024x40xf32, #tpu.memory_space<vmem>> -> memref<1x128x40xf32, #tpu.memory_space<vmem>>
    %dma_wait3A_748 = tpu.memref_squeeze %dma_wait3A_747 : memref<1x128x40xf32, #tpu.memory_space<vmem>> -> memref<128x40xf32, #tpu.memory_space<vmem>>
    %dma_wait3A_749 = arith.constant 0 : i32
    %dma_wait3A_750 = tpu.memref_slice %arg7[%dma_wait3A_743, %dma_wait3A_744, %dma_wait3A_749] : memref<2x8x128xi32, #tpu.memory_space<vmem>> -> memref<1x1x128xi32, #tpu.memory_space<vmem>>
    %dma_wait3A_751 = tpu.memref_squeeze %dma_wait3A_750 : memref<1x1x128xi32, #tpu.memory_space<vmem>> -> memref<128xi32, #tpu.memory_space<vmem>>
    %dma_wait3A_752 = arith.constant 0 : i32
    %dma_wait3A_753 = arith.constant 0 : i32
    %dma_wait3A_754 = tpu.memref_slice %arg9[%dma_wait3A_752, %dma_wait3A_753] : memref<10240x40xf32, #tpu.memory_space<vmem_shared>> -> memref<10240x40xf32, #tpu.memory_space<vmem_shared>>
    tpu.wait_indirect_dma semaphore(%arg10 : memref<!tpu.dma_semaphore, #tpu.memory_space<semaphore_mem>>) src(%dma_wait3A_748 : memref<128x40xf32, #tpu.memory_space<vmem>>) dst(%dma_wait3A_754 : memref<10240x40xf32, #tpu.memory_space<vmem_shared>>)
    %dma_wait3A_755 = arith.constant 0 : i32
    %dma_wait3A_756 = arith.constant 0 : i32
    %dma_wait3A_757 = arith.constant 2 : i32
    %dma_wait3A_758 = arith.constant 256 : i32
    %dma_wait3A_759 = arith.constant 0 : i32
    %dma_wait3A_760 = tpu.memref_slice %arg8[%dma_wait3A_755, %dma_wait3A_758, %dma_wait3A_759] : memref<2x1024x40xf32, #tpu.memory_space<vmem>> -> memref<1x128x40xf32, #tpu.memory_space<vmem>>
    %dma_wait3A_761 = tpu.memref_squeeze %dma_wait3A_760 : memref<1x128x40xf32, #tpu.memory_space<vmem>> -> memref<128x40xf32, #tpu.memory_space<vmem>>
    %dma_wait3A_762 = arith.constant 0 : i32
    %dma_wait3A_763 = tpu.memref_slice %arg7[%dma_wait3A_756, %dma_wait3A_757, %dma_wait3A_762] : memref<2x8x128xi32, #tpu.memory_space<vmem>> -> memref<1x1x128xi32, #tpu.memory_space<vmem>>
    %dma_wait3A_764 = tpu.memref_squeeze %dma_wait3A_763 : memref<1x1x128xi32, #tpu.memory_space<vmem>> -> memref<128xi32, #tpu.memory_space<vmem>>
    %dma_wait3A_765 = arith.constant 0 : i32
    %dma_wait3A_766 = arith.constant 0 : i32
    %dma_wait3A_767 = tpu.memref_slice %arg9[%dma_wait3A_765, %dma_wait3A_766] : memref<10240x40xf32, #tpu.memory_space<vmem_shared>> -> memref<10240x40xf32, #tpu.memory_space<vmem_shared>>
    tpu.wait_indirect_dma semaphore(%arg10 : memref<!tpu.dma_semaphore, #tpu.memory_space<semaphore_mem>>) src(%dma_wait3A_761 : memref<128x40xf32, #tpu.memory_space<vmem>>) dst(%dma_wait3A_767 : memref<10240x40xf32, #tpu.memory_space<vmem_shared>>)
    %dma_wait3A_768 = arith.constant 0 : i32
    %dma_wait3A_769 = arith.constant 0 : i32
    %dma_wait3A_770 = arith.constant 3 : i32
    %dma_wait3A_771 = arith.constant 384 : i32
    %dma_wait3A_772 = arith.constant 0 : i32
    %dma_wait3A_773 = tpu.memref_slice %arg8[%dma_wait3A_768, %dma_wait3A_771, %dma_wait3A_772] : memref<2x1024x40xf32, #tpu.memory_space<vmem>> -> memref<1x128x40xf32, #tpu.memory_space<vmem>>
    %dma_wait3A_774 = tpu.memref_squeeze %dma_wait3A_773 : memref<1x128x40xf32, #tpu.memory_space<vmem>> -> memref<128x40xf32, #tpu.memory_space<vmem>>
    %dma_wait3A_775 = arith.constant 0 : i32
    %dma_wait3A_776 = tpu.memref_slice %arg7[%dma_wait3A_769, %dma_wait3A_770, %dma_wait3A_775] : memref<2x8x128xi32, #tpu.memory_space<vmem>> -> memref<1x1x128xi32, #tpu.memory_space<vmem>>
    %dma_wait3A_777 = tpu.memref_squeeze %dma_wait3A_776 : memref<1x1x128xi32, #tpu.memory_space<vmem>> -> memref<128xi32, #tpu.memory_space<vmem>>
    %dma_wait3A_778 = arith.constant 0 : i32
    %dma_wait3A_779 = arith.constant 0 : i32
    %dma_wait3A_780 = tpu.memref_slice %arg9[%dma_wait3A_778, %dma_wait3A_779] : memref<10240x40xf32, #tpu.memory_space<vmem_shared>> -> memref<10240x40xf32, #tpu.memory_space<vmem_shared>>
    tpu.wait_indirect_dma semaphore(%arg10 : memref<!tpu.dma_semaphore, #tpu.memory_space<semaphore_mem>>) src(%dma_wait3A_774 : memref<128x40xf32, #tpu.memory_space<vmem>>) dst(%dma_wait3A_780 : memref<10240x40xf32, #tpu.memory_space<vmem_shared>>)
    %dma_wait3A_781 = arith.constant 0 : i32
    %dma_wait3A_782 = arith.constant 0 : i32
    %dma_wait3A_783 = arith.constant 4 : i32
    %dma_wait3A_784 = arith.constant 512 : i32
    %dma_wait3A_785 = arith.constant 0 : i32
    %dma_wait3A_786 = tpu.memref_slice %arg8[%dma_wait3A_781, %dma_wait3A_784, %dma_wait3A_785] : memref<2x1024x40xf32, #tpu.memory_space<vmem>> -> memref<1x128x40xf32, #tpu.memory_space<vmem>>
    %dma_wait3A_787 = tpu.memref_squeeze %dma_wait3A_786 : memref<1x128x40xf32, #tpu.memory_space<vmem>> -> memref<128x40xf32, #tpu.memory_space<vmem>>
    %dma_wait3A_788 = arith.constant 0 : i32
    %dma_wait3A_789 = tpu.memref_slice %arg7[%dma_wait3A_782, %dma_wait3A_783, %dma_wait3A_788] : memref<2x8x128xi32, #tpu.memory_space<vmem>> -> memref<1x1x128xi32, #tpu.memory_space<vmem>>
    %dma_wait3A_790 = tpu.memref_squeeze %dma_wait3A_789 : memref<1x1x128xi32, #tpu.memory_space<vmem>> -> memref<128xi32, #tpu.memory_space<vmem>>
    %dma_wait3A_791 = arith.constant 0 : i32
    %dma_wait3A_792 = arith.constant 0 : i32
    %dma_wait3A_793 = tpu.memref_slice %arg9[%dma_wait3A_791, %dma_wait3A_792] : memref<10240x40xf32, #tpu.memory_space<vmem_shared>> -> memref<10240x40xf32, #tpu.memory_space<vmem_shared>>
    tpu.wait_indirect_dma semaphore(%arg10 : memref<!tpu.dma_semaphore, #tpu.memory_space<semaphore_mem>>) src(%dma_wait3A_787 : memref<128x40xf32, #tpu.memory_space<vmem>>) dst(%dma_wait3A_793 : memref<10240x40xf32, #tpu.memory_space<vmem_shared>>)
    %dma_wait3A_794 = arith.constant 0 : i32
    %dma_wait3A_795 = arith.constant 0 : i32
    %dma_wait3A_796 = arith.constant 5 : i32
    %dma_wait3A_797 = arith.constant 640 : i32
    %dma_wait3A_798 = arith.constant 0 : i32
    %dma_wait3A_799 = tpu.memref_slice %arg8[%dma_wait3A_794, %dma_wait3A_797, %dma_wait3A_798] : memref<2x1024x40xf32, #tpu.memory_space<vmem>> -> memref<1x128x40xf32, #tpu.memory_space<vmem>>
    %dma_wait3A_800 = tpu.memref_squeeze %dma_wait3A_799 : memref<1x128x40xf32, #tpu.memory_space<vmem>> -> memref<128x40xf32, #tpu.memory_space<vmem>>
    %dma_wait3A_801 = arith.constant 0 : i32
    %dma_wait3A_802 = tpu.memref_slice %arg7[%dma_wait3A_795, %dma_wait3A_796, %dma_wait3A_801] : memref<2x8x128xi32, #tpu.memory_space<vmem>> -> memref<1x1x128xi32, #tpu.memory_space<vmem>>
    %dma_wait3A_803 = tpu.memref_squeeze %dma_wait3A_802 : memref<1x1x128xi32, #tpu.memory_space<vmem>> -> memref<128xi32, #tpu.memory_space<vmem>>
    %dma_wait3A_804 = arith.constant 0 : i32
    %dma_wait3A_805 = arith.constant 0 : i32
    %dma_wait3A_806 = tpu.memref_slice %arg9[%dma_wait3A_804, %dma_wait3A_805] : memref<10240x40xf32, #tpu.memory_space<vmem_shared>> -> memref<10240x40xf32, #tpu.memory_space<vmem_shared>>
    tpu.wait_indirect_dma semaphore(%arg10 : memref<!tpu.dma_semaphore, #tpu.memory_space<semaphore_mem>>) src(%dma_wait3A_800 : memref<128x40xf32, #tpu.memory_space<vmem>>) dst(%dma_wait3A_806 : memref<10240x40xf32, #tpu.memory_space<vmem_shared>>)
    %dma_wait3A_807 = arith.constant 0 : i32
    %dma_wait3A_808 = arith.constant 0 : i32
    %dma_wait3A_809 = arith.constant 6 : i32
    %dma_wait3A_810 = arith.constant 768 : i32
    %dma_wait3A_811 = arith.constant 0 : i32
    %dma_wait3A_812 = tpu.memref_slice %arg8[%dma_wait3A_807, %dma_wait3A_810, %dma_wait3A_811] : memref<2x1024x40xf32, #tpu.memory_space<vmem>> -> memref<1x128x40xf32, #tpu.memory_space<vmem>>
    %dma_wait3A_813 = tpu.memref_squeeze %dma_wait3A_812 : memref<1x128x40xf32, #tpu.memory_space<vmem>> -> memref<128x40xf32, #tpu.memory_space<vmem>>
    %dma_wait3A_814 = arith.constant 0 : i32
    %dma_wait3A_815 = tpu.memref_slice %arg7[%dma_wait3A_808, %dma_wait3A_809, %dma_wait3A_814] : memref<2x8x128xi32, #tpu.memory_space<vmem>> -> memref<1x1x128xi32, #tpu.memory_space<vmem>>
    %dma_wait3A_816 = tpu.memref_squeeze %dma_wait3A_815 : memref<1x1x128xi32, #tpu.memory_space<vmem>> -> memref<128xi32, #tpu.memory_space<vmem>>
    %dma_wait3A_817 = arith.constant 0 : i32
    %dma_wait3A_818 = arith.constant 0 : i32
    %dma_wait3A_819 = tpu.memref_slice %arg9[%dma_wait3A_817, %dma_wait3A_818] : memref<10240x40xf32, #tpu.memory_space<vmem_shared>> -> memref<10240x40xf32, #tpu.memory_space<vmem_shared>>
    tpu.wait_indirect_dma semaphore(%arg10 : memref<!tpu.dma_semaphore, #tpu.memory_space<semaphore_mem>>) src(%dma_wait3A_813 : memref<128x40xf32, #tpu.memory_space<vmem>>) dst(%dma_wait3A_819 : memref<10240x40xf32, #tpu.memory_space<vmem_shared>>)
    %dma_wait3A_820 = arith.constant 0 : i32
    %dma_wait3A_821 = arith.constant 0 : i32
    %dma_wait3A_822 = arith.constant 7 : i32
    %dma_wait3A_823 = arith.constant 896 : i32
    %dma_wait3A_824 = arith.constant 0 : i32
    %dma_wait3A_825 = tpu.memref_slice %arg8[%dma_wait3A_820, %dma_wait3A_823, %dma_wait3A_824] : memref<2x1024x40xf32, #tpu.memory_space<vmem>> -> memref<1x128x40xf32, #tpu.memory_space<vmem>>
    %dma_wait3A_826 = tpu.memref_squeeze %dma_wait3A_825 : memref<1x128x40xf32, #tpu.memory_space<vmem>> -> memref<128x40xf32, #tpu.memory_space<vmem>>
    %dma_wait3A_827 = arith.constant 0 : i32
    %dma_wait3A_828 = tpu.memref_slice %arg7[%dma_wait3A_821, %dma_wait3A_822, %dma_wait3A_827] : memref<2x8x128xi32, #tpu.memory_space<vmem>> -> memref<1x1x128xi32, #tpu.memory_space<vmem>>
    %dma_wait3A_829 = tpu.memref_squeeze %dma_wait3A_828 : memref<1x1x128xi32, #tpu.memory_space<vmem>> -> memref<128xi32, #tpu.memory_space<vmem>>
    %dma_wait3A_830 = arith.constant 0 : i32
    %dma_wait3A_831 = arith.constant 0 : i32
    %dma_wait3A_832 = tpu.memref_slice %arg9[%dma_wait3A_830, %dma_wait3A_831] : memref<10240x40xf32, #tpu.memory_space<vmem_shared>> -> memref<10240x40xf32, #tpu.memory_space<vmem_shared>>
    tpu.wait_indirect_dma semaphore(%arg10 : memref<!tpu.dma_semaphore, #tpu.memory_space<semaphore_mem>>) src(%dma_wait3A_826 : memref<128x40xf32, #tpu.memory_space<vmem>>) dst(%dma_wait3A_832 : memref<10240x40xf32, #tpu.memory_space<vmem_shared>>)
    %dma_wait3A_833 = arith.constant 1 : i32
    %dma_wait3A_834 = arith.constant 0 : i32
    %dma_wait3A_835 = arith.constant 0 : i32
    %dma_wait3A_836 = tpu.memref_slice %arg7[%dma_wait3A_833, %dma_wait3A_834, %dma_wait3A_835] : memref<2x8x128xi32, #tpu.memory_space<vmem>> -> memref<1x8x128xi32, #tpu.memory_space<vmem>>
    %dma_wait3A_837 = tpu.memref_squeeze %dma_wait3A_836 : memref<1x8x128xi32, #tpu.memory_space<vmem>> -> memref<8x128xi32, #tpu.memory_space<vmem>>
    %dma_wait3A_838 = arith.constant 0 : i32
    %dma_wait3A_839 = tpu.memref_slice %arg3[%add3A_596, %dma_wait3A_838] : memref<1280x128xi32, #tpu.memory_space<hbm>> -> memref<8x128xi32, #tpu.memory_space<hbm>>
    %dma_wait3A_840 = arith.constant 0 : i32
    %dma_wait3A_841 = arith.constant 0 : i32
    %dma_wait3A_842 = tpu.memref_slice %arg7[%dma_wait3A_833, %dma_wait3A_840, %dma_wait3A_841] : memref<2x8x128xi32, #tpu.memory_space<vmem>> -> memref<1x8x128xi32, #tpu.memory_space<vmem>>
    %dma_wait3A_843 = tpu.memref_squeeze %dma_wait3A_842 : memref<1x8x128xi32, #tpu.memory_space<vmem>> -> memref<8x128xi32, #tpu.memory_space<vmem>>
    %dma_wait3A_844 = arith.constant 0 : i32
    %dma_wait3A_845 = tpu.memref_slice %arg3[%add3A_596, %dma_wait3A_844] : memref<1280x128xi32, #tpu.memory_space<hbm>> -> memref<8x128xi32, #tpu.memory_space<hbm>>
    tpu.wait_dma2 semaphore(%arg11 : memref<!tpu.dma_semaphore, #tpu.memory_space<semaphore_mem>>) src(%dma_wait3A_845 : memref<8x128xi32, #tpu.memory_space<hbm>>) dst(%dma_wait3A_843 : memref<8x128xi32, #tpu.memory_space<vmem>>)
    %dma_wait3A_846 = arith.constant 1 : i32
    %dma_wait3A_847 = arith.constant 0 : i32
    %dma_wait3A_848 = arith.constant 0 : i32
    %dma_wait3A_849 = tpu.memref_slice %arg8[%dma_wait3A_846, %dma_wait3A_847, %dma_wait3A_848] : memref<2x1024x40xf32, #tpu.memory_space<vmem>> -> memref<1x1024x40xf32, #tpu.memory_space<vmem>>
    %dma_wait3A_850 = tpu.memref_squeeze %dma_wait3A_849 : memref<1x1024x40xf32, #tpu.memory_space<vmem>> -> memref<1024x40xf32, #tpu.memory_space<vmem>>
    %dma_wait3A_851 = arith.constant 0 : i32
    %dma_wait3A_852 = tpu.memref_slice %arg2[%mul3A_611, %dma_wait3A_851] : memref<163840x128xf32, #tpu.memory_space<hbm>> -> memref<1024x40xf32, #tpu.memory_space<hbm>>
    %dma_wait3A_853 = arith.constant 0 : i32
    %dma_wait3A_854 = arith.constant 0 : i32
    %dma_wait3A_855 = tpu.memref_slice %arg8[%dma_wait3A_846, %dma_wait3A_853, %dma_wait3A_854] : memref<2x1024x40xf32, #tpu.memory_space<vmem>> -> memref<1x1024x40xf32, #tpu.memory_space<vmem>>
    %dma_wait3A_856 = tpu.memref_squeeze %dma_wait3A_855 : memref<1x1024x40xf32, #tpu.memory_space<vmem>> -> memref<1024x40xf32, #tpu.memory_space<vmem>>
    %dma_wait3A_857 = arith.constant 0 : i32
    %dma_wait3A_858 = tpu.memref_slice %arg2[%mul3A_611, %dma_wait3A_857] : memref<163840x128xf32, #tpu.memory_space<hbm>> -> memref<1024x40xf32, #tpu.memory_space<hbm>>
    tpu.wait_dma2 semaphore(%arg11 : memref<!tpu.dma_semaphore, #tpu.memory_space<semaphore_mem>>) src(%dma_wait3A_858 : memref<1024x40xf32, #tpu.memory_space<hbm>>) dst(%dma_wait3A_856 : memref<1024x40xf32, #tpu.memory_space<vmem>>)
    %mul3A_859 = arith.constant 40 : i32
    %mul3A_860 = arith.muli %add3A, %mul3A_859 : i32
    %add3A_861 = arith.constant 32 : i32
    %add3A_862 = arith.addi %mul3A_860, %add3A_861 : i32
    %dma_start3A_863 = arith.constant 0 : i32
    %dma_start3A_864 = arith.constant 0 : i32
    %dma_start3A_865 = arith.constant 0 : i32
    %dma_start3A_866 = tpu.memref_slice %arg7[%dma_start3A_863, %dma_start3A_864, %dma_start3A_865] : memref<2x8x128xi32, #tpu.memory_space<vmem>> -> memref<1x8x128xi32, #tpu.memory_space<vmem>>
    %dma_start3A_867 = tpu.memref_squeeze %dma_start3A_866 : memref<1x8x128xi32, #tpu.memory_space<vmem>> -> memref<8x128xi32, #tpu.memory_space<vmem>>
    %dma_start3A_868 = arith.constant 0 : i32
    %dma_start3A_869 = tpu.memref_slice %arg3[%add3A_862, %dma_start3A_868] : memref<1280x128xi32, #tpu.memory_space<hbm>> -> memref<8x128xi32, #tpu.memory_space<hbm>>
    %dma_start3A_870 = arith.constant 0 : i32
    %dma_start3A_871 = arith.constant 0 : i32
    %dma_start3A_872 = tpu.memref_slice %arg7[%dma_start3A_863, %dma_start3A_870, %dma_start3A_871] : memref<2x8x128xi32, #tpu.memory_space<vmem>> -> memref<1x8x128xi32, #tpu.memory_space<vmem>>
    %dma_start3A_873 = tpu.memref_squeeze %dma_start3A_872 : memref<1x8x128xi32, #tpu.memory_space<vmem>> -> memref<8x128xi32, #tpu.memory_space<vmem>>
    %dma_start3A_874 = arith.constant 0 : i32
    %dma_start3A_875 = tpu.memref_slice %arg3[%add3A_862, %dma_start3A_874] : memref<1280x128xi32, #tpu.memory_space<hbm>> -> memref<8x128xi32, #tpu.memory_space<hbm>>
    tpu.enqueue_dma source(%dma_start3A_875 : memref<8x128xi32, #tpu.memory_space<hbm>>) target(%dma_start3A_873 : memref<8x128xi32, #tpu.memory_space<vmem>>) target_semaphore(%arg11 : memref<!tpu.dma_semaphore, #tpu.memory_space<semaphore_mem>>)
    %mul3A_876 = arith.constant 128 : i32
    %mul3A_877 = arith.muli %add3A_862, %mul3A_876 : i32
    %dma_start3A_878 = arith.constant 0 : i32
    %dma_start3A_879 = arith.constant 0 : i32
    %dma_start3A_880 = arith.constant 0 : i32
    %dma_start3A_881 = tpu.memref_slice %arg8[%dma_start3A_878, %dma_start3A_879, %dma_start3A_880] : memref<2x1024x40xf32, #tpu.memory_space<vmem>> -> memref<1x1024x40xf32, #tpu.memory_space<vmem>>
    %dma_start3A_882 = tpu.memref_squeeze %dma_start3A_881 : memref<1x1024x40xf32, #tpu.memory_space<vmem>> -> memref<1024x40xf32, #tpu.memory_space<vmem>>
    %dma_start3A_883 = arith.constant 0 : i32
    %dma_start3A_884 = tpu.memref_slice %arg2[%mul3A_877, %dma_start3A_883] : memref<163840x128xf32, #tpu.memory_space<hbm>> -> memref<1024x40xf32, #tpu.memory_space<hbm>>
    %dma_start3A_885 = arith.constant 0 : i32
    %dma_start3A_886 = arith.constant 0 : i32
    %dma_start3A_887 = tpu.memref_slice %arg8[%dma_start3A_878, %dma_start3A_885, %dma_start3A_886] : memref<2x1024x40xf32, #tpu.memory_space<vmem>> -> memref<1x1024x40xf32, #tpu.memory_space<vmem>>
    %dma_start3A_888 = tpu.memref_squeeze %dma_start3A_887 : memref<1x1024x40xf32, #tpu.memory_space<vmem>> -> memref<1024x40xf32, #tpu.memory_space<vmem>>
    %dma_start3A_889 = arith.constant 0 : i32
    %dma_start3A_890 = tpu.memref_slice %arg2[%mul3A_877, %dma_start3A_889] : memref<163840x128xf32, #tpu.memory_space<hbm>> -> memref<1024x40xf32, #tpu.memory_space<hbm>>
    tpu.enqueue_dma source(%dma_start3A_890 : memref<1024x40xf32, #tpu.memory_space<hbm>>) target(%dma_start3A_888 : memref<1024x40xf32, #tpu.memory_space<vmem>>) target_semaphore(%arg11 : memref<!tpu.dma_semaphore, #tpu.memory_space<semaphore_mem>>)
    %dma_start3A_891 = arith.constant 1 : i32
    %dma_start3A_892 = arith.constant 1 : i32
    %dma_start3A_893 = arith.constant 0 : i32
    %dma_start3A_894 = arith.constant 0 : i32
    %dma_start3A_895 = arith.constant 0 : i32
    %dma_start3A_896 = tpu.memref_slice %arg8[%dma_start3A_891, %dma_start3A_894, %dma_start3A_895] : memref<2x1024x40xf32, #tpu.memory_space<vmem>> -> memref<1x128x40xf32, #tpu.memory_space<vmem>>
    %dma_start3A_897 = tpu.memref_squeeze %dma_start3A_896 : memref<1x128x40xf32, #tpu.memory_space<vmem>> -> memref<128x40xf32, #tpu.memory_space<vmem>>
    %dma_start3A_898 = arith.constant 0 : i32
    %dma_start3A_899 = tpu.memref_slice %arg7[%dma_start3A_892, %dma_start3A_893, %dma_start3A_898] : memref<2x8x128xi32, #tpu.memory_space<vmem>> -> memref<1x1x128xi32, #tpu.memory_space<vmem>>
    %dma_start3A_900 = tpu.memref_squeeze %dma_start3A_899 : memref<1x1x128xi32, #tpu.memory_space<vmem>> -> memref<128xi32, #tpu.memory_space<vmem>>
    %dma_start3A_901 = arith.constant 0 : i32
    %dma_start3A_902 = arith.constant 0 : i32
    %dma_start3A_903 = tpu.memref_slice %arg9[%dma_start3A_901, %dma_start3A_902] : memref<10240x40xf32, #tpu.memory_space<vmem_shared>> -> memref<10240x40xf32, #tpu.memory_space<vmem_shared>>
    tpu.enqueue_indirect_dma source(%dma_start3A_897 : memref<128x40xf32, #tpu.memory_space<vmem>>) target(%dma_start3A_903 : memref<10240x40xf32, #tpu.memory_space<vmem_shared>>) offsets(%dma_start3A_900 : memref<128xi32, #tpu.memory_space<vmem>>) semaphore(%arg10 : memref<!tpu.dma_semaphore, #tpu.memory_space<semaphore_mem>>) {add = true}
    %dma_start3A_904 = arith.constant 1 : i32
    %dma_start3A_905 = arith.constant 1 : i32
    %dma_start3A_906 = arith.constant 1 : i32
    %dma_start3A_907 = arith.constant 128 : i32
    %dma_start3A_908 = arith.constant 0 : i32
    %dma_start3A_909 = tpu.memref_slice %arg8[%dma_start3A_904, %dma_start3A_907, %dma_start3A_908] : memref<2x1024x40xf32, #tpu.memory_space<vmem>> -> memref<1x128x40xf32, #tpu.memory_space<vmem>>
    %dma_start3A_910 = tpu.memref_squeeze %dma_start3A_909 : memref<1x128x40xf32, #tpu.memory_space<vmem>> -> memref<128x40xf32, #tpu.memory_space<vmem>>
    %dma_start3A_911 = arith.constant 0 : i32
    %dma_start3A_912 = tpu.memref_slice %arg7[%dma_start3A_905, %dma_start3A_906, %dma_start3A_911] : memref<2x8x128xi32, #tpu.memory_space<vmem>> -> memref<1x1x128xi32, #tpu.memory_space<vmem>>
    %dma_start3A_913 = tpu.memref_squeeze %dma_start3A_912 : memref<1x1x128xi32, #tpu.memory_space<vmem>> -> memref<128xi32, #tpu.memory_space<vmem>>
    %dma_start3A_914 = arith.constant 0 : i32
    %dma_start3A_915 = arith.constant 0 : i32
    %dma_start3A_916 = tpu.memref_slice %arg9[%dma_start3A_914, %dma_start3A_915] : memref<10240x40xf32, #tpu.memory_space<vmem_shared>> -> memref<10240x40xf32, #tpu.memory_space<vmem_shared>>
    tpu.enqueue_indirect_dma source(%dma_start3A_910 : memref<128x40xf32, #tpu.memory_space<vmem>>) target(%dma_start3A_916 : memref<10240x40xf32, #tpu.memory_space<vmem_shared>>) offsets(%dma_start3A_913 : memref<128xi32, #tpu.memory_space<vmem>>) semaphore(%arg10 : memref<!tpu.dma_semaphore, #tpu.memory_space<semaphore_mem>>) {add = true}
    %dma_start3A_917 = arith.constant 1 : i32
    %dma_start3A_918 = arith.constant 1 : i32
    %dma_start3A_919 = arith.constant 2 : i32
    %dma_start3A_920 = arith.constant 256 : i32
    %dma_start3A_921 = arith.constant 0 : i32
    %dma_start3A_922 = tpu.memref_slice %arg8[%dma_start3A_917, %dma_start3A_920, %dma_start3A_921] : memref<2x1024x40xf32, #tpu.memory_space<vmem>> -> memref<1x128x40xf32, #tpu.memory_space<vmem>>
    %dma_start3A_923 = tpu.memref_squeeze %dma_start3A_922 : memref<1x128x40xf32, #tpu.memory_space<vmem>> -> memref<128x40xf32, #tpu.memory_space<vmem>>
    %dma_start3A_924 = arith.constant 0 : i32
    %dma_start3A_925 = tpu.memref_slice %arg7[%dma_start3A_918, %dma_start3A_919, %dma_start3A_924] : memref<2x8x128xi32, #tpu.memory_space<vmem>> -> memref<1x1x128xi32, #tpu.memory_space<vmem>>
    %dma_start3A_926 = tpu.memref_squeeze %dma_start3A_925 : memref<1x1x128xi32, #tpu.memory_space<vmem>> -> memref<128xi32, #tpu.memory_space<vmem>>
    %dma_start3A_927 = arith.constant 0 : i32
    %dma_start3A_928 = arith.constant 0 : i32
    %dma_start3A_929 = tpu.memref_slice %arg9[%dma_start3A_927, %dma_start3A_928] : memref<10240x40xf32, #tpu.memory_space<vmem_shared>> -> memref<10240x40xf32, #tpu.memory_space<vmem_shared>>
    tpu.enqueue_indirect_dma source(%dma_start3A_923 : memref<128x40xf32, #tpu.memory_space<vmem>>) target(%dma_start3A_929 : memref<10240x40xf32, #tpu.memory_space<vmem_shared>>) offsets(%dma_start3A_926 : memref<128xi32, #tpu.memory_space<vmem>>) semaphore(%arg10 : memref<!tpu.dma_semaphore, #tpu.memory_space<semaphore_mem>>) {add = true}
    %dma_start3A_930 = arith.constant 1 : i32
    %dma_start3A_931 = arith.constant 1 : i32
    %dma_start3A_932 = arith.constant 3 : i32
    %dma_start3A_933 = arith.constant 384 : i32
    %dma_start3A_934 = arith.constant 0 : i32
    %dma_start3A_935 = tpu.memref_slice %arg8[%dma_start3A_930, %dma_start3A_933, %dma_start3A_934] : memref<2x1024x40xf32, #tpu.memory_space<vmem>> -> memref<1x128x40xf32, #tpu.memory_space<vmem>>
    %dma_start3A_936 = tpu.memref_squeeze %dma_start3A_935 : memref<1x128x40xf32, #tpu.memory_space<vmem>> -> memref<128x40xf32, #tpu.memory_space<vmem>>
    %dma_start3A_937 = arith.constant 0 : i32
    %dma_start3A_938 = tpu.memref_slice %arg7[%dma_start3A_931, %dma_start3A_932, %dma_start3A_937] : memref<2x8x128xi32, #tpu.memory_space<vmem>> -> memref<1x1x128xi32, #tpu.memory_space<vmem>>
    %dma_start3A_939 = tpu.memref_squeeze %dma_start3A_938 : memref<1x1x128xi32, #tpu.memory_space<vmem>> -> memref<128xi32, #tpu.memory_space<vmem>>
    %dma_start3A_940 = arith.constant 0 : i32
    %dma_start3A_941 = arith.constant 0 : i32
    %dma_start3A_942 = tpu.memref_slice %arg9[%dma_start3A_940, %dma_start3A_941] : memref<10240x40xf32, #tpu.memory_space<vmem_shared>> -> memref<10240x40xf32, #tpu.memory_space<vmem_shared>>
    tpu.enqueue_indirect_dma source(%dma_start3A_936 : memref<128x40xf32, #tpu.memory_space<vmem>>) target(%dma_start3A_942 : memref<10240x40xf32, #tpu.memory_space<vmem_shared>>) offsets(%dma_start3A_939 : memref<128xi32, #tpu.memory_space<vmem>>) semaphore(%arg10 : memref<!tpu.dma_semaphore, #tpu.memory_space<semaphore_mem>>) {add = true}
    %dma_start3A_943 = arith.constant 1 : i32
    %dma_start3A_944 = arith.constant 1 : i32
    %dma_start3A_945 = arith.constant 4 : i32
    %dma_start3A_946 = arith.constant 512 : i32
    %dma_start3A_947 = arith.constant 0 : i32
    %dma_start3A_948 = tpu.memref_slice %arg8[%dma_start3A_943, %dma_start3A_946, %dma_start3A_947] : memref<2x1024x40xf32, #tpu.memory_space<vmem>> -> memref<1x128x40xf32, #tpu.memory_space<vmem>>
    %dma_start3A_949 = tpu.memref_squeeze %dma_start3A_948 : memref<1x128x40xf32, #tpu.memory_space<vmem>> -> memref<128x40xf32, #tpu.memory_space<vmem>>
    %dma_start3A_950 = arith.constant 0 : i32
    %dma_start3A_951 = tpu.memref_slice %arg7[%dma_start3A_944, %dma_start3A_945, %dma_start3A_950] : memref<2x8x128xi32, #tpu.memory_space<vmem>> -> memref<1x1x128xi32, #tpu.memory_space<vmem>>
    %dma_start3A_952 = tpu.memref_squeeze %dma_start3A_951 : memref<1x1x128xi32, #tpu.memory_space<vmem>> -> memref<128xi32, #tpu.memory_space<vmem>>
    %dma_start3A_953 = arith.constant 0 : i32
    %dma_start3A_954 = arith.constant 0 : i32
    %dma_start3A_955 = tpu.memref_slice %arg9[%dma_start3A_953, %dma_start3A_954] : memref<10240x40xf32, #tpu.memory_space<vmem_shared>> -> memref<10240x40xf32, #tpu.memory_space<vmem_shared>>
    tpu.enqueue_indirect_dma source(%dma_start3A_949 : memref<128x40xf32, #tpu.memory_space<vmem>>) target(%dma_start3A_955 : memref<10240x40xf32, #tpu.memory_space<vmem_shared>>) offsets(%dma_start3A_952 : memref<128xi32, #tpu.memory_space<vmem>>) semaphore(%arg10 : memref<!tpu.dma_semaphore, #tpu.memory_space<semaphore_mem>>) {add = true}
    %dma_start3A_956 = arith.constant 1 : i32
    %dma_start3A_957 = arith.constant 1 : i32
    %dma_start3A_958 = arith.constant 5 : i32
    %dma_start3A_959 = arith.constant 640 : i32
    %dma_start3A_960 = arith.constant 0 : i32
    %dma_start3A_961 = tpu.memref_slice %arg8[%dma_start3A_956, %dma_start3A_959, %dma_start3A_960] : memref<2x1024x40xf32, #tpu.memory_space<vmem>> -> memref<1x128x40xf32, #tpu.memory_space<vmem>>
    %dma_start3A_962 = tpu.memref_squeeze %dma_start3A_961 : memref<1x128x40xf32, #tpu.memory_space<vmem>> -> memref<128x40xf32, #tpu.memory_space<vmem>>
    %dma_start3A_963 = arith.constant 0 : i32
    %dma_start3A_964 = tpu.memref_slice %arg7[%dma_start3A_957, %dma_start3A_958, %dma_start3A_963] : memref<2x8x128xi32, #tpu.memory_space<vmem>> -> memref<1x1x128xi32, #tpu.memory_space<vmem>>
    %dma_start3A_965 = tpu.memref_squeeze %dma_start3A_964 : memref<1x1x128xi32, #tpu.memory_space<vmem>> -> memref<128xi32, #tpu.memory_space<vmem>>
    %dma_start3A_966 = arith.constant 0 : i32
    %dma_start3A_967 = arith.constant 0 : i32
    %dma_start3A_968 = tpu.memref_slice %arg9[%dma_start3A_966, %dma_start3A_967] : memref<10240x40xf32, #tpu.memory_space<vmem_shared>> -> memref<10240x40xf32, #tpu.memory_space<vmem_shared>>
    tpu.enqueue_indirect_dma source(%dma_start3A_962 : memref<128x40xf32, #tpu.memory_space<vmem>>) target(%dma_start3A_968 : memref<10240x40xf32, #tpu.memory_space<vmem_shared>>) offsets(%dma_start3A_965 : memref<128xi32, #tpu.memory_space<vmem>>) semaphore(%arg10 : memref<!tpu.dma_semaphore, #tpu.memory_space<semaphore_mem>>) {add = true}
    %dma_start3A_969 = arith.constant 1 : i32
    %dma_start3A_970 = arith.constant 1 : i32
    %dma_start3A_971 = arith.constant 6 : i32
    %dma_start3A_972 = arith.constant 768 : i32
    %dma_start3A_973 = arith.constant 0 : i32
    %dma_start3A_974 = tpu.memref_slice %arg8[%dma_start3A_969, %dma_start3A_972, %dma_start3A_973] : memref<2x1024x40xf32, #tpu.memory_space<vmem>> -> memref<1x128x40xf32, #tpu.memory_space<vmem>>
    %dma_start3A_975 = tpu.memref_squeeze %dma_start3A_974 : memref<1x128x40xf32, #tpu.memory_space<vmem>> -> memref<128x40xf32, #tpu.memory_space<vmem>>
    %dma_start3A_976 = arith.constant 0 : i32
    %dma_start3A_977 = tpu.memref_slice %arg7[%dma_start3A_970, %dma_start3A_971, %dma_start3A_976] : memref<2x8x128xi32, #tpu.memory_space<vmem>> -> memref<1x1x128xi32, #tpu.memory_space<vmem>>
    %dma_start3A_978 = tpu.memref_squeeze %dma_start3A_977 : memref<1x1x128xi32, #tpu.memory_space<vmem>> -> memref<128xi32, #tpu.memory_space<vmem>>
    %dma_start3A_979 = arith.constant 0 : i32
    %dma_start3A_980 = arith.constant 0 : i32
    %dma_start3A_981 = tpu.memref_slice %arg9[%dma_start3A_979, %dma_start3A_980] : memref<10240x40xf32, #tpu.memory_space<vmem_shared>> -> memref<10240x40xf32, #tpu.memory_space<vmem_shared>>
    tpu.enqueue_indirect_dma source(%dma_start3A_975 : memref<128x40xf32, #tpu.memory_space<vmem>>) target(%dma_start3A_981 : memref<10240x40xf32, #tpu.memory_space<vmem_shared>>) offsets(%dma_start3A_978 : memref<128xi32, #tpu.memory_space<vmem>>) semaphore(%arg10 : memref<!tpu.dma_semaphore, #tpu.memory_space<semaphore_mem>>) {add = true}
    %dma_start3A_982 = arith.constant 1 : i32
    %dma_start3A_983 = arith.constant 1 : i32
    %dma_start3A_984 = arith.constant 7 : i32
    %dma_start3A_985 = arith.constant 896 : i32
    %dma_start3A_986 = arith.constant 0 : i32
    %dma_start3A_987 = tpu.memref_slice %arg8[%dma_start3A_982, %dma_start3A_985, %dma_start3A_986] : memref<2x1024x40xf32, #tpu.memory_space<vmem>> -> memref<1x128x40xf32, #tpu.memory_space<vmem>>
    %dma_start3A_988 = tpu.memref_squeeze %dma_start3A_987 : memref<1x128x40xf32, #tpu.memory_space<vmem>> -> memref<128x40xf32, #tpu.memory_space<vmem>>
    %dma_start3A_989 = arith.constant 0 : i32
    %dma_start3A_990 = tpu.memref_slice %arg7[%dma_start3A_983, %dma_start3A_984, %dma_start3A_989] : memref<2x8x128xi32, #tpu.memory_space<vmem>> -> memref<1x1x128xi32, #tpu.memory_space<vmem>>
    %dma_start3A_991 = tpu.memref_squeeze %dma_start3A_990 : memref<1x1x128xi32, #tpu.memory_space<vmem>> -> memref<128xi32, #tpu.memory_space<vmem>>
    %dma_start3A_992 = arith.constant 0 : i32
    %dma_start3A_993 = arith.constant 0 : i32
    %dma_start3A_994 = tpu.memref_slice %arg9[%dma_start3A_992, %dma_start3A_993] : memref<10240x40xf32, #tpu.memory_space<vmem_shared>> -> memref<10240x40xf32, #tpu.memory_space<vmem_shared>>
    tpu.enqueue_indirect_dma source(%dma_start3A_988 : memref<128x40xf32, #tpu.memory_space<vmem>>) target(%dma_start3A_994 : memref<10240x40xf32, #tpu.memory_space<vmem_shared>>) offsets(%dma_start3A_991 : memref<128xi32, #tpu.memory_space<vmem>>) semaphore(%arg10 : memref<!tpu.dma_semaphore, #tpu.memory_space<semaphore_mem>>) {add = true}
    %dma_wait3A_995 = arith.constant 1 : i32
    %dma_wait3A_996 = arith.constant 1 : i32
    %dma_wait3A_997 = arith.constant 0 : i32
    %dma_wait3A_998 = arith.constant 0 : i32
    %dma_wait3A_999 = arith.constant 0 : i32
    %dma_wait3A_1000 = tpu.memref_slice %arg8[%dma_wait3A_995, %dma_wait3A_998, %dma_wait3A_999] : memref<2x1024x40xf32, #tpu.memory_space<vmem>> -> memref<1x128x40xf32, #tpu.memory_space<vmem>>
    %dma_wait3A_1001 = tpu.memref_squeeze %dma_wait3A_1000 : memref<1x128x40xf32, #tpu.memory_space<vmem>> -> memref<128x40xf32, #tpu.memory_space<vmem>>
    %dma_wait3A_1002 = arith.constant 0 : i32
    %dma_wait3A_1003 = tpu.memref_slice %arg7[%dma_wait3A_996, %dma_wait3A_997, %dma_wait3A_1002] : memref<2x8x128xi32, #tpu.memory_space<vmem>> -> memref<1x1x128xi32, #tpu.memory_space<vmem>>
    %dma_wait3A_1004 = tpu.memref_squeeze %dma_wait3A_1003 : memref<1x1x128xi32, #tpu.memory_space<vmem>> -> memref<128xi32, #tpu.memory_space<vmem>>
    %dma_wait3A_1005 = arith.constant 0 : i32
    %dma_wait3A_1006 = arith.constant 0 : i32
    %dma_wait3A_1007 = tpu.memref_slice %arg9[%dma_wait3A_1005, %dma_wait3A_1006] : memref<10240x40xf32, #tpu.memory_space<vmem_shared>> -> memref<10240x40xf32, #tpu.memory_space<vmem_shared>>
    tpu.wait_indirect_dma semaphore(%arg10 : memref<!tpu.dma_semaphore, #tpu.memory_space<semaphore_mem>>) src(%dma_wait3A_1001 : memref<128x40xf32, #tpu.memory_space<vmem>>) dst(%dma_wait3A_1007 : memref<10240x40xf32, #tpu.memory_space<vmem_shared>>)
    %dma_wait3A_1008 = arith.constant 1 : i32
    %dma_wait3A_1009 = arith.constant 1 : i32
    %dma_wait3A_1010 = arith.constant 1 : i32
    %dma_wait3A_1011 = arith.constant 128 : i32
    %dma_wait3A_1012 = arith.constant 0 : i32
    %dma_wait3A_1013 = tpu.memref_slice %arg8[%dma_wait3A_1008, %dma_wait3A_1011, %dma_wait3A_1012] : memref<2x1024x40xf32, #tpu.memory_space<vmem>> -> memref<1x128x40xf32, #tpu.memory_space<vmem>>
    %dma_wait3A_1014 = tpu.memref_squeeze %dma_wait3A_1013 : memref<1x128x40xf32, #tpu.memory_space<vmem>> -> memref<128x40xf32, #tpu.memory_space<vmem>>
    %dma_wait3A_1015 = arith.constant 0 : i32
    %dma_wait3A_1016 = tpu.memref_slice %arg7[%dma_wait3A_1009, %dma_wait3A_1010, %dma_wait3A_1015] : memref<2x8x128xi32, #tpu.memory_space<vmem>> -> memref<1x1x128xi32, #tpu.memory_space<vmem>>
    %dma_wait3A_1017 = tpu.memref_squeeze %dma_wait3A_1016 : memref<1x1x128xi32, #tpu.memory_space<vmem>> -> memref<128xi32, #tpu.memory_space<vmem>>
    %dma_wait3A_1018 = arith.constant 0 : i32
    %dma_wait3A_1019 = arith.constant 0 : i32
    %dma_wait3A_1020 = tpu.memref_slice %arg9[%dma_wait3A_1018, %dma_wait3A_1019] : memref<10240x40xf32, #tpu.memory_space<vmem_shared>> -> memref<10240x40xf32, #tpu.memory_space<vmem_shared>>
    tpu.wait_indirect_dma semaphore(%arg10 : memref<!tpu.dma_semaphore, #tpu.memory_space<semaphore_mem>>) src(%dma_wait3A_1014 : memref<128x40xf32, #tpu.memory_space<vmem>>) dst(%dma_wait3A_1020 : memref<10240x40xf32, #tpu.memory_space<vmem_shared>>)
    %dma_wait3A_1021 = arith.constant 1 : i32
    %dma_wait3A_1022 = arith.constant 1 : i32
    %dma_wait3A_1023 = arith.constant 2 : i32
    %dma_wait3A_1024 = arith.constant 256 : i32
    %dma_wait3A_1025 = arith.constant 0 : i32
    %dma_wait3A_1026 = tpu.memref_slice %arg8[%dma_wait3A_1021, %dma_wait3A_1024, %dma_wait3A_1025] : memref<2x1024x40xf32, #tpu.memory_space<vmem>> -> memref<1x128x40xf32, #tpu.memory_space<vmem>>
    %dma_wait3A_1027 = tpu.memref_squeeze %dma_wait3A_1026 : memref<1x128x40xf32, #tpu.memory_space<vmem>> -> memref<128x40xf32, #tpu.memory_space<vmem>>
    %dma_wait3A_1028 = arith.constant 0 : i32
    %dma_wait3A_1029 = tpu.memref_slice %arg7[%dma_wait3A_1022, %dma_wait3A_1023, %dma_wait3A_1028] : memref<2x8x128xi32, #tpu.memory_space<vmem>> -> memref<1x1x128xi32, #tpu.memory_space<vmem>>
    %dma_wait3A_1030 = tpu.memref_squeeze %dma_wait3A_1029 : memref<1x1x128xi32, #tpu.memory_space<vmem>> -> memref<128xi32, #tpu.memory_space<vmem>>
    %dma_wait3A_1031 = arith.constant 0 : i32
    %dma_wait3A_1032 = arith.constant 0 : i32
    %dma_wait3A_1033 = tpu.memref_slice %arg9[%dma_wait3A_1031, %dma_wait3A_1032] : memref<10240x40xf32, #tpu.memory_space<vmem_shared>> -> memref<10240x40xf32, #tpu.memory_space<vmem_shared>>
    tpu.wait_indirect_dma semaphore(%arg10 : memref<!tpu.dma_semaphore, #tpu.memory_space<semaphore_mem>>) src(%dma_wait3A_1027 : memref<128x40xf32, #tpu.memory_space<vmem>>) dst(%dma_wait3A_1033 : memref<10240x40xf32, #tpu.memory_space<vmem_shared>>)
    %dma_wait3A_1034 = arith.constant 1 : i32
    %dma_wait3A_1035 = arith.constant 1 : i32
    %dma_wait3A_1036 = arith.constant 3 : i32
    %dma_wait3A_1037 = arith.constant 384 : i32
    %dma_wait3A_1038 = arith.constant 0 : i32
    %dma_wait3A_1039 = tpu.memref_slice %arg8[%dma_wait3A_1034, %dma_wait3A_1037, %dma_wait3A_1038] : memref<2x1024x40xf32, #tpu.memory_space<vmem>> -> memref<1x128x40xf32, #tpu.memory_space<vmem>>
    %dma_wait3A_1040 = tpu.memref_squeeze %dma_wait3A_1039 : memref<1x128x40xf32, #tpu.memory_space<vmem>> -> memref<128x40xf32, #tpu.memory_space<vmem>>
    %dma_wait3A_1041 = arith.constant 0 : i32
    %dma_wait3A_1042 = tpu.memref_slice %arg7[%dma_wait3A_1035, %dma_wait3A_1036, %dma_wait3A_1041] : memref<2x8x128xi32, #tpu.memory_space<vmem>> -> memref<1x1x128xi32, #tpu.memory_space<vmem>>
    %dma_wait3A_1043 = tpu.memref_squeeze %dma_wait3A_1042 : memref<1x1x128xi32, #tpu.memory_space<vmem>> -> memref<128xi32, #tpu.memory_space<vmem>>
    %dma_wait3A_1044 = arith.constant 0 : i32
    %dma_wait3A_1045 = arith.constant 0 : i32
    %dma_wait3A_1046 = tpu.memref_slice %arg9[%dma_wait3A_1044, %dma_wait3A_1045] : memref<10240x40xf32, #tpu.memory_space<vmem_shared>> -> memref<10240x40xf32, #tpu.memory_space<vmem_shared>>
    tpu.wait_indirect_dma semaphore(%arg10 : memref<!tpu.dma_semaphore, #tpu.memory_space<semaphore_mem>>) src(%dma_wait3A_1040 : memref<128x40xf32, #tpu.memory_space<vmem>>) dst(%dma_wait3A_1046 : memref<10240x40xf32, #tpu.memory_space<vmem_shared>>)
    %dma_wait3A_1047 = arith.constant 1 : i32
    %dma_wait3A_1048 = arith.constant 1 : i32
    %dma_wait3A_1049 = arith.constant 4 : i32
    %dma_wait3A_1050 = arith.constant 512 : i32
    %dma_wait3A_1051 = arith.constant 0 : i32
    %dma_wait3A_1052 = tpu.memref_slice %arg8[%dma_wait3A_1047, %dma_wait3A_1050, %dma_wait3A_1051] : memref<2x1024x40xf32, #tpu.memory_space<vmem>> -> memref<1x128x40xf32, #tpu.memory_space<vmem>>
    %dma_wait3A_1053 = tpu.memref_squeeze %dma_wait3A_1052 : memref<1x128x40xf32, #tpu.memory_space<vmem>> -> memref<128x40xf32, #tpu.memory_space<vmem>>
    %dma_wait3A_1054 = arith.constant 0 : i32
    %dma_wait3A_1055 = tpu.memref_slice %arg7[%dma_wait3A_1048, %dma_wait3A_1049, %dma_wait3A_1054] : memref<2x8x128xi32, #tpu.memory_space<vmem>> -> memref<1x1x128xi32, #tpu.memory_space<vmem>>
    %dma_wait3A_1056 = tpu.memref_squeeze %dma_wait3A_1055 : memref<1x1x128xi32, #tpu.memory_space<vmem>> -> memref<128xi32, #tpu.memory_space<vmem>>
    %dma_wait3A_1057 = arith.constant 0 : i32
    %dma_wait3A_1058 = arith.constant 0 : i32
    %dma_wait3A_1059 = tpu.memref_slice %arg9[%dma_wait3A_1057, %dma_wait3A_1058] : memref<10240x40xf32, #tpu.memory_space<vmem_shared>> -> memref<10240x40xf32, #tpu.memory_space<vmem_shared>>
    tpu.wait_indirect_dma semaphore(%arg10 : memref<!tpu.dma_semaphore, #tpu.memory_space<semaphore_mem>>) src(%dma_wait3A_1053 : memref<128x40xf32, #tpu.memory_space<vmem>>) dst(%dma_wait3A_1059 : memref<10240x40xf32, #tpu.memory_space<vmem_shared>>)
    %dma_wait3A_1060 = arith.constant 1 : i32
    %dma_wait3A_1061 = arith.constant 1 : i32
    %dma_wait3A_1062 = arith.constant 5 : i32
    %dma_wait3A_1063 = arith.constant 640 : i32
    %dma_wait3A_1064 = arith.constant 0 : i32
    %dma_wait3A_1065 = tpu.memref_slice %arg8[%dma_wait3A_1060, %dma_wait3A_1063, %dma_wait3A_1064] : memref<2x1024x40xf32, #tpu.memory_space<vmem>> -> memref<1x128x40xf32, #tpu.memory_space<vmem>>
    %dma_wait3A_1066 = tpu.memref_squeeze %dma_wait3A_1065 : memref<1x128x40xf32, #tpu.memory_space<vmem>> -> memref<128x40xf32, #tpu.memory_space<vmem>>
    %dma_wait3A_1067 = arith.constant 0 : i32
    %dma_wait3A_1068 = tpu.memref_slice %arg7[%dma_wait3A_1061, %dma_wait3A_1062, %dma_wait3A_1067] : memref<2x8x128xi32, #tpu.memory_space<vmem>> -> memref<1x1x128xi32, #tpu.memory_space<vmem>>
    %dma_wait3A_1069 = tpu.memref_squeeze %dma_wait3A_1068 : memref<1x1x128xi32, #tpu.memory_space<vmem>> -> memref<128xi32, #tpu.memory_space<vmem>>
    %dma_wait3A_1070 = arith.constant 0 : i32
    %dma_wait3A_1071 = arith.constant 0 : i32
    %dma_wait3A_1072 = tpu.memref_slice %arg9[%dma_wait3A_1070, %dma_wait3A_1071] : memref<10240x40xf32, #tpu.memory_space<vmem_shared>> -> memref<10240x40xf32, #tpu.memory_space<vmem_shared>>
    tpu.wait_indirect_dma semaphore(%arg10 : memref<!tpu.dma_semaphore, #tpu.memory_space<semaphore_mem>>) src(%dma_wait3A_1066 : memref<128x40xf32, #tpu.memory_space<vmem>>) dst(%dma_wait3A_1072 : memref<10240x40xf32, #tpu.memory_space<vmem_shared>>)
    %dma_wait3A_1073 = arith.constant 1 : i32
    %dma_wait3A_1074 = arith.constant 1 : i32
    %dma_wait3A_1075 = arith.constant 6 : i32
    %dma_wait3A_1076 = arith.constant 768 : i32
    %dma_wait3A_1077 = arith.constant 0 : i32
    %dma_wait3A_1078 = tpu.memref_slice %arg8[%dma_wait3A_1073, %dma_wait3A_1076, %dma_wait3A_1077] : memref<2x1024x40xf32, #tpu.memory_space<vmem>> -> memref<1x128x40xf32, #tpu.memory_space<vmem>>
    %dma_wait3A_1079 = tpu.memref_squeeze %dma_wait3A_1078 : memref<1x128x40xf32, #tpu.memory_space<vmem>> -> memref<128x40xf32, #tpu.memory_space<vmem>>
    %dma_wait3A_1080 = arith.constant 0 : i32
    %dma_wait3A_1081 = tpu.memref_slice %arg7[%dma_wait3A_1074, %dma_wait3A_1075, %dma_wait3A_1080] : memref<2x8x128xi32, #tpu.memory_space<vmem>> -> memref<1x1x128xi32, #tpu.memory_space<vmem>>
    %dma_wait3A_1082 = tpu.memref_squeeze %dma_wait3A_1081 : memref<1x1x128xi32, #tpu.memory_space<vmem>> -> memref<128xi32, #tpu.memory_space<vmem>>
    %dma_wait3A_1083 = arith.constant 0 : i32
    %dma_wait3A_1084 = arith.constant 0 : i32
    %dma_wait3A_1085 = tpu.memref_slice %arg9[%dma_wait3A_1083, %dma_wait3A_1084] : memref<10240x40xf32, #tpu.memory_space<vmem_shared>> -> memref<10240x40xf32, #tpu.memory_space<vmem_shared>>
    tpu.wait_indirect_dma semaphore(%arg10 : memref<!tpu.dma_semaphore, #tpu.memory_space<semaphore_mem>>) src(%dma_wait3A_1079 : memref<128x40xf32, #tpu.memory_space<vmem>>) dst(%dma_wait3A_1085 : memref<10240x40xf32, #tpu.memory_space<vmem_shared>>)
    %dma_wait3A_1086 = arith.constant 1 : i32
    %dma_wait3A_1087 = arith.constant 1 : i32
    %dma_wait3A_1088 = arith.constant 7 : i32
    %dma_wait3A_1089 = arith.constant 896 : i32
    %dma_wait3A_1090 = arith.constant 0 : i32
    %dma_wait3A_1091 = tpu.memref_slice %arg8[%dma_wait3A_1086, %dma_wait3A_1089, %dma_wait3A_1090] : memref<2x1024x40xf32, #tpu.memory_space<vmem>> -> memref<1x128x40xf32, #tpu.memory_space<vmem>>
    %dma_wait3A_1092 = tpu.memref_squeeze %dma_wait3A_1091 : memref<1x128x40xf32, #tpu.memory_space<vmem>> -> memref<128x40xf32, #tpu.memory_space<vmem>>
    %dma_wait3A_1093 = arith.constant 0 : i32
    %dma_wait3A_1094 = tpu.memref_slice %arg7[%dma_wait3A_1087, %dma_wait3A_1088, %dma_wait3A_1093] : memref<2x8x128xi32, #tpu.memory_space<vmem>> -> memref<1x1x128xi32, #tpu.memory_space<vmem>>
    %dma_wait3A_1095 = tpu.memref_squeeze %dma_wait3A_1094 : memref<1x1x128xi32, #tpu.memory_space<vmem>> -> memref<128xi32, #tpu.memory_space<vmem>>
    %dma_wait3A_1096 = arith.constant 0 : i32
    %dma_wait3A_1097 = arith.constant 0 : i32
    %dma_wait3A_1098 = tpu.memref_slice %arg9[%dma_wait3A_1096, %dma_wait3A_1097] : memref<10240x40xf32, #tpu.memory_space<vmem_shared>> -> memref<10240x40xf32, #tpu.memory_space<vmem_shared>>
    tpu.wait_indirect_dma semaphore(%arg10 : memref<!tpu.dma_semaphore, #tpu.memory_space<semaphore_mem>>) src(%dma_wait3A_1092 : memref<128x40xf32, #tpu.memory_space<vmem>>) dst(%dma_wait3A_1098 : memref<10240x40xf32, #tpu.memory_space<vmem_shared>>)
    %dma_wait3A_1099 = arith.constant 0 : i32
    %dma_wait3A_1100 = arith.constant 0 : i32
    %dma_wait3A_1101 = arith.constant 0 : i32
    %dma_wait3A_1102 = tpu.memref_slice %arg7[%dma_wait3A_1099, %dma_wait3A_1100, %dma_wait3A_1101] : memref<2x8x128xi32, #tpu.memory_space<vmem>> -> memref<1x8x128xi32, #tpu.memory_space<vmem>>
    %dma_wait3A_1103 = tpu.memref_squeeze %dma_wait3A_1102 : memref<1x8x128xi32, #tpu.memory_space<vmem>> -> memref<8x128xi32, #tpu.memory_space<vmem>>
    %dma_wait3A_1104 = arith.constant 0 : i32
    %dma_wait3A_1105 = tpu.memref_slice %arg3[%add3A_862, %dma_wait3A_1104] : memref<1280x128xi32, #tpu.memory_space<hbm>> -> memref<8x128xi32, #tpu.memory_space<hbm>>
    %dma_wait3A_1106 = arith.constant 0 : i32
    %dma_wait3A_1107 = arith.constant 0 : i32
    %dma_wait3A_1108 = tpu.memref_slice %arg7[%dma_wait3A_1099, %dma_wait3A_1106, %dma_wait3A_1107] : memref<2x8x128xi32, #tpu.memory_space<vmem>> -> memref<1x8x128xi32, #tpu.memory_space<vmem>>
    %dma_wait3A_1109 = tpu.memref_squeeze %dma_wait3A_1108 : memref<1x8x128xi32, #tpu.memory_space<vmem>> -> memref<8x128xi32, #tpu.memory_space<vmem>>
    %dma_wait3A_1110 = arith.constant 0 : i32
    %dma_wait3A_1111 = tpu.memref_slice %arg3[%add3A_862, %dma_wait3A_1110] : memref<1280x128xi32, #tpu.memory_space<hbm>> -> memref<8x128xi32, #tpu.memory_space<hbm>>
    tpu.wait_dma2 semaphore(%arg11 : memref<!tpu.dma_semaphore, #tpu.memory_space<semaphore_mem>>) src(%dma_wait3A_1111 : memref<8x128xi32, #tpu.memory_space<hbm>>) dst(%dma_wait3A_1109 : memref<8x128xi32, #tpu.memory_space<vmem>>)
    %dma_wait3A_1112 = arith.constant 0 : i32
    %dma_wait3A_1113 = arith.constant 0 : i32
    %dma_wait3A_1114 = arith.constant 0 : i32
    %dma_wait3A_1115 = tpu.memref_slice %arg8[%dma_wait3A_1112, %dma_wait3A_1113, %dma_wait3A_1114] : memref<2x1024x40xf32, #tpu.memory_space<vmem>> -> memref<1x1024x40xf32, #tpu.memory_space<vmem>>
    %dma_wait3A_1116 = tpu.memref_squeeze %dma_wait3A_1115 : memref<1x1024x40xf32, #tpu.memory_space<vmem>> -> memref<1024x40xf32, #tpu.memory_space<vmem>>
    %dma_wait3A_1117 = arith.constant 0 : i32
    %dma_wait3A_1118 = tpu.memref_slice %arg2[%mul3A_877, %dma_wait3A_1117] : memref<163840x128xf32, #tpu.memory_space<hbm>> -> memref<1024x40xf32, #tpu.memory_space<hbm>>
    %dma_wait3A_1119 = arith.constant 0 : i32
    %dma_wait3A_1120 = arith.constant 0 : i32
    %dma_wait3A_1121 = tpu.memref_slice %arg8[%dma_wait3A_1112, %dma_wait3A_1119, %dma_wait3A_1120] : memref<2x1024x40xf32, #tpu.memory_space<vmem>> -> memref<1x1024x40xf32, #tpu.memory_space<vmem>>
    %dma_wait3A_1122 = tpu.memref_squeeze %dma_wait3A_1121 : memref<1x1024x40xf32, #tpu.memory_space<vmem>> -> memref<1024x40xf32, #tpu.memory_space<vmem>>
    %dma_wait3A_1123 = arith.constant 0 : i32
    %dma_wait3A_1124 = tpu.memref_slice %arg2[%mul3A_877, %dma_wait3A_1123] : memref<163840x128xf32, #tpu.memory_space<hbm>> -> memref<1024x40xf32, #tpu.memory_space<hbm>>
    tpu.wait_dma2 semaphore(%arg11 : memref<!tpu.dma_semaphore, #tpu.memory_space<semaphore_mem>>) src(%dma_wait3A_1124 : memref<1024x40xf32, #tpu.memory_space<hbm>>) dst(%dma_wait3A_1122 : memref<1024x40xf32, #tpu.memory_space<vmem>>)
    %dma_start3A_1125 = arith.constant 0 : i32
    %dma_start3A_1126 = arith.constant 0 : i32
    %dma_start3A_1127 = arith.constant 0 : i32
    %dma_start3A_1128 = arith.constant 0 : i32
    %dma_start3A_1129 = arith.constant 0 : i32
    %dma_start3A_1130 = tpu.memref_slice %arg8[%dma_start3A_1125, %dma_start3A_1128, %dma_start3A_1129] : memref<2x1024x40xf32, #tpu.memory_space<vmem>> -> memref<1x128x40xf32, #tpu.memory_space<vmem>>
    %dma_start3A_1131 = tpu.memref_squeeze %dma_start3A_1130 : memref<1x128x40xf32, #tpu.memory_space<vmem>> -> memref<128x40xf32, #tpu.memory_space<vmem>>
    %dma_start3A_1132 = arith.constant 0 : i32
    %dma_start3A_1133 = tpu.memref_slice %arg7[%dma_start3A_1126, %dma_start3A_1127, %dma_start3A_1132] : memref<2x8x128xi32, #tpu.memory_space<vmem>> -> memref<1x1x128xi32, #tpu.memory_space<vmem>>
    %dma_start3A_1134 = tpu.memref_squeeze %dma_start3A_1133 : memref<1x1x128xi32, #tpu.memory_space<vmem>> -> memref<128xi32, #tpu.memory_space<vmem>>
    %dma_start3A_1135 = arith.constant 0 : i32
    %dma_start3A_1136 = arith.constant 0 : i32
    %dma_start3A_1137 = tpu.memref_slice %arg9[%dma_start3A_1135, %dma_start3A_1136] : memref<10240x40xf32, #tpu.memory_space<vmem_shared>> -> memref<10240x40xf32, #tpu.memory_space<vmem_shared>>
    tpu.enqueue_indirect_dma source(%dma_start3A_1131 : memref<128x40xf32, #tpu.memory_space<vmem>>) target(%dma_start3A_1137 : memref<10240x40xf32, #tpu.memory_space<vmem_shared>>) offsets(%dma_start3A_1134 : memref<128xi32, #tpu.memory_space<vmem>>) semaphore(%arg10 : memref<!tpu.dma_semaphore, #tpu.memory_space<semaphore_mem>>) {add = true}
    %dma_start3A_1138 = arith.constant 0 : i32
    %dma_start3A_1139 = arith.constant 0 : i32
    %dma_start3A_1140 = arith.constant 1 : i32
    %dma_start3A_1141 = arith.constant 128 : i32
    %dma_start3A_1142 = arith.constant 0 : i32
    %dma_start3A_1143 = tpu.memref_slice %arg8[%dma_start3A_1138, %dma_start3A_1141, %dma_start3A_1142] : memref<2x1024x40xf32, #tpu.memory_space<vmem>> -> memref<1x128x40xf32, #tpu.memory_space<vmem>>
    %dma_start3A_1144 = tpu.memref_squeeze %dma_start3A_1143 : memref<1x128x40xf32, #tpu.memory_space<vmem>> -> memref<128x40xf32, #tpu.memory_space<vmem>>
    %dma_start3A_1145 = arith.constant 0 : i32
    %dma_start3A_1146 = tpu.memref_slice %arg7[%dma_start3A_1139, %dma_start3A_1140, %dma_start3A_1145] : memref<2x8x128xi32, #tpu.memory_space<vmem>> -> memref<1x1x128xi32, #tpu.memory_space<vmem>>
    %dma_start3A_1147 = tpu.memref_squeeze %dma_start3A_1146 : memref<1x1x128xi32, #tpu.memory_space<vmem>> -> memref<128xi32, #tpu.memory_space<vmem>>
    %dma_start3A_1148 = arith.constant 0 : i32
    %dma_start3A_1149 = arith.constant 0 : i32
    %dma_start3A_1150 = tpu.memref_slice %arg9[%dma_start3A_1148, %dma_start3A_1149] : memref<10240x40xf32, #tpu.memory_space<vmem_shared>> -> memref<10240x40xf32, #tpu.memory_space<vmem_shared>>
    tpu.enqueue_indirect_dma source(%dma_start3A_1144 : memref<128x40xf32, #tpu.memory_space<vmem>>) target(%dma_start3A_1150 : memref<10240x40xf32, #tpu.memory_space<vmem_shared>>) offsets(%dma_start3A_1147 : memref<128xi32, #tpu.memory_space<vmem>>) semaphore(%arg10 : memref<!tpu.dma_semaphore, #tpu.memory_space<semaphore_mem>>) {add = true}
    %dma_start3A_1151 = arith.constant 0 : i32
    %dma_start3A_1152 = arith.constant 0 : i32
    %dma_start3A_1153 = arith.constant 2 : i32
    %dma_start3A_1154 = arith.constant 256 : i32
    %dma_start3A_1155 = arith.constant 0 : i32
    %dma_start3A_1156 = tpu.memref_slice %arg8[%dma_start3A_1151, %dma_start3A_1154, %dma_start3A_1155] : memref<2x1024x40xf32, #tpu.memory_space<vmem>> -> memref<1x128x40xf32, #tpu.memory_space<vmem>>
    %dma_start3A_1157 = tpu.memref_squeeze %dma_start3A_1156 : memref<1x128x40xf32, #tpu.memory_space<vmem>> -> memref<128x40xf32, #tpu.memory_space<vmem>>
    %dma_start3A_1158 = arith.constant 0 : i32
    %dma_start3A_1159 = tpu.memref_slice %arg7[%dma_start3A_1152, %dma_start3A_1153, %dma_start3A_1158] : memref<2x8x128xi32, #tpu.memory_space<vmem>> -> memref<1x1x128xi32, #tpu.memory_space<vmem>>
    %dma_start3A_1160 = tpu.memref_squeeze %dma_start3A_1159 : memref<1x1x128xi32, #tpu.memory_space<vmem>> -> memref<128xi32, #tpu.memory_space<vmem>>
    %dma_start3A_1161 = arith.constant 0 : i32
    %dma_start3A_1162 = arith.constant 0 : i32
    %dma_start3A_1163 = tpu.memref_slice %arg9[%dma_start3A_1161, %dma_start3A_1162] : memref<10240x40xf32, #tpu.memory_space<vmem_shared>> -> memref<10240x40xf32, #tpu.memory_space<vmem_shared>>
    tpu.enqueue_indirect_dma source(%dma_start3A_1157 : memref<128x40xf32, #tpu.memory_space<vmem>>) target(%dma_start3A_1163 : memref<10240x40xf32, #tpu.memory_space<vmem_shared>>) offsets(%dma_start3A_1160 : memref<128xi32, #tpu.memory_space<vmem>>) semaphore(%arg10 : memref<!tpu.dma_semaphore, #tpu.memory_space<semaphore_mem>>) {add = true}
    %dma_start3A_1164 = arith.constant 0 : i32
    %dma_start3A_1165 = arith.constant 0 : i32
    %dma_start3A_1166 = arith.constant 3 : i32
    %dma_start3A_1167 = arith.constant 384 : i32
    %dma_start3A_1168 = arith.constant 0 : i32
    %dma_start3A_1169 = tpu.memref_slice %arg8[%dma_start3A_1164, %dma_start3A_1167, %dma_start3A_1168] : memref<2x1024x40xf32, #tpu.memory_space<vmem>> -> memref<1x128x40xf32, #tpu.memory_space<vmem>>
    %dma_start3A_1170 = tpu.memref_squeeze %dma_start3A_1169 : memref<1x128x40xf32, #tpu.memory_space<vmem>> -> memref<128x40xf32, #tpu.memory_space<vmem>>
    %dma_start3A_1171 = arith.constant 0 : i32
    %dma_start3A_1172 = tpu.memref_slice %arg7[%dma_start3A_1165, %dma_start3A_1166, %dma_start3A_1171] : memref<2x8x128xi32, #tpu.memory_space<vmem>> -> memref<1x1x128xi32, #tpu.memory_space<vmem>>
    %dma_start3A_1173 = tpu.memref_squeeze %dma_start3A_1172 : memref<1x1x128xi32, #tpu.memory_space<vmem>> -> memref<128xi32, #tpu.memory_space<vmem>>
    %dma_start3A_1174 = arith.constant 0 : i32
    %dma_start3A_1175 = arith.constant 0 : i32
    %dma_start3A_1176 = tpu.memref_slice %arg9[%dma_start3A_1174, %dma_start3A_1175] : memref<10240x40xf32, #tpu.memory_space<vmem_shared>> -> memref<10240x40xf32, #tpu.memory_space<vmem_shared>>
    tpu.enqueue_indirect_dma source(%dma_start3A_1170 : memref<128x40xf32, #tpu.memory_space<vmem>>) target(%dma_start3A_1176 : memref<10240x40xf32, #tpu.memory_space<vmem_shared>>) offsets(%dma_start3A_1173 : memref<128xi32, #tpu.memory_space<vmem>>) semaphore(%arg10 : memref<!tpu.dma_semaphore, #tpu.memory_space<semaphore_mem>>) {add = true}
    %dma_start3A_1177 = arith.constant 0 : i32
    %dma_start3A_1178 = arith.constant 0 : i32
    %dma_start3A_1179 = arith.constant 4 : i32
    %dma_start3A_1180 = arith.constant 512 : i32
    %dma_start3A_1181 = arith.constant 0 : i32
    %dma_start3A_1182 = tpu.memref_slice %arg8[%dma_start3A_1177, %dma_start3A_1180, %dma_start3A_1181] : memref<2x1024x40xf32, #tpu.memory_space<vmem>> -> memref<1x128x40xf32, #tpu.memory_space<vmem>>
    %dma_start3A_1183 = tpu.memref_squeeze %dma_start3A_1182 : memref<1x128x40xf32, #tpu.memory_space<vmem>> -> memref<128x40xf32, #tpu.memory_space<vmem>>
    %dma_start3A_1184 = arith.constant 0 : i32
    %dma_start3A_1185 = tpu.memref_slice %arg7[%dma_start3A_1178, %dma_start3A_1179, %dma_start3A_1184] : memref<2x8x128xi32, #tpu.memory_space<vmem>> -> memref<1x1x128xi32, #tpu.memory_space<vmem>>
    %dma_start3A_1186 = tpu.memref_squeeze %dma_start3A_1185 : memref<1x1x128xi32, #tpu.memory_space<vmem>> -> memref<128xi32, #tpu.memory_space<vmem>>
    %dma_start3A_1187 = arith.constant 0 : i32
    %dma_start3A_1188 = arith.constant 0 : i32
    %dma_start3A_1189 = tpu.memref_slice %arg9[%dma_start3A_1187, %dma_start3A_1188] : memref<10240x40xf32, #tpu.memory_space<vmem_shared>> -> memref<10240x40xf32, #tpu.memory_space<vmem_shared>>
    tpu.enqueue_indirect_dma source(%dma_start3A_1183 : memref<128x40xf32, #tpu.memory_space<vmem>>) target(%dma_start3A_1189 : memref<10240x40xf32, #tpu.memory_space<vmem_shared>>) offsets(%dma_start3A_1186 : memref<128xi32, #tpu.memory_space<vmem>>) semaphore(%arg10 : memref<!tpu.dma_semaphore, #tpu.memory_space<semaphore_mem>>) {add = true}
    %dma_start3A_1190 = arith.constant 0 : i32
    %dma_start3A_1191 = arith.constant 0 : i32
    %dma_start3A_1192 = arith.constant 5 : i32
    %dma_start3A_1193 = arith.constant 640 : i32
    %dma_start3A_1194 = arith.constant 0 : i32
    %dma_start3A_1195 = tpu.memref_slice %arg8[%dma_start3A_1190, %dma_start3A_1193, %dma_start3A_1194] : memref<2x1024x40xf32, #tpu.memory_space<vmem>> -> memref<1x128x40xf32, #tpu.memory_space<vmem>>
    %dma_start3A_1196 = tpu.memref_squeeze %dma_start3A_1195 : memref<1x128x40xf32, #tpu.memory_space<vmem>> -> memref<128x40xf32, #tpu.memory_space<vmem>>
    %dma_start3A_1197 = arith.constant 0 : i32
    %dma_start3A_1198 = tpu.memref_slice %arg7[%dma_start3A_1191, %dma_start3A_1192, %dma_start3A_1197] : memref<2x8x128xi32, #tpu.memory_space<vmem>> -> memref<1x1x128xi32, #tpu.memory_space<vmem>>
    %dma_start3A_1199 = tpu.memref_squeeze %dma_start3A_1198 : memref<1x1x128xi32, #tpu.memory_space<vmem>> -> memref<128xi32, #tpu.memory_space<vmem>>
    %dma_start3A_1200 = arith.constant 0 : i32
    %dma_start3A_1201 = arith.constant 0 : i32
    %dma_start3A_1202 = tpu.memref_slice %arg9[%dma_start3A_1200, %dma_start3A_1201] : memref<10240x40xf32, #tpu.memory_space<vmem_shared>> -> memref<10240x40xf32, #tpu.memory_space<vmem_shared>>
    tpu.enqueue_indirect_dma source(%dma_start3A_1196 : memref<128x40xf32, #tpu.memory_space<vmem>>) target(%dma_start3A_1202 : memref<10240x40xf32, #tpu.memory_space<vmem_shared>>) offsets(%dma_start3A_1199 : memref<128xi32, #tpu.memory_space<vmem>>) semaphore(%arg10 : memref<!tpu.dma_semaphore, #tpu.memory_space<semaphore_mem>>) {add = true}
    %dma_start3A_1203 = arith.constant 0 : i32
    %dma_start3A_1204 = arith.constant 0 : i32
    %dma_start3A_1205 = arith.constant 6 : i32
    %dma_start3A_1206 = arith.constant 768 : i32
    %dma_start3A_1207 = arith.constant 0 : i32
    %dma_start3A_1208 = tpu.memref_slice %arg8[%dma_start3A_1203, %dma_start3A_1206, %dma_start3A_1207] : memref<2x1024x40xf32, #tpu.memory_space<vmem>> -> memref<1x128x40xf32, #tpu.memory_space<vmem>>
    %dma_start3A_1209 = tpu.memref_squeeze %dma_start3A_1208 : memref<1x128x40xf32, #tpu.memory_space<vmem>> -> memref<128x40xf32, #tpu.memory_space<vmem>>
    %dma_start3A_1210 = arith.constant 0 : i32
    %dma_start3A_1211 = tpu.memref_slice %arg7[%dma_start3A_1204, %dma_start3A_1205, %dma_start3A_1210] : memref<2x8x128xi32, #tpu.memory_space<vmem>> -> memref<1x1x128xi32, #tpu.memory_space<vmem>>
    %dma_start3A_1212 = tpu.memref_squeeze %dma_start3A_1211 : memref<1x1x128xi32, #tpu.memory_space<vmem>> -> memref<128xi32, #tpu.memory_space<vmem>>
    %dma_start3A_1213 = arith.constant 0 : i32
    %dma_start3A_1214 = arith.constant 0 : i32
    %dma_start3A_1215 = tpu.memref_slice %arg9[%dma_start3A_1213, %dma_start3A_1214] : memref<10240x40xf32, #tpu.memory_space<vmem_shared>> -> memref<10240x40xf32, #tpu.memory_space<vmem_shared>>
    tpu.enqueue_indirect_dma source(%dma_start3A_1209 : memref<128x40xf32, #tpu.memory_space<vmem>>) target(%dma_start3A_1215 : memref<10240x40xf32, #tpu.memory_space<vmem_shared>>) offsets(%dma_start3A_1212 : memref<128xi32, #tpu.memory_space<vmem>>) semaphore(%arg10 : memref<!tpu.dma_semaphore, #tpu.memory_space<semaphore_mem>>) {add = true}
    %dma_start3A_1216 = arith.constant 0 : i32
    %dma_start3A_1217 = arith.constant 0 : i32
    %dma_start3A_1218 = arith.constant 7 : i32
    %dma_start3A_1219 = arith.constant 896 : i32
    %dma_start3A_1220 = arith.constant 0 : i32
    %dma_start3A_1221 = tpu.memref_slice %arg8[%dma_start3A_1216, %dma_start3A_1219, %dma_start3A_1220] : memref<2x1024x40xf32, #tpu.memory_space<vmem>> -> memref<1x128x40xf32, #tpu.memory_space<vmem>>
    %dma_start3A_1222 = tpu.memref_squeeze %dma_start3A_1221 : memref<1x128x40xf32, #tpu.memory_space<vmem>> -> memref<128x40xf32, #tpu.memory_space<vmem>>
    %dma_start3A_1223 = arith.constant 0 : i32
    %dma_start3A_1224 = tpu.memref_slice %arg7[%dma_start3A_1217, %dma_start3A_1218, %dma_start3A_1223] : memref<2x8x128xi32, #tpu.memory_space<vmem>> -> memref<1x1x128xi32, #tpu.memory_space<vmem>>
    %dma_start3A_1225 = tpu.memref_squeeze %dma_start3A_1224 : memref<1x1x128xi32, #tpu.memory_space<vmem>> -> memref<128xi32, #tpu.memory_space<vmem>>
    %dma_start3A_1226 = arith.constant 0 : i32
    %dma_start3A_1227 = arith.constant 0 : i32
    %dma_start3A_1228 = tpu.memref_slice %arg9[%dma_start3A_1226, %dma_start3A_1227] : memref<10240x40xf32, #tpu.memory_space<vmem_shared>> -> memref<10240x40xf32, #tpu.memory_space<vmem_shared>>
    tpu.enqueue_indirect_dma source(%dma_start3A_1222 : memref<128x40xf32, #tpu.memory_space<vmem>>) target(%dma_start3A_1228 : memref<10240x40xf32, #tpu.memory_space<vmem_shared>>) offsets(%dma_start3A_1225 : memref<128xi32, #tpu.memory_space<vmem>>) semaphore(%arg10 : memref<!tpu.dma_semaphore, #tpu.memory_space<semaphore_mem>>) {add = true}
    %dma_wait3A_1229 = arith.constant 0 : i32
    %dma_wait3A_1230 = arith.constant 0 : i32
    %dma_wait3A_1231 = arith.constant 0 : i32
    %dma_wait3A_1232 = arith.constant 0 : i32
    %dma_wait3A_1233 = arith.constant 0 : i32
    %dma_wait3A_1234 = tpu.memref_slice %arg8[%dma_wait3A_1229, %dma_wait3A_1232, %dma_wait3A_1233] : memref<2x1024x40xf32, #tpu.memory_space<vmem>> -> memref<1x128x40xf32, #tpu.memory_space<vmem>>
    %dma_wait3A_1235 = tpu.memref_squeeze %dma_wait3A_1234 : memref<1x128x40xf32, #tpu.memory_space<vmem>> -> memref<128x40xf32, #tpu.memory_space<vmem>>
    %dma_wait3A_1236 = arith.constant 0 : i32
    %dma_wait3A_1237 = tpu.memref_slice %arg7[%dma_wait3A_1230, %dma_wait3A_1231, %dma_wait3A_1236] : memref<2x8x128xi32, #tpu.memory_space<vmem>> -> memref<1x1x128xi32, #tpu.memory_space<vmem>>
    %dma_wait3A_1238 = tpu.memref_squeeze %dma_wait3A_1237 : memref<1x1x128xi32, #tpu.memory_space<vmem>> -> memref<128xi32, #tpu.memory_space<vmem>>
    %dma_wait3A_1239 = arith.constant 0 : i32
    %dma_wait3A_1240 = arith.constant 0 : i32
    %dma_wait3A_1241 = tpu.memref_slice %arg9[%dma_wait3A_1239, %dma_wait3A_1240] : memref<10240x40xf32, #tpu.memory_space<vmem_shared>> -> memref<10240x40xf32, #tpu.memory_space<vmem_shared>>
    tpu.wait_indirect_dma semaphore(%arg10 : memref<!tpu.dma_semaphore, #tpu.memory_space<semaphore_mem>>) src(%dma_wait3A_1235 : memref<128x40xf32, #tpu.memory_space<vmem>>) dst(%dma_wait3A_1241 : memref<10240x40xf32, #tpu.memory_space<vmem_shared>>)
    %dma_wait3A_1242 = arith.constant 0 : i32
    %dma_wait3A_1243 = arith.constant 0 : i32
    %dma_wait3A_1244 = arith.constant 1 : i32
    %dma_wait3A_1245 = arith.constant 128 : i32
    %dma_wait3A_1246 = arith.constant 0 : i32
    %dma_wait3A_1247 = tpu.memref_slice %arg8[%dma_wait3A_1242, %dma_wait3A_1245, %dma_wait3A_1246] : memref<2x1024x40xf32, #tpu.memory_space<vmem>> -> memref<1x128x40xf32, #tpu.memory_space<vmem>>
    %dma_wait3A_1248 = tpu.memref_squeeze %dma_wait3A_1247 : memref<1x128x40xf32, #tpu.memory_space<vmem>> -> memref<128x40xf32, #tpu.memory_space<vmem>>
    %dma_wait3A_1249 = arith.constant 0 : i32
    %dma_wait3A_1250 = tpu.memref_slice %arg7[%dma_wait3A_1243, %dma_wait3A_1244, %dma_wait3A_1249] : memref<2x8x128xi32, #tpu.memory_space<vmem>> -> memref<1x1x128xi32, #tpu.memory_space<vmem>>
    %dma_wait3A_1251 = tpu.memref_squeeze %dma_wait3A_1250 : memref<1x1x128xi32, #tpu.memory_space<vmem>> -> memref<128xi32, #tpu.memory_space<vmem>>
    %dma_wait3A_1252 = arith.constant 0 : i32
    %dma_wait3A_1253 = arith.constant 0 : i32
    %dma_wait3A_1254 = tpu.memref_slice %arg9[%dma_wait3A_1252, %dma_wait3A_1253] : memref<10240x40xf32, #tpu.memory_space<vmem_shared>> -> memref<10240x40xf32, #tpu.memory_space<vmem_shared>>
    tpu.wait_indirect_dma semaphore(%arg10 : memref<!tpu.dma_semaphore, #tpu.memory_space<semaphore_mem>>) src(%dma_wait3A_1248 : memref<128x40xf32, #tpu.memory_space<vmem>>) dst(%dma_wait3A_1254 : memref<10240x40xf32, #tpu.memory_space<vmem_shared>>)
    %dma_wait3A_1255 = arith.constant 0 : i32
    %dma_wait3A_1256 = arith.constant 0 : i32
    %dma_wait3A_1257 = arith.constant 2 : i32
    %dma_wait3A_1258 = arith.constant 256 : i32
    %dma_wait3A_1259 = arith.constant 0 : i32
    %dma_wait3A_1260 = tpu.memref_slice %arg8[%dma_wait3A_1255, %dma_wait3A_1258, %dma_wait3A_1259] : memref<2x1024x40xf32, #tpu.memory_space<vmem>> -> memref<1x128x40xf32, #tpu.memory_space<vmem>>
    %dma_wait3A_1261 = tpu.memref_squeeze %dma_wait3A_1260 : memref<1x128x40xf32, #tpu.memory_space<vmem>> -> memref<128x40xf32, #tpu.memory_space<vmem>>
    %dma_wait3A_1262 = arith.constant 0 : i32
    %dma_wait3A_1263 = tpu.memref_slice %arg7[%dma_wait3A_1256, %dma_wait3A_1257, %dma_wait3A_1262] : memref<2x8x128xi32, #tpu.memory_space<vmem>> -> memref<1x1x128xi32, #tpu.memory_space<vmem>>
    %dma_wait3A_1264 = tpu.memref_squeeze %dma_wait3A_1263 : memref<1x1x128xi32, #tpu.memory_space<vmem>> -> memref<128xi32, #tpu.memory_space<vmem>>
    %dma_wait3A_1265 = arith.constant 0 : i32
    %dma_wait3A_1266 = arith.constant 0 : i32
    %dma_wait3A_1267 = tpu.memref_slice %arg9[%dma_wait3A_1265, %dma_wait3A_1266] : memref<10240x40xf32, #tpu.memory_space<vmem_shared>> -> memref<10240x40xf32, #tpu.memory_space<vmem_shared>>
    tpu.wait_indirect_dma semaphore(%arg10 : memref<!tpu.dma_semaphore, #tpu.memory_space<semaphore_mem>>) src(%dma_wait3A_1261 : memref<128x40xf32, #tpu.memory_space<vmem>>) dst(%dma_wait3A_1267 : memref<10240x40xf32, #tpu.memory_space<vmem_shared>>)
    %dma_wait3A_1268 = arith.constant 0 : i32
    %dma_wait3A_1269 = arith.constant 0 : i32
    %dma_wait3A_1270 = arith.constant 3 : i32
    %dma_wait3A_1271 = arith.constant 384 : i32
    %dma_wait3A_1272 = arith.constant 0 : i32
    %dma_wait3A_1273 = tpu.memref_slice %arg8[%dma_wait3A_1268, %dma_wait3A_1271, %dma_wait3A_1272] : memref<2x1024x40xf32, #tpu.memory_space<vmem>> -> memref<1x128x40xf32, #tpu.memory_space<vmem>>
    %dma_wait3A_1274 = tpu.memref_squeeze %dma_wait3A_1273 : memref<1x128x40xf32, #tpu.memory_space<vmem>> -> memref<128x40xf32, #tpu.memory_space<vmem>>
    %dma_wait3A_1275 = arith.constant 0 : i32
    %dma_wait3A_1276 = tpu.memref_slice %arg7[%dma_wait3A_1269, %dma_wait3A_1270, %dma_wait3A_1275] : memref<2x8x128xi32, #tpu.memory_space<vmem>> -> memref<1x1x128xi32, #tpu.memory_space<vmem>>
    %dma_wait3A_1277 = tpu.memref_squeeze %dma_wait3A_1276 : memref<1x1x128xi32, #tpu.memory_space<vmem>> -> memref<128xi32, #tpu.memory_space<vmem>>
    %dma_wait3A_1278 = arith.constant 0 : i32
    %dma_wait3A_1279 = arith.constant 0 : i32
    %dma_wait3A_1280 = tpu.memref_slice %arg9[%dma_wait3A_1278, %dma_wait3A_1279] : memref<10240x40xf32, #tpu.memory_space<vmem_shared>> -> memref<10240x40xf32, #tpu.memory_space<vmem_shared>>
    tpu.wait_indirect_dma semaphore(%arg10 : memref<!tpu.dma_semaphore, #tpu.memory_space<semaphore_mem>>) src(%dma_wait3A_1274 : memref<128x40xf32, #tpu.memory_space<vmem>>) dst(%dma_wait3A_1280 : memref<10240x40xf32, #tpu.memory_space<vmem_shared>>)
    %dma_wait3A_1281 = arith.constant 0 : i32
    %dma_wait3A_1282 = arith.constant 0 : i32
    %dma_wait3A_1283 = arith.constant 4 : i32
    %dma_wait3A_1284 = arith.constant 512 : i32
    %dma_wait3A_1285 = arith.constant 0 : i32
    %dma_wait3A_1286 = tpu.memref_slice %arg8[%dma_wait3A_1281, %dma_wait3A_1284, %dma_wait3A_1285] : memref<2x1024x40xf32, #tpu.memory_space<vmem>> -> memref<1x128x40xf32, #tpu.memory_space<vmem>>
    %dma_wait3A_1287 = tpu.memref_squeeze %dma_wait3A_1286 : memref<1x128x40xf32, #tpu.memory_space<vmem>> -> memref<128x40xf32, #tpu.memory_space<vmem>>
    %dma_wait3A_1288 = arith.constant 0 : i32
    %dma_wait3A_1289 = tpu.memref_slice %arg7[%dma_wait3A_1282, %dma_wait3A_1283, %dma_wait3A_1288] : memref<2x8x128xi32, #tpu.memory_space<vmem>> -> memref<1x1x128xi32, #tpu.memory_space<vmem>>
    %dma_wait3A_1290 = tpu.memref_squeeze %dma_wait3A_1289 : memref<1x1x128xi32, #tpu.memory_space<vmem>> -> memref<128xi32, #tpu.memory_space<vmem>>
    %dma_wait3A_1291 = arith.constant 0 : i32
    %dma_wait3A_1292 = arith.constant 0 : i32
    %dma_wait3A_1293 = tpu.memref_slice %arg9[%dma_wait3A_1291, %dma_wait3A_1292] : memref<10240x40xf32, #tpu.memory_space<vmem_shared>> -> memref<10240x40xf32, #tpu.memory_space<vmem_shared>>
    tpu.wait_indirect_dma semaphore(%arg10 : memref<!tpu.dma_semaphore, #tpu.memory_space<semaphore_mem>>) src(%dma_wait3A_1287 : memref<128x40xf32, #tpu.memory_space<vmem>>) dst(%dma_wait3A_1293 : memref<10240x40xf32, #tpu.memory_space<vmem_shared>>)
    %dma_wait3A_1294 = arith.constant 0 : i32
    %dma_wait3A_1295 = arith.constant 0 : i32
    %dma_wait3A_1296 = arith.constant 5 : i32
    %dma_wait3A_1297 = arith.constant 640 : i32
    %dma_wait3A_1298 = arith.constant 0 : i32
    %dma_wait3A_1299 = tpu.memref_slice %arg8[%dma_wait3A_1294, %dma_wait3A_1297, %dma_wait3A_1298] : memref<2x1024x40xf32, #tpu.memory_space<vmem>> -> memref<1x128x40xf32, #tpu.memory_space<vmem>>
    %dma_wait3A_1300 = tpu.memref_squeeze %dma_wait3A_1299 : memref<1x128x40xf32, #tpu.memory_space<vmem>> -> memref<128x40xf32, #tpu.memory_space<vmem>>
    %dma_wait3A_1301 = arith.constant 0 : i32
    %dma_wait3A_1302 = tpu.memref_slice %arg7[%dma_wait3A_1295, %dma_wait3A_1296, %dma_wait3A_1301] : memref<2x8x128xi32, #tpu.memory_space<vmem>> -> memref<1x1x128xi32, #tpu.memory_space<vmem>>
    %dma_wait3A_1303 = tpu.memref_squeeze %dma_wait3A_1302 : memref<1x1x128xi32, #tpu.memory_space<vmem>> -> memref<128xi32, #tpu.memory_space<vmem>>
    %dma_wait3A_1304 = arith.constant 0 : i32
    %dma_wait3A_1305 = arith.constant 0 : i32
    %dma_wait3A_1306 = tpu.memref_slice %arg9[%dma_wait3A_1304, %dma_wait3A_1305] : memref<10240x40xf32, #tpu.memory_space<vmem_shared>> -> memref<10240x40xf32, #tpu.memory_space<vmem_shared>>
    tpu.wait_indirect_dma semaphore(%arg10 : memref<!tpu.dma_semaphore, #tpu.memory_space<semaphore_mem>>) src(%dma_wait3A_1300 : memref<128x40xf32, #tpu.memory_space<vmem>>) dst(%dma_wait3A_1306 : memref<10240x40xf32, #tpu.memory_space<vmem_shared>>)
    %dma_wait3A_1307 = arith.constant 0 : i32
    %dma_wait3A_1308 = arith.constant 0 : i32
    %dma_wait3A_1309 = arith.constant 6 : i32
    %dma_wait3A_1310 = arith.constant 768 : i32
    %dma_wait3A_1311 = arith.constant 0 : i32
    %dma_wait3A_1312 = tpu.memref_slice %arg8[%dma_wait3A_1307, %dma_wait3A_1310, %dma_wait3A_1311] : memref<2x1024x40xf32, #tpu.memory_space<vmem>> -> memref<1x128x40xf32, #tpu.memory_space<vmem>>
    %dma_wait3A_1313 = tpu.memref_squeeze %dma_wait3A_1312 : memref<1x128x40xf32, #tpu.memory_space<vmem>> -> memref<128x40xf32, #tpu.memory_space<vmem>>
    %dma_wait3A_1314 = arith.constant 0 : i32
    %dma_wait3A_1315 = tpu.memref_slice %arg7[%dma_wait3A_1308, %dma_wait3A_1309, %dma_wait3A_1314] : memref<2x8x128xi32, #tpu.memory_space<vmem>> -> memref<1x1x128xi32, #tpu.memory_space<vmem>>
    %dma_wait3A_1316 = tpu.memref_squeeze %dma_wait3A_1315 : memref<1x1x128xi32, #tpu.memory_space<vmem>> -> memref<128xi32, #tpu.memory_space<vmem>>
    %dma_wait3A_1317 = arith.constant 0 : i32
    %dma_wait3A_1318 = arith.constant 0 : i32
    %dma_wait3A_1319 = tpu.memref_slice %arg9[%dma_wait3A_1317, %dma_wait3A_1318] : memref<10240x40xf32, #tpu.memory_space<vmem_shared>> -> memref<10240x40xf32, #tpu.memory_space<vmem_shared>>
    tpu.wait_indirect_dma semaphore(%arg10 : memref<!tpu.dma_semaphore, #tpu.memory_space<semaphore_mem>>) src(%dma_wait3A_1313 : memref<128x40xf32, #tpu.memory_space<vmem>>) dst(%dma_wait3A_1319 : memref<10240x40xf32, #tpu.memory_space<vmem_shared>>)
    %dma_wait3A_1320 = arith.constant 0 : i32
    %dma_wait3A_1321 = arith.constant 0 : i32
    %dma_wait3A_1322 = arith.constant 7 : i32
    %dma_wait3A_1323 = arith.constant 896 : i32
    %dma_wait3A_1324 = arith.constant 0 : i32
    %dma_wait3A_1325 = tpu.memref_slice %arg8[%dma_wait3A_1320, %dma_wait3A_1323, %dma_wait3A_1324] : memref<2x1024x40xf32, #tpu.memory_space<vmem>> -> memref<1x128x40xf32, #tpu.memory_space<vmem>>
    %dma_wait3A_1326 = tpu.memref_squeeze %dma_wait3A_1325 : memref<1x128x40xf32, #tpu.memory_space<vmem>> -> memref<128x40xf32, #tpu.memory_space<vmem>>
    %dma_wait3A_1327 = arith.constant 0 : i32
    %dma_wait3A_1328 = tpu.memref_slice %arg7[%dma_wait3A_1321, %dma_wait3A_1322, %dma_wait3A_1327] : memref<2x8x128xi32, #tpu.memory_space<vmem>> -> memref<1x1x128xi32, #tpu.memory_space<vmem>>
    %dma_wait3A_1329 = tpu.memref_squeeze %dma_wait3A_1328 : memref<1x1x128xi32, #tpu.memory_space<vmem>> -> memref<128xi32, #tpu.memory_space<vmem>>
    %dma_wait3A_1330 = arith.constant 0 : i32
    %dma_wait3A_1331 = arith.constant 0 : i32
    %dma_wait3A_1332 = tpu.memref_slice %arg9[%dma_wait3A_1330, %dma_wait3A_1331] : memref<10240x40xf32, #tpu.memory_space<vmem_shared>> -> memref<10240x40xf32, #tpu.memory_space<vmem_shared>>
    tpu.wait_indirect_dma semaphore(%arg10 : memref<!tpu.dma_semaphore, #tpu.memory_space<semaphore_mem>>) src(%dma_wait3A_1326 : memref<128x40xf32, #tpu.memory_space<vmem>>) dst(%dma_wait3A_1332 : memref<10240x40xf32, #tpu.memory_space<vmem_shared>>)
    %barrier3A_1333 = arith.constant 0 : index
    tpu.barrier barrier_id(%barrier3A_1333)
    %eq3A = arith.constant 0 : i32
    %eq3A_1334 = arith.cmpi eq, %arg0, %eq3A : i32
    %convert_element_type3A = arith.extui %eq3A_1334 : i1 to i32
    %cond3A = arith.constant 0 : i32
    %cond3A_1335 = arith.cmpi ne, %convert_element_type3A, %cond3A : i32
    scf.if %cond3A_1335 {
      %mul3A_1341 = arith.constant 640 : i32
      %mul3A_1342 = arith.muli %arg1, %mul3A_1341 : i32
      %mul3A_1343 = arith.constant 640 : i32
      %mul3A_1344 = arith.muli %arg1, %mul3A_1343 : i32
      "tpu.region"() ({
        %run_scoped3A = tpu.sem_alloc : memref<!tpu.dma_semaphore, #tpu.memory_space<semaphore_mem>>
        %dma_start3A_1345 = arith.constant 0 : i32
        %dma_start3A_1346 = tpu.memref_slice %arg5[%mul3A_1344, %dma_start3A_1345] : memref<10240x128xf32, #tpu.memory_space<hbm>> -> memref<640x40xf32, #tpu.memory_space<hbm>>
        %dma_start3A_1347 = arith.constant 0 : i32
        %dma_start3A_1348 = tpu.memref_slice %arg9[%mul3A_1342, %dma_start3A_1347] : memref<10240x40xf32, #tpu.memory_space<vmem_shared>> -> memref<640x40xf32, #tpu.memory_space<vmem_shared>>
        tpu.enqueue_dma source(%dma_start3A_1348 : memref<640x40xf32, #tpu.memory_space<vmem_shared>>) target(%dma_start3A_1346 : memref<640x40xf32, #tpu.memory_space<hbm>>) target_semaphore(%run_scoped3A : memref<!tpu.dma_semaphore, #tpu.memory_space<semaphore_mem>>)
        %dma_wait3A_1349 = arith.constant 0 : i32
        %dma_wait3A_1350 = tpu.memref_slice %arg5[%mul3A_1344, %dma_wait3A_1349] : memref<10240x128xf32, #tpu.memory_space<hbm>> -> memref<640x40xf32, #tpu.memory_space<hbm>>
        %dma_wait3A_1351 = arith.constant 0 : i32
        %dma_wait3A_1352 = tpu.memref_slice %arg9[%mul3A_1342, %dma_wait3A_1351] : memref<10240x40xf32, #tpu.memory_space<vmem_shared>> -> memref<640x40xf32, #tpu.memory_space<vmem_shared>>
        tpu.wait_dma2 semaphore(%run_scoped3A : memref<!tpu.dma_semaphore, #tpu.memory_space<semaphore_mem>>) src(%dma_wait3A_1352 : memref<640x40xf32, #tpu.memory_space<vmem_shared>>) dst(%dma_wait3A_1350 : memref<640x40xf32, #tpu.memory_space<hbm>>)
        tpu.yield
      }) : () -> ()
    } else {
    }
    %eq3A_1336 = arith.constant 1 : i32
    %eq3A_1337 = arith.cmpi eq, %arg0, %eq3A_1336 : i32
    %convert_element_type3A_1338 = arith.extui %eq3A_1337 : i1 to i32
    %cond3A_1339 = arith.constant 0 : i32
    %cond3A_1340 = arith.cmpi ne, %convert_element_type3A_1338, %cond3A_1339 : i32
    scf.if %cond3A_1340 {
      %mul3A_1341 = arith.constant 640 : i32
      %mul3A_1342 = arith.muli %arg1, %mul3A_1341 : i32
      %mul3A_1343 = arith.constant 640 : i32
      %mul3A_1344 = arith.muli %arg1, %mul3A_1343 : i32
      "tpu.region"() ({
        %run_scoped3A = tpu.sem_alloc : memref<!tpu.dma_semaphore, #tpu.memory_space<semaphore_mem>>
        %dma_start3A_1345 = arith.constant 0 : i32
        %dma_start3A_1346 = tpu.memref_slice %arg6[%mul3A_1344, %dma_start3A_1345] : memref<10240x128xf32, #tpu.memory_space<hbm>> -> memref<640x40xf32, #tpu.memory_space<hbm>>
        %dma_start3A_1347 = arith.constant 0 : i32
        %dma_start3A_1348 = tpu.memref_slice %arg9[%mul3A_1342, %dma_start3A_1347] : memref<10240x40xf32, #tpu.memory_space<vmem_shared>> -> memref<640x40xf32, #tpu.memory_space<vmem_shared>>
        tpu.enqueue_dma source(%dma_start3A_1348 : memref<640x40xf32, #tpu.memory_space<vmem_shared>>) target(%dma_start3A_1346 : memref<640x40xf32, #tpu.memory_space<hbm>>) target_semaphore(%run_scoped3A : memref<!tpu.dma_semaphore, #tpu.memory_space<semaphore_mem>>)
        %dma_wait3A_1349 = arith.constant 0 : i32
        %dma_wait3A_1350 = tpu.memref_slice %arg6[%mul3A_1344, %dma_wait3A_1349] : memref<10240x128xf32, #tpu.memory_space<hbm>> -> memref<640x40xf32, #tpu.memory_space<hbm>>
        %dma_wait3A_1351 = arith.constant 0 : i32
        %dma_wait3A_1352 = tpu.memref_slice %arg9[%mul3A_1342, %dma_wait3A_1351] : memref<10240x40xf32, #tpu.memory_space<vmem_shared>> -> memref<640x40xf32, #tpu.memory_space<vmem_shared>>
        tpu.wait_dma2 semaphore(%run_scoped3A : memref<!tpu.dma_semaphore, #tpu.memory_space<semaphore_mem>>) src(%dma_wait3A_1352 : memref<640x40xf32, #tpu.memory_space<vmem_shared>>) dst(%dma_wait3A_1350 : memref<640x40xf32, #tpu.memory_space<hbm>>)
        tpu.yield
      }) : () -> ()
    } else {
    }
    return
  }
}

module attributes {stable_mosaic.version = 14 : i64} {
  func.func @_proj1_body(%arg0: i32, %arg1: memref<2000x128xf32, #tpu.memory_space<vmem>>, %arg2: memref<128x32xf32, #tpu.memory_space<vmem>>, %arg3: memref<1x32xf32, #tpu.memory_space<vmem>>, %arg4: memref<2000x32xf32, #tpu.memory_space<vmem>>) attributes {dimension_semantics = [#tpu.dimension_semantics<arbitrary>], iteration_bounds = array<i64: 5>, scalar_prefetch = 0 : i64, scratch_operands = 0 : i64, tpu.core_type = #tpu.core_type<tc>, window_params = [{transform_indices = @transform_0, window_bounds = array<i64: 2000, 128>}, {pipeline_mode = #tpu.pipeline_mode<synchronous>, transform_indices = @transform_1, window_bounds = array<i64: 128, 32>}, {pipeline_mode = #tpu.pipeline_mode<synchronous>, transform_indices = @transform_2, window_bounds = array<i64: 1, 32>}, {transform_indices = @transform_3, window_bounds = array<i64: 2000, 32>}]} {
    %get3A = arith.constant 0 : index
    %get3A_0 = arith.constant 0 : index
    %get3A_1 = vector.load %arg1[%get3A, %get3A_0] : memref<2000x128xf32, #tpu.memory_space<vmem>>, vector<2000x128xf32>
    %get3A_2 = arith.constant 0 : index
    %get3A_3 = arith.constant 0 : index
    %get3A_4 = vector.load %arg2[%get3A_2, %get3A_3] : memref<128x32xf32, #tpu.memory_space<vmem>>, vector<128x32xf32>
    %dot_general3A = arith.constant dense<0.000000e+00> : vector<2000x32xf32>
    %dot_general3A_5 = tpu.matmul %get3A_1, %get3A_4, %dot_general3A {dimension_numbers = #tpu.dot_dimension_numbers<[1], [0], [0], [1], [0, 0, 1, 1], [], []>, transpose_lhs_hint = false} : vector<2000x128xf32>, vector<128x32xf32>, vector<2000x32xf32> -> vector<2000x32xf32>
    %get3A_6 = arith.constant 0 : index
    %get3A_7 = arith.constant 0 : index
    %get3A_8 = vector.load %arg3[%get3A_6, %get3A_7] : memref<1x32xf32, #tpu.memory_space<vmem>>, vector<1x32xf32>
    %add3A = vector.broadcast %get3A_8 : vector<1x32xf32> to vector<2000x32xf32>
    %add3A_9 = arith.addf %dot_general3A_5, %add3A : vector<2000x32xf32>
    %swap3A = arith.constant 0 : index
    %swap3A_10 = arith.constant 0 : index
    %swap3A_11 = vector.load %arg4[%swap3A, %swap3A_10] : memref<2000x32xf32, #tpu.memory_space<vmem>>, vector<2000x32xf32>
    tpu.vector_store %arg4[%swap3A, %swap3A_10], %add3A_9 {strides = array<i32>} : memref<2000x32xf32, #tpu.memory_space<vmem>>, vector<2000x32xf32>,
    return
  }
  func.func @transform_0(%arg0: i32) -> (i32, i32) {
    %c0_i32 = arith.constant 0 : i32
    %c0_i32_0 = arith.constant 0 : i32
    return %arg0, %c0_i32 : i32, i32
  }
  func.func @transform_1(%arg0: i32) -> (i32, i32) {
    %c0_i32 = arith.constant 0 : i32
    %c0_i32_0 = arith.constant 0 : i32
    %c0_i32_1 = arith.constant 0 : i32
    return %c0_i32, %c0_i32_0 : i32, i32
  }
  func.func @transform_2(%arg0: i32) -> (i32, i32) {
    %c0_i32 = arith.constant 0 : i32
    %c0_i32_0 = arith.constant 0 : i32
    %c0_i32_1 = arith.constant 0 : i32
    return %c0_i32, %c0_i32_0 : i32, i32
  }
  func.func @transform_3(%arg0: i32) -> (i32, i32) {
    %c0_i32 = arith.constant 0 : i32
    %c0_i32_0 = arith.constant 0 : i32
    return %arg0, %c0_i32 : i32, i32
  }
}

module attributes {stable_mosaic.version = 14 : i64} {
  func.func @_edge_body(%arg0: i32, %arg1: memref<16x3200xf32, #tpu.memory_space<vmem>>, %arg2: memref<3200x128xf32, #tpu.memory_space<vmem>>, %arg3: memref<32x16xbf16, #tpu.memory_space<vmem>>, %arg4: memref<32x1xf32, #tpu.memory_space<vmem>>, %arg5: memref<32x1024xbf16, #tpu.memory_space<vmem>>, %arg6: memref<32x32xf32, #tpu.memory_space<vmem>>, %arg7: memref<32x1024xbf16, #tpu.memory_space<vmem>>, %arg8: memref<128x32xf32, #tpu.memory_space<vmem>>, %arg9: memref<3200x128xf32, #tpu.memory_space<vmem>>) attributes {dimension_semantics = [#tpu.dimension_semantics<arbitrary>], iteration_bounds = array<i64: 50>, scalar_prefetch = 0 : i64, scratch_operands = 0 : i64, tpu.core_type = #tpu.core_type<tc>, window_params = [{transform_indices = @transform_0, window_bounds = array<i64: 16, 3200>}, {transform_indices = @transform_1, window_bounds = array<i64: 3200, 128>}, {pipeline_mode = #tpu.pipeline_mode<synchronous>, transform_indices = @transform_2, window_bounds = array<i64: 32, 16>}, {pipeline_mode = #tpu.pipeline_mode<synchronous>, transform_indices = @transform_3, window_bounds = array<i64: 32, 1>}, {pipeline_mode = #tpu.pipeline_mode<synchronous>, transform_indices = @transform_4, window_bounds = array<i64: 32, 1024>}, {pipeline_mode = #tpu.pipeline_mode<synchronous>, transform_indices = @transform_5, window_bounds = array<i64: 32, 32>}, {pipeline_mode = #tpu.pipeline_mode<synchronous>, transform_indices = @transform_6, window_bounds = array<i64: 32, 1024>}, {pipeline_mode = #tpu.pipeline_mode<synchronous>, transform_indices = @transform_7, window_bounds = array<i64: 128, 32>}, {transform_indices = @transform_8, window_bounds = array<i64: 3200, 128>}]} {
    %get3A = arith.constant 0 : index
    %get3A_0 = arith.constant 0 : index
    %get3A_1 = vector.load %arg3[%get3A, %get3A_0] : memref<32x16xbf16, #tpu.memory_space<vmem>>, vector<32x16xbf16>
    %get3A_2 = arith.constant 0 : index
    %get3A_3 = arith.constant 0 : index
    %get3A_4 = vector.load %arg1[%get3A_2, %get3A_3] : memref<16x3200xf32, #tpu.memory_space<vmem>>, vector<16x3200xf32>
    %convert_element_type3A = arith.truncf %get3A_4 : vector<16x3200xf32> to vector<16x3200xbf16>
    %dot_general3A = arith.constant dense<0.000000e+00> : vector<32x3200xf32>
    %dot_general3A_5 = tpu.matmul %get3A_1, %convert_element_type3A, %dot_general3A {dimension_numbers = #tpu.dot_dimension_numbers<[1], [0], [0], [1], [0, 0, 1, 1], [], []>, transpose_lhs_hint = false} : vector<32x16xbf16>, vector<16x3200xbf16>, vector<32x3200xf32> -> vector<32x3200xf32>
    %get3A_6 = arith.constant 0 : index
    %get3A_7 = arith.constant 0 : index
    %get3A_8 = vector.load %arg4[%get3A_6, %get3A_7] : memref<32x1xf32, #tpu.memory_space<vmem>>, vector<32x1xf32>
    %add3A = vector.broadcast %get3A_8 : vector<32x1xf32> to vector<32x3200xf32>
    %add3A_9 = arith.addf %dot_general3A_5, %add3A : vector<32x3200xf32>
    %max3A = arith.constant 0.000000e+00 : f32
    %max3A_10 = vector.broadcast %max3A : f32 to vector<32x3200xf32>
    %max3A_11 = arith.maximumf %add3A_9, %max3A_10 : vector<32x3200xf32>
    %transpose3A = tpu.transpose %max3A_11, [1, 0] : vector<32x3200xf32> -> vector<3200x32xf32>
    %convert_element_type3A_12 = arith.truncf %transpose3A : vector<3200x32xf32> to vector<3200x32xbf16>
    %get3A_13 = arith.constant 0 : index
    %get3A_14 = arith.constant 0 : index
    %get3A_15 = vector.load %arg2[%get3A_13, %get3A_14] : memref<3200x128xf32, #tpu.memory_space<vmem>>, vector<3200x128xf32>
    %slice3A = vector.extract_strided_slice %get3A_15 {offsets = [0, 0], sizes = [3200, 32], strides = [1, 1]} : vector<3200x128xf32> to vector<3200x32xf32>
    %convert_element_type3A_16 = arith.truncf %slice3A : vector<3200x32xf32> to vector<3200x32xbf16>
    %get3A_17 = arith.constant 0 : index
    %get3A_18 = arith.constant 0 : index
    %get3A_19 = vector.load %arg6[%get3A_17, %get3A_18] : memref<32x32xf32, #tpu.memory_space<vmem>>, vector<32x32xf32>
    %dot_general3A_20 = arith.constant dense<0.000000e+00> : vector<3200x32xf32>
    %dot_general3A_21 = tpu.matmul %slice3A, %get3A_19, %dot_general3A_20 {dimension_numbers = #tpu.dot_dimension_numbers<[1], [0], [0], [1], [0, 0, 1, 1], [], []>, transpose_lhs_hint = false} : vector<3200x32xf32>, vector<32x32xf32>, vector<3200x32xf32> -> vector<3200x32xf32>
    %get3A_22 = arith.constant 0 : index
    %get3A_23 = arith.constant 0 : index
    %get3A_24 = vector.load %arg5[%get3A_22, %get3A_23] : memref<32x1024xbf16, #tpu.memory_space<vmem>>, vector<32x256xbf16>
    %dot_general3A_25 = arith.constant dense<0.000000e+00> : vector<3200x256xf32>
    %dot_general3A_26 = tpu.matmul %convert_element_type3A_12, %get3A_24, %dot_general3A_25 {dimension_numbers = #tpu.dot_dimension_numbers<[1], [0], [0], [1], [0, 0, 1, 1], [], []>, transpose_lhs_hint = false} : vector<3200x32xbf16>, vector<32x256xbf16>, vector<3200x256xf32> -> vector<3200x256xf32>
    %get3A_27 = arith.constant 0 : index
    %get3A_28 = arith.constant 0 : index
    %get3A_29 = vector.load %arg7[%get3A_27, %get3A_28] : memref<32x1024xbf16, #tpu.memory_space<vmem>>, vector<32x256xbf16>
    %dot_general3A_30 = arith.constant dense<0.000000e+00> : vector<3200x256xf32>
    %dot_general3A_31 = tpu.matmul %convert_element_type3A_16, %get3A_29, %dot_general3A_30 {dimension_numbers = #tpu.dot_dimension_numbers<[1], [0], [0], [1], [0, 0, 1, 1], [], []>, transpose_lhs_hint = false} : vector<3200x32xbf16>, vector<32x256xbf16>, vector<3200x256xf32> -> vector<3200x256xf32>
    %mul3A = arith.mulf %dot_general3A_26, %dot_general3A_31 : vector<3200x256xf32>
    %slice3A_32 = vector.extract_strided_slice %mul3A {offsets = [0, 0], sizes = [3200, 128], strides = [1, 1]} : vector<3200x256xf32> to vector<3200x128xf32>
    %slice3A_33 = vector.extract_strided_slice %mul3A {offsets = [0, 128], sizes = [3200, 128], strides = [1, 1]} : vector<3200x256xf32> to vector<3200x128xf32>
    %add3A_34 = arith.addf %slice3A_32, %slice3A_33 : vector<3200x128xf32>
    %get3A_35 = arith.constant 0 : index
    %get3A_36 = arith.constant 256 : index
    %get3A_37 = vector.load %arg5[%get3A_35, %get3A_36] : memref<32x1024xbf16, #tpu.memory_space<vmem>>, vector<32x256xbf16>
    %dot_general3A_38 = arith.constant dense<0.000000e+00> : vector<3200x256xf32>
    %dot_general3A_39 = tpu.matmul %convert_element_type3A_12, %get3A_37, %dot_general3A_38 {dimension_numbers = #tpu.dot_dimension_numbers<[1], [0], [0], [1], [0, 0, 1, 1], [], []>, transpose_lhs_hint = false} : vector<3200x32xbf16>, vector<32x256xbf16>, vector<3200x256xf32> -> vector<3200x256xf32>
    %get3A_40 = arith.constant 0 : index
    %get3A_41 = arith.constant 256 : index
    %get3A_42 = vector.load %arg7[%get3A_40, %get3A_41] : memref<32x1024xbf16, #tpu.memory_space<vmem>>, vector<32x256xbf16>
    %dot_general3A_43 = arith.constant dense<0.000000e+00> : vector<3200x256xf32>
    %dot_general3A_44 = tpu.matmul %convert_element_type3A_16, %get3A_42, %dot_general3A_43 {dimension_numbers = #tpu.dot_dimension_numbers<[1], [0], [0], [1], [0, 0, 1, 1], [], []>, transpose_lhs_hint = false} : vector<3200x32xbf16>, vector<32x256xbf16>, vector<3200x256xf32> -> vector<3200x256xf32>
    %mul3A_45 = arith.mulf %dot_general3A_39, %dot_general3A_44 : vector<3200x256xf32>
    %slice3A_46 = vector.extract_strided_slice %mul3A_45 {offsets = [0, 0], sizes = [3200, 128], strides = [1, 1]} : vector<3200x256xf32> to vector<3200x128xf32>
    %slice3A_47 = vector.extract_strided_slice %mul3A_45 {offsets = [0, 128], sizes = [3200, 128], strides = [1, 1]} : vector<3200x256xf32> to vector<3200x128xf32>
    %add3A_48 = arith.addf %slice3A_46, %slice3A_47 : vector<3200x128xf32>
    %add3A_49 = arith.addf %add3A_34, %add3A_48 : vector<3200x128xf32>
    %get3A_50 = arith.constant 0 : index
    %get3A_51 = arith.constant 512 : index
    %get3A_52 = vector.load %arg5[%get3A_50, %get3A_51] : memref<32x1024xbf16, #tpu.memory_space<vmem>>, vector<32x256xbf16>
    %dot_general3A_53 = arith.constant dense<0.000000e+00> : vector<3200x256xf32>
    %dot_general3A_54 = tpu.matmul %convert_element_type3A_12, %get3A_52, %dot_general3A_53 {dimension_numbers = #tpu.dot_dimension_numbers<[1], [0], [0], [1], [0, 0, 1, 1], [], []>, transpose_lhs_hint = false} : vector<3200x32xbf16>, vector<32x256xbf16>, vector<3200x256xf32> -> vector<3200x256xf32>
    %get3A_55 = arith.constant 0 : index
    %get3A_56 = arith.constant 512 : index
    %get3A_57 = vector.load %arg7[%get3A_55, %get3A_56] : memref<32x1024xbf16, #tpu.memory_space<vmem>>, vector<32x256xbf16>
    %dot_general3A_58 = arith.constant dense<0.000000e+00> : vector<3200x256xf32>
    %dot_general3A_59 = tpu.matmul %convert_element_type3A_16, %get3A_57, %dot_general3A_58 {dimension_numbers = #tpu.dot_dimension_numbers<[1], [0], [0], [1], [0, 0, 1, 1], [], []>, transpose_lhs_hint = false} : vector<3200x32xbf16>, vector<32x256xbf16>, vector<3200x256xf32> -> vector<3200x256xf32>
    %mul3A_60 = arith.mulf %dot_general3A_54, %dot_general3A_59 : vector<3200x256xf32>
    %slice3A_61 = vector.extract_strided_slice %mul3A_60 {offsets = [0, 0], sizes = [3200, 128], strides = [1, 1]} : vector<3200x256xf32> to vector<3200x128xf32>
    %slice3A_62 = vector.extract_strided_slice %mul3A_60 {offsets = [0, 128], sizes = [3200, 128], strides = [1, 1]} : vector<3200x256xf32> to vector<3200x128xf32>
    %add3A_63 = arith.addf %slice3A_61, %slice3A_62 : vector<3200x128xf32>
    %add3A_64 = arith.addf %add3A_49, %add3A_63 : vector<3200x128xf32>
    %get3A_65 = arith.constant 0 : index
    %get3A_66 = arith.constant 768 : index
    %get3A_67 = vector.load %arg5[%get3A_65, %get3A_66] : memref<32x1024xbf16, #tpu.memory_space<vmem>>, vector<32x256xbf16>
    %dot_general3A_68 = arith.constant dense<0.000000e+00> : vector<3200x256xf32>
    %dot_general3A_69 = tpu.matmul %convert_element_type3A_12, %get3A_67, %dot_general3A_68 {dimension_numbers = #tpu.dot_dimension_numbers<[1], [0], [0], [1], [0, 0, 1, 1], [], []>, transpose_lhs_hint = false} : vector<3200x32xbf16>, vector<32x256xbf16>, vector<3200x256xf32> -> vector<3200x256xf32>
    %get3A_70 = arith.constant 0 : index
    %get3A_71 = arith.constant 768 : index
    %get3A_72 = vector.load %arg7[%get3A_70, %get3A_71] : memref<32x1024xbf16, #tpu.memory_space<vmem>>, vector<32x256xbf16>
    %dot_general3A_73 = arith.constant dense<0.000000e+00> : vector<3200x256xf32>
    %dot_general3A_74 = tpu.matmul %convert_element_type3A_16, %get3A_72, %dot_general3A_73 {dimension_numbers = #tpu.dot_dimension_numbers<[1], [0], [0], [1], [0, 0, 1, 1], [], []>, transpose_lhs_hint = false} : vector<3200x32xbf16>, vector<32x256xbf16>, vector<3200x256xf32> -> vector<3200x256xf32>
    %mul3A_75 = arith.mulf %dot_general3A_69, %dot_general3A_74 : vector<3200x256xf32>
    %slice3A_76 = vector.extract_strided_slice %mul3A_75 {offsets = [0, 0], sizes = [3200, 128], strides = [1, 1]} : vector<3200x256xf32> to vector<3200x128xf32>
    %slice3A_77 = vector.extract_strided_slice %mul3A_75 {offsets = [0, 128], sizes = [3200, 128], strides = [1, 1]} : vector<3200x256xf32> to vector<3200x128xf32>
    %add3A_78 = arith.addf %slice3A_76, %slice3A_77 : vector<3200x128xf32>
    %add3A_79 = arith.addf %add3A_64, %add3A_78 : vector<3200x128xf32>
    %get3A_80 = arith.constant 0 : index
    %get3A_81 = arith.constant 0 : index
    %get3A_82 = vector.load %arg8[%get3A_80, %get3A_81] : memref<128x32xf32, #tpu.memory_space<vmem>>, vector<128x32xf32>
    %dot_general3A_83 = arith.constant dense<0.000000e+00> : vector<3200x32xf32>
    %dot_general3A_84 = tpu.matmul %add3A_79, %get3A_82, %dot_general3A_83 {dimension_numbers = #tpu.dot_dimension_numbers<[1], [0], [0], [1], [0, 0, 1, 1], [], []>, transpose_lhs_hint = false} : vector<3200x128xf32>, vector<128x32xf32>, vector<3200x32xf32> -> vector<3200x32xf32>
    %add3A_85 = arith.addf %dot_general3A_21, %dot_general3A_84 : vector<3200x32xf32>
    %broadcast_in_dim3A = arith.constant 1.000000e+00 : f32
    %broadcast_in_dim3A_86 = vector.broadcast %broadcast_in_dim3A : f32 to vector<3200x1xf32>
    %broadcast_in_dim3A_87 = arith.constant 0.000000e+00 : f32
    %broadcast_in_dim3A_88 = vector.broadcast %broadcast_in_dim3A_87 : f32 to vector<3200x95xf32>
    %concatenate3A = tpu.concatenate %add3A_85, %broadcast_in_dim3A_86, %broadcast_in_dim3A_88 in 1 : vector<3200x32xf32>, vector<3200x1xf32>, vector<3200x95xf32> -> vector<3200x128xf32>
    %swap3A = arith.constant 0 : index
    %swap3A_89 = arith.constant 0 : index
    %swap3A_90 = vector.load %arg9[%swap3A, %swap3A_89] : memref<3200x128xf32, #tpu.memory_space<vmem>>, vector<3200x128xf32>
    tpu.vector_store %arg9[%swap3A, %swap3A_89], %concatenate3A {strides = array<i32>} : memref<3200x128xf32, #tpu.memory_space<vmem>>, vector<3200x128xf32>,
    return
  }
  func.func @transform_0(%arg0: i32) -> (i32, i32) {
    %c0_i32 = arith.constant 0 : i32
    %c0_i32_0 = arith.constant 0 : i32
    return %c0_i32, %arg0 : i32, i32
  }
  func.func @transform_1(%arg0: i32) -> (i32, i32) {
    %c0_i32 = arith.constant 0 : i32
    %c0_i32_0 = arith.constant 0 : i32
    return %arg0, %c0_i32 : i32, i32
  }
  func.func @transform_2(%arg0: i32) -> (i32, i32) {
    %c0_i32 = arith.constant 0 : i32
    %c0_i32_0 = arith.constant 0 : i32
    %c0_i32_1 = arith.constant 0 : i32
    return %c0_i32, %c0_i32_0 : i32, i32
  }
  func.func @transform_3(%arg0: i32) -> (i32, i32) {
    %c0_i32 = arith.constant 0 : i32
    %c0_i32_0 = arith.constant 0 : i32
    %c0_i32_1 = arith.constant 0 : i32
    return %c0_i32, %c0_i32_0 : i32, i32
  }
  func.func @transform_4(%arg0: i32) -> (i32, i32) {
    %c0_i32 = arith.constant 0 : i32
    %c0_i32_0 = arith.constant 0 : i32
    %c0_i32_1 = arith.constant 0 : i32
    return %c0_i32, %c0_i32_0 : i32, i32
  }
  func.func @transform_5(%arg0: i32) -> (i32, i32) {
    %c0_i32 = arith.constant 0 : i32
    %c0_i32_0 = arith.constant 0 : i32
    %c0_i32_1 = arith.constant 0 : i32
    return %c0_i32, %c0_i32_0 : i32, i32
  }
  func.func @transform_6(%arg0: i32) -> (i32, i32) {
    %c0_i32 = arith.constant 0 : i32
    %c0_i32_0 = arith.constant 0 : i32
    %c0_i32_1 = arith.constant 0 : i32
    return %c0_i32, %c0_i32_0 : i32, i32
  }
  func.func @transform_7(%arg0: i32) -> (i32, i32) {
    %c0_i32 = arith.constant 0 : i32
    %c0_i32_0 = arith.constant 0 : i32
    %c0_i32_1 = arith.constant 0 : i32
    return %c0_i32, %c0_i32_0 : i32, i32
  }
  func.func @transform_8(%arg0: i32) -> (i32, i32) {
    %c0_i32 = arith.constant 0 : i32
    %c0_i32_0 = arith.constant 0 : i32
    return %arg0, %c0_i32 : i32, i32
  }
}

module attributes {stable_mosaic.version = 14 : i64} {
  func.func @_final_body(%arg0: i32, %arg1: memref<2000x128xf32, #tpu.memory_space<vmem>>, %arg2: memref<2000x128xf32, #tpu.memory_space<vmem>>, %arg3: memref<2000x32xf32, #tpu.memory_space<vmem>>, %arg4: memref<32x32xf32, #tpu.memory_space<vmem>>, %arg5: memref<1x32xf32, #tpu.memory_space<vmem>>, %arg6: memref<32x128xf32, #tpu.memory_space<vmem>>, %arg7: memref<1x128xf32, #tpu.memory_space<vmem>>, %arg8: memref<2000x128xf32, #tpu.memory_space<vmem>>) attributes {dimension_semantics = [#tpu.dimension_semantics<arbitrary>], iteration_bounds = array<i64: 5>, scalar_prefetch = 0 : i64, scratch_operands = 0 : i64, tpu.core_type = #tpu.core_type<tc>, window_params = [{transform_indices = @transform_0, window_bounds = array<i64: 2000, 128>}, {transform_indices = @transform_1, window_bounds = array<i64: 2000, 128>}, {transform_indices = @transform_2, window_bounds = array<i64: 2000, 32>}, {pipeline_mode = #tpu.pipeline_mode<synchronous>, transform_indices = @transform_3, window_bounds = array<i64: 32, 32>}, {pipeline_mode = #tpu.pipeline_mode<synchronous>, transform_indices = @transform_4, window_bounds = array<i64: 1, 32>}, {pipeline_mode = #tpu.pipeline_mode<synchronous>, transform_indices = @transform_5, window_bounds = array<i64: 32, 128>}, {pipeline_mode = #tpu.pipeline_mode<synchronous>, transform_indices = @transform_6, window_bounds = array<i64: 1, 128>}, {transform_indices = @transform_7, window_bounds = array<i64: 2000, 128>}]} {
    %get3A = arith.constant 0 : index
    %get3A_0 = arith.constant 0 : index
    %get3A_1 = vector.load %arg1[%get3A, %get3A_0] : memref<2000x128xf32, #tpu.memory_space<vmem>>, vector<2000x128xf32>
    %slice3A = vector.extract_strided_slice %get3A_1 {offsets = [0, 0], sizes = [2000, 40], strides = [1, 1]} : vector<2000x128xf32> to vector<2000x40xf32>
    %get3A_2 = arith.constant 0 : index
    %get3A_3 = arith.constant 0 : index
    %get3A_4 = vector.load %arg2[%get3A_2, %get3A_3] : memref<2000x128xf32, #tpu.memory_space<vmem>>, vector<2000x128xf32>
    %slice3A_5 = vector.extract_strided_slice %get3A_4 {offsets = [0, 0], sizes = [2000, 40], strides = [1, 1]} : vector<2000x128xf32> to vector<2000x40xf32>
    %add3A = arith.addf %slice3A, %slice3A_5 : vector<2000x40xf32>
    %slice3A_6 = vector.extract_strided_slice %add3A {offsets = [0, 32], sizes = [2000, 1], strides = [1, 1]} : vector<2000x40xf32> to vector<2000x1xf32>
    %max3A = arith.constant 1.000000e+00 : f32
    %max3A_7 = vector.broadcast %max3A : f32 to vector<2000x1xf32>
    %max3A_8 = arith.maximumf %slice3A_6, %max3A_7 : vector<2000x1xf32>
    %slice3A_9 = vector.extract_strided_slice %add3A {offsets = [0, 0], sizes = [2000, 32], strides = [1, 1]} : vector<2000x40xf32> to vector<2000x32xf32>
    %div3A = vector.broadcast %max3A_8 : vector<2000x1xf32> to vector<2000x32xf32>
    %div3A_10 = arith.divf %slice3A_9, %div3A : vector<2000x32xf32>
    %get3A_11 = arith.constant 0 : index
    %get3A_12 = arith.constant 0 : index
    %get3A_13 = vector.load %arg3[%get3A_11, %get3A_12] : memref<2000x32xf32, #tpu.memory_space<vmem>>, vector<2000x32xf32>
    %get3A_14 = arith.constant 0 : index
    %get3A_15 = arith.constant 0 : index
    %get3A_16 = vector.load %arg4[%get3A_14, %get3A_15] : memref<32x32xf32, #tpu.memory_space<vmem>>, vector<32x32xf32>
    %dot_general3A = arith.constant dense<0.000000e+00> : vector<2000x32xf32>
    %dot_general3A_17 = tpu.matmul %get3A_13, %get3A_16, %dot_general3A {dimension_numbers = #tpu.dot_dimension_numbers<[1], [0], [0], [1], [0, 0, 1, 1], [], []>, transpose_lhs_hint = false} : vector<2000x32xf32>, vector<32x32xf32>, vector<2000x32xf32> -> vector<2000x32xf32>
    %add3A_18 = arith.addf %div3A_10, %dot_general3A_17 : vector<2000x32xf32>
    %get3A_19 = arith.constant 0 : index
    %get3A_20 = arith.constant 0 : index
    %get3A_21 = vector.load %arg5[%get3A_19, %get3A_20] : memref<1x32xf32, #tpu.memory_space<vmem>>, vector<1x32xf32>
    %add3A_22 = vector.broadcast %get3A_21 : vector<1x32xf32> to vector<2000x32xf32>
    %add3A_23 = arith.addf %add3A_18, %add3A_22 : vector<2000x32xf32>
    %max3A_24 = arith.constant 0.000000e+00 : f32
    %max3A_25 = vector.broadcast %max3A_24 : f32 to vector<2000x32xf32>
    %max3A_26 = arith.maximumf %add3A_23, %max3A_25 : vector<2000x32xf32>
    %get3A_27 = arith.constant 0 : index
    %get3A_28 = arith.constant 0 : index
    %get3A_29 = vector.load %arg6[%get3A_27, %get3A_28] : memref<32x128xf32, #tpu.memory_space<vmem>>, vector<32x128xf32>
    %dot_general3A_30 = arith.constant dense<0.000000e+00> : vector<2000x128xf32>
    %dot_general3A_31 = tpu.matmul %max3A_26, %get3A_29, %dot_general3A_30 {dimension_numbers = #tpu.dot_dimension_numbers<[1], [0], [0], [1], [0, 0, 1, 1], [], []>, transpose_lhs_hint = false} : vector<2000x32xf32>, vector<32x128xf32>, vector<2000x128xf32> -> vector<2000x128xf32>
    %get3A_32 = arith.constant 0 : index
    %get3A_33 = arith.constant 0 : index
    %get3A_34 = vector.load %arg7[%get3A_32, %get3A_33] : memref<1x128xf32, #tpu.memory_space<vmem>>, vector<1x128xf32>
    %add3A_35 = vector.broadcast %get3A_34 : vector<1x128xf32> to vector<2000x128xf32>
    %add3A_36 = arith.addf %dot_general3A_31, %add3A_35 : vector<2000x128xf32>
    %swap3A = arith.constant 0 : index
    %swap3A_37 = arith.constant 0 : index
    %swap3A_38 = vector.load %arg8[%swap3A, %swap3A_37] : memref<2000x128xf32, #tpu.memory_space<vmem>>, vector<2000x128xf32>
    tpu.vector_store %arg8[%swap3A, %swap3A_37], %add3A_36 {strides = array<i32>} : memref<2000x128xf32, #tpu.memory_space<vmem>>, vector<2000x128xf32>,
    return
  }
  func.func @transform_0(%arg0: i32) -> (i32, i32) {
    %c0_i32 = arith.constant 0 : i32
    %c0_i32_0 = arith.constant 0 : i32
    return %arg0, %c0_i32 : i32, i32
  }
  func.func @transform_1(%arg0: i32) -> (i32, i32) {
    %c0_i32 = arith.constant 0 : i32
    %c0_i32_0 = arith.constant 0 : i32
    return %arg0, %c0_i32 : i32, i32
  }
  func.func @transform_2(%arg0: i32) -> (i32, i32) {
    %c0_i32 = arith.constant 0 : i32
    %c0_i32_0 = arith.constant 0 : i32
    return %arg0, %c0_i32 : i32, i32
  }
  func.func @transform_3(%arg0: i32) -> (i32, i32) {
    %c0_i32 = arith.constant 0 : i32
    %c0_i32_0 = arith.constant 0 : i32
    %c0_i32_1 = arith.constant 0 : i32
    return %c0_i32, %c0_i32_0 : i32, i32
  }
  func.func @transform_4(%arg0: i32) -> (i32, i32) {
    %c0_i32 = arith.constant 0 : i32
    %c0_i32_0 = arith.constant 0 : i32
    %c0_i32_1 = arith.constant 0 : i32
    return %c0_i32, %c0_i32_0 : i32, i32
  }
  func.func @transform_5(%arg0: i32) -> (i32, i32) {
    %c0_i32 = arith.constant 0 : i32
    %c0_i32_0 = arith.constant 0 : i32
    %c0_i32_1 = arith.constant 0 : i32
    return %c0_i32, %c0_i32_0 : i32, i32
  }
  func.func @transform_6(%arg0: i32) -> (i32, i32) {
    %c0_i32 = arith.constant 0 : i32
    %c0_i32_0 = arith.constant 0 : i32
    %c0_i32_1 = arith.constant 0 : i32
    return %c0_i32, %c0_i32_0 : i32, i32
  }
  func.func @transform_7(%arg0: i32) -> (i32, i32) {
    %c0_i32 = arith.constant 0 : i32
    %c0_i32_0 = arith.constant 0 : i32
    return %arg0, %c0_i32 : i32, i32
  }
}

</mosaic_0001>

<sc_bundles>
// kernel: kernel.10.cloned.1.call-start
scs
__scs_entry_jumppad:
0x0: {  	(pc) =	sbr.rel $0x88, $3  }
0x1: {  	(tag) =	ssettag $0x0;
	lr =	simm.s32 $0x1  }
0x2: {  	[smem:$0x3F94] =	sst lr;
	_ =	strace $0xD0000000  }
0x3: {  	_ = 	snop  }
0x4: {  	_ = 	snop  }
0x5: {  	_ = 	snop  }
0x6: {  	_ = 	snop  }
0x7: {  	_ = 	snop  }
__scs_overlays_trampoline_lowered:
0x8: {  	[smem:$0x3FA3] =	sst s0  }
0x9: {  	[smem:$0x3FA4] =	sst s1  }
0xa: {  	[smem:$0x3FA5] =	sst s2  }
0xb: {  	[smem:$0x3FA6] =	sst s3  }
0xc: {  	[smem:$0x3FA7] =	sst s4  }
0xd: {  	[smem:$0x3FA8] =	sst s5  }
0xe: {  	[smem:$0x3FA9] =	sst s6  }
0xf: {  	[smem:$0x3FAA] =	sst s7  }
0x10: {  	[smem:$0x3FAB] =	sst s8  }
0x11: {  	[smem:$0x3FAC] =	sst s9;
	s0 =	simm.s32 @!p0 $0x0  }
0x12: {  	s1 =	sld [smem:$0x3F92];
	s0 =	simm.s32 @p0 $0x1  }
0x13: {  	[smem:$0x3FAD] =	sst s0;
	s0 =	simm.s32 @!p1 $0x0  }
0x14: {  	s2 =	sld [smem:$0x3F91];
	s0 =	simm.s32 @p1 $0x1  }
0x15: {  	[smem:$0x3FAE] =	sst s0;
	s0 =	simm.s32 @!p2 $0x0  }
0x16: {  	s3 =	sld [smem:$0x3FDB];
	s0 =	simm.s32 @p2 $0x1  }
0x17: {  	s4 =	simm.s32 $0x1BF5;
	[smem:$0x3FB0] =	sst s0  }
0x18: {  	s0 =	sld [smem:$0x3F93];
	_ =	swait.ge [sflag:s4], $0x0  }
0x19: {  	s7 =	sld [smem:$0x3F94]  }
0x1a: {  	s8 =	sadd.s32 $0xFFFFE003, lr  }
0x1b: {  	s9 =	sadd.s32 $0xFFFFFEF7, lr;
	s5 =	simm.s32 $0xFFFFFFFF;
	p2 =	slt.u32 s8, $0xFFFFF086  }
0x1c: {  	p1 =	slt.u32 s9, $0xF7A;
	s5 =	simm.s32 @!p2 $0x0  }
0x1d: {  	s5 =	simm.s32 @p1 $0x1;
	p0 =	seq.s32 s7, s2  }
0x1e: {  	s7 =	smul.u32 @!p0 $0xF7A, s2;
	p2 =	seq.s32 @!p0 s5, $0x0  }
0x1f: {  	s9 =	smul.u32 $0xF7A, s1;
	s8 =	simm.s32 @!p0 $0x1BF5;
	p2 =	por !p2, p0  }
0x20: {  	[sflag:s8] =	ssyncset.s32 @!p0 $0xFFFFF086;
	s6 =	sadd.s32 @!p0 s3, s7;
	s7 =	simm.s32 @!p0 $0x108  }
0x21: {  	s3 =	sadd.s32 s3, s9;
	s6 =	sadd.s32 @!p0 $0x88, s6;
	s7 =	simm.s32 @p2 $0x1082  }
0x22: {  	[simem:s7], [sflag:s8] =	dma.local @!p0 [hbm:s6], $0xF7A  }
0x23: {  	s9 =	sor.u32 $0xD0000000, s2;
	s6 =	simm.s32 $0x108;
	_ =	swait.ge @!p0 [sflag:s8], $0x0  }
0x24: {  	s3 =	sadd.s32 $0x88, s3;
	s6 =	simm.s32 @!p1 $0x1082;
	[sflag:s4] =	ssyncset.s32 $0xFFFFF086  }
0x25: {  	[simem:s6], [sflag:s4] =	dma.local [hbm:s3], $0xF7A  }
0x26: {  	[smem:$0x3F94] =	sst s1;
	(tag) =	ssettag s2;
	_ =	strace s9  }
0x27: {  	s1 =	sld [smem:$0x3FA4]  }
0x28: {  	s2 =	sld [smem:$0x3FA5]  }
0x29: {  	s4 =	sld [smem:$0x3FA7]  }
0x2a: {  	p0 =	seq.s32 s5, $0x0;
	s5 =	sld [smem:$0x3FA8]  }
0x2b: {  	s6 =	sld [smem:$0x3FA9]  }
0x2c: {  	s7 =	sld [smem:$0x3FAA]  }
0x2d: {  	s3 =	simm.s32 $0x108;
	s8 =	sld [smem:$0x3FAB]  }
0x2e: {  	s3 =	simm.s32 @!p0 $0x1082;
	s9 =	sld [smem:$0x3FAC]  }
0x2f: {  	lr =	sadd.s32 s0, s3;
	s0 =	sld [smem:$0x3FA3]  }
0x30: {  	s3 =	sld [smem:$0x3FA6]  }
0x31: {  	[smem:$0x3FAF] =	sst s10  }
0x32: {  	s10 =	sld [smem:$0x3FAD];
	_ =	sdelay $0x3  }
0x33: {  	p0 =	seq.s32 s10, $0x1;
	s10 =	sld [smem:$0x3FAF];
	_ =	sdelay $0x3  }
0x34: {  	[smem:$0x3FAF] =	sst s10  }
0x35: {  	s10 =	sld [smem:$0x3FAE];
	_ =	sdelay $0x3  }
0x36: {  	p1 =	seq.s32 s10, $0x1;
	s10 =	sld [smem:$0x3FAF];
	_ =	sdelay $0x3  }
0x37: {  	[smem:$0x3FAF] =	sst s10  }
0x38: {  	s10 =	sld [smem:$0x3FB0]  }
0x39: {  	_ = 	snop;
	(pc) =	sbr.ind lr, $3  }
0x3a: {  	_ = 	snop  }
0x3b: {  	_ = 	snop  }
0x3c: {  	p2 =	seq.s32 s10, $0x1;
	s10 =	sld [smem:$0x3FAF]  }
0x3d: {  	_ =	shalt  }
0x3e: {  	_ =	shalt  }
0x3f: {  	_ =	shalt  }
0x40: {  	_ =	shalt  }
0x41: {  	_ =	shalt  }
0x42: {  	_ =	shalt  }
0x43: {  	_ =	shalt  }
0x44: {  	_ =	shalt  }
0x45: {  	_ =	shalt  }
0x46: {  	_ =	shalt  }
0x47: {  	_ =	shalt  }
0x48: {  	_ =	shalt  }
0x49: {  	_ =	shalt  }
0x4a: {  	_ =	shalt  }
0x4b: {  	_ =	shalt  }
0x4c: {  	_ =	shalt  }
0x4d: {  	_ =	shalt  }
0x4e: {  	_ =	shalt  }
0x4f: {  	_ =	shalt  }
0x50: {  	_ =	shalt  }
0x51: {  	_ =	shalt  }
0x52: {  	_ =	shalt  }
0x53: {  	_ =	shalt  }
0x54: {  	_ =	shalt  }
0x55: {  	_ =	shalt  }
0x56: {  	_ =	shalt  }
0x57: {  	_ =	shalt  }
0x58: {  	_ =	shalt  }
0x59: {  	_ =	shalt  }
0x5a: {  	_ =	shalt  }
0x5b: {  	_ =	shalt  }
0x5c: {  	_ =	shalt  }
0x5d: {  	_ =	shalt  }
0x5e: {  	_ =	shalt  }
0x5f: {  	_ =	shalt  }
0x60: {  	_ =	shalt  }
0x61: {  	_ =	shalt  }
0x62: {  	_ =	shalt  }
0x63: {  	_ =	shalt  }
0x64: {  	_ =	shalt  }
0x65: {  	_ =	shalt  }
0x66: {  	_ =	shalt  }
0x67: {  	_ =	shalt  }
0x68: {  	_ =	shalt  }
0x69: {  	_ =	shalt  }
0x6a: {  	_ =	shalt  }
0x6b: {  	_ =	shalt  }
0x6c: {  	_ =	shalt  }
0x6d: {  	_ =	shalt  }
0x6e: {  	_ =	shalt  }
0x6f: {  	_ =	shalt  }
0x70: {  	_ =	shalt  }
0x71: {  	_ =	shalt  }
0x72: {  	_ =	shalt  }
0x73: {  	_ =	shalt  }
0x74: {  	_ =	shalt  }
0x75: {  	_ =	shalt  }
0x76: {  	_ =	shalt  }
0x77: {  	_ =	shalt  }
0x78: {  	_ =	shalt  }
0x79: {  	_ =	shalt  }
0x7a: {  	_ =	shalt  }
0x7b: {  	_ =	shalt  }
0x7c: {  	_ =	shalt  }
0x7d: {  	_ =	shalt  }
0x7e: {  	_ =	shalt  }
0x7f: {  	_ =	shalt  }
0x80: {  	_ =	shalt  }
0x81: {  	_ =	shalt  }
0x82: {  	_ =	shalt  }
0x83: {  	_ =	shalt  }
0x84: {  	_ =	shalt  }
0x85: {  	_ =	shalt  }
0x86: {  	_ =	shalt  }
0x87: {  	_ =	shalt  }
.Lfunc_end0:
.L_simem_size_0:
called_computation.1_lowered:
.L_overlay_start_0:
0x88: {  	s2 =	sld [smem:$0x3FD9]  }
0x89: {  	s3 =	sld [smem:$0x3FFE];
	_ =	sdelay $0x1  }
0x8a: {  	s1 =	srdreg.scid  }
0x8b: {  	s0 =	sand.u32 $0x1, s1  }
0x8c: {  	s16 =	sshll.u32 s0, $0xA;
	s2 =	sadd.s32 s3, s2  }
0x8d: {  	s2 =	sadd.s32 s2, s16  }
0x8e: {  	[smem:$0x3FBB] =	sst s2  }
0x8f: {  	_ = 	snop  }
0x90: {  	(tm) =	ssettm $0x1  }
0x91: {  	s17 =	sld [smem:$0x3FFB];
	_ =	sdelay $0x3  }
0x92: {  	_ =	strace s17  }
0x93: {  	s2 =	sld [smem:$0x3FFC];
	_ =	sdelay $0x3  }
0x94: {  	_ =	strace s2  }
0x95: {  	s2 =	sld [smem:$0x3FFD];
	_ =	sdelay $0x3  }
0x96: {  	_ =	strace s2  }
0x97: {  	_ =	strace $0x8FFFFFFF  }
0x98: {  	s18 =	sld [smem:$0x3FDB];
	_ =	sdelay $0x1  }
0x99: {  	s19 =	simm.s32 $_scs_section_size  }
0x9a: {  	s4 =	simm.s32 $_size__tile_overlayer_lowered;
	s5 =	simm.s32 $_tile_overlayer_lowered  }
0x9b: {  	s22 =	simm.s32 $0x1BFF;
	s21 =	sshll.u32 s5, $0x1;
	s2 =	sadd.s32 s19, s18  }
0x9c: {  	s6 =	simm.s32 $0x0;
	s20 =	sshll.u32 s4, $0x1;
	s4 =	sadd.s32 s21, s2  }
0x9d: {  	[timem:s6], [sflag:s22] =	dma.local [hbm:s4], s20  }
0x9e: {  	_ =	swait.ge [sflag:s22], s20  }
0x9f: {  	s3 =	ssub.s32 $0x0, s20;
	[sflag:s22] =	ssyncset.done $0x0  }
0xa0: {  	[sflag:s22] =	ssyncadd.s32 s3;
	_ =	sdelay $0x1  }
0xa1: {  	s23 =	simm.s32 $0x1B8B  }
0xa2: {  	_ =	swait.ge [sflag:s23], $0x1  }
0xa3: {  	[sflag:s23] =	ssyncset.done $0x0  }
0xa4: {  	s25 =	simm.s32 $0x1B8E;
	s24 =	sld [smem:$0x3FFE];
	[sflag:s23] =	ssyncadd.s32 $0xFFFFFFFF  }
0xa5: {  	s26 =	simm.s32 $execute0_lowered;
	[smem:$0x3FD2] =	sst s25  }
0xa6: {  	s4 =	sshll.u32 s26, $0x1;
	_ =	strace $0x80000049;
	[dreg:$0x1] =	wrdreg $0xFFFFFFFF  }
0xa7: {  	s28 =	simm.s32 $_size_execute0_lowered;
	s2 =	sadd.s32 s2, s4;
	[dreg:$0x0] =	wrdreg $0x0  }
0xa8: {  	s4 =	sshll.u32 s28, $0x1;
	[dreg:$0x2] =	wrdreg s2  }
0xa9: {  	[dreg:$0x3] =	wrdreg s4  }
0xaa: {  	[dreg:$0x4] =	wrdreg $0xC0  }
0xab: {  	_ =	task [dreg:s6], $0x5FFFF  }
0xac: {  	[dreg:$0x1] =	wrdreg $0xFFFFFFFF  }
0xad: {  	[dreg:$0x0] =	wrdreg $0x60  }
0xae: {  	[dreg:$0x2] =	wrdreg s24  }
0xaf: {  	[dreg:$0x3] =	wrdreg $0x148000  }
0xb0: {  	[dreg:$0x4] =	wrdreg $0x9  }
0xb1: {  	_ =	task.clear_ibuf [dreg:s6], $0x5FFFF;
	_ =	strace $0x90000049  }
0xb2: {  	s29 =	simm.s32 $0x9;
	_ =	strace $0x8000004B  }
0xb3: {  	_ =	swait.ge [sflag:s29], $0x1  }
0xb4: {  	[sflag:s29] =	ssyncadd.s32 $0xFFFFFFFF  }
0xb5: {  	_ =	strace $0x9000004B  }
0xb6: {  	_ =	sfence  }
0xb7: {  	s30 =	sld [smem:$0x0];
	_ =	sdelay $0x2  }
0xb8: {  	s31 =	sshll.u32 s1, $0xD;
	s1 =	sshrl.u32 s1, $0x2  }
0xb9: {  	s3 =	sand.u32 $0x4000, s31;
	s1 =	sadd.s32 s1, s30  }
0xba: {  	s0 =	sor.u32 s3, s0;
	s1 =	sshll.u32 s1, $0x11  }
0xbb: {  	s0 =	sor.u32 s1, s0  }
0xbc: {  	s0 =	sadd.s32 $0x8F2B, s0  }
0xbd: {  	[sflag:s0] =	ssyncadd.remote.s32 $0x1  }
0xbe: {  	_ =	sfence.sel $0xFFFF  }
0xbf: {  	[dreg:$0x0] =	wrdreg $0xFFFFFFFF;
	(pc) =	sbr.abs _section_cstart, $3  }
0xc0: {  	[dreg:$0x1] =	wrdreg $0xFFFFFFFF  }
0xc1: {  	_ =	task.clear_ibuf [dreg:s6], $0x2FFFF;
	_ =	strace $0x9FFFFFFF  }
0xc2: {  	(tm) =	ssettm $0x7FFFFFFF  }
0xc3: {  	_ =	shalt  }
tec
execute0_lowered:
.L_overlay_start_1:
0x0: {  	(tag) =	ssettag $0x1  }
0x1: {  	s0 =	rddreg [dreg:$0x0]  }
0x2: {  	s2 =	rddreg [dreg:$0x1]  }
0x3: {  	s10 =	stileid.u32;
	s1 =	srdreg.scid  }
0x4: {  	s4 =	smul.u32 $0x6400, s10;
	s3 =	sand.u32 $0x1, s1;
	s25 =	sshll.u32 s10, $0x1  }
0x5: {  	s29 =	simm.s32 $0x0;
	s24 =	smul.u32 $0x2800, s10;
	s1 =	sor.u32 s3, s25  }
0x6: {  	[smem:$0x7FF] =	sst s29;
	s7 =	sadd.s32 $0x297200, s0;
	s6 =	smul.u32 $0x280, s1  }
0x7: {  	s9 =	sadd.s32 $0x292200, s0;
	s5 =	sshrl.u32 s4, $0x3;
	s8 =	smul.u32 $0x1400, s1  }
0x8: {  	[dreg:$0x13] =	wrdreg s3;
	s1 =	smul.u32 $0x14000, s1;
	s5 =	sadd.s32 s5, s0  }
0x9: {  	p0 =	seq.s32 s3, $0x1;
	_ =	strace $0x8000004A;
	s5 =	sadd.s32 $0x3400, s5  }
0xa: {  	s26 =	sadd.s32 s9, s6;
	s28 =	sadd.s32 $0x400, s8;
	s1 =	sadd.s32 s7, s1  }
0xb: {  	s14 =	sadd.s32 $0x800, s8;
	s16 =	sadd.s32 $0xC00, s8;
	[dreg:$0x3] =	wrdreg s5  }
0xc: {  	s22 =	sadd.s32 $0x1000, s8;
	s6 =	simm.s32 $0x37C00;
	[dreg:$0x4] =	wrdreg s26  }
0xd: {  	s31 =	sshrl.u32 s28, $0x3;
	[dreg:$0x5] =	wrdreg s1;
	s12 =	sshll.u32 s28, $0x4  }
0xe: {  	s26 =	sadd.s32 s4, s2;
	s4 =	simm.s32 $0x5;
	s3 =	rddreg [dreg:$0x3]  }
0xf: {  	s15 =	sshrl.u32 s14, $0x3;
	s11 =	sadd.s32 s9, s31;
	[dreg:$0x10] =	wrdreg s4  }
0x10: {  	s5 =	sshll.u32 s14, $0x4;
	s13 =	sadd.s32 s7, s12;
	[dreg:$0x6] =	wrdreg s11  }
0x11: {  	s18 =	sshrl.u32 s16, $0x3;
	s1 =	sadd.s32 s9, s15;
	[dreg:$0x7] =	wrdreg s13  }
0x12: {  	s20 =	sshll.u32 s16, $0x4;
	s17 =	sadd.s32 s7, s5;
	[dreg:$0x8] =	wrdreg s1  }
0x13: {  	s23 =	sshrl.u32 s22, $0x3;
	s19 =	sadd.s32 s9, s18;
	[dreg:$0x9] =	wrdreg s17  }
0x14: {  	s6 =	simm.s32 @!p0 $0xFC00;
	s21 =	sadd.s32 s7, s20;
	[dreg:$0xa] =	wrdreg s19  }
0x15: {  	s28 =	sshll.u32 s10, $0x6;
	s31 =	simm.s32 $0x10;
	[dreg:$0xb] =	wrdreg s21  }
0x16: {  	s5 =	sshll.u32 s22, $0x4;
	s1 =	sadd.s32 s9, s23;
	[dreg:$0xf] =	wrdreg s31  }
0x17: {  	s0 =	sadd.s32 s6, s0;
	s25 =	sadd.s32 s7, s5;
	[dreg:$0xc] =	wrdreg s1  }
0x18: {  	s12 =	sor.u32 $0x1C03, s28;
	s0 =	sadd.s32 s0, s24;
	[dreg:$0xd] =	wrdreg s25  }
0x19: {  	s11 =	sshrl.u32 s26, $0x3;
	s5 =	simm.s32 $0x3;
	[dreg:$0xe] =	wrdreg s0  }
0x1a: {  	[spmem:s11], [sflag:s12] =	dma.local [hbm:s3], $0xC80  }
0x1b: {  	_ =	swait.ge [sflag:s5], $0xC80  }
0x1c: {  	[sflag:s5] =	ssyncset.done $0x0  }
0x1d: {  	[sflag:s5] =	ssyncadd.s32 $0xFFFFF380  }
0x1e: {  	[bflag:$0x0] =	sbarrier.arrive $0xFFFF  }
0x1f: {  	s8 =	simm.s32 $0x80;
	s10 =	simm.s32 $0x2;
	s6 =	rddreg [dreg:$0x4]  }
0x20: {  	[tilespmem:s29], [sflag:$0x2] =	stream.linear.gather [hbm4b:s6+s29], $0x400, $0x38;
	[tilespmem:$0x1AC00] =	vst v63  }
0x21: {  	s3 =	simm.s32 $0x800;
	s5 =	simm.s32 $0x28;
	s7 =	rddreg [dreg:$0x5]  }
0x22: {  	[tilespmem:s3], [sflag:$0x2] =	stream.strided.gather [hbm4b:s7+s5], $0xA000, s8, s5, $0x38;
	[tilespmem:$0x1AC00] =	vst v63  }
0x23: {  	_ =	swait.ge [sflag:s10], $0x400  }
0x24: {  	[sflag:s10] =	ssyncset.done $0x0  }
0x25: {  	[sflag:s10] =	ssyncadd.s32 $0xFFFFFC00  }
0x26: {  	_ =	swait.ge [sflag:s10], $0xA000  }
0x27: {  	[sflag:s10] =	ssyncset.done $0x0  }
0x28: {  	s22 =	simm.s32 $0x400;
	s9 =	rddreg [dreg:$0x6];
	[sflag:s10] =	ssyncadd.s32 $0xFFFF6000  }
0x29: {  	[tilespmem:s22], [sflag:$0x2] =	stream.linear.gather [hbm4b:s9+s29], $0x400, $0x38;
	[tilespmem:$0x1AC00] =	vst v63  }
0x2a: {  	s20 =	simm.s32 $0xA800;
	s13 =	rddreg [dreg:$0x7]  }
0x2b: {  	[tilespmem:s20], [sflag:$0x2] =	stream.strided.gather [hbm4b:s13+s5], $0xA000, s8, s5, $0x38;
	[tilespmem:$0x1AC00] =	vst v63  }
0x2c: {  	_ = 	snop  }
0x2d: {  	[spmem:s2] =	stream.indirect.scatter.add.f32 [tilespmem:s3], [sflag:$0x1], $0x28, s29, s8, $0xb8;
	[tilespmem:$0x1AC00] =	vst v63  }
0x2e: {  	s14 =	simm.s32 $0x1C00  }
0x2f: {  	[spmem:s2] =	stream.indirect.scatter.add.f32 [tilespmem:s14], [sflag:$0x1], $0x28, s8, s8, $0xb8;
	[tilespmem:$0x1AC00] =	vst v63  }
0x30: {  	s16 =	simm.s32 $0x3000;
	s15 =	simm.s32 $0x100  }
0x31: {  	[spmem:s2] =	stream.indirect.scatter.add.f32 [tilespmem:s16], [sflag:$0x1], $0x28, s15, s8, $0xb8;
	[tilespmem:$0x1AC00] =	vst v63  }
0x32: {  	s18 =	simm.s32 $0x4400;
	s17 =	simm.s32 $0x180  }
0x33: {  	[spmem:s2] =	stream.indirect.scatter.add.f32 [tilespmem:s18], [sflag:$0x1], $0x28, s17, s8, $0xb8;
	[tilespmem:$0x1AC00] =	vst v63  }
0x34: {  	s19 =	simm.s32 $0x200;
	s21 =	simm.s32 $0x5800  }
0x35: {  	[spmem:s2] =	stream.indirect.scatter.add.f32 [tilespmem:s21], [sflag:$0x1], $0x28, s19, s8, $0xb8;
	[tilespmem:$0x1AC00] =	vst v63  }
0x36: {  	s23 =	simm.s32 $0x280;
	s24 =	simm.s32 $0x6C00  }
0x37: {  	[spmem:s2] =	stream.indirect.scatter.add.f32 [tilespmem:s24], [sflag:$0x1], $0x28, s23, s8, $0xb8;
	[tilespmem:$0x1AC00] =	vst v63  }
0x38: {  	s26 =	simm.s32 $0x8000;
	s25 =	simm.s32 $0x300  }
0x39: {  	[spmem:s2] =	stream.indirect.scatter.add.f32 [tilespmem:s26], [sflag:$0x1], $0x28, s25, s8, $0xb8;
	[tilespmem:$0x1AC00] =	vst v63  }
0x3a: {  	s28 =	simm.s32 $0x380;
	s31 =	simm.s32 $0x9400;
	s26 =	simm.s32 $0x1  }
0x3b: {  	[spmem:s2] =	stream.indirect.scatter.add.f32 [tilespmem:s31], [sflag:$0x1], $0x28, s28, s8, $0xb8;
	[tilespmem:$0x1AC00] =	vst v63  }
0x3c: {  	_ =	swait.ge [sflag:s26], $0x1400  }
0x3d: {  	[sflag:s26] =	ssyncset.done $0x0  }
0x3e: {  	[sflag:s26] =	ssyncadd.s32 $0xFFFFEC00  }
0x3f: {  	_ =	swait.ge [sflag:s26], $0x1400  }
0x40: {  	[sflag:s26] =	ssyncset.done $0x0  }
0x41: {  	[sflag:s26] =	ssyncadd.s32 $0xFFFFEC00  }
0x42: {  	_ =	swait.ge [sflag:s26], $0x1400  }
0x43: {  	[sflag:s26] =	ssyncset.done $0x0  }
0x44: {  	[sflag:s26] =	ssyncadd.s32 $0xFFFFEC00  }
0x45: {  	_ =	swait.ge [sflag:s26], $0x1400  }
0x46: {  	[sflag:s26] =	ssyncset.done $0x0  }
0x47: {  	[sflag:s26] =	ssyncadd.s32 $0xFFFFEC00  }
0x48: {  	_ =	swait.ge [sflag:s26], $0x1400  }
0x49: {  	[sflag:s26] =	ssyncset.done $0x0  }
0x4a: {  	[sflag:s26] =	ssyncadd.s32 $0xFFFFEC00  }
0x4b: {  	_ =	swait.ge [sflag:s26], $0x1400  }
0x4c: {  	[sflag:s26] =	ssyncset.done $0x0  }
0x4d: {  	[sflag:s26] =	ssyncadd.s32 $0xFFFFEC00  }
0x4e: {  	_ =	swait.ge [sflag:s26], $0x1400  }
0x4f: {  	[sflag:s26] =	ssyncset.done $0x0  }
0x50: {  	[sflag:s26] =	ssyncadd.s32 $0xFFFFEC00  }
0x51: {  	_ =	swait.ge [sflag:s26], $0x1400  }
0x52: {  	[sflag:s26] =	ssyncset.done $0x0  }
0x53: {  	[sflag:s26] =	ssyncadd.s32 $0xFFFFEC00  }
0x54: {  	_ =	swait.ge [sflag:s10], $0x400  }
0x55: {  	[sflag:s10] =	ssyncset.done $0x0  }
0x56: {  	[sflag:s10] =	ssyncadd.s32 $0xFFFFFC00  }
0x57: {  	_ =	swait.ge [sflag:s10], $0xA000  }
0x58: {  	[sflag:s10] =	ssyncset.done $0x0  }
0x59: {  	s1 =	rddreg [dreg:$0x8];
	[sflag:s10] =	ssyncadd.s32 $0xFFFF6000  }
0x5a: {  	[tilespmem:s29], [sflag:$0x2] =	stream.linear.gather [hbm4b:s1+s29], $0x400, $0x38;
	[tilespmem:$0x1AC00] =	vst v63  }
0x5b: {  	s4 =	rddreg [dreg:$0x9]  }
0x5c: {  	[tilespmem:s3], [sflag:$0x2] =	stream.strided.gather [hbm4b:s4+s5], $0xA000, s8, s5, $0x38;
	[tilespmem:$0x1AC00] =	vst v63  }
0x5d: {  	_ = 	snop  }
0x5e: {  	[spmem:s2] =	stream.indirect.scatter.add.f32 [tilespmem:s20], [sflag:$0x1], $0x28, s22, s8, $0xb8;
	[tilespmem:$0x1AC00] =	vst v63  }
0x5f: {  	s6 =	simm.s32 $0x480;
	s7 =	simm.s32 $0xBC00  }
0x60: {  	[spmem:s2] =	stream.indirect.scatter.add.f32 [tilespmem:s7], [sflag:$0x1], $0x28, s6, s8, $0xb8;
	[tilespmem:$0x1AC00] =	vst v63  }
0x61: {  	s9 =	simm.s32 $0x500;
	s13 =	simm.s32 $0xD000  }
0x62: {  	[spmem:s2] =	stream.indirect.scatter.add.f32 [tilespmem:s13], [sflag:$0x1], $0x28, s9, s8, $0xb8;
	[tilespmem:$0x1AC00] =	vst v63  }
0x63: {  	s14 =	simm.s32 $0x580;
	s15 =	simm.s32 $0xE400  }
0x64: {  	[spmem:s2] =	stream.indirect.scatter.add.f32 [tilespmem:s15], [sflag:$0x1], $0x28, s14, s8, $0xb8;
	[tilespmem:$0x1AC00] =	vst v63  }
0x65: {  	s16 =	simm.s32 $0x600;
	s17 =	simm.s32 $0xF800  }
0x66: {  	[spmem:s2] =	stream.indirect.scatter.add.f32 [tilespmem:s17], [sflag:$0x1], $0x28, s16, s8, $0xb8;
	[tilespmem:$0x1AC00] =	vst v63  }
0x67: {  	s18 =	simm.s32 $0x680;
	s28 =	simm.s32 $0x10C00  }
0x68: {  	[spmem:s2] =	stream.indirect.scatter.add.f32 [tilespmem:s28], [sflag:$0x1], $0x28, s18, s8, $0xb8;
	[tilespmem:$0x1AC00] =	vst v63  }
0x69: {  	s24 =	simm.s32 $0x12000;
	s25 =	simm.s32 $0x700  }
0x6a: {  	[spmem:s2] =	stream.indirect.scatter.add.f32 [tilespmem:s24], [sflag:$0x1], $0x28, s25, s8, $0xb8;
	[tilespmem:$0x1AC00] =	vst v63  }
0x6b: {  	s21 =	simm.s32 $0x13400;
	s23 =	simm.s32 $0x780  }
0x6c: {  	[spmem:s2] =	stream.indirect.scatter.add.f32 [tilespmem:s21], [sflag:$0x1], $0x28, s23, s8, $0xb8;
	[tilespmem:$0x1AC00] =	vst v63  }
0x6d: {  	_ =	swait.ge [sflag:s26], $0x1400  }
0x6e: {  	[sflag:s26] =	ssyncset.done $0x0  }
0x6f: {  	[sflag:s26] =	ssyncadd.s32 $0xFFFFEC00  }
0x70: {  	_ =	swait.ge [sflag:s26], $0x1400  }
0x71: {  	[sflag:s26] =	ssyncset.done $0x0  }
0x72: {  	[sflag:s26] =	ssyncadd.s32 $0xFFFFEC00  }
0x73: {  	_ =	swait.ge [sflag:s26], $0x1400  }
0x74: {  	[sflag:s26] =	ssyncset.done $0x0  }
0x75: {  	[sflag:s26] =	ssyncadd.s32 $0xFFFFEC00  }
0x76: {  	_ =	swait.ge [sflag:s26], $0x1400  }
0x77: {  	[sflag:s26] =	ssyncset.done $0x0  }
0x78: {  	[sflag:s26] =	ssyncadd.s32 $0xFFFFEC00  }
0x79: {  	_ =	swait.ge [sflag:s26], $0x1400  }
0x7a: {  	[sflag:s26] =	ssyncset.done $0x0  }
0x7b: {  	[sflag:s26] =	ssyncadd.s32 $0xFFFFEC00  }
0x7c: {  	_ =	swait.ge [sflag:s26], $0x1400  }
0x7d: {  	[sflag:s26] =	ssyncset.done $0x0  }
0x7e: {  	[sflag:s26] =	ssyncadd.s32 $0xFFFFEC00  }
0x7f: {  	_ =	swait.ge [sflag:s26], $0x1400  }
0x80: {  	[sflag:s26] =	ssyncset.done $0x0  }
0x81: {  	[sflag:s26] =	ssyncadd.s32 $0xFFFFEC00  }
0x82: {  	_ =	swait.ge [sflag:s26], $0x1400  }
0x83: {  	[sflag:s26] =	ssyncset.done $0x0  }
0x84: {  	[sflag:s26] =	ssyncadd.s32 $0xFFFFEC00  }
0x85: {  	_ =	swait.ge [sflag:s10], $0x400  }
0x86: {  	[sflag:s10] =	ssyncset.done $0x0  }
0x87: {  	[sflag:s10] =	ssyncadd.s32 $0xFFFFFC00  }
0x88: {  	_ =	swait.ge [sflag:s10], $0xA000  }
0x89: {  	[sflag:s10] =	ssyncset.done $0x0  }
0x8a: {  	s19 =	rddreg [dreg:$0xa];
	[sflag:s10] =	ssyncadd.s32 $0xFFFF6000  }
0x8b: {  	[tilespmem:s22], [sflag:$0x2] =	stream.linear.gather [hbm4b:s19+s29], $0x400, $0x38;
	[tilespmem:$0x1AC00] =	vst v63  }
0x8c: {  	s30 =	rddreg [dreg:$0xb]  }
0x8d: {  	[tilespmem:s20], [sflag:$0x2] =	stream.strided.gather [hbm4b:s30+s5], $0xA000, s8, s5, $0x38;
	[tilespmem:$0x1AC00] =	vst v63  }
0x8e: {  	_ = 	snop  }
0x8f: {  	[spmem:s2] =	stream.indirect.scatter.add.f32 [tilespmem:s3], [sflag:$0x1], $0x28, s29, s8, $0xb8;
	[tilespmem:$0x1AC00] =	vst v63  }
0x90: {  	s13 =	simm.s32 $0x1C00  }
0x91: {  	[spmem:s2] =	stream.indirect.scatter.add.f32 [tilespmem:s13], [sflag:$0x1], $0x28, s8, s8, $0xb8;
	[tilespmem:$0x1AC00] =	vst v63  }
0x92: {  	s0 =	simm.s32 $0x100;
	s15 =	simm.s32 $0x3000  }
0x93: {  	[spmem:s2] =	stream.indirect.scatter.add.f32 [tilespmem:s15], [sflag:$0x1], $0x28, s0, s8, $0xb8;
	[tilespmem:$0x1AC00] =	vst v63  }
0x94: {  	s1 =	simm.s32 $0x180;
	s17 =	simm.s32 $0x4400  }
0x95: {  	[spmem:s2] =	stream.indirect.scatter.add.f32 [tilespmem:s17], [sflag:$0x1], $0x28, s1, s8, $0xb8;
	[tilespmem:$0x1AC00] =	vst v63  }
0x96: {  	s4 =	simm.s32 $0x200;
	s19 =	simm.s32 $0x5800  }
0x97: {  	[spmem:s2] =	stream.indirect.scatter.add.f32 [tilespmem:s19], [sflag:$0x1], $0x28, s4, s8, $0xb8;
	[tilespmem:$0x1AC00] =	vst v63  }
0x98: {  	s6 =	simm.s32 $0x280;
	s14 =	simm.s32 $0x6C00  }
0x99: {  	[spmem:s2] =	stream.indirect.scatter.add.f32 [tilespmem:s14], [sflag:$0x1], $0x28, s6, s8, $0xb8;
	[tilespmem:$0x1AC00] =	vst v63  }
0x9a: {  	s7 =	simm.s32 $0x300;
	s16 =	simm.s32 $0x8000  }
0x9b: {  	[spmem:s2] =	stream.indirect.scatter.add.f32 [tilespmem:s16], [sflag:$0x1], $0x28, s7, s8, $0xb8;
	[tilespmem:$0x1AC00] =	vst v63  }
0x9c: {  	s9 =	simm.s32 $0x380;
	s18 =	simm.s32 $0x9400  }
0x9d: {  	[spmem:s2] =	stream.indirect.scatter.add.f32 [tilespmem:s18], [sflag:$0x1], $0x28, s9, s8, $0xb8;
	[tilespmem:$0x1AC00] =	vst v63  }
0x9e: {  	_ =	swait.ge [sflag:s26], $0x1400  }
0x9f: {  	[sflag:s26] =	ssyncset.done $0x0  }
0xa0: {  	[sflag:s26] =	ssyncadd.s32 $0xFFFFEC00  }
0xa1: {  	_ =	swait.ge [sflag:s26], $0x1400  }
0xa2: {  	[sflag:s26] =	ssyncset.done $0x0  }
0xa3: {  	[sflag:s26] =	ssyncadd.s32 $0xFFFFEC00  }
0xa4: {  	_ =	swait.ge [sflag:s26], $0x1400  }
0xa5: {  	[sflag:s26] =	ssyncset.done $0x0  }
0xa6: {  	[sflag:s26] =	ssyncadd.s32 $0xFFFFEC00  }
0xa7: {  	_ =	swait.ge [sflag:s26], $0x1400  }
0xa8: {  	[sflag:s26] =	ssyncset.done $0x0  }
0xa9: {  	[sflag:s26] =	ssyncadd.s32 $0xFFFFEC00  }
0xaa: {  	_ =	swait.ge [sflag:s26], $0x1400  }
0xab: {  	[sflag:s26] =	ssyncset.done $0x0  }
0xac: {  	[sflag:s26] =	ssyncadd.s32 $0xFFFFEC00  }
0xad: {  	_ =	swait.ge [sflag:s26], $0x1400  }
0xae: {  	[sflag:s26] =	ssyncset.done $0x0  }
0xaf: {  	[sflag:s26] =	ssyncadd.s32 $0xFFFFEC00  }
0xb0: {  	_ =	swait.ge [sflag:s26], $0x1400  }
0xb1: {  	[sflag:s26] =	ssyncset.done $0x0  }
0xb2: {  	[sflag:s26] =	ssyncadd.s32 $0xFFFFEC00  }
0xb3: {  	_ =	swait.ge [sflag:s26], $0x1400  }
0xb4: {  	[sflag:s26] =	ssyncset.done $0x0  }
0xb5: {  	[sflag:s26] =	ssyncadd.s32 $0xFFFFEC00  }
0xb6: {  	_ =	swait.ge [sflag:s10], $0x400  }
0xb7: {  	[sflag:s10] =	ssyncset.done $0x0  }
0xb8: {  	[sflag:s10] =	ssyncadd.s32 $0xFFFFFC00  }
0xb9: {  	_ =	swait.ge [sflag:s10], $0xA000  }
0xba: {  	s30 =	rddreg [dreg:$0xc]  }
0xbb: {  	[sflag:s10] =	ssyncset.done $0x0;
	[dreg:$0x14] =	wrdreg s30  }
0xbc: {  	[sflag:s10] =	ssyncadd.s32 $0xFFFF6000;
	s31 =	rddreg [dreg:$0x14]  }
0xbd: {  	[tilespmem:s29], [sflag:$0x2] =	stream.linear.gather [hbm4b:s31+s29], $0x400, $0x38;
	[tilespmem:$0x1AC00] =	vst v63  }
0xbe: {  	s30 =	rddreg [dreg:$0xd]  }
0xbf: {  	[tilespmem:s3], [sflag:$0x2] =	stream.strided.gather [hbm4b:s30+s5], $0xA000, s8, s5, $0x38;
	[tilespmem:$0x1AC00] =	vst v63  }
0xc0: {  	_ = 	snop  }
0xc1: {  	[spmem:s2] =	stream.indirect.scatter.add.f32 [tilespmem:s20], [sflag:$0x1], $0x28, s22, s8, $0xb8;
	[tilespmem:$0x1AC00] =	vst v63  }
0xc2: {  	s31 =	simm.s32 $0x480;
	s22 =	simm.s32 $0xBC00  }
0xc3: {  	[spmem:s2] =	stream.indirect.scatter.add.f32 [tilespmem:s22], [sflag:$0x1], $0x28, s31, s8, $0xb8;
	[tilespmem:$0x1AC00] =	vst v63  }
0xc4: {  	s22 =	simm.s32 $0xD000;
	s31 =	simm.s32 $0x500  }
0xc5: {  	[spmem:s2] =	stream.indirect.scatter.add.f32 [tilespmem:s22], [sflag:$0x1], $0x28, s31, s8, $0xb8;
	[tilespmem:$0x1AC00] =	vst v63  }
0xc6: {  	s22 =	simm.s32 $0x580;
	s31 =	simm.s32 $0xE400  }
0xc7: {  	[spmem:s2] =	stream.indirect.scatter.add.f32 [tilespmem:s31], [sflag:$0x1], $0x28, s22, s8, $0xb8;
	[tilespmem:$0x1AC00] =	vst v63  }
0xc8: {  	s22 =	simm.s32 $0x600;
	s31 =	simm.s32 $0xF800  }
0xc9: {  	[spmem:s2] =	stream.indirect.scatter.add.f32 [tilespmem:s31], [sflag:$0x1], $0x28, s22, s8, $0xb8;
	[tilespmem:$0x1AC00] =	vst v63  }
0xca: {  	s22 =	simm.s32 $0x680  }
0xcb: {  	[spmem:s2] =	stream.indirect.scatter.add.f32 [tilespmem:s28], [sflag:$0x1], $0x28, s22, s8, $0xb8;
	[tilespmem:$0x1AC00] =	vst v63  }
0xcc: {  	_ = 	snop  }
0xcd: {  	[spmem:s2] =	stream.indirect.scatter.add.f32 [tilespmem:s24], [sflag:$0x1], $0x28, s25, s8, $0xb8;
	[tilespmem:$0x1AC00] =	vst v63  }
0xce: {  	_ = 	snop  }
0xcf: {  	[spmem:s2] =	stream.indirect.scatter.add.f32 [tilespmem:s21], [sflag:$0x1], $0x28, s23, s8, $0xb8;
	[tilespmem:$0x1AC00] =	vst v63  }
0xd0: {  	_ =	swait.ge [sflag:s26], $0x1400  }
0xd1: {  	[sflag:s26] =	ssyncset.done $0x0  }
0xd2: {  	[sflag:s26] =	ssyncadd.s32 $0xFFFFEC00  }
0xd3: {  	_ =	swait.ge [sflag:s26], $0x1400  }
0xd4: {  	[sflag:s26] =	ssyncset.done $0x0  }
0xd5: {  	[sflag:s26] =	ssyncadd.s32 $0xFFFFEC00  }
0xd6: {  	_ =	swait.ge [sflag:s26], $0x1400  }
0xd7: {  	[sflag:s26] =	ssyncset.done $0x0  }
0xd8: {  	[sflag:s26] =	ssyncadd.s32 $0xFFFFEC00  }
0xd9: {  	_ =	swait.ge [sflag:s26], $0x1400  }
0xda: {  	[sflag:s26] =	ssyncset.done $0x0  }
0xdb: {  	[sflag:s26] =	ssyncadd.s32 $0xFFFFEC00  }
0xdc: {  	_ =	swait.ge [sflag:s26], $0x1400  }
0xdd: {  	[sflag:s26] =	ssyncset.done $0x0  }
0xde: {  	[sflag:s26] =	ssyncadd.s32 $0xFFFFEC00  }
0xdf: {  	_ =	swait.ge [sflag:s26], $0x1400  }
0xe0: {  	[sflag:s26] =	ssyncset.done $0x0  }
0xe1: {  	[sflag:s26] =	ssyncadd.s32 $0xFFFFEC00  }
0xe2: {  	_ =	swait.ge [sflag:s26], $0x1400  }
0xe3: {  	[sflag:s26] =	ssyncset.done $0x0  }
0xe4: {  	[sflag:s26] =	ssyncadd.s32 $0xFFFFEC00  }
0xe5: {  	_ =	swait.ge [sflag:s26], $0x1400  }
0xe6: {  	[sflag:s26] =	ssyncset.done $0x0  }
0xe7: {  	[sflag:s26] =	ssyncadd.s32 $0xFFFFEC00  }
0xe8: {  	_ =	swait.ge [sflag:s10], $0x400  }
0xe9: {  	[sflag:s10] =	ssyncset.done $0x0  }
0xea: {  	[sflag:s10] =	ssyncadd.s32 $0xFFFFFC00  }
0xeb: {  	_ =	swait.ge [sflag:s10], $0xA000  }
0xec: {  	[sflag:s10] =	ssyncset.done $0x0  }
0xed: {  	[sflag:s10] =	ssyncadd.s32 $0xFFFF6000  }
0xee: {  	[spmem:s2] =	stream.indirect.scatter.add.f32 [tilespmem:s3], [sflag:$0x1], $0x28, s29, s8, $0xb8;
	[tilespmem:$0x1AC00] =	vst v63  }
0xef: {  	_ = 	snop  }
0xf0: {  	[spmem:s2] =	stream.indirect.scatter.add.f32 [tilespmem:s13], [sflag:$0x1], $0x28, s8, s8, $0xb8;
	[tilespmem:$0x1AC00] =	vst v63  }
0xf1: {  	_ = 	snop  }
0xf2: {  	[spmem:s2] =	stream.indirect.scatter.add.f32 [tilespmem:s15], [sflag:$0x1], $0x28, s0, s8, $0xb8;
	[tilespmem:$0x1AC00] =	vst v63  }
0xf3: {  	_ = 	snop  }
0xf4: {  	[spmem:s2] =	stream.indirect.scatter.add.f32 [tilespmem:s17], [sflag:$0x1], $0x28, s1, s8, $0xb8;
	[tilespmem:$0x1AC00] =	vst v63  }
0xf5: {  	_ = 	snop  }
0xf6: {  	[spmem:s2] =	stream.indirect.scatter.add.f32 [tilespmem:s19], [sflag:$0x1], $0x28, s4, s8, $0xb8;
	[tilespmem:$0x1AC00] =	vst v63  }
0xf7: {  	_ = 	snop  }
0xf8: {  	[spmem:s2] =	stream.indirect.scatter.add.f32 [tilespmem:s14], [sflag:$0x1], $0x28, s6, s8, $0xb8;
	[tilespmem:$0x1AC00] =	vst v63  }
0xf9: {  	_ = 	snop  }
0xfa: {  	[spmem:s2] =	stream.indirect.scatter.add.f32 [tilespmem:s16], [sflag:$0x1], $0x28, s7, s8, $0xb8;
	[tilespmem:$0x1AC00] =	vst v63  }
0xfb: {  	_ = 	snop  }
0xfc: {  	[spmem:s2] =	stream.indirect.scatter.add.f32 [tilespmem:s18], [sflag:$0x1], $0x28, s9, s8, $0xb8;
	[tilespmem:$0x1AC00] =	vst v63  }
0xfd: {  	_ =	swait.ge [sflag:s26], $0x1400  }
0xfe: {  	[sflag:s26] =	ssyncset.done $0x0  }
0xff: {  	[sflag:s26] =	ssyncadd.s32 $0xFFFFEC00  }
0x100: {  	_ =	swait.ge [sflag:s26], $0x1400  }
0x101: {  	[sflag:s26] =	ssyncset.done $0x0  }
0x102: {  	[sflag:s26] =	ssyncadd.s32 $0xFFFFEC00  }
0x103: {  	_ =	swait.ge [sflag:s26], $0x1400  }
0x104: {  	[sflag:s26] =	ssyncset.done $0x0  }
0x105: {  	[sflag:s26] =	ssyncadd.s32 $0xFFFFEC00  }
0x106: {  	_ =	swait.ge [sflag:s26], $0x1400  }
0x107: {  	[sflag:s26] =	ssyncset.done $0x0  }
0x108: {  	[sflag:s26] =	ssyncadd.s32 $0xFFFFEC00  }
0x109: {  	_ =	swait.ge [sflag:s26], $0x1400  }
0x10a: {  	[sflag:s26] =	ssyncset.done $0x0  }
0x10b: {  	[sflag:s26] =	ssyncadd.s32 $0xFFFFEC00  }
0x10c: {  	_ =	swait.ge [sflag:s26], $0x1400  }
0x10d: {  	[sflag:s26] =	ssyncset.done $0x0  }
0x10e: {  	[sflag:s26] =	ssyncadd.s32 $0xFFFFEC00  }
0x10f: {  	_ =	swait.ge [sflag:s26], $0x1400  }
0x110: {  	[sflag:s26] =	ssyncset.done $0x0  }
0x111: {  	[sflag:s26] =	ssyncadd.s32 $0xFFFFEC00  }
0x112: {  	_ =	swait.ge [sflag:s26], $0x1400  }
0x113: {  	[sflag:s26] =	ssyncset.done $0x0  }
0x114: {  	[sflag:s26] =	ssyncadd.s32 $0xFFFFEC00  }
0x115: {  	[bflag:$0x0] =	sbarrier.arrive $0xFFFF  }
0x116: {  	s29 =	rddreg [dreg:$0x10]  }
0x117: {  	s31 =	rddreg [dreg:$0xe]  }
0x118: {  	s30 =	rddreg [dreg:$0xf]  }
0x119: {  	[dreg:$0x11] =	wrdreg s12  }
0x11a: {  	[dreg:$0x12] =	wrdreg s11  }
0x11b: {  	[hbm:s31@s30], [sflag:s12] =	dma.strided [spmem:s11@s29], $0xC80, s26, $0x5   }
0x11c: {  	s0 =	rddreg [dreg:$0x13]  }
0x11d: {  	s0 =	ssub.s32 $0x2, s0  }
0x11e: {  	s30 =	sshrl.u32 s0, $0x1  }
0x11f: {  	s30 =	ssub.s32 s0, s30  }
0x120: {  	s30 =	smax.u32 s30, $0x1  }
0x121: {  	p0 =	sne.s32 s30, $0x1  }
.Ltmp0:
0x122: {  	_ = 	snop;
	(pc) =	sbr.rel @!p0 .LBB2_3-.Ltmp0, $2  }
0x123: {  	_ =	sdelay $0x2  }
0x124: {  	s30 =	sadd.s32 $0xFFFFFFFF, s30  }
0x125: {  	s5 =	simm.s32 $0x28;
	s3 =	simm.s32 $0x800  }
0x126: {  	s12 =	simm.s32 $0x400;
	s7 =	simm.s32 $0xA800;
	s25 =	simm.s32 $0x3000  }
0x127: {  	s23 =	simm.s32 $0x4400;
	s24 =	simm.s32 $0x8000;
	s20 =	simm.s32 $0x480  }
0x128: {  	s28 =	simm.s32 $0xBC00;
	s29 =	simm.s32 $0x500;
	s13 =	simm.s32 $0xD000  }
0x129: {  	s16 =	simm.s32 $0x580;
	s18 =	simm.s32 $0x600;
	s6 =	simm.s32 $0xF800  }
0x12a: {  	s15 =	simm.s32 $0x680;
	s9 =	simm.s32 $0x10C00;
	s17 =	simm.s32 $0x700  }
0x12b: {  	s11 =	simm.s32 $0x12000;
	s19 =	simm.s32 $0x780;
	s14 =	simm.s32 $0x13400  }
.LBB2_2:
0x12c: {  	s0 =	simm.s32 $0x3  }
0x12d: {  	_ =	swait.ge [sflag:s0], $0xC80  }
0x12e: {  	s31 =	rddreg [dreg:$0x3]  }
0x12f: {  	[sflag:s0] =	ssyncset.done $0x0;
	s22 =	rddreg [dreg:$0x11]  }
0x130: {  	s21 =	rddreg [dreg:$0x12];
	[sflag:s0] =	ssyncadd.s32 $0xFFFFF380  }
0x131: {  	[spmem:s21], [sflag:s22] =	dma.local [hbm:s31], $0xC80  }
0x132: {  	_ =	swait.ge [sflag:s0], $0xC80  }
0x133: {  	[sflag:s0] =	ssyncset.done $0x0  }
0x134: {  	[sflag:s0] =	ssyncadd.s32 $0xFFFFF380  }
0x135: {  	[bflag:$0x0] =	sbarrier.arrive $0xFFFF  }
0x136: {  	s1 =	simm.s32 $0x0;
	s0 =	rddreg [dreg:$0x4]  }
0x137: {  	[tilespmem:s1], [sflag:$0x2] =	stream.linear.gather [hbm4b:s0+s1], $0x400, $0x38;
	[tilespmem:$0x1AC00] =	vst v63  }
0x138: {  	s4 =	rddreg [dreg:$0x5]  }
0x139: {  	[tilespmem:s3], [sflag:$0x2] =	stream.strided.gather [hbm4b:s4+s5], $0xA000, s8, s5, $0x38;
	[tilespmem:$0x1AC00] =	vst v63  }
0x13a: {  	_ =	swait.ge [sflag:s10], $0x400  }
0x13b: {  	[sflag:s10] =	ssyncset.done $0x0  }
0x13c: {  	[sflag:s10] =	ssyncadd.s32 $0xFFFFFC00  }
0x13d: {  	_ =	swait.ge [sflag:s10], $0xA000  }
0x13e: {  	[sflag:s10] =	ssyncset.done $0x0  }
0x13f: {  	s0 =	rddreg [dreg:$0x6];
	[sflag:s10] =	ssyncadd.s32 $0xFFFF6000  }
0x140: {  	[tilespmem:s12], [sflag:$0x2] =	stream.linear.gather [hbm4b:s0+s1], $0x400, $0x38;
	[tilespmem:$0x1AC00] =	vst v63  }
0x141: {  	s4 =	rddreg [dreg:$0x7]  }
0x142: {  	[tilespmem:s7], [sflag:$0x2] =	stream.strided.gather [hbm4b:s4+s5], $0xA000, s8, s5, $0x38;
	[tilespmem:$0x1AC00] =	vst v63  }
0x143: {  	_ = 	snop  }
0x144: {  	[spmem:s2] =	stream.indirect.scatter.add.f32 [tilespmem:s3], [sflag:$0x1], $0x28, s1, s8, $0xb8;
	[tilespmem:$0x1AC00] =	vst v63  }
0x145: {  	s4 =	simm.s32 $0x1C00  }
0x146: {  	[spmem:s2] =	stream.indirect.scatter.add.f32 [tilespmem:s4], [sflag:$0x1], $0x28, s8, s8, $0xb8;
	[tilespmem:$0x1AC00] =	vst v63  }
0x147: {  	s31 =	simm.s32 $0x100  }
0x148: {  	[spmem:s2] =	stream.indirect.scatter.add.f32 [tilespmem:s25], [sflag:$0x1], $0x28, s31, s8, $0xb8;
	[tilespmem:$0x1AC00] =	vst v63  }
0x149: {  	s4 =	simm.s32 $0x180  }
0x14a: {  	[spmem:s2] =	stream.indirect.scatter.add.f32 [tilespmem:s23], [sflag:$0x1], $0x28, s4, s8, $0xb8;
	[tilespmem:$0x1AC00] =	vst v63  }
0x14b: {  	s31 =	simm.s32 $0x200;
	s4 =	simm.s32 $0x5800  }
0x14c: {  	[spmem:s2] =	stream.indirect.scatter.add.f32 [tilespmem:s4], [sflag:$0x1], $0x28, s31, s8, $0xb8;
	[tilespmem:$0x1AC00] =	vst v63  }
0x14d: {  	s4 =	simm.s32 $0x280;
	s31 =	simm.s32 $0x6C00  }
0x14e: {  	[spmem:s2] =	stream.indirect.scatter.add.f32 [tilespmem:s31], [sflag:$0x1], $0x28, s4, s8, $0xb8;
	[tilespmem:$0x1AC00] =	vst v63  }
0x14f: {  	s31 =	simm.s32 $0x300  }
0x150: {  	[spmem:s2] =	stream.indirect.scatter.add.f32 [tilespmem:s24], [sflag:$0x1], $0x28, s31, s8, $0xb8;
	[tilespmem:$0x1AC00] =	vst v63  }
0x151: {  	s4 =	simm.s32 $0x380;
	s31 =	simm.s32 $0x9400  }
0x152: {  	[spmem:s2] =	stream.indirect.scatter.add.f32 [tilespmem:s31], [sflag:$0x1], $0x28, s4, s8, $0xb8;
	[tilespmem:$0x1AC00] =	vst v63  }
0x153: {  	_ =	swait.ge [sflag:s26], $0x1400  }
0x154: {  	[sflag:s26] =	ssyncset.done $0x0  }
0x155: {  	[sflag:s26] =	ssyncadd.s32 $0xFFFFEC00  }
0x156: {  	_ =	swait.ge [sflag:s26], $0x1400  }
0x157: {  	[sflag:s26] =	ssyncset.done $0x0  }
0x158: {  	[sflag:s26] =	ssyncadd.s32 $0xFFFFEC00  }
0x159: {  	_ =	swait.ge [sflag:s26], $0x1400  }
0x15a: {  	[sflag:s26] =	ssyncset.done $0x0  }
0x15b: {  	[sflag:s26] =	ssyncadd.s32 $0xFFFFEC00  }
0x15c: {  	_ =	swait.ge [sflag:s26], $0x1400  }
0x15d: {  	[sflag:s26] =	ssyncset.done $0x0  }
0x15e: {  	[sflag:s26] =	ssyncadd.s32 $0xFFFFEC00  }
0x15f: {  	_ =	swait.ge [sflag:s26], $0x1400  }
0x160: {  	[sflag:s26] =	ssyncset.done $0x0  }
0x161: {  	[sflag:s26] =	ssyncadd.s32 $0xFFFFEC00  }
0x162: {  	_ =	swait.ge [sflag:s26], $0x1400  }
0x163: {  	[sflag:s26] =	ssyncset.done $0x0  }
0x164: {  	[sflag:s26] =	ssyncadd.s32 $0xFFFFEC00  }
0x165: {  	_ =	swait.ge [sflag:s26], $0x1400  }
0x166: {  	[sflag:s26] =	ssyncset.done $0x0  }
0x167: {  	[sflag:s26] =	ssyncadd.s32 $0xFFFFEC00  }
0x168: {  	_ =	swait.ge [sflag:s26], $0x1400  }
0x169: {  	[sflag:s26] =	ssyncset.done $0x0  }
0x16a: {  	[sflag:s26] =	ssyncadd.s32 $0xFFFFEC00  }
0x16b: {  	_ =	swait.ge [sflag:s10], $0x400  }
0x16c: {  	[sflag:s10] =	ssyncset.done $0x0  }
0x16d: {  	[sflag:s10] =	ssyncadd.s32 $0xFFFFFC00  }
0x16e: {  	_ =	swait.ge [sflag:s10], $0xA000  }
0x16f: {  	[sflag:s10] =	ssyncset.done $0x0  }
0x170: {  	s0 =	rddreg [dreg:$0x8];
	[sflag:s10] =	ssyncadd.s32 $0xFFFF6000  }
0x171: {  	[tilespmem:s1], [sflag:$0x2] =	stream.linear.gather [hbm4b:s0+s1], $0x400, $0x38;
	[tilespmem:$0x1AC00] =	vst v63  }
0x172: {  	s4 =	rddreg [dreg:$0x9]  }
0x173: {  	[tilespmem:s3], [sflag:$0x2] =	stream.strided.gather [hbm4b:s4+s5], $0xA000, s8, s5, $0x38;
	[tilespmem:$0x1AC00] =	vst v63  }
0x174: {  	_ = 	snop  }
0x175: {  	[spmem:s2] =	stream.indirect.scatter.add.f32 [tilespmem:s7], [sflag:$0x1], $0x28, s12, s8, $0xb8;
	[tilespmem:$0x1AC00] =	vst v63  }
0x176: {  	_ = 	snop  }
0x177: {  	[spmem:s2] =	stream.indirect.scatter.add.f32 [tilespmem:s28], [sflag:$0x1], $0x28, s20, s8, $0xb8;
	[tilespmem:$0x1AC00] =	vst v63  }
0x178: {  	_ = 	snop  }
0x179: {  	[spmem:s2] =	stream.indirect.scatter.add.f32 [tilespmem:s13], [sflag:$0x1], $0x28, s29, s8, $0xb8;
	[tilespmem:$0x1AC00] =	vst v63  }
0x17a: {  	s4 =	simm.s32 $0xE400  }
0x17b: {  	[spmem:s2] =	stream.indirect.scatter.add.f32 [tilespmem:s4], [sflag:$0x1], $0x28, s16, s8, $0xb8;
	[tilespmem:$0x1AC00] =	vst v63  }
0x17c: {  	_ = 	snop  }
0x17d: {  	[spmem:s2] =	stream.indirect.scatter.add.f32 [tilespmem:s6], [sflag:$0x1], $0x28, s18, s8, $0xb8;
	[tilespmem:$0x1AC00] =	vst v63  }
0x17e: {  	_ = 	snop  }
0x17f: {  	[spmem:s2] =	stream.indirect.scatter.add.f32 [tilespmem:s9], [sflag:$0x1], $0x28, s15, s8, $0xb8;
	[tilespmem:$0x1AC00] =	vst v63  }
0x180: {  	_ = 	snop  }
0x181: {  	[spmem:s2] =	stream.indirect.scatter.add.f32 [tilespmem:s11], [sflag:$0x1], $0x28, s17, s8, $0xb8;
	[tilespmem:$0x1AC00] =	vst v63  }
0x182: {  	_ = 	snop  }
0x183: {  	[spmem:s2] =	stream.indirect.scatter.add.f32 [tilespmem:s14], [sflag:$0x1], $0x28, s19, s8, $0xb8;
	[tilespmem:$0x1AC00] =	vst v63  }
0x184: {  	_ =	swait.ge [sflag:s26], $0x1400  }
0x185: {  	[sflag:s26] =	ssyncset.done $0x0  }
0x186: {  	[sflag:s26] =	ssyncadd.s32 $0xFFFFEC00  }
0x187: {  	_ =	swait.ge [sflag:s26], $0x1400  }
0x188: {  	[sflag:s26] =	ssyncset.done $0x0  }
0x189: {  	[sflag:s26] =	ssyncadd.s32 $0xFFFFEC00  }
0x18a: {  	_ =	swait.ge [sflag:s26], $0x1400  }
0x18b: {  	[sflag:s26] =	ssyncset.done $0x0  }
0x18c: {  	[sflag:s26] =	ssyncadd.s32 $0xFFFFEC00  }
0x18d: {  	_ =	swait.ge [sflag:s26], $0x1400  }
0x18e: {  	[sflag:s26] =	ssyncset.done $0x0  }
0x18f: {  	[sflag:s26] =	ssyncadd.s32 $0xFFFFEC00  }
0x190: {  	_ =	swait.ge [sflag:s26], $0x1400  }
0x191: {  	[sflag:s26] =	ssyncset.done $0x0  }
0x192: {  	[sflag:s26] =	ssyncadd.s32 $0xFFFFEC00  }
0x193: {  	_ =	swait.ge [sflag:s26], $0x1400  }
0x194: {  	[sflag:s26] =	ssyncset.done $0x0  }
0x195: {  	[sflag:s26] =	ssyncadd.s32 $0xFFFFEC00  }
0x196: {  	_ =	swait.ge [sflag:s26], $0x1400  }
0x197: {  	[sflag:s26] =	ssyncset.done $0x0  }
0x198: {  	[sflag:s26] =	ssyncadd.s32 $0xFFFFEC00  }
0x199: {  	_ =	swait.ge [sflag:s26], $0x1400  }
0x19a: {  	[sflag:s26] =	ssyncset.done $0x0  }
0x19b: {  	[sflag:s26] =	ssyncadd.s32 $0xFFFFEC00  }
0x19c: {  	_ =	swait.ge [sflag:s10], $0x400  }
0x19d: {  	[sflag:s10] =	ssyncset.done $0x0  }
0x19e: {  	[sflag:s10] =	ssyncadd.s32 $0xFFFFFC00  }
0x19f: {  	_ =	swait.ge [sflag:s10], $0xA000  }
0x1a0: {  	[sflag:s10] =	ssyncset.done $0x0  }
0x1a1: {  	s0 =	rddreg [dreg:$0xa];
	[sflag:s10] =	ssyncadd.s32 $0xFFFF6000  }
0x1a2: {  	[tilespmem:s12], [sflag:$0x2] =	stream.linear.gather [hbm4b:s0+s1], $0x400, $0x38;
	[tilespmem:$0x1AC00] =	vst v63  }
0x1a3: {  	s31 =	rddreg [dreg:$0xb]  }
0x1a4: {  	[tilespmem:s7], [sflag:$0x2] =	stream.strided.gather [hbm4b:s31+s5], $0xA000, s8, s5, $0x38;
	[tilespmem:$0x1AC00] =	vst v63  }
0x1a5: {  	_ = 	snop  }
0x1a6: {  	[spmem:s2] =	stream.indirect.scatter.add.f32 [tilespmem:s3], [sflag:$0x1], $0x28, s1, s8, $0xb8;
	[tilespmem:$0x1AC00] =	vst v63  }
0x1a7: {  	s31 =	simm.s32 $0x1C00  }
0x1a8: {  	[spmem:s2] =	stream.indirect.scatter.add.f32 [tilespmem:s31], [sflag:$0x1], $0x28, s8, s8, $0xb8;
	[tilespmem:$0x1AC00] =	vst v63  }
0x1a9: {  	s31 =	simm.s32 $0x100  }
0x1aa: {  	[spmem:s2] =	stream.indirect.scatter.add.f32 [tilespmem:s25], [sflag:$0x1], $0x28, s31, s8, $0xb8;
	[tilespmem:$0x1AC00] =	vst v63  }
0x1ab: {  	s31 =	simm.s32 $0x180  }
0x1ac: {  	[spmem:s2] =	stream.indirect.scatter.add.f32 [tilespmem:s23], [sflag:$0x1], $0x28, s31, s8, $0xb8;
	[tilespmem:$0x1AC00] =	vst v63  }
0x1ad: {  	s0 =	simm.s32 $0x5800;
	s31 =	simm.s32 $0x200  }
0x1ae: {  	[spmem:s2] =	stream.indirect.scatter.add.f32 [tilespmem:s0], [sflag:$0x1], $0x28, s31, s8, $0xb8;
	[tilespmem:$0x1AC00] =	vst v63  }
0x1af: {  	s0 =	simm.s32 $0x6C00;
	s31 =	simm.s32 $0x280  }
0x1b0: {  	[spmem:s2] =	stream.indirect.scatter.add.f32 [tilespmem:s0], [sflag:$0x1], $0x28, s31, s8, $0xb8;
	[tilespmem:$0x1AC00] =	vst v63  }
0x1b1: {  	s31 =	simm.s32 $0x300  }
0x1b2: {  	[spmem:s2] =	stream.indirect.scatter.add.f32 [tilespmem:s24], [sflag:$0x1], $0x28, s31, s8, $0xb8;
	[tilespmem:$0x1AC00] =	vst v63  }
0x1b3: {  	s0 =	simm.s32 $0x9400;
	s31 =	simm.s32 $0x380  }
0x1b4: {  	[spmem:s2] =	stream.indirect.scatter.add.f32 [tilespmem:s0], [sflag:$0x1], $0x28, s31, s8, $0xb8;
	[tilespmem:$0x1AC00] =	vst v63  }
0x1b5: {  	_ =	swait.ge [sflag:s26], $0x1400  }
0x1b6: {  	[sflag:s26] =	ssyncset.done $0x0  }
0x1b7: {  	[sflag:s26] =	ssyncadd.s32 $0xFFFFEC00  }
0x1b8: {  	_ =	swait.ge [sflag:s26], $0x1400  }
0x1b9: {  	[sflag:s26] =	ssyncset.done $0x0  }
0x1ba: {  	[sflag:s26] =	ssyncadd.s32 $0xFFFFEC00  }
0x1bb: {  	_ =	swait.ge [sflag:s26], $0x1400  }
0x1bc: {  	[sflag:s26] =	ssyncset.done $0x0  }
0x1bd: {  	[sflag:s26] =	ssyncadd.s32 $0xFFFFEC00  }
0x1be: {  	_ =	swait.ge [sflag:s26], $0x1400  }
0x1bf: {  	[sflag:s26] =	ssyncset.done $0x0  }
0x1c0: {  	[sflag:s26] =	ssyncadd.s32 $0xFFFFEC00  }
0x1c1: {  	_ =	swait.ge [sflag:s26], $0x1400  }
0x1c2: {  	[sflag:s26] =	ssyncset.done $0x0  }
0x1c3: {  	[sflag:s26] =	ssyncadd.s32 $0xFFFFEC00  }
0x1c4: {  	_ =	swait.ge [sflag:s26], $0x1400  }
0x1c5: {  	[sflag:s26] =	ssyncset.done $0x0  }
0x1c6: {  	[sflag:s26] =	ssyncadd.s32 $0xFFFFEC00  }
0x1c7: {  	_ =	swait.ge [sflag:s26], $0x1400  }
0x1c8: {  	[sflag:s26] =	ssyncset.done $0x0  }
0x1c9: {  	[sflag:s26] =	ssyncadd.s32 $0xFFFFEC00  }
0x1ca: {  	_ =	swait.ge [sflag:s26], $0x1400  }
0x1cb: {  	[sflag:s26] =	ssyncset.done $0x0  }
0x1cc: {  	[sflag:s26] =	ssyncadd.s32 $0xFFFFEC00  }
0x1cd: {  	_ =	swait.ge [sflag:s10], $0x400  }
0x1ce: {  	[sflag:s10] =	ssyncset.done $0x0  }
0x1cf: {  	[sflag:s10] =	ssyncadd.s32 $0xFFFFFC00  }
0x1d0: {  	_ =	swait.ge [sflag:s10], $0xA000  }
0x1d1: {  	[sflag:s10] =	ssyncset.done $0x0  }
0x1d2: {  	s0 =	rddreg [dreg:$0xc];
	[sflag:s10] =	ssyncadd.s32 $0xFFFF6000  }
0x1d3: {  	[tilespmem:s1], [sflag:$0x2] =	stream.linear.gather [hbm4b:s0+s1], $0x400, $0x38;
	[tilespmem:$0x1AC00] =	vst v63  }
0x1d4: {  	s31 =	rddreg [dreg:$0xd]  }
0x1d5: {  	[tilespmem:s3], [sflag:$0x2] =	stream.strided.gather [hbm4b:s31+s5], $0xA000, s8, s5, $0x38;
	[tilespmem:$0x1AC00] =	vst v63  }
0x1d6: {  	_ = 	snop  }
0x1d7: {  	[spmem:s2] =	stream.indirect.scatter.add.f32 [tilespmem:s7], [sflag:$0x1], $0x28, s12, s8, $0xb8;
	[tilespmem:$0x1AC00] =	vst v63  }
0x1d8: {  	_ = 	snop  }
0x1d9: {  	[spmem:s2] =	stream.indirect.scatter.add.f32 [tilespmem:s28], [sflag:$0x1], $0x28, s20, s8, $0xb8;
	[tilespmem:$0x1AC00] =	vst v63  }
0x1da: {  	_ = 	snop  }
0x1db: {  	[spmem:s2] =	stream.indirect.scatter.add.f32 [tilespmem:s13], [sflag:$0x1], $0x28, s29, s8, $0xb8;
	[tilespmem:$0x1AC00] =	vst v63  }
0x1dc: {  	_ = 	snop  }
0x1dd: {  	[spmem:s2] =	stream.indirect.scatter.add.f32 [tilespmem:s4], [sflag:$0x1], $0x28, s16, s8, $0xb8;
	[tilespmem:$0x1AC00] =	vst v63  }
0x1de: {  	_ = 	snop  }
0x1df: {  	[spmem:s2] =	stream.indirect.scatter.add.f32 [tilespmem:s6], [sflag:$0x1], $0x28, s18, s8, $0xb8;
	[tilespmem:$0x1AC00] =	vst v63  }
0x1e0: {  	_ = 	snop  }
0x1e1: {  	[spmem:s2] =	stream.indirect.scatter.add.f32 [tilespmem:s9], [sflag:$0x1], $0x28, s15, s8, $0xb8;
	[tilespmem:$0x1AC00] =	vst v63  }
0x1e2: {  	_ = 	snop  }
0x1e3: {  	[spmem:s2] =	stream.indirect.scatter.add.f32 [tilespmem:s11], [sflag:$0x1], $0x28, s17, s8, $0xb8;
	[tilespmem:$0x1AC00] =	vst v63  }
0x1e4: {  	_ = 	snop  }
0x1e5: {  	[spmem:s2] =	stream.indirect.scatter.add.f32 [tilespmem:s14], [sflag:$0x1], $0x28, s19, s8, $0xb8;
	[tilespmem:$0x1AC00] =	vst v63  }
0x1e6: {  	_ =	swait.ge [sflag:s26], $0x1400  }
0x1e7: {  	[sflag:s26] =	ssyncset.done $0x0  }
0x1e8: {  	[sflag:s26] =	ssyncadd.s32 $0xFFFFEC00  }
0x1e9: {  	_ =	swait.ge [sflag:s26], $0x1400  }
0x1ea: {  	[sflag:s26] =	ssyncset.done $0x0  }
0x1eb: {  	[sflag:s26] =	ssyncadd.s32 $0xFFFFEC00  }
0x1ec: {  	_ =	swait.ge [sflag:s26], $0x1400  }
0x1ed: {  	[sflag:s26] =	ssyncset.done $0x0  }
0x1ee: {  	[sflag:s26] =	ssyncadd.s32 $0xFFFFEC00  }
0x1ef: {  	_ =	swait.ge [sflag:s26], $0x1400  }
0x1f0: {  	[sflag:s26] =	ssyncset.done $0x0  }
0x1f1: {  	[sflag:s26] =	ssyncadd.s32 $0xFFFFEC00  }
0x1f2: {  	_ =	swait.ge [sflag:s26], $0x1400  }
0x1f3: {  	[sflag:s26] =	ssyncset.done $0x0  }
0x1f4: {  	[sflag:s26] =	ssyncadd.s32 $0xFFFFEC00  }
0x1f5: {  	_ =	swait.ge [sflag:s26], $0x1400  }
0x1f6: {  	[sflag:s26] =	ssyncset.done $0x0  }
0x1f7: {  	[sflag:s26] =	ssyncadd.s32 $0xFFFFEC00  }
0x1f8: {  	_ =	swait.ge [sflag:s26], $0x1400  }
0x1f9: {  	[sflag:s26] =	ssyncset.done $0x0  }
0x1fa: {  	[sflag:s26] =	ssyncadd.s32 $0xFFFFEC00  }
0x1fb: {  	_ =	swait.ge [sflag:s26], $0x1400  }
0x1fc: {  	[sflag:s26] =	ssyncset.done $0x0  }
0x1fd: {  	[sflag:s26] =	ssyncadd.s32 $0xFFFFEC00  }
0x1fe: {  	_ =	swait.ge [sflag:s10], $0x400  }
0x1ff: {  	[sflag:s10] =	ssyncset.done $0x0  }
0x200: {  	[sflag:s10] =	ssyncadd.s32 $0xFFFFFC00  }
0x201: {  	_ =	swait.ge [sflag:s10], $0xA000  }
0x202: {  	[sflag:s10] =	ssyncset.done $0x0  }
0x203: {  	[sflag:s10] =	ssyncadd.s32 $0xFFFF6000  }
0x204: {  	[spmem:s2] =	stream.indirect.scatter.add.f32 [tilespmem:s3], [sflag:$0x1], $0x28, s1, s8, $0xb8;
	[tilespmem:$0x1AC00] =	vst v63  }
0x205: {  	s4 =	simm.s32 $0x1C00  }
0x206: {  	[spmem:s2] =	stream.indirect.scatter.add.f32 [tilespmem:s4], [sflag:$0x1], $0x28, s8, s8, $0xb8;
	[tilespmem:$0x1AC00] =	vst v63  }
0x207: {  	s31 =	simm.s32 $0x100  }
0x208: {  	[spmem:s2] =	stream.indirect.scatter.add.f32 [tilespmem:s25], [sflag:$0x1], $0x28, s31, s8, $0xb8;
	[tilespmem:$0x1AC00] =	vst v63  }
0x209: {  	s1 =	simm.s32 $0x180  }
0x20a: {  	[spmem:s2] =	stream.indirect.scatter.add.f32 [tilespmem:s23], [sflag:$0x1], $0x28, s1, s8, $0xb8;
	[tilespmem:$0x1AC00] =	vst v63  }
0x20b: {  	s4 =	simm.s32 $0x200;
	s31 =	simm.s32 $0x5800  }
0x20c: {  	[spmem:s2] =	stream.indirect.scatter.add.f32 [tilespmem:s31], [sflag:$0x1], $0x28, s4, s8, $0xb8;
	[tilespmem:$0x1AC00] =	vst v63  }
0x20d: {  	s4 =	simm.s32 $0x280;
	s31 =	simm.s32 $0x6C00  }
0x20e: {  	[spmem:s2] =	stream.indirect.scatter.add.f32 [tilespmem:s31], [sflag:$0x1], $0x28, s4, s8, $0xb8;
	[tilespmem:$0x1AC00] =	vst v63  }
0x20f: {  	s1 =	simm.s32 $0x300  }
0x210: {  	[spmem:s2] =	stream.indirect.scatter.add.f32 [tilespmem:s24], [sflag:$0x1], $0x28, s1, s8, $0xb8;
	[tilespmem:$0x1AC00] =	vst v63  }
0x211: {  	s4 =	simm.s32 $0x380;
	s31 =	simm.s32 $0x9400  }
0x212: {  	[spmem:s2] =	stream.indirect.scatter.add.f32 [tilespmem:s31], [sflag:$0x1], $0x28, s4, s8, $0xb8;
	[tilespmem:$0x1AC00] =	vst v63  }
0x213: {  	_ =	swait.ge [sflag:s26], $0x1400  }
0x214: {  	[sflag:s26] =	ssyncset.done $0x0  }
0x215: {  	[sflag:s26] =	ssyncadd.s32 $0xFFFFEC00  }
0x216: {  	_ =	swait.ge [sflag:s26], $0x1400  }
0x217: {  	[sflag:s26] =	ssyncset.done $0x0  }
0x218: {  	[sflag:s26] =	ssyncadd.s32 $0xFFFFEC00  }
0x219: {  	_ =	swait.ge [sflag:s26], $0x1400  }
0x21a: {  	[sflag:s26] =	ssyncset.done $0x0  }
0x21b: {  	[sflag:s26] =	ssyncadd.s32 $0xFFFFEC00  }
0x21c: {  	_ =	swait.ge [sflag:s26], $0x1400  }
0x21d: {  	[sflag:s26] =	ssyncset.done $0x0  }
0x21e: {  	[sflag:s26] =	ssyncadd.s32 $0xFFFFEC00  }
0x21f: {  	_ =	swait.ge [sflag:s26], $0x1400  }
0x220: {  	[sflag:s26] =	ssyncset.done $0x0  }
0x221: {  	[sflag:s26] =	ssyncadd.s32 $0xFFFFEC00  }
0x222: {  	_ =	swait.ge [sflag:s26], $0x1400  }
0x223: {  	[sflag:s26] =	ssyncset.done $0x0  }
0x224: {  	[sflag:s26] =	ssyncadd.s32 $0xFFFFEC00  }
0x225: {  	_ =	swait.ge [sflag:s26], $0x1400  }
0x226: {  	[sflag:s26] =	ssyncset.done $0x0  }
0x227: {  	[sflag:s26] =	ssyncadd.s32 $0xFFFFEC00  }
0x228: {  	_ =	swait.ge [sflag:s26], $0x1400  }
0x229: {  	[sflag:s26] =	ssyncset.done $0x0  }
0x22a: {  	p0 =	sne.s32 s30, $0x1;
	[sflag:s26] =	ssyncadd.s32 $0xFFFFEC00  }
.Ltmp1:
0x22b: {  	[bflag:$0x0] =	sbarrier.arrive $0xFFFF;
	(pc) =	sbr.rel @p0 .LBB2_2-.Ltmp1, $4  }
0x22c: {  	s0 =	rddreg [dreg:$0x10]  }
0x22d: {  	s1 =	rddreg [dreg:$0xe]  }
0x22e: {  	s30 =	sadd.s32 $0xFFFFFFFF, s30;
	s4 =	rddreg [dreg:$0xf]  }
0x22f: {  	[hbm:s1@s4], [sflag:s22] =	dma.strided [spmem:s21@s0], $0xC80, s26, $0x5   }
.LBB2_3:
0x230: {  	s0 =	simm.s32 $0x3  }
0x231: {  	_ =	swait.ge [sflag:s0], $0xC80  }
0x232: {  	[sflag:s0] =	ssyncset.done $0x0  }
0x233: {  	[sflag:s0] =	ssyncadd.s32 $0xFFFFF380  }
0x234: {  	_ =	sfence.sel $0x180000  }
0x235: {  	[bflag:$0x0] =	sbarrier.arrive $0xFFFF  }
0x236: {  	_ =	strace $0x9000004A  }
0x237: {  	s31 =	stileid.u32;
	[bflag:$0x2] =	sbarrier.arrive $0xFFFF  }
0x238: {  	p0 =	sne.s32 s31, $0x0;
	s0 =	rddreg [dreg:$0x2]  }
0x239: {  	s0 =	sadd.s32 @!p0 $0x100000, s0  }
0x23a: {  	[sflag:s0] =	ssyncadd.tile.s32 @!p0 $0x1;
	_ =	shalt  }
.Lfunc_end2:
_tile_overlayer_lowered:
.L_overlay_start_2:
0x23b: {  	(tag) =	ssettag $0x2  }
0x23c: {  	s0 =	rddreg [dreg:$0x0];
	s2 =	stileid.u32  }
0x23d: {  	s1 =	rddreg [dreg:$0x1];
	p0 =	sne.s32 s2, $0x0  }
0x23e: {  	s3 =	rddreg [dreg:$0x2];
	[bflag:$0x3] =	sbarrier.arrive $0xFFFF;
	s2 =	simm.s32 @!p0 $0x1C03  }
0x23f: {  	[timem:s3], [sflag:s2] =	dma.local @!p0 [hbm:s0], s1  }
0x240: {  	s0 =	simm.s32 @!p0 $0x3  }
0x241: {  	_ =	swait.ge @!p0 [sflag:s0], s1  }
0x242: {  	s1 =	ssub.s32 @!p0 $0x0, s1;
	[sflag:s0] =	ssyncset.done @!p0 $0x0  }
0x243: {  	[sflag:s0] =	ssyncadd.s32 @!p0 s1  }
0x244: {  	[bflag:$0x3] =	sbarrier.arrive $0xFFFF  }
0x245: {  	_ =	shalt  }

// kernel: kernel.7.cloned.1.call-start
scs
__scs_entry_jumppad:
0x0: {  	(pc) =	sbr.rel $0x88, $3  }
0x1: {  	(tag) =	ssettag $0x0;
	lr =	simm.s32 $0x1  }
0x2: {  	[smem:$0x3F94] =	sst lr;
	_ =	strace $0xD0000000  }
0x3: {  	_ = 	snop  }
0x4: {  	_ = 	snop  }
0x5: {  	_ = 	snop  }
0x6: {  	_ = 	snop  }
0x7: {  	_ = 	snop  }
__scs_overlays_trampoline_lowered:
0x8: {  	[smem:$0x3FA3] =	sst s0  }
0x9: {  	[smem:$0x3FA4] =	sst s1  }
0xa: {  	[smem:$0x3FA5] =	sst s2  }
0xb: {  	[smem:$0x3FA6] =	sst s3  }
0xc: {  	[smem:$0x3FA7] =	sst s4  }
0xd: {  	[smem:$0x3FA8] =	sst s5  }
0xe: {  	[smem:$0x3FA9] =	sst s6  }
0xf: {  	[smem:$0x3FAA] =	sst s7  }
0x10: {  	[smem:$0x3FAB] =	sst s8  }
0x11: {  	[smem:$0x3FAC] =	sst s9;
	s0 =	simm.s32 @!p0 $0x0  }
0x12: {  	s1 =	sld [smem:$0x3F92];
	s0 =	simm.s32 @p0 $0x1  }
0x13: {  	[smem:$0x3FAD] =	sst s0;
	s0 =	simm.s32 @!p1 $0x0  }
0x14: {  	s2 =	sld [smem:$0x3F91];
	s0 =	simm.s32 @p1 $0x1  }
0x15: {  	[smem:$0x3FAE] =	sst s0;
	s0 =	simm.s32 @!p2 $0x0  }
0x16: {  	s3 =	sld [smem:$0x3FDB];
	s0 =	simm.s32 @p2 $0x1  }
0x17: {  	s4 =	simm.s32 $0x1BF5;
	[smem:$0x3FB0] =	sst s0  }
0x18: {  	s0 =	sld [smem:$0x3F93];
	_ =	swait.ge [sflag:s4], $0x0  }
0x19: {  	s7 =	sld [smem:$0x3F94]  }
0x1a: {  	s8 =	sadd.s32 $0xFFFFE003, lr  }
0x1b: {  	s9 =	sadd.s32 $0xFFFFFEF7, lr;
	s5 =	simm.s32 $0xFFFFFFFF;
	p2 =	slt.u32 s8, $0xFFFFF086  }
0x1c: {  	p1 =	slt.u32 s9, $0xF7A;
	s5 =	simm.s32 @!p2 $0x0  }
0x1d: {  	s5 =	simm.s32 @p1 $0x1;
	p0 =	seq.s32 s7, s2  }
0x1e: {  	s7 =	smul.u32 @!p0 $0xF7A, s2;
	p2 =	seq.s32 @!p0 s5, $0x0  }
0x1f: {  	s9 =	smul.u32 $0xF7A, s1;
	s8 =	simm.s32 @!p0 $0x1BF5;
	p2 =	por !p2, p0  }
0x20: {  	[sflag:s8] =	ssyncset.s32 @!p0 $0xFFFFF086;
	s6 =	sadd.s32 @!p0 s3, s7;
	s7 =	simm.s32 @!p0 $0x108  }
0x21: {  	s3 =	sadd.s32 s3, s9;
	s6 =	sadd.s32 @!p0 $0x88, s6;
	s7 =	simm.s32 @p2 $0x1082  }
0x22: {  	[simem:s7], [sflag:s8] =	dma.local @!p0 [hbm:s6], $0xF7A  }
0x23: {  	s9 =	sor.u32 $0xD0000000, s2;
	s6 =	simm.s32 $0x108;
	_ =	swait.ge @!p0 [sflag:s8], $0x0  }
0x24: {  	s3 =	sadd.s32 $0x88, s3;
	s6 =	simm.s32 @!p1 $0x1082;
	[sflag:s4] =	ssyncset.s32 $0xFFFFF086  }
0x25: {  	[simem:s6], [sflag:s4] =	dma.local [hbm:s3], $0xF7A  }
0x26: {  	[smem:$0x3F94] =	sst s1;
	(tag) =	ssettag s2;
	_ =	strace s9  }
0x27: {  	s1 =	sld [smem:$0x3FA4]  }
0x28: {  	s2 =	sld [smem:$0x3FA5]  }
0x29: {  	s4 =	sld [smem:$0x3FA7]  }
0x2a: {  	p0 =	seq.s32 s5, $0x0;
	s5 =	sld [smem:$0x3FA8]  }
0x2b: {  	s6 =	sld [smem:$0x3FA9]  }
0x2c: {  	s7 =	sld [smem:$0x3FAA]  }
0x2d: {  	s3 =	simm.s32 $0x108;
	s8 =	sld [smem:$0x3FAB]  }
0x2e: {  	s3 =	simm.s32 @!p0 $0x1082;
	s9 =	sld [smem:$0x3FAC]  }
0x2f: {  	lr =	sadd.s32 s0, s3;
	s0 =	sld [smem:$0x3FA3]  }
0x30: {  	s3 =	sld [smem:$0x3FA6]  }
0x31: {  	[smem:$0x3FAF] =	sst s10  }
0x32: {  	s10 =	sld [smem:$0x3FAD];
	_ =	sdelay $0x3  }
0x33: {  	p0 =	seq.s32 s10, $0x1;
	s10 =	sld [smem:$0x3FAF];
	_ =	sdelay $0x3  }
0x34: {  	[smem:$0x3FAF] =	sst s10  }
0x35: {  	s10 =	sld [smem:$0x3FAE];
	_ =	sdelay $0x3  }
0x36: {  	p1 =	seq.s32 s10, $0x1;
	s10 =	sld [smem:$0x3FAF];
	_ =	sdelay $0x3  }
0x37: {  	[smem:$0x3FAF] =	sst s10  }
0x38: {  	s10 =	sld [smem:$0x3FB0]  }
0x39: {  	_ = 	snop;
	(pc) =	sbr.ind lr, $3  }
0x3a: {  	_ = 	snop  }
0x3b: {  	_ = 	snop  }
0x3c: {  	p2 =	seq.s32 s10, $0x1;
	s10 =	sld [smem:$0x3FAF]  }
0x3d: {  	_ =	shalt  }
0x3e: {  	_ =	shalt  }
0x3f: {  	_ =	shalt  }
0x40: {  	_ =	shalt  }
0x41: {  	_ =	shalt  }
0x42: {  	_ =	shalt  }
0x43: {  	_ =	shalt  }
0x44: {  	_ =	shalt  }
0x45: {  	_ =	shalt  }
0x46: {  	_ =	shalt  }
0x47: {  	_ =	shalt  }
0x48: {  	_ =	shalt  }
0x49: {  	_ =	shalt  }
0x4a: {  	_ =	shalt  }
0x4b: {  	_ =	shalt  }
0x4c: {  	_ =	shalt  }
0x4d: {  	_ =	shalt  }
0x4e: {  	_ =	shalt  }
0x4f: {  	_ =	shalt  }
0x50: {  	_ =	shalt  }
0x51: {  	_ =	shalt  }
0x52: {  	_ =	shalt  }
0x53: {  	_ =	shalt  }
0x54: {  	_ =	shalt  }
0x55: {  	_ =	shalt  }
0x56: {  	_ =	shalt  }
0x57: {  	_ =	shalt  }
0x58: {  	_ =	shalt  }
0x59: {  	_ =	shalt  }
0x5a: {  	_ =	shalt  }
0x5b: {  	_ =	shalt  }
0x5c: {  	_ =	shalt  }
0x5d: {  	_ =	shalt  }
0x5e: {  	_ =	shalt  }
0x5f: {  	_ =	shalt  }
0x60: {  	_ =	shalt  }
0x61: {  	_ =	shalt  }
0x62: {  	_ =	shalt  }
0x63: {  	_ =	shalt  }
0x64: {  	_ =	shalt  }
0x65: {  	_ =	shalt  }
0x66: {  	_ =	shalt  }
0x67: {  	_ =	shalt  }
0x68: {  	_ =	shalt  }
0x69: {  	_ =	shalt  }
0x6a: {  	_ =	shalt  }
0x6b: {  	_ =	shalt  }
0x6c: {  	_ =	shalt  }
0x6d: {  	_ =	shalt  }
0x6e: {  	_ =	shalt  }
0x6f: {  	_ =	shalt  }
0x70: {  	_ =	shalt  }
0x71: {  	_ =	shalt  }
0x72: {  	_ =	shalt  }
0x73: {  	_ =	shalt  }
0x74: {  	_ =	shalt  }
0x75: {  	_ =	shalt  }
0x76: {  	_ =	shalt  }
0x77: {  	_ =	shalt  }
0x78: {  	_ =	shalt  }
0x79: {  	_ =	shalt  }
0x7a: {  	_ =	shalt  }
0x7b: {  	_ =	shalt  }
0x7c: {  	_ =	shalt  }
0x7d: {  	_ =	shalt  }
0x7e: {  	_ =	shalt  }
0x7f: {  	_ =	shalt  }
0x80: {  	_ =	shalt  }
0x81: {  	_ =	shalt  }
0x82: {  	_ =	shalt  }
0x83: {  	_ =	shalt  }
0x84: {  	_ =	shalt  }
0x85: {  	_ =	shalt  }
0x86: {  	_ =	shalt  }
0x87: {  	_ =	shalt  }
.Lfunc_end0:
.L_simem_size_0:
called_computation_lowered:
.L_overlay_start_0:
0x88: {  	s2 =	sld [smem:$0x3FD9]  }
0x89: {  	s3 =	sld [smem:$0x3FFE];
	_ =	sdelay $0x1  }
0x8a: {  	s1 =	srdreg.scid  }
0x8b: {  	s0 =	sand.u32 $0x1, s1  }
0x8c: {  	s16 =	sshll.u32 s0, $0xA;
	s2 =	sadd.s32 s3, s2  }
0x8d: {  	s2 =	sadd.s32 s2, s16  }
0x8e: {  	[smem:$0x3FBB] =	sst s2  }
0x8f: {  	_ = 	snop  }
0x90: {  	(tm) =	ssettm $0x1  }
0x91: {  	s17 =	sld [smem:$0x3FFB];
	_ =	sdelay $0x3  }
0x92: {  	_ =	strace s17  }
0x93: {  	s2 =	sld [smem:$0x3FFC];
	_ =	sdelay $0x3  }
0x94: {  	_ =	strace s2  }
0x95: {  	s2 =	sld [smem:$0x3FFD];
	_ =	sdelay $0x3  }
0x96: {  	_ =	strace s2  }
0x97: {  	_ =	strace $0x8FFFFFFF  }
0x98: {  	s18 =	sld [smem:$0x3FDB];
	_ =	sdelay $0x1  }
0x99: {  	s19 =	simm.s32 $_scs_section_size  }
0x9a: {  	s4 =	simm.s32 $_size__tile_overlayer_lowered;
	s5 =	simm.s32 $_tile_overlayer_lowered  }
0x9b: {  	s22 =	simm.s32 $0x1BFF;
	s21 =	sshll.u32 s5, $0x1;
	s2 =	sadd.s32 s19, s18  }
0x9c: {  	s6 =	simm.s32 $0x0;
	s20 =	sshll.u32 s4, $0x1;
	s4 =	sadd.s32 s21, s2  }
0x9d: {  	[timem:s6], [sflag:s22] =	dma.local [hbm:s4], s20  }
0x9e: {  	_ =	swait.ge [sflag:s22], s20  }
0x9f: {  	s3 =	ssub.s32 $0x0, s20;
	[sflag:s22] =	ssyncset.done $0x0  }
0xa0: {  	[sflag:s22] =	ssyncadd.s32 s3;
	_ =	sdelay $0x1  }
0xa1: {  	s23 =	simm.s32 $0x1B8B  }
0xa2: {  	_ =	swait.ge [sflag:s23], $0x1  }
0xa3: {  	[sflag:s23] =	ssyncset.done $0x0  }
0xa4: {  	s25 =	simm.s32 $0x1B8E;
	s24 =	sld [smem:$0x3FFE];
	[sflag:s23] =	ssyncadd.s32 $0xFFFFFFFF  }
0xa5: {  	s26 =	simm.s32 $execute0_lowered;
	[smem:$0x3FD2] =	sst s25  }
0xa6: {  	s4 =	sshll.u32 s26, $0x1;
	_ =	strace $0x80000046;
	[dreg:$0x1] =	wrdreg $0xFFFFFFFF  }
0xa7: {  	s28 =	simm.s32 $_size_execute0_lowered;
	s2 =	sadd.s32 s2, s4;
	[dreg:$0x0] =	wrdreg $0x0  }
0xa8: {  	s4 =	sshll.u32 s28, $0x1;
	[dreg:$0x2] =	wrdreg s2  }
0xa9: {  	[dreg:$0x3] =	wrdreg s4  }
0xaa: {  	[dreg:$0x4] =	wrdreg $0xC0  }
0xab: {  	_ =	task [dreg:s6], $0x5FFFF  }
0xac: {  	[dreg:$0x1] =	wrdreg $0xFFFFFFFF  }
0xad: {  	[dreg:$0x0] =	wrdreg $0x60  }
0xae: {  	[dreg:$0x2] =	wrdreg s24  }
0xaf: {  	[dreg:$0x3] =	wrdreg $0x0  }
0xb0: {  	[dreg:$0x4] =	wrdreg $0x9  }
0xb1: {  	_ =	task.clear_ibuf [dreg:s6], $0x5FFFF;
	_ =	strace $0x90000046  }
0xb2: {  	s29 =	simm.s32 $0x9;
	_ =	strace $0x80000048  }
0xb3: {  	_ =	swait.ge [sflag:s29], $0x1  }
0xb4: {  	[sflag:s29] =	ssyncadd.s32 $0xFFFFFFFF  }
0xb5: {  	_ =	strace $0x90000048  }
0xb6: {  	_ =	sfence  }
0xb7: {  	s30 =	sld [smem:$0x0];
	_ =	sdelay $0x2  }
0xb8: {  	s31 =	sshll.u32 s1, $0xD;
	s1 =	sshrl.u32 s1, $0x2  }
0xb9: {  	s3 =	sand.u32 $0x4000, s31;
	s1 =	sadd.s32 s1, s30  }
0xba: {  	s0 =	sor.u32 s3, s0;
	s1 =	sshll.u32 s1, $0x11  }
0xbb: {  	s0 =	sor.u32 s1, s0  }
0xbc: {  	s0 =	sadd.s32 $0x8F2B, s0  }
0xbd: {  	[sflag:s0] =	ssyncadd.remote.s32 $0x1  }
0xbe: {  	_ =	sfence.sel $0xFFFF  }
0xbf: {  	[dreg:$0x0] =	wrdreg $0xFFFFFFFF;
	(pc) =	sbr.abs _section_cstart, $3  }
0xc0: {  	[dreg:$0x1] =	wrdreg $0xFFFFFFFF  }
0xc1: {  	_ =	task.clear_ibuf [dreg:s6], $0x2FFFF;
	_ =	strace $0x9FFFFFFF  }
0xc2: {  	(tm) =	ssettm $0x7FFFFFFF  }
0xc3: {  	_ =	shalt  }
tec
execute0_lowered:
.L_overlay_start_1:
0x0: {  	(tag) =	ssettag $0x1  }
0x1: {  	s0 =	rddreg [dreg:$0x0]  }
0x2: {  	s2 =	rddreg [dreg:$0x1]  }
0x3: {  	s9 =	stileid.u32;
	s1 =	srdreg.scid  }
0x4: {  	s5 =	simm.s32 $0x0;
	s3 =	sand.u32 $0x1, s1;
	s21 =	sshll.u32 s9, $0x1  }
0x5: {  	s4 =	smul.u32 $0x7D00, s9;
	[smem:$0x7FF] =	sst s5;
	s1 =	sor.u32 s3, s21  }
0x6: {  	s8 =	sadd.s32 $0xD200, s0;
	p0 =	sgt.u32 s9, $0x9;
	s6 =	smul.u32 $0x280, s1  }
0x7: {  	[dreg:$0x10] =	wrdreg s3;
	s23 =	sshrl.u32 s4, $0x3;
	s7 =	smul.u32 $0x14000, s1  }
0x8: {  	_ =	strace $0x80000047;
	s1 =	smul.u32 $0x1400, s1;
	s4 =	sadd.s32 s4, s2  }
0x9: {  	s5 =	sadd.s32 s23, s0;
	s0 =	sadd.s32 $0x12200, s0;
	s4 =	sshrl.u32 @!p0 s4, $0x3  }
0xa: {  	s5 =	sadd.s32 $0x3400, s5;
	s24 =	sadd.s32 s8, s6;
	[dreg:$0xf] =	wrdreg s4  }
0xb: {  	s25 =	sadd.s32 s0, s7;
	s26 =	sadd.s32 $0x400, s1;
	[dreg:$0x3] =	wrdreg s5  }
0xc: {  	s29 =	sadd.s32 $0x800, s1;
	s15 =	sadd.s32 $0xC00, s1;
	[dreg:$0x4] =	wrdreg s24  }
0xd: {  	s1 =	sadd.s32 $0x1000, s1;
	[dreg:$0x5] =	wrdreg s25;
	s28 =	sshrl.u32 s26, $0x3  }
0xe: {  	s6 =	sshll.u32 s26, $0x4;
	s5 =	sadd.s32 s8, s28;
	s7 =	rddreg [dreg:$0x3]  }
0xf: {  	s11 =	sshrl.u32 s29, $0x3;
	s10 =	sadd.s32 s0, s6;
	[dreg:$0x6] =	wrdreg s5  }
0x10: {  	s13 =	sshll.u32 s29, $0x4;
	s12 =	sadd.s32 s8, s11;
	[dreg:$0x7] =	wrdreg s10  }
0x11: {  	s18 =	sshrl.u32 s1, $0x3;
	s14 =	sadd.s32 s0, s13;
	[dreg:$0x8] =	wrdreg s12  }
0x12: {  	s16 =	sshrl.u32 s15, $0x3;
	s4 =	sadd.s32 s8, s18;
	[dreg:$0x9] =	wrdreg s14  }
0x13: {  	s6 =	sshll.u32 s15, $0x4;
	s5 =	sadd.s32 s8, s16;
	[dreg:$0xc] =	wrdreg s4  }
0x14: {  	s1 =	sshll.u32 s1, $0x4;
	s17 =	sadd.s32 s0, s6;
	[dreg:$0xa] =	wrdreg s5  }
0x15: {  	s6 =	sshll.u32 @!p0 s9, $0x6;
	s0 =	sadd.s32 s0, s1;
	[dreg:$0xb] =	wrdreg s17  }
0x16: {  	s5 =	sor.u32 @!p0 $0x1C03, s6;
	[dreg:$0xd] =	wrdreg s0  }
0x17: {  	[dreg:$0xe] =	wrdreg s5  }
0x18: {  	s5 =	rddreg [dreg:$0xf]  }
0x19: {  	s0 =	simm.s32 @!p0 $0x3;
	s6 =	rddreg [dreg:$0xe]  }
0x1a: {  	[spmem:s5], [sflag:s6] =	dma.local @!p0 [hbm:s7], $0xFA0  }
0x1b: {  	_ =	swait.ge @!p0 [sflag:s0], $0xFA0  }
0x1c: {  	[sflag:s0] =	ssyncset.done @!p0 $0x0  }
0x1d: {  	[sflag:s0] =	ssyncadd.s32 @!p0 $0xFFFFF060  }
0x1e: {  	s22 =	simm.s32 $0x0;
	[bflag:$0x0] =	sbarrier.arrive $0xFFFF  }
0x1f: {  	s8 =	simm.s32 $0x4E20;
	s6 =	simm.s32 $0x3;
	s19 =	rddreg [dreg:$0x4]  }
0x20: {  	[tilespmem:s8], [sflag:$0x3] =	stream.linear.gather [hbm4b:s19+s22], $0x400, $0x38;
	[tilespmem:$0x15620] =	vst v63  }
0x21: {  	_ =	swait.ge [sflag:s6], $0x400  }
0x22: {  	[sflag:s6] =	ssyncset.done $0x0  }
0x23: {  	s28 =	simm.s32 $0x5620;
	s7 =	simm.s32 $0x80;
	[sflag:s6] =	ssyncadd.s32 $0xFFFFFC00  }
0x24: {  	[tilespmem:s28], [sflag:$0x1] =	stream.indirect.gather [spmem:s2], $0x20, s8, s7, $0xb8;
	[tilespmem:$0x15620] =	vst v63  }
0x25: {  	s20 =	simm.s32 $0x4EA0;
	s21 =	simm.s32 $0x6620  }
0x26: {  	[tilespmem:s21], [sflag:$0x1] =	stream.indirect.gather [spmem:s2], $0x20, s20, s7, $0xb8;
	[tilespmem:$0x15620] =	vst v63  }
0x27: {  	s23 =	simm.s32 $0x7620;
	s22 =	simm.s32 $0x4F20  }
0x28: {  	[tilespmem:s23], [sflag:$0x1] =	stream.indirect.gather [spmem:s2], $0x20, s22, s7, $0xb8;
	[tilespmem:$0x15620] =	vst v63  }
0x29: {  	s24 =	simm.s32 $0x4FA0;
	s25 =	simm.s32 $0x8620  }
0x2a: {  	[tilespmem:s25], [sflag:$0x1] =	stream.indirect.gather [spmem:s2], $0x20, s24, s7, $0xb8;
	[tilespmem:$0x15620] =	vst v63  }
0x2b: {  	s26 =	simm.s32 $0x5020;
	s29 =	simm.s32 $0x9620  }
0x2c: {  	[tilespmem:s29], [sflag:$0x1] =	stream.indirect.gather [spmem:s2], $0x20, s26, s7, $0xb8;
	[tilespmem:$0x15620] =	vst v63  }
0x2d: {  	s3 =	simm.s32 $0x50A0;
	s4 =	simm.s32 $0xA620  }
0x2e: {  	[tilespmem:s4], [sflag:$0x1] =	stream.indirect.gather [spmem:s2], $0x20, s3, s7, $0xb8;
	[tilespmem:$0x15620] =	vst v63  }
0x2f: {  	s9 =	simm.s32 $0xB620;
	s5 =	simm.s32 $0x5120  }
0x30: {  	[tilespmem:s9], [sflag:$0x1] =	stream.indirect.gather [spmem:s2], $0x20, s5, s7, $0xb8;
	[tilespmem:$0x15620] =	vst v63  }
0x31: {  	s11 =	simm.s32 $0xC620;
	s10 =	simm.s32 $0x51A0;
	s23 =	simm.s32 $0x1  }
0x32: {  	[tilespmem:s11], [sflag:$0x1] =	stream.indirect.gather [spmem:s2], $0x20, s10, s7, $0xb8;
	[tilespmem:$0x15620] =	vst v63  }
0x33: {  	_ =	swait.ge [sflag:s23], $0x1000  }
0x34: {  	[sflag:s23] =	ssyncset.done $0x0  }
0x35: {  	[sflag:s23] =	ssyncadd.s32 $0xFFFFF000  }
0x36: {  	_ =	swait.ge [sflag:s23], $0x1000  }
0x37: {  	[sflag:s23] =	ssyncset.done $0x0  }
0x38: {  	[sflag:s23] =	ssyncadd.s32 $0xFFFFF000  }
0x39: {  	_ =	swait.ge [sflag:s23], $0x1000  }
0x3a: {  	[sflag:s23] =	ssyncset.done $0x0  }
0x3b: {  	[sflag:s23] =	ssyncadd.s32 $0xFFFFF000  }
0x3c: {  	_ =	swait.ge [sflag:s23], $0x1000  }
0x3d: {  	[sflag:s23] =	ssyncset.done $0x0  }
0x3e: {  	[sflag:s23] =	ssyncadd.s32 $0xFFFFF000  }
0x3f: {  	_ =	swait.ge [sflag:s23], $0x1000  }
0x40: {  	[sflag:s23] =	ssyncset.done $0x0  }
0x41: {  	[sflag:s23] =	ssyncadd.s32 $0xFFFFF000  }
0x42: {  	_ =	swait.ge [sflag:s23], $0x1000  }
0x43: {  	[sflag:s23] =	ssyncset.done $0x0  }
0x44: {  	[sflag:s23] =	ssyncadd.s32 $0xFFFFF000  }
0x45: {  	_ =	swait.ge [sflag:s23], $0x1000  }
0x46: {  	[sflag:s23] =	ssyncset.done $0x0  }
0x47: {  	[sflag:s23] =	ssyncadd.s32 $0xFFFFF000  }
0x48: {  	_ =	swait.ge [sflag:s23], $0x1000  }
0x49: {  	[sflag:s23] =	ssyncset.done $0x0  }
0x4a: {  	s5 =	simm.s32 $0x20;
	s12 =	rddreg [dreg:$0x5];
	[sflag:s23] =	ssyncadd.s32 $0xFFFFF000  }
0x4b: {  	[hbm4b:s12+s5] =	stream.strided.scatter [tilespmem:s28], [sflag:$0x2], $0x8000, s7, s5, $0x38;
	[tilespmem:$0x15620] =	vst v63  }
0x4c: {  	s14 =	simm.s32 $0x0;
	s26 =	simm.s32 $0x5220;
	s13 =	rddreg [dreg:$0x6]  }
0x4d: {  	[tilespmem:s26], [sflag:$0x3] =	stream.linear.gather [hbm4b:s13+s14], $0x400, $0x38;
	[tilespmem:$0x15620] =	vst v63  }
0x4e: {  	_ =	swait.ge [sflag:s6], $0x400  }
0x4f: {  	[sflag:s6] =	ssyncset.done $0x0  }
0x50: {  	s3 =	simm.s32 $0xD620;
	[sflag:s6] =	ssyncadd.s32 $0xFFFFFC00  }
0x51: {  	[tilespmem:s3], [sflag:$0x1] =	stream.indirect.gather [spmem:s2], $0x20, s26, s7, $0xb8;
	[tilespmem:$0x15620] =	vst v63  }
0x52: {  	s15 =	simm.s32 $0x52A0;
	s16 =	simm.s32 $0xE620  }
0x53: {  	[tilespmem:s16], [sflag:$0x1] =	stream.indirect.gather [spmem:s2], $0x20, s15, s7, $0xb8;
	[tilespmem:$0x15620] =	vst v63  }
0x54: {  	s18 =	simm.s32 $0xF620;
	s17 =	simm.s32 $0x5320  }
0x55: {  	[tilespmem:s18], [sflag:$0x1] =	stream.indirect.gather [spmem:s2], $0x20, s17, s7, $0xb8;
	[tilespmem:$0x15620] =	vst v63  }
0x56: {  	s19 =	simm.s32 $0x53A0;
	s20 =	simm.s32 $0x10620  }
0x57: {  	[tilespmem:s20], [sflag:$0x1] =	stream.indirect.gather [spmem:s2], $0x20, s19, s7, $0xb8;
	[tilespmem:$0x15620] =	vst v63  }
0x58: {  	s21 =	simm.s32 $0x5420;
	s22 =	simm.s32 $0x11620  }
0x59: {  	[tilespmem:s22], [sflag:$0x1] =	stream.indirect.gather [spmem:s2], $0x20, s21, s7, $0xb8;
	[tilespmem:$0x15620] =	vst v63  }
0x5a: {  	s24 =	simm.s32 $0x54A0;
	s25 =	simm.s32 $0x12620  }
0x5b: {  	[tilespmem:s25], [sflag:$0x1] =	stream.indirect.gather [spmem:s2], $0x20, s24, s7, $0xb8;
	[tilespmem:$0x15620] =	vst v63  }
0x5c: {  	s25 =	simm.s32 $0x5520;
	s24 =	simm.s32 $0x13620  }
0x5d: {  	[tilespmem:s24], [sflag:$0x1] =	stream.indirect.gather [spmem:s2], $0x20, s25, s7, $0xb8;
	[tilespmem:$0x15620] =	vst v63  }
0x5e: {  	s22 =	simm.s32 $0x55A0;
	s21 =	simm.s32 $0x14620  }
0x5f: {  	[tilespmem:s21], [sflag:$0x1] =	stream.indirect.gather [spmem:s2], $0x20, s22, s7, $0xb8;
	[tilespmem:$0x15620] =	vst v63  }
0x60: {  	_ =	swait.ge [sflag:s23], $0x1000  }
0x61: {  	[sflag:s23] =	ssyncset.done $0x0  }
0x62: {  	[sflag:s23] =	ssyncadd.s32 $0xFFFFF000  }
0x63: {  	_ =	swait.ge [sflag:s23], $0x1000  }
0x64: {  	[sflag:s23] =	ssyncset.done $0x0  }
0x65: {  	[sflag:s23] =	ssyncadd.s32 $0xFFFFF000  }
0x66: {  	_ =	swait.ge [sflag:s23], $0x1000  }
0x67: {  	[sflag:s23] =	ssyncset.done $0x0  }
0x68: {  	[sflag:s23] =	ssyncadd.s32 $0xFFFFF000  }
0x69: {  	_ =	swait.ge [sflag:s23], $0x1000  }
0x6a: {  	[sflag:s23] =	ssyncset.done $0x0  }
0x6b: {  	[sflag:s23] =	ssyncadd.s32 $0xFFFFF000  }
0x6c: {  	_ =	swait.ge [sflag:s23], $0x1000  }
0x6d: {  	[sflag:s23] =	ssyncset.done $0x0  }
0x6e: {  	[sflag:s23] =	ssyncadd.s32 $0xFFFFF000  }
0x6f: {  	_ =	swait.ge [sflag:s23], $0x1000  }
0x70: {  	[sflag:s23] =	ssyncset.done $0x0  }
0x71: {  	[sflag:s23] =	ssyncadd.s32 $0xFFFFF000  }
0x72: {  	_ =	swait.ge [sflag:s23], $0x1000  }
0x73: {  	[sflag:s23] =	ssyncset.done $0x0  }
0x74: {  	[sflag:s23] =	ssyncadd.s32 $0xFFFFF000  }
0x75: {  	_ =	swait.ge [sflag:s23], $0x1000  }
0x76: {  	[sflag:s23] =	ssyncset.done $0x0  }
0x77: {  	s31 =	rddreg [dreg:$0x7];
	[sflag:s23] =	ssyncadd.s32 $0xFFFFF000  }
0x78: {  	[hbm4b:s31+s5] =	stream.strided.scatter [tilespmem:s3], [sflag:$0x2], $0x8000, s7, s5, $0x38;
	[tilespmem:$0x15620] =	vst v63  }
0x79: {  	s30 =	rddreg [dreg:$0x8]  }
0x7a: {  	[tilespmem:s8], [sflag:$0x3] =	stream.linear.gather [hbm4b:s30+s14], $0x400, $0x38;
	[tilespmem:$0x15620] =	vst v63  }
0x7b: {  	_ =	swait.ge [sflag:s6], $0x400  }
0x7c: {  	[sflag:s6] =	ssyncset.done $0x0  }
0x7d: {  	s30 =	simm.s32 $0x2;
	[sflag:s6] =	ssyncadd.s32 $0xFFFFFC00  }
0x7e: {  	_ =	swait.ge [sflag:s30], $0x8000  }
0x7f: {  	[sflag:s30] =	ssyncset.done $0x0  }
0x80: {  	[sflag:s30] =	ssyncadd.s32 $0xFFFF8000  }
0x81: {  	[tilespmem:s28], [sflag:$0x1] =	stream.indirect.gather [spmem:s2], $0x20, s8, s7, $0xb8;
	[tilespmem:$0x15620] =	vst v63  }
0x82: {  	s0 =	simm.s32 $0x4EA0;
	s13 =	simm.s32 $0x6620  }
0x83: {  	[tilespmem:s13], [sflag:$0x1] =	stream.indirect.gather [spmem:s2], $0x20, s0, s7, $0xb8;
	[tilespmem:$0x15620] =	vst v63  }
0x84: {  	s1 =	simm.s32 $0x4F20;
	s18 =	simm.s32 $0x7620  }
0x85: {  	[tilespmem:s18], [sflag:$0x1] =	stream.indirect.gather [spmem:s2], $0x20, s1, s7, $0xb8;
	[tilespmem:$0x15620] =	vst v63  }
0x86: {  	s4 =	simm.s32 $0x4FA0;
	s16 =	simm.s32 $0x8620  }
0x87: {  	[tilespmem:s16], [sflag:$0x1] =	stream.indirect.gather [spmem:s2], $0x20, s4, s7, $0xb8;
	[tilespmem:$0x15620] =	vst v63  }
0x88: {  	s9 =	simm.s32 $0x5020;
	s20 =	simm.s32 $0x9620  }
0x89: {  	[tilespmem:s20], [sflag:$0x1] =	stream.indirect.gather [spmem:s2], $0x20, s9, s7, $0xb8;
	[tilespmem:$0x15620] =	vst v63  }
0x8a: {  	s10 =	simm.s32 $0x50A0;
	s15 =	simm.s32 $0xA620  }
0x8b: {  	[tilespmem:s15], [sflag:$0x1] =	stream.indirect.gather [spmem:s2], $0x20, s10, s7, $0xb8;
	[tilespmem:$0x15620] =	vst v63  }
0x8c: {  	s11 =	simm.s32 $0x5120;
	s17 =	simm.s32 $0xB620  }
0x8d: {  	[tilespmem:s17], [sflag:$0x1] =	stream.indirect.gather [spmem:s2], $0x20, s11, s7, $0xb8;
	[tilespmem:$0x15620] =	vst v63  }
0x8e: {  	s12 =	simm.s32 $0x51A0;
	s19 =	simm.s32 $0xC620  }
0x8f: {  	[tilespmem:s19], [sflag:$0x1] =	stream.indirect.gather [spmem:s2], $0x20, s12, s7, $0xb8;
	[tilespmem:$0x15620] =	vst v63  }
0x90: {  	_ =	swait.ge [sflag:s23], $0x1000  }
0x91: {  	[sflag:s23] =	ssyncset.done $0x0  }
0x92: {  	[sflag:s23] =	ssyncadd.s32 $0xFFFFF000  }
0x93: {  	_ =	swait.ge [sflag:s23], $0x1000  }
0x94: {  	[sflag:s23] =	ssyncset.done $0x0  }
0x95: {  	[sflag:s23] =	ssyncadd.s32 $0xFFFFF000  }
0x96: {  	_ =	swait.ge [sflag:s23], $0x1000  }
0x97: {  	[sflag:s23] =	ssyncset.done $0x0  }
0x98: {  	[sflag:s23] =	ssyncadd.s32 $0xFFFFF000  }
0x99: {  	_ =	swait.ge [sflag:s23], $0x1000  }
0x9a: {  	[sflag:s23] =	ssyncset.done $0x0  }
0x9b: {  	[sflag:s23] =	ssyncadd.s32 $0xFFFFF000  }
0x9c: {  	_ =	swait.ge [sflag:s23], $0x1000  }
0x9d: {  	[sflag:s23] =	ssyncset.done $0x0  }
0x9e: {  	[sflag:s23] =	ssyncadd.s32 $0xFFFFF000  }
0x9f: {  	_ =	swait.ge [sflag:s23], $0x1000  }
0xa0: {  	[sflag:s23] =	ssyncset.done $0x0  }
0xa1: {  	[sflag:s23] =	ssyncadd.s32 $0xFFFFF000  }
0xa2: {  	_ =	swait.ge [sflag:s23], $0x1000  }
0xa3: {  	[sflag:s23] =	ssyncset.done $0x0  }
0xa4: {  	[sflag:s23] =	ssyncadd.s32 $0xFFFFF000  }
0xa5: {  	_ =	swait.ge [sflag:s23], $0x1000  }
0xa6: {  	s31 =	rddreg [dreg:$0x9]  }
0xa7: {  	[sflag:s23] =	ssyncset.done $0x0;
	[dreg:$0x11] =	wrdreg s31  }
0xa8: {  	[sflag:s23] =	ssyncadd.s32 $0xFFFFF000;
	s29 =	rddreg [dreg:$0x11]  }
0xa9: {  	[hbm4b:s29+s5] =	stream.strided.scatter [tilespmem:s28], [sflag:$0x2], $0x8000, s7, s5, $0x38;
	[tilespmem:$0x15620] =	vst v63  }
0xaa: {  	s14 =	simm.s32 $0x0;
	s31 =	rddreg [dreg:$0xa]  }
0xab: {  	[tilespmem:s26], [sflag:$0x3] =	stream.linear.gather [hbm4b:s31+s14], $0x400, $0x38;
	[tilespmem:$0x15620] =	vst v63  }
0xac: {  	_ =	swait.ge [sflag:s6], $0x400  }
0xad: {  	[sflag:s6] =	ssyncset.done $0x0  }
0xae: {  	[sflag:s6] =	ssyncadd.s32 $0xFFFFFC00  }
0xaf: {  	_ =	swait.ge [sflag:s30], $0x8000  }
0xb0: {  	[sflag:s30] =	ssyncset.done $0x0  }
0xb1: {  	[sflag:s30] =	ssyncadd.s32 $0xFFFF8000  }
0xb2: {  	[tilespmem:s3], [sflag:$0x1] =	stream.indirect.gather [spmem:s2], $0x20, s26, s7, $0xb8;
	[tilespmem:$0x15620] =	vst v63  }
0xb3: {  	s29 =	simm.s32 $0xE620;
	s31 =	simm.s32 $0x52A0  }
0xb4: {  	[tilespmem:s29], [sflag:$0x1] =	stream.indirect.gather [spmem:s2], $0x20, s31, s7, $0xb8;
	[tilespmem:$0x15620] =	vst v63  }
0xb5: {  	s29 =	simm.s32 $0xF620;
	s31 =	simm.s32 $0x5320  }
0xb6: {  	[tilespmem:s29], [sflag:$0x1] =	stream.indirect.gather [spmem:s2], $0x20, s31, s7, $0xb8;
	[tilespmem:$0x15620] =	vst v63  }
0xb7: {  	s29 =	simm.s32 $0x53A0;
	s31 =	simm.s32 $0x10620  }
0xb8: {  	[tilespmem:s31], [sflag:$0x1] =	stream.indirect.gather [spmem:s2], $0x20, s29, s7, $0xb8;
	[tilespmem:$0x15620] =	vst v63  }
0xb9: {  	s29 =	simm.s32 $0x5420;
	s31 =	simm.s32 $0x11620  }
0xba: {  	[tilespmem:s31], [sflag:$0x1] =	stream.indirect.gather [spmem:s2], $0x20, s29, s7, $0xb8;
	[tilespmem:$0x15620] =	vst v63  }
0xbb: {  	s26 =	simm.s32 $0x54A0;
	s29 =	simm.s32 $0x12620  }
0xbc: {  	[tilespmem:s29], [sflag:$0x1] =	stream.indirect.gather [spmem:s2], $0x20, s26, s7, $0xb8;
	[tilespmem:$0x15620] =	vst v63  }
0xbd: {  	_ = 	snop  }
0xbe: {  	[tilespmem:s24], [sflag:$0x1] =	stream.indirect.gather [spmem:s2], $0x20, s25, s7, $0xb8;
	[tilespmem:$0x15620] =	vst v63  }
0xbf: {  	_ = 	snop  }
0xc0: {  	[tilespmem:s21], [sflag:$0x1] =	stream.indirect.gather [spmem:s2], $0x20, s22, s7, $0xb8;
	[tilespmem:$0x15620] =	vst v63  }
0xc1: {  	_ =	swait.ge [sflag:s23], $0x1000  }
0xc2: {  	[sflag:s23] =	ssyncset.done $0x0  }
0xc3: {  	[sflag:s23] =	ssyncadd.s32 $0xFFFFF000  }
0xc4: {  	_ =	swait.ge [sflag:s23], $0x1000  }
0xc5: {  	[sflag:s23] =	ssyncset.done $0x0  }
0xc6: {  	[sflag:s23] =	ssyncadd.s32 $0xFFFFF000  }
0xc7: {  	_ =	swait.ge [sflag:s23], $0x1000  }
0xc8: {  	[sflag:s23] =	ssyncset.done $0x0  }
0xc9: {  	[sflag:s23] =	ssyncadd.s32 $0xFFFFF000  }
0xca: {  	_ =	swait.ge [sflag:s23], $0x1000  }
0xcb: {  	[sflag:s23] =	ssyncset.done $0x0  }
0xcc: {  	[sflag:s23] =	ssyncadd.s32 $0xFFFFF000  }
0xcd: {  	_ =	swait.ge [sflag:s23], $0x1000  }
0xce: {  	[sflag:s23] =	ssyncset.done $0x0  }
0xcf: {  	[sflag:s23] =	ssyncadd.s32 $0xFFFFF000  }
0xd0: {  	_ =	swait.ge [sflag:s23], $0x1000  }
0xd1: {  	[sflag:s23] =	ssyncset.done $0x0  }
0xd2: {  	[sflag:s23] =	ssyncadd.s32 $0xFFFFF000  }
0xd3: {  	_ =	swait.ge [sflag:s23], $0x1000  }
0xd4: {  	[sflag:s23] =	ssyncset.done $0x0  }
0xd5: {  	[sflag:s23] =	ssyncadd.s32 $0xFFFFF000  }
0xd6: {  	_ =	swait.ge [sflag:s23], $0x1000  }
0xd7: {  	[sflag:s23] =	ssyncset.done $0x0  }
0xd8: {  	s24 =	rddreg [dreg:$0xb];
	[sflag:s23] =	ssyncadd.s32 $0xFFFFF000  }
0xd9: {  	[hbm4b:s24+s5] =	stream.strided.scatter [tilespmem:s3], [sflag:$0x2], $0x8000, s7, s5, $0x38;
	[tilespmem:$0x15620] =	vst v63  }
0xda: {  	s31 =	rddreg [dreg:$0xc]  }
0xdb: {  	[tilespmem:s8], [sflag:$0x3] =	stream.linear.gather [hbm4b:s31+s14], $0x400, $0x38;
	[tilespmem:$0x15620] =	vst v63  }
0xdc: {  	_ =	swait.ge [sflag:s6], $0x400  }
0xdd: {  	[sflag:s6] =	ssyncset.done $0x0  }
0xde: {  	[sflag:s6] =	ssyncadd.s32 $0xFFFFFC00  }
0xdf: {  	_ =	swait.ge [sflag:s30], $0x8000  }
0xe0: {  	[sflag:s30] =	ssyncset.done $0x0  }
0xe1: {  	[sflag:s30] =	ssyncadd.s32 $0xFFFF8000  }
0xe2: {  	[tilespmem:s28], [sflag:$0x1] =	stream.indirect.gather [spmem:s2], $0x20, s8, s7, $0xb8;
	[tilespmem:$0x15620] =	vst v63  }
0xe3: {  	_ = 	snop  }
0xe4: {  	[tilespmem:s13], [sflag:$0x1] =	stream.indirect.gather [spmem:s2], $0x20, s0, s7, $0xb8;
	[tilespmem:$0x15620] =	vst v63  }
0xe5: {  	_ = 	snop  }
0xe6: {  	[tilespmem:s18], [sflag:$0x1] =	stream.indirect.gather [spmem:s2], $0x20, s1, s7, $0xb8;
	[tilespmem:$0x15620] =	vst v63  }
0xe7: {  	_ = 	snop  }
0xe8: {  	[tilespmem:s16], [sflag:$0x1] =	stream.indirect.gather [spmem:s2], $0x20, s4, s7, $0xb8;
	[tilespmem:$0x15620] =	vst v63  }
0xe9: {  	_ = 	snop  }
0xea: {  	[tilespmem:s20], [sflag:$0x1] =	stream.indirect.gather [spmem:s2], $0x20, s9, s7, $0xb8;
	[tilespmem:$0x15620] =	vst v63  }
0xeb: {  	_ = 	snop  }
0xec: {  	[tilespmem:s15], [sflag:$0x1] =	stream.indirect.gather [spmem:s2], $0x20, s10, s7, $0xb8;
	[tilespmem:$0x15620] =	vst v63  }
0xed: {  	_ = 	snop  }
0xee: {  	[tilespmem:s17], [sflag:$0x1] =	stream.indirect.gather [spmem:s2], $0x20, s11, s7, $0xb8;
	[tilespmem:$0x15620] =	vst v63  }
0xef: {  	_ = 	snop  }
0xf0: {  	[tilespmem:s19], [sflag:$0x1] =	stream.indirect.gather [spmem:s2], $0x20, s12, s7, $0xb8;
	[tilespmem:$0x15620] =	vst v63  }
0xf1: {  	_ =	swait.ge [sflag:s23], $0x1000  }
0xf2: {  	[sflag:s23] =	ssyncset.done $0x0  }
0xf3: {  	[sflag:s23] =	ssyncadd.s32 $0xFFFFF000  }
0xf4: {  	_ =	swait.ge [sflag:s23], $0x1000  }
0xf5: {  	[sflag:s23] =	ssyncset.done $0x0  }
0xf6: {  	[sflag:s23] =	ssyncadd.s32 $0xFFFFF000  }
0xf7: {  	_ =	swait.ge [sflag:s23], $0x1000  }
0xf8: {  	[sflag:s23] =	ssyncset.done $0x0  }
0xf9: {  	[sflag:s23] =	ssyncadd.s32 $0xFFFFF000  }
0xfa: {  	_ =	swait.ge [sflag:s23], $0x1000  }
0xfb: {  	[sflag:s23] =	ssyncset.done $0x0  }
0xfc: {  	[sflag:s23] =	ssyncadd.s32 $0xFFFFF000  }
0xfd: {  	_ =	swait.ge [sflag:s23], $0x1000  }
0xfe: {  	[sflag:s23] =	ssyncset.done $0x0  }
0xff: {  	[sflag:s23] =	ssyncadd.s32 $0xFFFFF000  }
0x100: {  	_ =	swait.ge [sflag:s23], $0x1000  }
0x101: {  	[sflag:s23] =	ssyncset.done $0x0  }
0x102: {  	[sflag:s23] =	ssyncadd.s32 $0xFFFFF000  }
0x103: {  	_ =	swait.ge [sflag:s23], $0x1000  }
0x104: {  	[sflag:s23] =	ssyncset.done $0x0  }
0x105: {  	[sflag:s23] =	ssyncadd.s32 $0xFFFFF000  }
0x106: {  	_ =	swait.ge [sflag:s23], $0x1000  }
0x107: {  	s25 =	rddreg [dreg:$0x10]  }
0x108: {  	[sflag:s23] =	ssyncset.done $0x0;
	s26 =	ssub.s32 $0x2, s25  }
0x109: {  	s29 =	rddreg [dreg:$0xd];
	[sflag:s23] =	ssyncadd.s32 $0xFFFFF000;
	s31 =	sshrl.u32 s26, $0x1  }
0x10a: {  	[hbm4b:s29+s5] =	stream.strided.scatter [tilespmem:s28], [sflag:$0x2], $0x8000, s7, s5, $0x38;
	[tilespmem:$0x15620] =	vst v63  }
0x10b: {  	s31 =	ssub.s32 s26, s31  }
0x10c: {  	s31 =	smax.u32 s31, $0x1  }
0x10d: {  	s31 =	sadd.s32 $0xFFFFFFFF, s31  }
0x10e: {  	p1 =	sne.s32 s31, $0x0  }
.Ltmp0:
0x10f: {  	_ = 	snop;
	(pc) =	sbr.rel @!p1 .LBB2_3-.Ltmp0, $4  }
0x110: {  	_ =	swait.ge [sflag:s30], $0x8000  }
0x111: {  	[sflag:s30] =	ssyncset.done $0x0  }
0x112: {  	[sflag:s30] =	ssyncadd.s32 $0xFFFF8000  }
0x113: {  	_ =	swait.ge [sflag:s30], $0x8000  }
0x114: {  	s24 =	simm.s32 $0x0  }
0x115: {  	s8 =	simm.s32 $0x4E20;
	s4 =	simm.s32 $0x5620;
	s22 =	simm.s32 $0x7620  }
0x116: {  	s21 =	simm.s32 $0xB620;
	s25 =	simm.s32 $0xC620;
	s5 =	simm.s32 $0x20  }
0x117: {  	s26 =	simm.s32 $0x5220;
	s3 =	simm.s32 $0xD620;
	s29 =	simm.s32 $0xE620  }
0x118: {  	s16 =	simm.s32 $0x5320;
	s9 =	simm.s32 $0xF620;
	s20 =	simm.s32 $0x53A0  }
0x119: {  	s10 =	simm.s32 $0x10620;
	s18 =	simm.s32 $0x5420;
	s11 =	simm.s32 $0x11620  }
0x11a: {  	s15 =	simm.s32 $0x54A0;
	s12 =	simm.s32 $0x12620;
	s17 =	simm.s32 $0x5520  }
0x11b: {  	s13 =	simm.s32 $0x13620;
	s19 =	simm.s32 $0x55A0;
	s14 =	simm.s32 $0x14620  }
.LBB2_2:
0x11c: {  	s1 =	rddreg [dreg:$0xf]  }
0x11d: {  	[sflag:s30] =	ssyncset.done $0x0;
	s0 =	rddreg [dreg:$0xe]  }
0x11e: {  	s28 =	rddreg [dreg:$0x3];
	[sflag:s30] =	ssyncadd.s32 $0xFFFF8000  }
0x11f: {  	[spmem:s1], [sflag:s0] =	dma.local @!p0 [hbm:s28], $0xFA0  }
0x120: {  	s0 =	simm.s32 @!p0 $0x3  }
0x121: {  	_ =	swait.ge @!p0 [sflag:s0], $0xFA0  }
0x122: {  	[sflag:s0] =	ssyncset.done @!p0 $0x0  }
0x123: {  	[sflag:s0] =	ssyncadd.s32 @!p0 $0xFFFFF060  }
0x124: {  	[bflag:$0x0] =	sbarrier.arrive $0xFFFF  }
0x125: {  	s28 =	rddreg [dreg:$0x4]  }
0x126: {  	[tilespmem:s8], [sflag:$0x3] =	stream.linear.gather [hbm4b:s28+s24], $0x400, $0x38;
	[tilespmem:$0x15620] =	vst v63  }
0x127: {  	_ =	swait.ge [sflag:s6], $0x400  }
0x128: {  	[sflag:s6] =	ssyncset.done $0x0  }
0x129: {  	[sflag:s6] =	ssyncadd.s32 $0xFFFFFC00  }
0x12a: {  	[tilespmem:s4], [sflag:$0x1] =	stream.indirect.gather [spmem:s2], $0x20, s8, s7, $0xb8;
	[tilespmem:$0x15620] =	vst v63  }
0x12b: {  	s1 =	simm.s32 $0x4EA0;
	s28 =	simm.s32 $0x6620  }
0x12c: {  	[tilespmem:s28], [sflag:$0x1] =	stream.indirect.gather [spmem:s2], $0x20, s1, s7, $0xb8;
	[tilespmem:$0x15620] =	vst v63  }
0x12d: {  	s28 =	simm.s32 $0x4F20  }
0x12e: {  	[tilespmem:s22], [sflag:$0x1] =	stream.indirect.gather [spmem:s2], $0x20, s28, s7, $0xb8;
	[tilespmem:$0x15620] =	vst v63  }
0x12f: {  	s1 =	simm.s32 $0x4FA0;
	s28 =	simm.s32 $0x8620  }
0x130: {  	[tilespmem:s28], [sflag:$0x1] =	stream.indirect.gather [spmem:s2], $0x20, s1, s7, $0xb8;
	[tilespmem:$0x15620] =	vst v63  }
0x131: {  	s1 =	simm.s32 $0x5020;
	s28 =	simm.s32 $0x9620  }
0x132: {  	[tilespmem:s28], [sflag:$0x1] =	stream.indirect.gather [spmem:s2], $0x20, s1, s7, $0xb8;
	[tilespmem:$0x15620] =	vst v63  }
0x133: {  	s1 =	simm.s32 $0x50A0;
	s28 =	simm.s32 $0xA620  }
0x134: {  	[tilespmem:s28], [sflag:$0x1] =	stream.indirect.gather [spmem:s2], $0x20, s1, s7, $0xb8;
	[tilespmem:$0x15620] =	vst v63  }
0x135: {  	s1 =	simm.s32 $0x5120  }
0x136: {  	[tilespmem:s21], [sflag:$0x1] =	stream.indirect.gather [spmem:s2], $0x20, s1, s7, $0xb8;
	[tilespmem:$0x15620] =	vst v63  }
0x137: {  	s28 =	simm.s32 $0x51A0  }
0x138: {  	[tilespmem:s25], [sflag:$0x1] =	stream.indirect.gather [spmem:s2], $0x20, s28, s7, $0xb8;
	[tilespmem:$0x15620] =	vst v63  }
0x139: {  	_ =	swait.ge [sflag:s23], $0x1000  }
0x13a: {  	[sflag:s23] =	ssyncset.done $0x0  }
0x13b: {  	[sflag:s23] =	ssyncadd.s32 $0xFFFFF000  }
0x13c: {  	_ =	swait.ge [sflag:s23], $0x1000  }
0x13d: {  	[sflag:s23] =	ssyncset.done $0x0  }
0x13e: {  	[sflag:s23] =	ssyncadd.s32 $0xFFFFF000  }
0x13f: {  	_ =	swait.ge [sflag:s23], $0x1000  }
0x140: {  	[sflag:s23] =	ssyncset.done $0x0  }
0x141: {  	[sflag:s23] =	ssyncadd.s32 $0xFFFFF000  }
0x142: {  	_ =	swait.ge [sflag:s23], $0x1000  }
0x143: {  	[sflag:s23] =	ssyncset.done $0x0  }
0x144: {  	[sflag:s23] =	ssyncadd.s32 $0xFFFFF000  }
0x145: {  	_ =	swait.ge [sflag:s23], $0x1000  }
0x146: {  	[sflag:s23] =	ssyncset.done $0x0  }
0x147: {  	[sflag:s23] =	ssyncadd.s32 $0xFFFFF000  }
0x148: {  	_ =	swait.ge [sflag:s23], $0x1000  }
0x149: {  	[sflag:s23] =	ssyncset.done $0x0  }
0x14a: {  	[sflag:s23] =	ssyncadd.s32 $0xFFFFF000  }
0x14b: {  	_ =	swait.ge [sflag:s23], $0x1000  }
0x14c: {  	[sflag:s23] =	ssyncset.done $0x0  }
0x14d: {  	[sflag:s23] =	ssyncadd.s32 $0xFFFFF000  }
0x14e: {  	_ =	swait.ge [sflag:s23], $0x1000  }
0x14f: {  	[sflag:s23] =	ssyncset.done $0x0  }
0x150: {  	s1 =	rddreg [dreg:$0x5];
	[sflag:s23] =	ssyncadd.s32 $0xFFFFF000  }
0x151: {  	[hbm4b:s1+s5] =	stream.strided.scatter [tilespmem:s4], [sflag:$0x2], $0x8000, s7, s5, $0x38;
	[tilespmem:$0x15620] =	vst v63  }
0x152: {  	s28 =	rddreg [dreg:$0x6]  }
0x153: {  	[tilespmem:s26], [sflag:$0x3] =	stream.linear.gather [hbm4b:s28+s24], $0x400, $0x38;
	[tilespmem:$0x15620] =	vst v63  }
0x154: {  	_ =	swait.ge [sflag:s6], $0x400  }
0x155: {  	[sflag:s6] =	ssyncset.done $0x0  }
0x156: {  	[sflag:s6] =	ssyncadd.s32 $0xFFFFFC00  }
0x157: {  	[tilespmem:s3], [sflag:$0x1] =	stream.indirect.gather [spmem:s2], $0x20, s26, s7, $0xb8;
	[tilespmem:$0x15620] =	vst v63  }
0x158: {  	s28 =	simm.s32 $0x52A0  }
0x159: {  	[tilespmem:s29], [sflag:$0x1] =	stream.indirect.gather [spmem:s2], $0x20, s28, s7, $0xb8;
	[tilespmem:$0x15620] =	vst v63  }
0x15a: {  	_ = 	snop  }
0x15b: {  	[tilespmem:s9], [sflag:$0x1] =	stream.indirect.gather [spmem:s2], $0x20, s16, s7, $0xb8;
	[tilespmem:$0x15620] =	vst v63  }
0x15c: {  	_ = 	snop  }
0x15d: {  	[tilespmem:s10], [sflag:$0x1] =	stream.indirect.gather [spmem:s2], $0x20, s20, s7, $0xb8;
	[tilespmem:$0x15620] =	vst v63  }
0x15e: {  	_ = 	snop  }
0x15f: {  	[tilespmem:s11], [sflag:$0x1] =	stream.indirect.gather [spmem:s2], $0x20, s18, s7, $0xb8;
	[tilespmem:$0x15620] =	vst v63  }
0x160: {  	_ = 	snop  }
0x161: {  	[tilespmem:s12], [sflag:$0x1] =	stream.indirect.gather [spmem:s2], $0x20, s15, s7, $0xb8;
	[tilespmem:$0x15620] =	vst v63  }
0x162: {  	_ = 	snop  }
0x163: {  	[tilespmem:s13], [sflag:$0x1] =	stream.indirect.gather [spmem:s2], $0x20, s17, s7, $0xb8;
	[tilespmem:$0x15620] =	vst v63  }
0x164: {  	_ = 	snop  }
0x165: {  	[tilespmem:s14], [sflag:$0x1] =	stream.indirect.gather [spmem:s2], $0x20, s19, s7, $0xb8;
	[tilespmem:$0x15620] =	vst v63  }
0x166: {  	_ =	swait.ge [sflag:s23], $0x1000  }
0x167: {  	[sflag:s23] =	ssyncset.done $0x0  }
0x168: {  	[sflag:s23] =	ssyncadd.s32 $0xFFFFF000  }
0x169: {  	_ =	swait.ge [sflag:s23], $0x1000  }
0x16a: {  	[sflag:s23] =	ssyncset.done $0x0  }
0x16b: {  	[sflag:s23] =	ssyncadd.s32 $0xFFFFF000  }
0x16c: {  	_ =	swait.ge [sflag:s23], $0x1000  }
0x16d: {  	[sflag:s23] =	ssyncset.done $0x0  }
0x16e: {  	[sflag:s23] =	ssyncadd.s32 $0xFFFFF000  }
0x16f: {  	_ =	swait.ge [sflag:s23], $0x1000  }
0x170: {  	[sflag:s23] =	ssyncset.done $0x0  }
0x171: {  	[sflag:s23] =	ssyncadd.s32 $0xFFFFF000  }
0x172: {  	_ =	swait.ge [sflag:s23], $0x1000  }
0x173: {  	[sflag:s23] =	ssyncset.done $0x0  }
0x174: {  	[sflag:s23] =	ssyncadd.s32 $0xFFFFF000  }
0x175: {  	_ =	swait.ge [sflag:s23], $0x1000  }
0x176: {  	[sflag:s23] =	ssyncset.done $0x0  }
0x177: {  	[sflag:s23] =	ssyncadd.s32 $0xFFFFF000  }
0x178: {  	_ =	swait.ge [sflag:s23], $0x1000  }
0x179: {  	[sflag:s23] =	ssyncset.done $0x0  }
0x17a: {  	[sflag:s23] =	ssyncadd.s32 $0xFFFFF000  }
0x17b: {  	_ =	swait.ge [sflag:s23], $0x1000  }
0x17c: {  	[sflag:s23] =	ssyncset.done $0x0  }
0x17d: {  	s0 =	rddreg [dreg:$0x7];
	[sflag:s23] =	ssyncadd.s32 $0xFFFFF000  }
0x17e: {  	[hbm4b:s0+s5] =	stream.strided.scatter [tilespmem:s3], [sflag:$0x2], $0x8000, s7, s5, $0x38;
	[tilespmem:$0x15620] =	vst v63  }
0x17f: {  	s1 =	rddreg [dreg:$0x8]  }
0x180: {  	[tilespmem:s8], [sflag:$0x3] =	stream.linear.gather [hbm4b:s1+s24], $0x400, $0x38;
	[tilespmem:$0x15620] =	vst v63  }
0x181: {  	_ =	swait.ge [sflag:s6], $0x400  }
0x182: {  	[sflag:s6] =	ssyncset.done $0x0  }
0x183: {  	[sflag:s6] =	ssyncadd.s32 $0xFFFFFC00  }
0x184: {  	_ =	swait.ge [sflag:s30], $0x8000  }
0x185: {  	[sflag:s30] =	ssyncset.done $0x0  }
0x186: {  	[sflag:s30] =	ssyncadd.s32 $0xFFFF8000  }
0x187: {  	[tilespmem:s4], [sflag:$0x1] =	stream.indirect.gather [spmem:s2], $0x20, s8, s7, $0xb8;
	[tilespmem:$0x15620] =	vst v63  }
0x188: {  	s0 =	simm.s32 $0x6620;
	s1 =	simm.s32 $0x4EA0  }
0x189: {  	[tilespmem:s0], [sflag:$0x1] =	stream.indirect.gather [spmem:s2], $0x20, s1, s7, $0xb8;
	[tilespmem:$0x15620] =	vst v63  }
0x18a: {  	s1 =	simm.s32 $0x4F20  }
0x18b: {  	[tilespmem:s22], [sflag:$0x1] =	stream.indirect.gather [spmem:s2], $0x20, s1, s7, $0xb8;
	[tilespmem:$0x15620] =	vst v63  }
0x18c: {  	s0 =	simm.s32 $0x8620;
	s1 =	simm.s32 $0x4FA0  }
0x18d: {  	[tilespmem:s0], [sflag:$0x1] =	stream.indirect.gather [spmem:s2], $0x20, s1, s7, $0xb8;
	[tilespmem:$0x15620] =	vst v63  }
0x18e: {  	s0 =	simm.s32 $0x9620;
	s1 =	simm.s32 $0x5020  }
0x18f: {  	[tilespmem:s0], [sflag:$0x1] =	stream.indirect.gather [spmem:s2], $0x20, s1, s7, $0xb8;
	[tilespmem:$0x15620] =	vst v63  }
0x190: {  	s0 =	simm.s32 $0xA620;
	s1 =	simm.s32 $0x50A0  }
0x191: {  	[tilespmem:s0], [sflag:$0x1] =	stream.indirect.gather [spmem:s2], $0x20, s1, s7, $0xb8;
	[tilespmem:$0x15620] =	vst v63  }
0x192: {  	s1 =	simm.s32 $0x5120  }
0x193: {  	[tilespmem:s21], [sflag:$0x1] =	stream.indirect.gather [spmem:s2], $0x20, s1, s7, $0xb8;
	[tilespmem:$0x15620] =	vst v63  }
0x194: {  	s1 =	simm.s32 $0x51A0  }
0x195: {  	[tilespmem:s25], [sflag:$0x1] =	stream.indirect.gather [spmem:s2], $0x20, s1, s7, $0xb8;
	[tilespmem:$0x15620] =	vst v63  }
0x196: {  	_ =	swait.ge [sflag:s23], $0x1000  }
0x197: {  	[sflag:s23] =	ssyncset.done $0x0  }
0x198: {  	[sflag:s23] =	ssyncadd.s32 $0xFFFFF000  }
0x199: {  	_ =	swait.ge [sflag:s23], $0x1000  }
0x19a: {  	[sflag:s23] =	ssyncset.done $0x0  }
0x19b: {  	[sflag:s23] =	ssyncadd.s32 $0xFFFFF000  }
0x19c: {  	_ =	swait.ge [sflag:s23], $0x1000  }
0x19d: {  	[sflag:s23] =	ssyncset.done $0x0  }
0x19e: {  	[sflag:s23] =	ssyncadd.s32 $0xFFFFF000  }
0x19f: {  	_ =	swait.ge [sflag:s23], $0x1000  }
0x1a0: {  	[sflag:s23] =	ssyncset.done $0x0  }
0x1a1: {  	[sflag:s23] =	ssyncadd.s32 $0xFFFFF000  }
0x1a2: {  	_ =	swait.ge [sflag:s23], $0x1000  }
0x1a3: {  	[sflag:s23] =	ssyncset.done $0x0  }
0x1a4: {  	[sflag:s23] =	ssyncadd.s32 $0xFFFFF000  }
0x1a5: {  	_ =	swait.ge [sflag:s23], $0x1000  }
0x1a6: {  	[sflag:s23] =	ssyncset.done $0x0  }
0x1a7: {  	[sflag:s23] =	ssyncadd.s32 $0xFFFFF000  }
0x1a8: {  	_ =	swait.ge [sflag:s23], $0x1000  }
0x1a9: {  	[sflag:s23] =	ssyncset.done $0x0  }
0x1aa: {  	[sflag:s23] =	ssyncadd.s32 $0xFFFFF000  }
0x1ab: {  	_ =	swait.ge [sflag:s23], $0x1000  }
0x1ac: {  	[sflag:s23] =	ssyncset.done $0x0  }
0x1ad: {  	s0 =	rddreg [dreg:$0x9];
	[sflag:s23] =	ssyncadd.s32 $0xFFFFF000  }
0x1ae: {  	[hbm4b:s0+s5] =	stream.strided.scatter [tilespmem:s4], [sflag:$0x2], $0x8000, s7, s5, $0x38;
	[tilespmem:$0x15620] =	vst v63  }
0x1af: {  	s1 =	rddreg [dreg:$0xa]  }
0x1b0: {  	[tilespmem:s26], [sflag:$0x3] =	stream.linear.gather [hbm4b:s1+s24], $0x400, $0x38;
	[tilespmem:$0x15620] =	vst v63  }
0x1b1: {  	_ =	swait.ge [sflag:s6], $0x400  }
0x1b2: {  	[sflag:s6] =	ssyncset.done $0x0  }
0x1b3: {  	[sflag:s6] =	ssyncadd.s32 $0xFFFFFC00  }
0x1b4: {  	_ =	swait.ge [sflag:s30], $0x8000  }
0x1b5: {  	[sflag:s30] =	ssyncset.done $0x0  }
0x1b6: {  	[sflag:s30] =	ssyncadd.s32 $0xFFFF8000  }
0x1b7: {  	[tilespmem:s3], [sflag:$0x1] =	stream.indirect.gather [spmem:s2], $0x20, s26, s7, $0xb8;
	[tilespmem:$0x15620] =	vst v63  }
0x1b8: {  	_ = 	snop  }
0x1b9: {  	[tilespmem:s29], [sflag:$0x1] =	stream.indirect.gather [spmem:s2], $0x20, s28, s7, $0xb8;
	[tilespmem:$0x15620] =	vst v63  }
0x1ba: {  	_ = 	snop  }
0x1bb: {  	[tilespmem:s9], [sflag:$0x1] =	stream.indirect.gather [spmem:s2], $0x20, s16, s7, $0xb8;
	[tilespmem:$0x15620] =	vst v63  }
0x1bc: {  	_ = 	snop  }
0x1bd: {  	[tilespmem:s10], [sflag:$0x1] =	stream.indirect.gather [spmem:s2], $0x20, s20, s7, $0xb8;
	[tilespmem:$0x15620] =	vst v63  }
0x1be: {  	_ = 	snop  }
0x1bf: {  	[tilespmem:s11], [sflag:$0x1] =	stream.indirect.gather [spmem:s2], $0x20, s18, s7, $0xb8;
	[tilespmem:$0x15620] =	vst v63  }
0x1c0: {  	_ = 	snop  }
0x1c1: {  	[tilespmem:s12], [sflag:$0x1] =	stream.indirect.gather [spmem:s2], $0x20, s15, s7, $0xb8;
	[tilespmem:$0x15620] =	vst v63  }
0x1c2: {  	_ = 	snop  }
0x1c3: {  	[tilespmem:s13], [sflag:$0x1] =	stream.indirect.gather [spmem:s2], $0x20, s17, s7, $0xb8;
	[tilespmem:$0x15620] =	vst v63  }
0x1c4: {  	_ = 	snop  }
0x1c5: {  	[tilespmem:s14], [sflag:$0x1] =	stream.indirect.gather [spmem:s2], $0x20, s19, s7, $0xb8;
	[tilespmem:$0x15620] =	vst v63  }
0x1c6: {  	_ =	swait.ge [sflag:s23], $0x1000  }
0x1c7: {  	[sflag:s23] =	ssyncset.done $0x0  }
0x1c8: {  	[sflag:s23] =	ssyncadd.s32 $0xFFFFF000  }
0x1c9: {  	_ =	swait.ge [sflag:s23], $0x1000  }
0x1ca: {  	[sflag:s23] =	ssyncset.done $0x0  }
0x1cb: {  	[sflag:s23] =	ssyncadd.s32 $0xFFFFF000  }
0x1cc: {  	_ =	swait.ge [sflag:s23], $0x1000  }
0x1cd: {  	[sflag:s23] =	ssyncset.done $0x0  }
0x1ce: {  	[sflag:s23] =	ssyncadd.s32 $0xFFFFF000  }
0x1cf: {  	_ =	swait.ge [sflag:s23], $0x1000  }
0x1d0: {  	[sflag:s23] =	ssyncset.done $0x0  }
0x1d1: {  	[sflag:s23] =	ssyncadd.s32 $0xFFFFF000  }
0x1d2: {  	_ =	swait.ge [sflag:s23], $0x1000  }
0x1d3: {  	[sflag:s23] =	ssyncset.done $0x0  }
0x1d4: {  	[sflag:s23] =	ssyncadd.s32 $0xFFFFF000  }
0x1d5: {  	_ =	swait.ge [sflag:s23], $0x1000  }
0x1d6: {  	[sflag:s23] =	ssyncset.done $0x0  }
0x1d7: {  	[sflag:s23] =	ssyncadd.s32 $0xFFFFF000  }
0x1d8: {  	_ =	swait.ge [sflag:s23], $0x1000  }
0x1d9: {  	[sflag:s23] =	ssyncset.done $0x0  }
0x1da: {  	[sflag:s23] =	ssyncadd.s32 $0xFFFFF000  }
0x1db: {  	_ =	swait.ge [sflag:s23], $0x1000  }
0x1dc: {  	[sflag:s23] =	ssyncset.done $0x0  }
0x1dd: {  	s1 =	rddreg [dreg:$0xb];
	[sflag:s23] =	ssyncadd.s32 $0xFFFFF000  }
0x1de: {  	[hbm4b:s1+s5] =	stream.strided.scatter [tilespmem:s3], [sflag:$0x2], $0x8000, s7, s5, $0x38;
	[tilespmem:$0x15620] =	vst v63  }
0x1df: {  	s28 =	rddreg [dreg:$0xc]  }
0x1e0: {  	[tilespmem:s8], [sflag:$0x3] =	stream.linear.gather [hbm4b:s28+s24], $0x400, $0x38;
	[tilespmem:$0x15620] =	vst v63  }
0x1e1: {  	_ =	swait.ge [sflag:s6], $0x400  }
0x1e2: {  	[sflag:s6] =	ssyncset.done $0x0  }
0x1e3: {  	[sflag:s6] =	ssyncadd.s32 $0xFFFFFC00  }
0x1e4: {  	_ =	swait.ge [sflag:s30], $0x8000  }
0x1e5: {  	[sflag:s30] =	ssyncset.done $0x0  }
0x1e6: {  	[sflag:s30] =	ssyncadd.s32 $0xFFFF8000  }
0x1e7: {  	[tilespmem:s4], [sflag:$0x1] =	stream.indirect.gather [spmem:s2], $0x20, s8, s7, $0xb8;
	[tilespmem:$0x15620] =	vst v63  }
0x1e8: {  	s1 =	simm.s32 $0x4EA0;
	s28 =	simm.s32 $0x6620  }
0x1e9: {  	[tilespmem:s28], [sflag:$0x1] =	stream.indirect.gather [spmem:s2], $0x20, s1, s7, $0xb8;
	[tilespmem:$0x15620] =	vst v63  }
0x1ea: {  	s28 =	simm.s32 $0x4F20  }
0x1eb: {  	[tilespmem:s22], [sflag:$0x1] =	stream.indirect.gather [spmem:s2], $0x20, s28, s7, $0xb8;
	[tilespmem:$0x15620] =	vst v63  }
0x1ec: {  	s1 =	simm.s32 $0x4FA0;
	s28 =	simm.s32 $0x8620  }
0x1ed: {  	[tilespmem:s28], [sflag:$0x1] =	stream.indirect.gather [spmem:s2], $0x20, s1, s7, $0xb8;
	[tilespmem:$0x15620] =	vst v63  }
0x1ee: {  	s1 =	simm.s32 $0x5020;
	s28 =	simm.s32 $0x9620  }
0x1ef: {  	[tilespmem:s28], [sflag:$0x1] =	stream.indirect.gather [spmem:s2], $0x20, s1, s7, $0xb8;
	[tilespmem:$0x15620] =	vst v63  }
0x1f0: {  	s1 =	simm.s32 $0x50A0;
	s28 =	simm.s32 $0xA620  }
0x1f1: {  	[tilespmem:s28], [sflag:$0x1] =	stream.indirect.gather [spmem:s2], $0x20, s1, s7, $0xb8;
	[tilespmem:$0x15620] =	vst v63  }
0x1f2: {  	s28 =	simm.s32 $0x5120  }
0x1f3: {  	[tilespmem:s21], [sflag:$0x1] =	stream.indirect.gather [spmem:s2], $0x20, s28, s7, $0xb8;
	[tilespmem:$0x15620] =	vst v63  }
0x1f4: {  	s1 =	simm.s32 $0x51A0  }
0x1f5: {  	[tilespmem:s25], [sflag:$0x1] =	stream.indirect.gather [spmem:s2], $0x20, s1, s7, $0xb8;
	[tilespmem:$0x15620] =	vst v63  }
0x1f6: {  	_ =	swait.ge [sflag:s23], $0x1000  }
0x1f7: {  	[sflag:s23] =	ssyncset.done $0x0  }
0x1f8: {  	[sflag:s23] =	ssyncadd.s32 $0xFFFFF000  }
0x1f9: {  	_ =	swait.ge [sflag:s23], $0x1000  }
0x1fa: {  	[sflag:s23] =	ssyncset.done $0x0  }
0x1fb: {  	[sflag:s23] =	ssyncadd.s32 $0xFFFFF000  }
0x1fc: {  	_ =	swait.ge [sflag:s23], $0x1000  }
0x1fd: {  	[sflag:s23] =	ssyncset.done $0x0  }
0x1fe: {  	[sflag:s23] =	ssyncadd.s32 $0xFFFFF000  }
0x1ff: {  	_ =	swait.ge [sflag:s23], $0x1000  }
0x200: {  	[sflag:s23] =	ssyncset.done $0x0  }
0x201: {  	[sflag:s23] =	ssyncadd.s32 $0xFFFFF000  }
0x202: {  	_ =	swait.ge [sflag:s23], $0x1000  }
0x203: {  	[sflag:s23] =	ssyncset.done $0x0  }
0x204: {  	[sflag:s23] =	ssyncadd.s32 $0xFFFFF000  }
0x205: {  	_ =	swait.ge [sflag:s23], $0x1000  }
0x206: {  	[sflag:s23] =	ssyncset.done $0x0  }
0x207: {  	[sflag:s23] =	ssyncadd.s32 $0xFFFFF000  }
0x208: {  	_ =	swait.ge [sflag:s23], $0x1000  }
0x209: {  	[sflag:s23] =	ssyncset.done $0x0  }
0x20a: {  	[sflag:s23] =	ssyncadd.s32 $0xFFFFF000  }
0x20b: {  	_ =	swait.ge [sflag:s23], $0x1000  }
0x20c: {  	s31 =	sadd.s32 $0xFFFFFFFF, s31;
	[sflag:s23] =	ssyncset.done $0x0  }
0x20d: {  	p1 =	sne.s32 s31, $0x0;
	s28 =	rddreg [dreg:$0xd];
	[sflag:s23] =	ssyncadd.s32 $0xFFFFF000  }
0x20e: {  	[hbm4b:s28+s5] =	stream.strided.scatter [tilespmem:s4], [sflag:$0x2], $0x8000, s7, s5, $0x38;
	[tilespmem:$0x15620] =	vst v63  }
.Ltmp1:
0x20f: {  	_ = 	snop;
	(pc) =	sbr.rel @p1 .LBB2_2-.Ltmp1, $4  }
0x210: {  	_ =	swait.ge [sflag:s30], $0x8000  }
0x211: {  	[sflag:s30] =	ssyncset.done $0x0  }
0x212: {  	[sflag:s30] =	ssyncadd.s32 $0xFFFF8000  }
0x213: {  	_ =	swait.ge [sflag:s30], $0x8000  }
.LBB2_3:
0x214: {  	[sflag:s30] =	ssyncset.done $0x0  }
0x215: {  	[sflag:s30] =	ssyncadd.s32 $0xFFFF8000  }
0x216: {  	_ =	sfence.sel $0x180000  }
0x217: {  	[bflag:$0x0] =	sbarrier.arrive $0xFFFF  }
0x218: {  	_ =	strace $0x90000047  }
0x219: {  	s0 =	stileid.u32;
	[bflag:$0x2] =	sbarrier.arrive $0xFFFF  }
0x21a: {  	p0 =	sne.s32 s0, $0x0;
	s0 =	rddreg [dreg:$0x2]  }
0x21b: {  	s0 =	sadd.s32 @!p0 $0x100000, s0  }
0x21c: {  	[sflag:s0] =	ssyncadd.tile.s32 @!p0 $0x1;
	_ =	shalt  }
.Lfunc_end2:
_tile_overlayer_lowered:
.L_overlay_start_2:
0x21d: {  	(tag) =	ssettag $0x2  }
0x21e: {  	s0 =	rddreg [dreg:$0x0];
	s2 =	stileid.u32  }
0x21f: {  	s1 =	rddreg [dreg:$0x1];
	p0 =	sne.s32 s2, $0x0  }
0x220: {  	s3 =	rddreg [dreg:$0x2];
	[bflag:$0x3] =	sbarrier.arrive $0xFFFF;
	s2 =	simm.s32 @!p0 $0x1C03  }
0x221: {  	[timem:s3], [sflag:s2] =	dma.local @!p0 [hbm:s0], s1  }
0x222: {  	s0 =	simm.s32 @!p0 $0x3  }
0x223: {  	_ =	swait.ge @!p0 [sflag:s0], s1  }
0x224: {  	s1 =	ssub.s32 @!p0 $0x0, s1;
	[sflag:s0] =	ssyncset.done @!p0 $0x0  }
0x225: {  	[sflag:s0] =	ssyncadd.s32 @!p0 s1  }
0x226: {  	[bflag:$0x3] =	sbarrier.arrive $0xFFFF  }
0x227: {  	_ =	shalt  }

</sc_bundles>
